<compile_context>
chip_gen: v7x
topology: tpu7x:2x2x1
jax: 0.10.2.dev20260603
libtpu: 0.0.44.dev20260713+nightly
codegen_flags: <defaults>
</compile_context>

<pallas_src>
import functools

import jax
import jax.numpy as jnp
from jax import lax
from jax.experimental import pallas as pl
from jax.experimental.pallas import tpu as pltpu
from jax.experimental.pallas import tpu_sc as plsc

N = 10000
D_IN = 128
H = 64

NC = 2
NS = 16
NW = NC * NS

N_PAD = 10240
ROWS_PER_SUB = N_PAD // NS
CHUNK = 128
CHUNKS_PER_W = 80
EW = CHUNK * CHUNKS_PER_W
E_PAD = EW * NW

_mesh = plsc.VectorSubcoreMesh(core_axis_name="c", subcore_axis_name="s")
_sc_params = pltpu.CompilerParams(use_tc_tiling_on_sc=False)



NCH_RAW = 320000 // CHUNK
DEG_CPW = NCH_RAW // NW


@functools.partial(
    pl.kernel,
    out_type=jax.ShapeDtypeStruct((NC, N_PAD, 16), jnp.float32),
    mesh=_mesh,
    scratch_types=[
        pltpu.VMEM((DEG_CPW + 1, CHUNK), jnp.int32),
        pltpu.VMEM((CHUNK, 16), jnp.float32),
        pltpu.VMEM_SHARED((N_PAD, 16), jnp.float32),
        [pltpu.SemaphoreType.DMA] * 8,
    ],
    compiler_params=_sc_params,
)
def _deg_kernel(eidx_hbm, zeros_hbm, ones_hbm, out_hbm, didx, ones_v, acc, sems):
    c = lax.axis_index("c")
    s = lax.axis_index("s")
    wid = s * NC + c
    rbase = s * ROWS_PER_SUB
    extra = wid < (NCH_RAW - DEG_CPW * NW)
    pltpu.sync_copy(ones_hbm, ones_v)
    pltpu.sync_copy(eidx_hbm.at[1, pl.ds(wid * DEG_CPW, DEG_CPW)],
                    didx.at[pl.ds(0, DEG_CPW)])

    @pl.when(extra)
    def _():
        pltpu.sync_copy(eidx_hbm.at[1, pl.ds(DEG_CPW * NW + wid, 1)],
                        didx.at[pl.ds(DEG_CPW, 1)])

    pltpu.sync_copy(zeros_hbm.at[pl.ds(rbase, ROWS_PER_SUB)],
                    acc.at[pl.ds(rbase, ROWS_PER_SUB)])
    nch = DEG_CPW + extra.astype(jnp.int32)

    def permute(j, carry):
        for g in range(CHUNK // 16):
            v = didx[j, pl.ds(g * 16, 16)]
            didx[j, pl.ds(g * 16, 16)] = jnp.where(
                v < HALF, v + v, v + v - (2 * HALF - 1))
        return carry

    lax.fori_loop(0, nch, permute, 0)
    plsc.subcore_barrier()

    def body(k, carry):
        base = k * 8
        cps = [pltpu.async_copy(ones_v, acc.at[didx.at[base + b]], sems[b],
                                add=True) for b in range(8)]
        for cp in cps:
            cp.wait()
        return carry

    lax.fori_loop(0, DEG_CPW // 8, body, 0)
    tail = [pltpu.async_copy(ones_v, acc.at[didx.at[(DEG_CPW // 8) * 8 + b]],
                             sems[b], add=True)
            for b in range(DEG_CPW % 8)]
    for cp in tail:
        cp.wait()

    @pl.when(extra)
    def _():
        pltpu.sync_copy(ones_v, acc.at[didx.at[DEG_CPW]], add=True)

    plsc.subcore_barrier()
    pltpu.sync_copy(acc.at[pl.ds(rbase, ROWS_PER_SUB)],
                    out_hbm.at[c, pl.ds(rbase, ROWS_PER_SUB)])


@functools.partial(
    pl.kernel,
    out_type=jax.ShapeDtypeStruct((NC, N_PAD, H), jnp.bfloat16),
    mesh=_mesh,
    scratch_types=[
        pltpu.VMEM((CHUNKS_PER_W, CHUNK), jnp.int32),
        pltpu.VMEM((CHUNKS_PER_W, CHUNK), jnp.int32),
        pltpu.VMEM((8, CHUNK, H), jnp.bfloat16),
        pltpu.VMEM_SHARED((N_PAD, H), jnp.bfloat16),
        [pltpu.SemaphoreType.DMA] * 8,
        [pltpu.SemaphoreType.DMA] * 8,
    ],
    compiler_params=_sc_params,
)
def _conv_kernel(hs_hbm, eidx_hbm, zeros_hbm, out_hbm,
                 sidx, didx, rows, acc, gsems, ssems):
    c = lax.axis_index("c")
    s = lax.axis_index("s")
    wid = s * NC + c
    rbase = s * ROWS_PER_SUB
    pltpu.sync_copy(eidx_hbm.at[0, pl.ds(wid * CHUNKS_PER_W, CHUNKS_PER_W)],
                    sidx)
    pltpu.sync_copy(eidx_hbm.at[1, pl.ds(wid * CHUNKS_PER_W, CHUNKS_PER_W)],
                    didx)
    pltpu.sync_copy(zeros_hbm.at[pl.ds(rbase, ROWS_PER_SUB)],
                    acc.at[pl.ds(rbase, ROWS_PER_SUB)])
    plsc.subcore_barrier()

    def gather(j, b):
        return pltpu.async_copy(hs_hbm.at[sidx.at[j]], rows.at[b], gsems[b])

    def scatter(j, b):
        return pltpu.async_copy(rows.at[b], acc.at[didx.at[j]], ssems[b],
                                add=True)

    cg_pro = [gather(b, b) for b in range(4)]

    def body(k, carry):
        base = k * 8
        cs = []
        for b in range(4):
            pltpu.make_async_copy(hs_hbm.at[sidx.at[base + b]], rows.at[b],
                                  gsems[b]).wait()
            cs.append(scatter(base + b, b))
        cg2 = [gather(base + 4 + b, 4 + b) for b in range(4)]
        for cp in cs:
            cp.wait()
        cs2 = []
        for b in range(4):
            cg2[b].wait()
            cs2.append(scatter(base + 4 + b, 4 + b))
        for b in range(4):
            jn = jnp.minimum(base + 8 + b, CHUNKS_PER_W - 1)
            gather(jn, b)
        for cp in cs2:
            cp.wait()
        return carry

    lax.fori_loop(0, CHUNKS_PER_W // 8, body, 0)
    for b in range(4):
        pltpu.make_async_copy(hs_hbm.at[sidx.at[CHUNKS_PER_W - 1]],
                              rows.at[b], gsems[b]).wait()
    plsc.subcore_barrier()
    pltpu.sync_copy(acc.at[pl.ds(rbase, ROWS_PER_SUB)],
                    out_hbm.at[c, pl.ds(rbase, ROWS_PER_SUB)])



_BN_C = 1.0 / (1.0 + 1e-5) ** 0.5
HALF = N_PAD // 2
HI_N = N - HALF


def _dinv_from(degp_ref):
    deg_lo = degp_ref[0, :, 0:1] + degp_ref[1, :, 0:1] + 1.0
    deg_hi = degp_ref[0, :HI_N, 16:17] + degp_ref[1, :HI_N, 16:17] + 1.0
    return lax.rsqrt(deg_lo), lax.rsqrt(deg_hi)


def _tc1_body(x_ref, w1_ref, degp_ref, hs_ref):
    dlo, dhi = _dinv_from(degp_ref)
    y_lo = jnp.dot(x_ref[:HALF], w1_ref[...],
                   preferred_element_type=jnp.float32)
    y_hi = jnp.dot(x_ref[HALF:], w1_ref[...],
                   preferred_element_type=jnp.float32)
    hs_ref[:, :H] = (y_lo * dlo).astype(jnp.bfloat16)
    hs_ref[:HI_N, H:] = (y_hi * dhi).astype(jnp.bfloat16)
    hs_ref[HI_N:, H:] = jnp.zeros((HALF - HI_N, H), jnp.bfloat16)


def _sum_pk(p_ref, hs_ref):
    return (p_ref[0].astype(jnp.float32) + p_ref[1].astype(jnp.float32)
            + hs_ref[...].astype(jnp.float32))


def _tc2_body(p_ref, hs_ref, degp_ref, w2_ref, b1_ref, g1_ref, bt1_ref,
              hs2_ref):
    dlo, dhi = _dinv_from(degp_ref)
    spk = _sum_pk(p_ref, hs_ref)
    c1 = g1_ref[...] * _BN_C
    h1_lo = jax.nn.relu((dlo * spk[:, :H] + b1_ref[...]) * c1 + bt1_ref[...])
    h1_hi = jax.nn.relu((dhi * spk[:HI_N, H:] + b1_ref[...]) * c1
                        + bt1_ref[...])
    y2_lo = jnp.dot(h1_lo, w2_ref[...], preferred_element_type=jnp.float32)
    y2_hi = jnp.dot(h1_hi, w2_ref[...], preferred_element_type=jnp.float32)
    hs2_ref[:, :H] = (y2_lo * dlo).astype(jnp.bfloat16)
    hs2_ref[:HI_N, H:] = (y2_hi * dhi).astype(jnp.bfloat16)
    hs2_ref[HI_N:, H:] = jnp.zeros((HALF - HI_N, H), jnp.bfloat16)


def _tc3_body(p_ref, hs_ref, degp_ref, b2_ref, g2_ref, bt2_ref,
              mw1_ref, mb1_ref, mw2_ref, mb2_ref, mw3_ref, mb3_ref, out_ref):
    dlo, dhi = _dinv_from(degp_ref)
    spk = _sum_pk(p_ref, hs_ref)
    c2 = g2_ref[...] * _BN_C

    def head(h2):
        m1 = jax.nn.relu(
            jnp.dot(h2, mw1_ref[...], preferred_element_type=jnp.float32)
            + mb1_ref[...])
        m2 = jax.nn.relu(
            jnp.dot(m1, mw2_ref[...], preferred_element_type=jnp.float32)
            + mb2_ref[...])
        z = (jnp.dot(m2, mw3_ref[...], preferred_element_type=jnp.float32)
             + mb3_ref[...])
        return jax.nn.sigmoid(z)

    h2_lo = jax.nn.relu((dlo * spk[:, :H] + b2_ref[...]) * c2 + bt2_ref[...])
    h2_hi = jax.nn.relu((dhi * spk[:HI_N, H:] + b2_ref[...]) * c2
                        + bt2_ref[...])
    out_ref[:HALF] = head(h2_lo)[:, 0]
    out_ref[HALF:] = head(h2_hi)[:, 0]


_tc1 = pl.pallas_call(
    _tc1_body, out_shape=jax.ShapeDtypeStruct((HALF, 128), jnp.bfloat16))
_tc2 = pl.pallas_call(
    _tc2_body, out_shape=jax.ShapeDtypeStruct((HALF, 128), jnp.bfloat16))
_tc3 = pl.pallas_call(
    _tc3_body, out_shape=jax.ShapeDtypeStruct((N,), jnp.float32))



def kernel(x, edge_index, W1, b1, W2, b2, g1, bt1, g2, bt2,
           mW1, mb1, mW2, mb2, mW3, mb3):
    E = edge_index.shape[1]
    pad = E_PAD - E
    eperm = jnp.where(edge_index < HALF, 2 * edge_index,
                      2 * (edge_index - HALF) + 1)
    pad_ar = jnp.arange(pad, dtype=jnp.int32)
    pads = jnp.stack([pad_ar % 1024,
                      2 * (N - HALF) + 1 + 2 * (pad_ar % (N_PAD - N))])
    eidx3 = jnp.concatenate([eperm, pads], axis=1).reshape(
        2, E_PAD // CHUNK, CHUNK)

    zeros_d = jnp.zeros((N_PAD, 16), jnp.float32)
    zeros_c = jnp.zeros((N_PAD, H), jnp.bfloat16)
    ones_r = jnp.ones((CHUNK, 16), jnp.float32)

    eidx_raw = edge_index.reshape(2, NCH_RAW, CHUNK)
    degp = _deg_kernel(eidx_raw, zeros_d, ones_r).reshape(2, HALF, 32)
    hs1 = _tc1(x, W1, degp)
    p1 = _conv_kernel(hs1.reshape(N_PAD, H), eidx3, zeros_c)
    hs2 = _tc2(p1.reshape(2, HALF, 128), hs1, degp, W2, b1, g1, bt1)
    p2 = _conv_kernel(hs2.reshape(N_PAD, H), eidx3, zeros_c)
    return _tc3(p2.reshape(2, HALF, 128), hs2, degp, b2, g2, bt2,
                mW1, mb1, mW2, mb2, mW3, mb3)

# --- scband reference (transcript-rebuilt; emitter-appended) ---
"""Pipeline reference for scband-supply-chain-gnn-62191126446558 (READ-ONLY COPY).

The authoritative reference and input builder live on the scoring server;
editing this copy changes nothing except your own understanding.
"""

import jax, jax.numpy as jnp
import numpy as np

N = 10000
E = 320000
D_IN = 128
H = 64


def setup_inputs(seed: int = 0) -> dict:
    key = jax.random.key(seed)
    ks = jax.random.split(key, 18)
    x = jax.random.normal(ks[0], (N, D_IN), dtype=jnp.float32)
    edge_index = jax.random.randint(ks[1], (2, E), 0, N, dtype=jnp.int32)
    def lin(k, fi, fo):
        k1, k2 = jax.random.split(k)
        W = jax.random.normal(k1, (fi, fo), dtype=jnp.float32) * (1.0 / np.sqrt(fi))
        b = jax.random.normal(k2, (fo,), dtype=jnp.float32) * 0.01
        return W, b
    W1, b1 = lin(ks[2], D_IN, H)
    W2, b2 = lin(ks[3], H, H)
    g1 = jnp.ones((H,), jnp.float32)
    bt1 = jnp.zeros((H,), jnp.float32)
    g2 = jnp.ones((H,), jnp.float32)
    bt2 = jnp.zeros((H,), jnp.float32)
    mW1, mb1 = lin(ks[4], H, H // 2)
    mW2, mb2 = lin(ks[5], H // 2, H // 4)
    mW3, mb3 = lin(ks[6], H // 4, 1)
    return {"x": x, "edge_index": edge_index, "W1": W1, "b1": b1, "W2": W2, "b2": b2,
            "g1": g1, "bt1": bt1, "g2": g2, "bt2": bt2,
            "mW1": mW1, "mb1": mb1, "mW2": mW2, "mb2": mb2, "mW3": mW3, "mb3": mb3}


def reference(x, edge_index, W1, b1, W2, b2, g1, bt1, g2, bt2, mW1, mb1, mW2, mb2, mW3, mb3):
    n = x.shape[0]
    loop = jnp.arange(n, dtype=edge_index.dtype)
    src = jnp.concatenate([edge_index[0], loop])
    dst = jnp.concatenate([edge_index[1], loop])
    deg = jnp.zeros((n,), jnp.float32).at[dst].add(1.0)
    dinv = jax.lax.rsqrt(deg)
    norm = dinv[src] * dinv[dst]

    def gcn_conv(h, W, b):
        h = h @ W
        msg = h[src] * norm[:, None]
        agg = jnp.zeros((n, h.shape[1]), h.dtype).at[dst].add(msg)
        return agg + b

    def bn_eval(h, g, bt):
        # eval-mode BatchNorm1d: running_mean=0, running_var=1, eps=1e-5
        return h * (g / jnp.sqrt(1.0 + 1e-5)) + bt

    h = jax.nn.relu(bn_eval(gcn_conv(x, W1, b1), g1, bt1))
    h = jax.nn.relu(bn_eval(gcn_conv(h, W2, b2), g2, bt2))
    h = jax.nn.relu(h @ mW1 + mb1)
    h = jax.nn.relu(h @ mW2 + mb2)
    out = jax.nn.sigmoid(h @ mW3 + mb3)
    return out.squeeze(-1)

if __name__ == "__main__":
    import jax
    _d = setup_inputs()
    print(jax.jit(kernel)(*tuple(_d.values())))

</pallas_src>

<mosaic_0001>
#map = affine_map<(d0, d1) -> (0, 0)>
#map1 = affine_map<(d0, d1) -> (0, 0, 0)>
module attributes {stable_mosaic.version = 14 : i64} {
  func.func @_conv_kernel(%arg0: i32, %arg1: i32, %arg2: memref<10240x64xbf16, #tpu.memory_space<hbm>>, %arg3: memref<2x2560x128xi32, #tpu.memory_space<hbm>>, %arg4: memref<10240x64xbf16, #tpu.memory_space<hbm>>, %arg5: memref<2x10240x64xbf16, #tpu.memory_space<hbm>>, %arg6: memref<80x128xi32, #tpu.memory_space<vmem>>, %arg7: memref<80x128xi32, #tpu.memory_space<vmem>>, %arg8: memref<8x128x64xbf16, #tpu.memory_space<vmem>>, %arg9: memref<10240x64xbf16, #tpu.memory_space<vmem_shared>>, %arg10: memref<!tpu.dma_semaphore, #tpu.memory_space<semaphore_mem>>, %arg11: memref<!tpu.dma_semaphore, #tpu.memory_space<semaphore_mem>>, %arg12: memref<!tpu.dma_semaphore, #tpu.memory_space<semaphore_mem>>, %arg13: memref<!tpu.dma_semaphore, #tpu.memory_space<semaphore_mem>>, %arg14: memref<!tpu.dma_semaphore, #tpu.memory_space<semaphore_mem>>, %arg15: memref<!tpu.dma_semaphore, #tpu.memory_space<semaphore_mem>>, %arg16: memref<!tpu.dma_semaphore, #tpu.memory_space<semaphore_mem>>, %arg17: memref<!tpu.dma_semaphore, #tpu.memory_space<semaphore_mem>>, %arg18: memref<!tpu.dma_semaphore, #tpu.memory_space<semaphore_mem>>, %arg19: memref<!tpu.dma_semaphore, #tpu.memory_space<semaphore_mem>>, %arg20: memref<!tpu.dma_semaphore, #tpu.memory_space<semaphore_mem>>, %arg21: memref<!tpu.dma_semaphore, #tpu.memory_space<semaphore_mem>>, %arg22: memref<!tpu.dma_semaphore, #tpu.memory_space<semaphore_mem>>, %arg23: memref<!tpu.dma_semaphore, #tpu.memory_space<semaphore_mem>>, %arg24: memref<!tpu.dma_semaphore, #tpu.memory_space<semaphore_mem>>, %arg25: memref<!tpu.dma_semaphore, #tpu.memory_space<semaphore_mem>>) attributes {dimension_semantics = [#tpu.dimension_semantics<core_parallel>, #tpu.dimension_semantics<subcore_parallel>], iteration_bounds = array<i64: 2, 16>, scalar_prefetch = 0 : i64, scratch_operands = 20 : i64, tpu.core_type = #tpu.core_type<sc_vector_subcore>, window_params = [{transform_indices = #map}, {transform_indices = #map1}, {transform_indices = #map}, {transform_indices = #map1}]} {
    %mul3A = arith.constant 2 : i32
    %mul3A_0 = arith.muli %arg1, %mul3A : i32
    %add3A = arith.addi %mul3A_0, %arg0 : i32
    %mul3A_1 = arith.constant 640 : i32
    %mul3A_2 = arith.muli %arg1, %mul3A_1 : i32
    %mul3A_3 = arith.constant 80 : i32
    %mul3A_4 = arith.muli %add3A, %mul3A_3 : i32
    %run_scoped3A = arith.constant 0 : i32
    "tpu.region"() ({
      %run_scoped3A_108 = tpu.sem_alloc : memref<!tpu.dma_semaphore, #tpu.memory_space<semaphore_mem>>
      %dma_start3A_109 = arith.constant 0 : i32
      %dma_start3A_110 = tpu.memref_slice %arg3[%run_scoped3A, %mul3A_4, %dma_start3A_109] : memref<2x2560x128xi32, #tpu.memory_space<hbm>> -> memref<1x80x128xi32, #tpu.memory_space<hbm>>
      %dma_start3A_111 = tpu.memref_squeeze %dma_start3A_110 : memref<1x80x128xi32, #tpu.memory_space<hbm>> -> memref<80x128xi32, #tpu.memory_space<hbm>>
      %dma_start3A_112 = arith.constant 0 : i32
      %dma_start3A_113 = tpu.memref_slice %arg3[%run_scoped3A, %mul3A_4, %dma_start3A_112] : memref<2x2560x128xi32, #tpu.memory_space<hbm>> -> memref<1x80x128xi32, #tpu.memory_space<hbm>>
      %dma_start3A_114 = tpu.memref_squeeze %dma_start3A_113 : memref<1x80x128xi32, #tpu.memory_space<hbm>> -> memref<80x128xi32, #tpu.memory_space<hbm>>
      tpu.enqueue_dma source(%dma_start3A_114 : memref<80x128xi32, #tpu.memory_space<hbm>>) target(%arg6 : memref<80x128xi32, #tpu.memory_space<vmem>>) target_semaphore(%run_scoped3A_108 : memref<!tpu.dma_semaphore, #tpu.memory_space<semaphore_mem>>)
      %dma_wait3A_115 = arith.constant 0 : i32
      %dma_wait3A_116 = tpu.memref_slice %arg3[%run_scoped3A, %mul3A_4, %dma_wait3A_115] : memref<2x2560x128xi32, #tpu.memory_space<hbm>> -> memref<1x80x128xi32, #tpu.memory_space<hbm>>
      %dma_wait3A_117 = tpu.memref_squeeze %dma_wait3A_116 : memref<1x80x128xi32, #tpu.memory_space<hbm>> -> memref<80x128xi32, #tpu.memory_space<hbm>>
      %dma_wait3A_118 = arith.constant 0 : i32
      %dma_wait3A_119 = tpu.memref_slice %arg3[%run_scoped3A, %mul3A_4, %dma_wait3A_118] : memref<2x2560x128xi32, #tpu.memory_space<hbm>> -> memref<1x80x128xi32, #tpu.memory_space<hbm>>
      %dma_wait3A_120 = tpu.memref_squeeze %dma_wait3A_119 : memref<1x80x128xi32, #tpu.memory_space<hbm>> -> memref<80x128xi32, #tpu.memory_space<hbm>>
      tpu.wait_dma2 semaphore(%run_scoped3A_108 : memref<!tpu.dma_semaphore, #tpu.memory_space<semaphore_mem>>) src(%dma_wait3A_120 : memref<80x128xi32, #tpu.memory_space<hbm>>) dst(%arg6 : memref<80x128xi32, #tpu.memory_space<vmem>>)
      tpu.yield
    }) : () -> ()
    %mul3A_5 = arith.constant 80 : i32
    %mul3A_6 = arith.muli %add3A, %mul3A_5 : i32
    %run_scoped3A_7 = arith.constant 1 : i32
    "tpu.region"() ({
      %run_scoped3A_108 = tpu.sem_alloc : memref<!tpu.dma_semaphore, #tpu.memory_space<semaphore_mem>>
      %dma_start3A_109 = arith.constant 0 : i32
      %dma_start3A_110 = tpu.memref_slice %arg3[%run_scoped3A_7, %mul3A_6, %dma_start3A_109] : memref<2x2560x128xi32, #tpu.memory_space<hbm>> -> memref<1x80x128xi32, #tpu.memory_space<hbm>>
      %dma_start3A_111 = tpu.memref_squeeze %dma_start3A_110 : memref<1x80x128xi32, #tpu.memory_space<hbm>> -> memref<80x128xi32, #tpu.memory_space<hbm>>
      %dma_start3A_112 = arith.constant 0 : i32
      %dma_start3A_113 = tpu.memref_slice %arg3[%run_scoped3A_7, %mul3A_6, %dma_start3A_112] : memref<2x2560x128xi32, #tpu.memory_space<hbm>> -> memref<1x80x128xi32, #tpu.memory_space<hbm>>
      %dma_start3A_114 = tpu.memref_squeeze %dma_start3A_113 : memref<1x80x128xi32, #tpu.memory_space<hbm>> -> memref<80x128xi32, #tpu.memory_space<hbm>>
      tpu.enqueue_dma source(%dma_start3A_114 : memref<80x128xi32, #tpu.memory_space<hbm>>) target(%arg7 : memref<80x128xi32, #tpu.memory_space<vmem>>) target_semaphore(%run_scoped3A_108 : memref<!tpu.dma_semaphore, #tpu.memory_space<semaphore_mem>>)
      %dma_wait3A_115 = arith.constant 0 : i32
      %dma_wait3A_116 = tpu.memref_slice %arg3[%run_scoped3A_7, %mul3A_6, %dma_wait3A_115] : memref<2x2560x128xi32, #tpu.memory_space<hbm>> -> memref<1x80x128xi32, #tpu.memory_space<hbm>>
      %dma_wait3A_117 = tpu.memref_squeeze %dma_wait3A_116 : memref<1x80x128xi32, #tpu.memory_space<hbm>> -> memref<80x128xi32, #tpu.memory_space<hbm>>
      %dma_wait3A_118 = arith.constant 0 : i32
      %dma_wait3A_119 = tpu.memref_slice %arg3[%run_scoped3A_7, %mul3A_6, %dma_wait3A_118] : memref<2x2560x128xi32, #tpu.memory_space<hbm>> -> memref<1x80x128xi32, #tpu.memory_space<hbm>>
      %dma_wait3A_120 = tpu.memref_squeeze %dma_wait3A_119 : memref<1x80x128xi32, #tpu.memory_space<hbm>> -> memref<80x128xi32, #tpu.memory_space<hbm>>
      tpu.wait_dma2 semaphore(%run_scoped3A_108 : memref<!tpu.dma_semaphore, #tpu.memory_space<semaphore_mem>>) src(%dma_wait3A_120 : memref<80x128xi32, #tpu.memory_space<hbm>>) dst(%arg7 : memref<80x128xi32, #tpu.memory_space<vmem>>)
      tpu.yield
    }) : () -> ()
    "tpu.region"() ({
      %run_scoped3A_108 = tpu.sem_alloc : memref<!tpu.dma_semaphore, #tpu.memory_space<semaphore_mem>>
      %dma_start3A_109 = arith.constant 0 : i32
      %dma_start3A_110 = tpu.memref_slice %arg9[%mul3A_2, %dma_start3A_109] : memref<10240x64xbf16, #tpu.memory_space<vmem_shared>> -> memref<640x64xbf16, #tpu.memory_space<vmem_shared>>
      %dma_start3A_111 = arith.constant 0 : i32
      %dma_start3A_112 = tpu.memref_slice %arg4[%mul3A_2, %dma_start3A_111] : memref<10240x64xbf16, #tpu.memory_space<hbm>> -> memref<640x64xbf16, #tpu.memory_space<hbm>>
      tpu.enqueue_dma source(%dma_start3A_112 : memref<640x64xbf16, #tpu.memory_space<hbm>>) target(%dma_start3A_110 : memref<640x64xbf16, #tpu.memory_space<vmem_shared>>) target_semaphore(%run_scoped3A_108 : memref<!tpu.dma_semaphore, #tpu.memory_space<semaphore_mem>>)
      %dma_wait3A_113 = arith.constant 0 : i32
      %dma_wait3A_114 = tpu.memref_slice %arg9[%mul3A_2, %dma_wait3A_113] : memref<10240x64xbf16, #tpu.memory_space<vmem_shared>> -> memref<640x64xbf16, #tpu.memory_space<vmem_shared>>
      %dma_wait3A_115 = arith.constant 0 : i32
      %dma_wait3A_116 = tpu.memref_slice %arg4[%mul3A_2, %dma_wait3A_115] : memref<10240x64xbf16, #tpu.memory_space<hbm>> -> memref<640x64xbf16, #tpu.memory_space<hbm>>
      tpu.wait_dma2 semaphore(%run_scoped3A_108 : memref<!tpu.dma_semaphore, #tpu.memory_space<semaphore_mem>>) src(%dma_wait3A_116 : memref<640x64xbf16, #tpu.memory_space<hbm>>) dst(%dma_wait3A_114 : memref<640x64xbf16, #tpu.memory_space<vmem_shared>>)
      tpu.yield
    }) : () -> ()
    %barrier3A = arith.constant 0 : index
    tpu.barrier barrier_id(%barrier3A)
    %dma_start3A = arith.constant 0 : i32
    %dma_start3A_8 = arith.constant 0 : i32
    %dma_start3A_9 = arith.constant 0 : i32
    %dma_start3A_10 = arith.constant 0 : i32
    %dma_start3A_11 = tpu.memref_slice %arg8[%dma_start3A_8, %dma_start3A_9, %dma_start3A_10] : memref<8x128x64xbf16, #tpu.memory_space<vmem>> -> memref<1x128x64xbf16, #tpu.memory_space<vmem>>
    %dma_start3A_12 = tpu.memref_squeeze %dma_start3A_11 : memref<1x128x64xbf16, #tpu.memory_space<vmem>> -> memref<128x64xbf16, #tpu.memory_space<vmem>>
    %dma_start3A_13 = arith.constant 0 : i32
    %dma_start3A_14 = tpu.memref_slice %arg6[%dma_start3A, %dma_start3A_13] : memref<80x128xi32, #tpu.memory_space<vmem>> -> memref<1x128xi32, #tpu.memory_space<vmem>>
    %dma_start3A_15 = tpu.memref_squeeze %dma_start3A_14 : memref<1x128xi32, #tpu.memory_space<vmem>> -> memref<128xi32, #tpu.memory_space<vmem>>
    %dma_start3A_16 = arith.constant 0 : i32
    %dma_start3A_17 = arith.constant 0 : i32
    %dma_start3A_18 = tpu.memref_slice %arg2[%dma_start3A_16, %dma_start3A_17] : memref<10240x64xbf16, #tpu.memory_space<hbm>> -> memref<10240x64xbf16, #tpu.memory_space<hbm>>
    tpu.enqueue_indirect_dma source(%dma_start3A_18 : memref<10240x64xbf16, #tpu.memory_space<hbm>>) target(%dma_start3A_12 : memref<128x64xbf16, #tpu.memory_space<vmem>>) offsets(%dma_start3A_15 : memref<128xi32, #tpu.memory_space<vmem>>) semaphore(%arg10 : memref<!tpu.dma_semaphore, #tpu.memory_space<semaphore_mem>>)
    %dma_start3A_19 = arith.constant 1 : i32
    %dma_start3A_20 = arith.constant 1 : i32
    %dma_start3A_21 = arith.constant 0 : i32
    %dma_start3A_22 = arith.constant 0 : i32
    %dma_start3A_23 = tpu.memref_slice %arg8[%dma_start3A_20, %dma_start3A_21, %dma_start3A_22] : memref<8x128x64xbf16, #tpu.memory_space<vmem>> -> memref<1x128x64xbf16, #tpu.memory_space<vmem>>
    %dma_start3A_24 = tpu.memref_squeeze %dma_start3A_23 : memref<1x128x64xbf16, #tpu.memory_space<vmem>> -> memref<128x64xbf16, #tpu.memory_space<vmem>>
    %dma_start3A_25 = arith.constant 0 : i32
    %dma_start3A_26 = tpu.memref_slice %arg6[%dma_start3A_19, %dma_start3A_25] : memref<80x128xi32, #tpu.memory_space<vmem>> -> memref<1x128xi32, #tpu.memory_space<vmem>>
    %dma_start3A_27 = tpu.memref_squeeze %dma_start3A_26 : memref<1x128xi32, #tpu.memory_space<vmem>> -> memref<128xi32, #tpu.memory_space<vmem>>
    %dma_start3A_28 = arith.constant 0 : i32
    %dma_start3A_29 = arith.constant 0 : i32
    %dma_start3A_30 = tpu.memref_slice %arg2[%dma_start3A_28, %dma_start3A_29] : memref<10240x64xbf16, #tpu.memory_space<hbm>> -> memref<10240x64xbf16, #tpu.memory_space<hbm>>
    tpu.enqueue_indirect_dma source(%dma_start3A_30 : memref<10240x64xbf16, #tpu.memory_space<hbm>>) target(%dma_start3A_24 : memref<128x64xbf16, #tpu.memory_space<vmem>>) offsets(%dma_start3A_27 : memref<128xi32, #tpu.memory_space<vmem>>) semaphore(%arg11 : memref<!tpu.dma_semaphore, #tpu.memory_space<semaphore_mem>>)
    %dma_start3A_31 = arith.constant 2 : i32
    %dma_start3A_32 = arith.constant 2 : i32
    %dma_start3A_33 = arith.constant 0 : i32
    %dma_start3A_34 = arith.constant 0 : i32
    %dma_start3A_35 = tpu.memref_slice %arg8[%dma_start3A_32, %dma_start3A_33, %dma_start3A_34] : memref<8x128x64xbf16, #tpu.memory_space<vmem>> -> memref<1x128x64xbf16, #tpu.memory_space<vmem>>
    %dma_start3A_36 = tpu.memref_squeeze %dma_start3A_35 : memref<1x128x64xbf16, #tpu.memory_space<vmem>> -> memref<128x64xbf16, #tpu.memory_space<vmem>>
    %dma_start3A_37 = arith.constant 0 : i32
    %dma_start3A_38 = tpu.memref_slice %arg6[%dma_start3A_31, %dma_start3A_37] : memref<80x128xi32, #tpu.memory_space<vmem>> -> memref<1x128xi32, #tpu.memory_space<vmem>>
    %dma_start3A_39 = tpu.memref_squeeze %dma_start3A_38 : memref<1x128xi32, #tpu.memory_space<vmem>> -> memref<128xi32, #tpu.memory_space<vmem>>
    %dma_start3A_40 = arith.constant 0 : i32
    %dma_start3A_41 = arith.constant 0 : i32
    %dma_start3A_42 = tpu.memref_slice %arg2[%dma_start3A_40, %dma_start3A_41] : memref<10240x64xbf16, #tpu.memory_space<hbm>> -> memref<10240x64xbf16, #tpu.memory_space<hbm>>
    tpu.enqueue_indirect_dma source(%dma_start3A_42 : memref<10240x64xbf16, #tpu.memory_space<hbm>>) target(%dma_start3A_36 : memref<128x64xbf16, #tpu.memory_space<vmem>>) offsets(%dma_start3A_39 : memref<128xi32, #tpu.memory_space<vmem>>) semaphore(%arg12 : memref<!tpu.dma_semaphore, #tpu.memory_space<semaphore_mem>>)
    %dma_start3A_43 = arith.constant 3 : i32
    %dma_start3A_44 = arith.constant 3 : i32
    %dma_start3A_45 = arith.constant 0 : i32
    %dma_start3A_46 = arith.constant 0 : i32
    %dma_start3A_47 = tpu.memref_slice %arg8[%dma_start3A_44, %dma_start3A_45, %dma_start3A_46] : memref<8x128x64xbf16, #tpu.memory_space<vmem>> -> memref<1x128x64xbf16, #tpu.memory_space<vmem>>
    %dma_start3A_48 = tpu.memref_squeeze %dma_start3A_47 : memref<1x128x64xbf16, #tpu.memory_space<vmem>> -> memref<128x64xbf16, #tpu.memory_space<vmem>>
    %dma_start3A_49 = arith.constant 0 : i32
    %dma_start3A_50 = tpu.memref_slice %arg6[%dma_start3A_43, %dma_start3A_49] : memref<80x128xi32, #tpu.memory_space<vmem>> -> memref<1x128xi32, #tpu.memory_space<vmem>>
    %dma_start3A_51 = tpu.memref_squeeze %dma_start3A_50 : memref<1x128xi32, #tpu.memory_space<vmem>> -> memref<128xi32, #tpu.memory_space<vmem>>
    %dma_start3A_52 = arith.constant 0 : i32
    %dma_start3A_53 = arith.constant 0 : i32
    %dma_start3A_54 = tpu.memref_slice %arg2[%dma_start3A_52, %dma_start3A_53] : memref<10240x64xbf16, #tpu.memory_space<hbm>> -> memref<10240x64xbf16, #tpu.memory_space<hbm>>
    tpu.enqueue_indirect_dma source(%dma_start3A_54 : memref<10240x64xbf16, #tpu.memory_space<hbm>>) target(%dma_start3A_48 : memref<128x64xbf16, #tpu.memory_space<vmem>>) offsets(%dma_start3A_51 : memref<128xi32, #tpu.memory_space<vmem>>) semaphore(%arg13 : memref<!tpu.dma_semaphore, #tpu.memory_space<semaphore_mem>>)
    %scan3A = arith.constant 0 : i32
    %scan3A_55 = arith.constant 0 : i32
    %scan3A_56 = arith.constant 10 : i32
    %scan3A_57 = arith.addi %scan3A_55, %scan3A_56 : i32
    %scan3A_58 = arith.constant 1 : i32
    scf.for %scan3A_108 = %scan3A_55 to %scan3A_57 step %scan3A_58  : i32 {
      %mul3A_109 = arith.constant 8 : i32
      %mul3A_110 = arith.muli %scan3A_108, %mul3A_109 : i32
      %add3A_111 = arith.constant 0 : i32
      %add3A_112 = arith.addi %mul3A_110, %add3A_111 : i32
      %dma_wait3A_113 = arith.constant 0 : i32
      %dma_wait3A_114 = arith.constant 0 : i32
      %dma_wait3A_115 = arith.constant 0 : i32
      %dma_wait3A_116 = tpu.memref_slice %arg8[%dma_wait3A_113, %dma_wait3A_114, %dma_wait3A_115] : memref<8x128x64xbf16, #tpu.memory_space<vmem>> -> memref<1x128x64xbf16, #tpu.memory_space<vmem>>
      %dma_wait3A_117 = tpu.memref_squeeze %dma_wait3A_116 : memref<1x128x64xbf16, #tpu.memory_space<vmem>> -> memref<128x64xbf16, #tpu.memory_space<vmem>>
      %dma_wait3A_118 = arith.constant 0 : i32
      %dma_wait3A_119 = tpu.memref_slice %arg6[%add3A_112, %dma_wait3A_118] : memref<80x128xi32, #tpu.memory_space<vmem>> -> memref<1x128xi32, #tpu.memory_space<vmem>>
      %dma_wait3A_120 = tpu.memref_squeeze %dma_wait3A_119 : memref<1x128xi32, #tpu.memory_space<vmem>> -> memref<128xi32, #tpu.memory_space<vmem>>
      %dma_wait3A_121 = arith.constant 0 : i32
      %dma_wait3A_122 = arith.constant 0 : i32
      %dma_wait3A_123 = tpu.memref_slice %arg2[%dma_wait3A_121, %dma_wait3A_122] : memref<10240x64xbf16, #tpu.memory_space<hbm>> -> memref<10240x64xbf16, #tpu.memory_space<hbm>>
      tpu.wait_indirect_dma semaphore(%arg10 : memref<!tpu.dma_semaphore, #tpu.memory_space<semaphore_mem>>) src(%dma_wait3A_123 : memref<10240x64xbf16, #tpu.memory_space<hbm>>) dst(%dma_wait3A_117 : memref<128x64xbf16, #tpu.memory_space<vmem>>)
      %add3A_124 = arith.constant 0 : i32
      %add3A_125 = arith.addi %mul3A_110, %add3A_124 : i32
      %dma_start3A_126 = arith.constant 0 : i32
      %dma_start3A_127 = arith.constant 0 : i32
      %dma_start3A_128 = arith.constant 0 : i32
      %dma_start3A_129 = tpu.memref_slice %arg8[%dma_start3A_126, %dma_start3A_127, %dma_start3A_128] : memref<8x128x64xbf16, #tpu.memory_space<vmem>> -> memref<1x128x64xbf16, #tpu.memory_space<vmem>>
      %dma_start3A_130 = tpu.memref_squeeze %dma_start3A_129 : memref<1x128x64xbf16, #tpu.memory_space<vmem>> -> memref<128x64xbf16, #tpu.memory_space<vmem>>
      %dma_start3A_131 = arith.constant 0 : i32
      %dma_start3A_132 = tpu.memref_slice %arg7[%add3A_125, %dma_start3A_131] : memref<80x128xi32, #tpu.memory_space<vmem>> -> memref<1x128xi32, #tpu.memory_space<vmem>>
      %dma_start3A_133 = tpu.memref_squeeze %dma_start3A_132 : memref<1x128xi32, #tpu.memory_space<vmem>> -> memref<128xi32, #tpu.memory_space<vmem>>
      %dma_start3A_134 = arith.constant 0 : i32
      %dma_start3A_135 = arith.constant 0 : i32
      %dma_start3A_136 = tpu.memref_slice %arg9[%dma_start3A_134, %dma_start3A_135] : memref<10240x64xbf16, #tpu.memory_space<vmem_shared>> -> memref<10240x64xbf16, #tpu.memory_space<vmem_shared>>
      tpu.enqueue_indirect_dma source(%dma_start3A_130 : memref<128x64xbf16, #tpu.memory_space<vmem>>) target(%dma_start3A_136 : memref<10240x64xbf16, #tpu.memory_space<vmem_shared>>) offsets(%dma_start3A_133 : memref<128xi32, #tpu.memory_space<vmem>>) semaphore(%arg18 : memref<!tpu.dma_semaphore, #tpu.memory_space<semaphore_mem>>) {add = true}
      %add3A_137 = arith.constant 1 : i32
      %add3A_138 = arith.addi %mul3A_110, %add3A_137 : i32
      %dma_wait3A_139 = arith.constant 1 : i32
      %dma_wait3A_140 = arith.constant 0 : i32
      %dma_wait3A_141 = arith.constant 0 : i32
      %dma_wait3A_142 = tpu.memref_slice %arg8[%dma_wait3A_139, %dma_wait3A_140, %dma_wait3A_141] : memref<8x128x64xbf16, #tpu.memory_space<vmem>> -> memref<1x128x64xbf16, #tpu.memory_space<vmem>>
      %dma_wait3A_143 = tpu.memref_squeeze %dma_wait3A_142 : memref<1x128x64xbf16, #tpu.memory_space<vmem>> -> memref<128x64xbf16, #tpu.memory_space<vmem>>
      %dma_wait3A_144 = arith.constant 0 : i32
      %dma_wait3A_145 = tpu.memref_slice %arg6[%add3A_138, %dma_wait3A_144] : memref<80x128xi32, #tpu.memory_space<vmem>> -> memref<1x128xi32, #tpu.memory_space<vmem>>
      %dma_wait3A_146 = tpu.memref_squeeze %dma_wait3A_145 : memref<1x128xi32, #tpu.memory_space<vmem>> -> memref<128xi32, #tpu.memory_space<vmem>>
      %dma_wait3A_147 = arith.constant 0 : i32
      %dma_wait3A_148 = arith.constant 0 : i32
      %dma_wait3A_149 = tpu.memref_slice %arg2[%dma_wait3A_147, %dma_wait3A_148] : memref<10240x64xbf16, #tpu.memory_space<hbm>> -> memref<10240x64xbf16, #tpu.memory_space<hbm>>
      tpu.wait_indirect_dma semaphore(%arg11 : memref<!tpu.dma_semaphore, #tpu.memory_space<semaphore_mem>>) src(%dma_wait3A_149 : memref<10240x64xbf16, #tpu.memory_space<hbm>>) dst(%dma_wait3A_143 : memref<128x64xbf16, #tpu.memory_space<vmem>>)
      %add3A_150 = arith.constant 1 : i32
      %add3A_151 = arith.addi %mul3A_110, %add3A_150 : i32
      %dma_start3A_152 = arith.constant 1 : i32
      %dma_start3A_153 = arith.constant 0 : i32
      %dma_start3A_154 = arith.constant 0 : i32
      %dma_start3A_155 = tpu.memref_slice %arg8[%dma_start3A_152, %dma_start3A_153, %dma_start3A_154] : memref<8x128x64xbf16, #tpu.memory_space<vmem>> -> memref<1x128x64xbf16, #tpu.memory_space<vmem>>
      %dma_start3A_156 = tpu.memref_squeeze %dma_start3A_155 : memref<1x128x64xbf16, #tpu.memory_space<vmem>> -> memref<128x64xbf16, #tpu.memory_space<vmem>>
      %dma_start3A_157 = arith.constant 0 : i32
      %dma_start3A_158 = tpu.memref_slice %arg7[%add3A_151, %dma_start3A_157] : memref<80x128xi32, #tpu.memory_space<vmem>> -> memref<1x128xi32, #tpu.memory_space<vmem>>
      %dma_start3A_159 = tpu.memref_squeeze %dma_start3A_158 : memref<1x128xi32, #tpu.memory_space<vmem>> -> memref<128xi32, #tpu.memory_space<vmem>>
      %dma_start3A_160 = arith.constant 0 : i32
      %dma_start3A_161 = arith.constant 0 : i32
      %dma_start3A_162 = tpu.memref_slice %arg9[%dma_start3A_160, %dma_start3A_161] : memref<10240x64xbf16, #tpu.memory_space<vmem_shared>> -> memref<10240x64xbf16, #tpu.memory_space<vmem_shared>>
      tpu.enqueue_indirect_dma source(%dma_start3A_156 : memref<128x64xbf16, #tpu.memory_space<vmem>>) target(%dma_start3A_162 : memref<10240x64xbf16, #tpu.memory_space<vmem_shared>>) offsets(%dma_start3A_159 : memref<128xi32, #tpu.memory_space<vmem>>) semaphore(%arg19 : memref<!tpu.dma_semaphore, #tpu.memory_space<semaphore_mem>>) {add = true}
      %add3A_163 = arith.constant 2 : i32
      %add3A_164 = arith.addi %mul3A_110, %add3A_163 : i32
      %dma_wait3A_165 = arith.constant 2 : i32
      %dma_wait3A_166 = arith.constant 0 : i32
      %dma_wait3A_167 = arith.constant 0 : i32
      %dma_wait3A_168 = tpu.memref_slice %arg8[%dma_wait3A_165, %dma_wait3A_166, %dma_wait3A_167] : memref<8x128x64xbf16, #tpu.memory_space<vmem>> -> memref<1x128x64xbf16, #tpu.memory_space<vmem>>
      %dma_wait3A_169 = tpu.memref_squeeze %dma_wait3A_168 : memref<1x128x64xbf16, #tpu.memory_space<vmem>> -> memref<128x64xbf16, #tpu.memory_space<vmem>>
      %dma_wait3A_170 = arith.constant 0 : i32
      %dma_wait3A_171 = tpu.memref_slice %arg6[%add3A_164, %dma_wait3A_170] : memref<80x128xi32, #tpu.memory_space<vmem>> -> memref<1x128xi32, #tpu.memory_space<vmem>>
      %dma_wait3A_172 = tpu.memref_squeeze %dma_wait3A_171 : memref<1x128xi32, #tpu.memory_space<vmem>> -> memref<128xi32, #tpu.memory_space<vmem>>
      %dma_wait3A_173 = arith.constant 0 : i32
      %dma_wait3A_174 = arith.constant 0 : i32
      %dma_wait3A_175 = tpu.memref_slice %arg2[%dma_wait3A_173, %dma_wait3A_174] : memref<10240x64xbf16, #tpu.memory_space<hbm>> -> memref<10240x64xbf16, #tpu.memory_space<hbm>>
      tpu.wait_indirect_dma semaphore(%arg12 : memref<!tpu.dma_semaphore, #tpu.memory_space<semaphore_mem>>) src(%dma_wait3A_175 : memref<10240x64xbf16, #tpu.memory_space<hbm>>) dst(%dma_wait3A_169 : memref<128x64xbf16, #tpu.memory_space<vmem>>)
      %add3A_176 = arith.constant 2 : i32
      %add3A_177 = arith.addi %mul3A_110, %add3A_176 : i32
      %dma_start3A_178 = arith.constant 2 : i32
      %dma_start3A_179 = arith.constant 0 : i32
      %dma_start3A_180 = arith.constant 0 : i32
      %dma_start3A_181 = tpu.memref_slice %arg8[%dma_start3A_178, %dma_start3A_179, %dma_start3A_180] : memref<8x128x64xbf16, #tpu.memory_space<vmem>> -> memref<1x128x64xbf16, #tpu.memory_space<vmem>>
      %dma_start3A_182 = tpu.memref_squeeze %dma_start3A_181 : memref<1x128x64xbf16, #tpu.memory_space<vmem>> -> memref<128x64xbf16, #tpu.memory_space<vmem>>
      %dma_start3A_183 = arith.constant 0 : i32
      %dma_start3A_184 = tpu.memref_slice %arg7[%add3A_177, %dma_start3A_183] : memref<80x128xi32, #tpu.memory_space<vmem>> -> memref<1x128xi32, #tpu.memory_space<vmem>>
      %dma_start3A_185 = tpu.memref_squeeze %dma_start3A_184 : memref<1x128xi32, #tpu.memory_space<vmem>> -> memref<128xi32, #tpu.memory_space<vmem>>
      %dma_start3A_186 = arith.constant 0 : i32
      %dma_start3A_187 = arith.constant 0 : i32
      %dma_start3A_188 = tpu.memref_slice %arg9[%dma_start3A_186, %dma_start3A_187] : memref<10240x64xbf16, #tpu.memory_space<vmem_shared>> -> memref<10240x64xbf16, #tpu.memory_space<vmem_shared>>
      tpu.enqueue_indirect_dma source(%dma_start3A_182 : memref<128x64xbf16, #tpu.memory_space<vmem>>) target(%dma_start3A_188 : memref<10240x64xbf16, #tpu.memory_space<vmem_shared>>) offsets(%dma_start3A_185 : memref<128xi32, #tpu.memory_space<vmem>>) semaphore(%arg20 : memref<!tpu.dma_semaphore, #tpu.memory_space<semaphore_mem>>) {add = true}
      %add3A_189 = arith.constant 3 : i32
      %add3A_190 = arith.addi %mul3A_110, %add3A_189 : i32
      %dma_wait3A_191 = arith.constant 3 : i32
      %dma_wait3A_192 = arith.constant 0 : i32
      %dma_wait3A_193 = arith.constant 0 : i32
      %dma_wait3A_194 = tpu.memref_slice %arg8[%dma_wait3A_191, %dma_wait3A_192, %dma_wait3A_193] : memref<8x128x64xbf16, #tpu.memory_space<vmem>> -> memref<1x128x64xbf16, #tpu.memory_space<vmem>>
      %dma_wait3A_195 = tpu.memref_squeeze %dma_wait3A_194 : memref<1x128x64xbf16, #tpu.memory_space<vmem>> -> memref<128x64xbf16, #tpu.memory_space<vmem>>
      %dma_wait3A_196 = arith.constant 0 : i32
      %dma_wait3A_197 = tpu.memref_slice %arg6[%add3A_190, %dma_wait3A_196] : memref<80x128xi32, #tpu.memory_space<vmem>> -> memref<1x128xi32, #tpu.memory_space<vmem>>
      %dma_wait3A_198 = tpu.memref_squeeze %dma_wait3A_197 : memref<1x128xi32, #tpu.memory_space<vmem>> -> memref<128xi32, #tpu.memory_space<vmem>>
      %dma_wait3A_199 = arith.constant 0 : i32
      %dma_wait3A_200 = arith.constant 0 : i32
      %dma_wait3A_201 = tpu.memref_slice %arg2[%dma_wait3A_199, %dma_wait3A_200] : memref<10240x64xbf16, #tpu.memory_space<hbm>> -> memref<10240x64xbf16, #tpu.memory_space<hbm>>
      tpu.wait_indirect_dma semaphore(%arg13 : memref<!tpu.dma_semaphore, #tpu.memory_space<semaphore_mem>>) src(%dma_wait3A_201 : memref<10240x64xbf16, #tpu.memory_space<hbm>>) dst(%dma_wait3A_195 : memref<128x64xbf16, #tpu.memory_space<vmem>>)
      %add3A_202 = arith.constant 3 : i32
      %add3A_203 = arith.addi %mul3A_110, %add3A_202 : i32
      %dma_start3A_204 = arith.constant 3 : i32
      %dma_start3A_205 = arith.constant 0 : i32
      %dma_start3A_206 = arith.constant 0 : i32
      %dma_start3A_207 = tpu.memref_slice %arg8[%dma_start3A_204, %dma_start3A_205, %dma_start3A_206] : memref<8x128x64xbf16, #tpu.memory_space<vmem>> -> memref<1x128x64xbf16, #tpu.memory_space<vmem>>
      %dma_start3A_208 = tpu.memref_squeeze %dma_start3A_207 : memref<1x128x64xbf16, #tpu.memory_space<vmem>> -> memref<128x64xbf16, #tpu.memory_space<vmem>>
      %dma_start3A_209 = arith.constant 0 : i32
      %dma_start3A_210 = tpu.memref_slice %arg7[%add3A_203, %dma_start3A_209] : memref<80x128xi32, #tpu.memory_space<vmem>> -> memref<1x128xi32, #tpu.memory_space<vmem>>
      %dma_start3A_211 = tpu.memref_squeeze %dma_start3A_210 : memref<1x128xi32, #tpu.memory_space<vmem>> -> memref<128xi32, #tpu.memory_space<vmem>>
      %dma_start3A_212 = arith.constant 0 : i32
      %dma_start3A_213 = arith.constant 0 : i32
      %dma_start3A_214 = tpu.memref_slice %arg9[%dma_start3A_212, %dma_start3A_213] : memref<10240x64xbf16, #tpu.memory_space<vmem_shared>> -> memref<10240x64xbf16, #tpu.memory_space<vmem_shared>>
      tpu.enqueue_indirect_dma source(%dma_start3A_208 : memref<128x64xbf16, #tpu.memory_space<vmem>>) target(%dma_start3A_214 : memref<10240x64xbf16, #tpu.memory_space<vmem_shared>>) offsets(%dma_start3A_211 : memref<128xi32, #tpu.memory_space<vmem>>) semaphore(%arg21 : memref<!tpu.dma_semaphore, #tpu.memory_space<semaphore_mem>>) {add = true}
      %add3A_215 = arith.constant 4 : i32
      %add3A_216 = arith.addi %mul3A_110, %add3A_215 : i32
      %add3A_217 = arith.constant 0 : i32
      %add3A_218 = arith.addi %add3A_216, %add3A_217 : i32
      %dma_start3A_219 = arith.constant 4 : i32
      %dma_start3A_220 = arith.constant 0 : i32
      %dma_start3A_221 = arith.constant 0 : i32
      %dma_start3A_222 = tpu.memref_slice %arg8[%dma_start3A_219, %dma_start3A_220, %dma_start3A_221] : memref<8x128x64xbf16, #tpu.memory_space<vmem>> -> memref<1x128x64xbf16, #tpu.memory_space<vmem>>
      %dma_start3A_223 = tpu.memref_squeeze %dma_start3A_222 : memref<1x128x64xbf16, #tpu.memory_space<vmem>> -> memref<128x64xbf16, #tpu.memory_space<vmem>>
      %dma_start3A_224 = arith.constant 0 : i32
      %dma_start3A_225 = tpu.memref_slice %arg6[%add3A_218, %dma_start3A_224] : memref<80x128xi32, #tpu.memory_space<vmem>> -> memref<1x128xi32, #tpu.memory_space<vmem>>
      %dma_start3A_226 = tpu.memref_squeeze %dma_start3A_225 : memref<1x128xi32, #tpu.memory_space<vmem>> -> memref<128xi32, #tpu.memory_space<vmem>>
      %dma_start3A_227 = arith.constant 0 : i32
      %dma_start3A_228 = arith.constant 0 : i32
      %dma_start3A_229 = tpu.memref_slice %arg2[%dma_start3A_227, %dma_start3A_228] : memref<10240x64xbf16, #tpu.memory_space<hbm>> -> memref<10240x64xbf16, #tpu.memory_space<hbm>>
      tpu.enqueue_indirect_dma source(%dma_start3A_229 : memref<10240x64xbf16, #tpu.memory_space<hbm>>) target(%dma_start3A_223 : memref<128x64xbf16, #tpu.memory_space<vmem>>) offsets(%dma_start3A_226 : memref<128xi32, #tpu.memory_space<vmem>>) semaphore(%arg14 : memref<!tpu.dma_semaphore, #tpu.memory_space<semaphore_mem>>)
      %add3A_230 = arith.constant 4 : i32
      %add3A_231 = arith.addi %mul3A_110, %add3A_230 : i32
      %add3A_232 = arith.constant 1 : i32
      %add3A_233 = arith.addi %add3A_231, %add3A_232 : i32
      %dma_start3A_234 = arith.constant 5 : i32
      %dma_start3A_235 = arith.constant 0 : i32
      %dma_start3A_236 = arith.constant 0 : i32
      %dma_start3A_237 = tpu.memref_slice %arg8[%dma_start3A_234, %dma_start3A_235, %dma_start3A_236] : memref<8x128x64xbf16, #tpu.memory_space<vmem>> -> memref<1x128x64xbf16, #tpu.memory_space<vmem>>
      %dma_start3A_238 = tpu.memref_squeeze %dma_start3A_237 : memref<1x128x64xbf16, #tpu.memory_space<vmem>> -> memref<128x64xbf16, #tpu.memory_space<vmem>>
      %dma_start3A_239 = arith.constant 0 : i32
      %dma_start3A_240 = tpu.memref_slice %arg6[%add3A_233, %dma_start3A_239] : memref<80x128xi32, #tpu.memory_space<vmem>> -> memref<1x128xi32, #tpu.memory_space<vmem>>
      %dma_start3A_241 = tpu.memref_squeeze %dma_start3A_240 : memref<1x128xi32, #tpu.memory_space<vmem>> -> memref<128xi32, #tpu.memory_space<vmem>>
      %dma_start3A_242 = arith.constant 0 : i32
      %dma_start3A_243 = arith.constant 0 : i32
      %dma_start3A_244 = tpu.memref_slice %arg2[%dma_start3A_242, %dma_start3A_243] : memref<10240x64xbf16, #tpu.memory_space<hbm>> -> memref<10240x64xbf16, #tpu.memory_space<hbm>>
      tpu.enqueue_indirect_dma source(%dma_start3A_244 : memref<10240x64xbf16, #tpu.memory_space<hbm>>) target(%dma_start3A_238 : memref<128x64xbf16, #tpu.memory_space<vmem>>) offsets(%dma_start3A_241 : memref<128xi32, #tpu.memory_space<vmem>>) semaphore(%arg15 : memref<!tpu.dma_semaphore, #tpu.memory_space<semaphore_mem>>)
      %add3A_245 = arith.constant 4 : i32
      %add3A_246 = arith.addi %mul3A_110, %add3A_245 : i32
      %add3A_247 = arith.constant 2 : i32
      %add3A_248 = arith.addi %add3A_246, %add3A_247 : i32
      %dma_start3A_249 = arith.constant 6 : i32
      %dma_start3A_250 = arith.constant 0 : i32
      %dma_start3A_251 = arith.constant 0 : i32
      %dma_start3A_252 = tpu.memref_slice %arg8[%dma_start3A_249, %dma_start3A_250, %dma_start3A_251] : memref<8x128x64xbf16, #tpu.memory_space<vmem>> -> memref<1x128x64xbf16, #tpu.memory_space<vmem>>
      %dma_start3A_253 = tpu.memref_squeeze %dma_start3A_252 : memref<1x128x64xbf16, #tpu.memory_space<vmem>> -> memref<128x64xbf16, #tpu.memory_space<vmem>>
      %dma_start3A_254 = arith.constant 0 : i32
      %dma_start3A_255 = tpu.memref_slice %arg6[%add3A_248, %dma_start3A_254] : memref<80x128xi32, #tpu.memory_space<vmem>> -> memref<1x128xi32, #tpu.memory_space<vmem>>
      %dma_start3A_256 = tpu.memref_squeeze %dma_start3A_255 : memref<1x128xi32, #tpu.memory_space<vmem>> -> memref<128xi32, #tpu.memory_space<vmem>>
      %dma_start3A_257 = arith.constant 0 : i32
      %dma_start3A_258 = arith.constant 0 : i32
      %dma_start3A_259 = tpu.memref_slice %arg2[%dma_start3A_257, %dma_start3A_258] : memref<10240x64xbf16, #tpu.memory_space<hbm>> -> memref<10240x64xbf16, #tpu.memory_space<hbm>>
      tpu.enqueue_indirect_dma source(%dma_start3A_259 : memref<10240x64xbf16, #tpu.memory_space<hbm>>) target(%dma_start3A_253 : memref<128x64xbf16, #tpu.memory_space<vmem>>) offsets(%dma_start3A_256 : memref<128xi32, #tpu.memory_space<vmem>>) semaphore(%arg16 : memref<!tpu.dma_semaphore, #tpu.memory_space<semaphore_mem>>)
      %add3A_260 = arith.constant 4 : i32
      %add3A_261 = arith.addi %mul3A_110, %add3A_260 : i32
      %add3A_262 = arith.constant 3 : i32
      %add3A_263 = arith.addi %add3A_261, %add3A_262 : i32
      %dma_start3A_264 = arith.constant 7 : i32
      %dma_start3A_265 = arith.constant 0 : i32
      %dma_start3A_266 = arith.constant 0 : i32
      %dma_start3A_267 = tpu.memref_slice %arg8[%dma_start3A_264, %dma_start3A_265, %dma_start3A_266] : memref<8x128x64xbf16, #tpu.memory_space<vmem>> -> memref<1x128x64xbf16, #tpu.memory_space<vmem>>
      %dma_start3A_268 = tpu.memref_squeeze %dma_start3A_267 : memref<1x128x64xbf16, #tpu.memory_space<vmem>> -> memref<128x64xbf16, #tpu.memory_space<vmem>>
      %dma_start3A_269 = arith.constant 0 : i32
      %dma_start3A_270 = tpu.memref_slice %arg6[%add3A_263, %dma_start3A_269] : memref<80x128xi32, #tpu.memory_space<vmem>> -> memref<1x128xi32, #tpu.memory_space<vmem>>
      %dma_start3A_271 = tpu.memref_squeeze %dma_start3A_270 : memref<1x128xi32, #tpu.memory_space<vmem>> -> memref<128xi32, #tpu.memory_space<vmem>>
      %dma_start3A_272 = arith.constant 0 : i32
      %dma_start3A_273 = arith.constant 0 : i32
      %dma_start3A_274 = tpu.memref_slice %arg2[%dma_start3A_272, %dma_start3A_273] : memref<10240x64xbf16, #tpu.memory_space<hbm>> -> memref<10240x64xbf16, #tpu.memory_space<hbm>>
      tpu.enqueue_indirect_dma source(%dma_start3A_274 : memref<10240x64xbf16, #tpu.memory_space<hbm>>) target(%dma_start3A_268 : memref<128x64xbf16, #tpu.memory_space<vmem>>) offsets(%dma_start3A_271 : memref<128xi32, #tpu.memory_space<vmem>>) semaphore(%arg17 : memref<!tpu.dma_semaphore, #tpu.memory_space<semaphore_mem>>)
      %dma_wait3A_275 = arith.constant 0 : i32
      %dma_wait3A_276 = arith.constant 0 : i32
      %dma_wait3A_277 = arith.constant 0 : i32
      %dma_wait3A_278 = tpu.memref_slice %arg8[%dma_wait3A_275, %dma_wait3A_276, %dma_wait3A_277] : memref<8x128x64xbf16, #tpu.memory_space<vmem>> -> memref<1x128x64xbf16, #tpu.memory_space<vmem>>
      %dma_wait3A_279 = tpu.memref_squeeze %dma_wait3A_278 : memref<1x128x64xbf16, #tpu.memory_space<vmem>> -> memref<128x64xbf16, #tpu.memory_space<vmem>>
      %dma_wait3A_280 = arith.constant 0 : i32
      %dma_wait3A_281 = tpu.memref_slice %arg7[%add3A_125, %dma_wait3A_280] : memref<80x128xi32, #tpu.memory_space<vmem>> -> memref<1x128xi32, #tpu.memory_space<vmem>>
      %dma_wait3A_282 = tpu.memref_squeeze %dma_wait3A_281 : memref<1x128xi32, #tpu.memory_space<vmem>> -> memref<128xi32, #tpu.memory_space<vmem>>
      %dma_wait3A_283 = arith.constant 0 : i32
      %dma_wait3A_284 = arith.constant 0 : i32
      %dma_wait3A_285 = tpu.memref_slice %arg9[%dma_wait3A_283, %dma_wait3A_284] : memref<10240x64xbf16, #tpu.memory_space<vmem_shared>> -> memref<10240x64xbf16, #tpu.memory_space<vmem_shared>>
      tpu.wait_indirect_dma semaphore(%arg18 : memref<!tpu.dma_semaphore, #tpu.memory_space<semaphore_mem>>) src(%dma_wait3A_279 : memref<128x64xbf16, #tpu.memory_space<vmem>>) dst(%dma_wait3A_285 : memref<10240x64xbf16, #tpu.memory_space<vmem_shared>>)
      %dma_wait3A_286 = arith.constant 1 : i32
      %dma_wait3A_287 = arith.constant 0 : i32
      %dma_wait3A_288 = arith.constant 0 : i32
      %dma_wait3A_289 = tpu.memref_slice %arg8[%dma_wait3A_286, %dma_wait3A_287, %dma_wait3A_288] : memref<8x128x64xbf16, #tpu.memory_space<vmem>> -> memref<1x128x64xbf16, #tpu.memory_space<vmem>>
      %dma_wait3A_290 = tpu.memref_squeeze %dma_wait3A_289 : memref<1x128x64xbf16, #tpu.memory_space<vmem>> -> memref<128x64xbf16, #tpu.memory_space<vmem>>
      %dma_wait3A_291 = arith.constant 0 : i32
      %dma_wait3A_292 = tpu.memref_slice %arg7[%add3A_151, %dma_wait3A_291] : memref<80x128xi32, #tpu.memory_space<vmem>> -> memref<1x128xi32, #tpu.memory_space<vmem>>
      %dma_wait3A_293 = tpu.memref_squeeze %dma_wait3A_292 : memref<1x128xi32, #tpu.memory_space<vmem>> -> memref<128xi32, #tpu.memory_space<vmem>>
      %dma_wait3A_294 = arith.constant 0 : i32
      %dma_wait3A_295 = arith.constant 0 : i32
      %dma_wait3A_296 = tpu.memref_slice %arg9[%dma_wait3A_294, %dma_wait3A_295] : memref<10240x64xbf16, #tpu.memory_space<vmem_shared>> -> memref<10240x64xbf16, #tpu.memory_space<vmem_shared>>
      tpu.wait_indirect_dma semaphore(%arg19 : memref<!tpu.dma_semaphore, #tpu.memory_space<semaphore_mem>>) src(%dma_wait3A_290 : memref<128x64xbf16, #tpu.memory_space<vmem>>) dst(%dma_wait3A_296 : memref<10240x64xbf16, #tpu.memory_space<vmem_shared>>)
      %dma_wait3A_297 = arith.constant 2 : i32
      %dma_wait3A_298 = arith.constant 0 : i32
      %dma_wait3A_299 = arith.constant 0 : i32
      %dma_wait3A_300 = tpu.memref_slice %arg8[%dma_wait3A_297, %dma_wait3A_298, %dma_wait3A_299] : memref<8x128x64xbf16, #tpu.memory_space<vmem>> -> memref<1x128x64xbf16, #tpu.memory_space<vmem>>
      %dma_wait3A_301 = tpu.memref_squeeze %dma_wait3A_300 : memref<1x128x64xbf16, #tpu.memory_space<vmem>> -> memref<128x64xbf16, #tpu.memory_space<vmem>>
      %dma_wait3A_302 = arith.constant 0 : i32
      %dma_wait3A_303 = tpu.memref_slice %arg7[%add3A_177, %dma_wait3A_302] : memref<80x128xi32, #tpu.memory_space<vmem>> -> memref<1x128xi32, #tpu.memory_space<vmem>>
      %dma_wait3A_304 = tpu.memref_squeeze %dma_wait3A_303 : memref<1x128xi32, #tpu.memory_space<vmem>> -> memref<128xi32, #tpu.memory_space<vmem>>
      %dma_wait3A_305 = arith.constant 0 : i32
      %dma_wait3A_306 = arith.constant 0 : i32
      %dma_wait3A_307 = tpu.memref_slice %arg9[%dma_wait3A_305, %dma_wait3A_306] : memref<10240x64xbf16, #tpu.memory_space<vmem_shared>> -> memref<10240x64xbf16, #tpu.memory_space<vmem_shared>>
      tpu.wait_indirect_dma semaphore(%arg20 : memref<!tpu.dma_semaphore, #tpu.memory_space<semaphore_mem>>) src(%dma_wait3A_301 : memref<128x64xbf16, #tpu.memory_space<vmem>>) dst(%dma_wait3A_307 : memref<10240x64xbf16, #tpu.memory_space<vmem_shared>>)
      %dma_wait3A_308 = arith.constant 3 : i32
      %dma_wait3A_309 = arith.constant 0 : i32
      %dma_wait3A_310 = arith.constant 0 : i32
      %dma_wait3A_311 = tpu.memref_slice %arg8[%dma_wait3A_308, %dma_wait3A_309, %dma_wait3A_310] : memref<8x128x64xbf16, #tpu.memory_space<vmem>> -> memref<1x128x64xbf16, #tpu.memory_space<vmem>>
      %dma_wait3A_312 = tpu.memref_squeeze %dma_wait3A_311 : memref<1x128x64xbf16, #tpu.memory_space<vmem>> -> memref<128x64xbf16, #tpu.memory_space<vmem>>
      %dma_wait3A_313 = arith.constant 0 : i32
      %dma_wait3A_314 = tpu.memref_slice %arg7[%add3A_203, %dma_wait3A_313] : memref<80x128xi32, #tpu.memory_space<vmem>> -> memref<1x128xi32, #tpu.memory_space<vmem>>
      %dma_wait3A_315 = tpu.memref_squeeze %dma_wait3A_314 : memref<1x128xi32, #tpu.memory_space<vmem>> -> memref<128xi32, #tpu.memory_space<vmem>>
      %dma_wait3A_316 = arith.constant 0 : i32
      %dma_wait3A_317 = arith.constant 0 : i32
      %dma_wait3A_318 = tpu.memref_slice %arg9[%dma_wait3A_316, %dma_wait3A_317] : memref<10240x64xbf16, #tpu.memory_space<vmem_shared>> -> memref<10240x64xbf16, #tpu.memory_space<vmem_shared>>
      tpu.wait_indirect_dma semaphore(%arg21 : memref<!tpu.dma_semaphore, #tpu.memory_space<semaphore_mem>>) src(%dma_wait3A_312 : memref<128x64xbf16, #tpu.memory_space<vmem>>) dst(%dma_wait3A_318 : memref<10240x64xbf16, #tpu.memory_space<vmem_shared>>)
      %dma_wait3A_319 = arith.constant 4 : i32
      %dma_wait3A_320 = arith.constant 0 : i32
      %dma_wait3A_321 = arith.constant 0 : i32
      %dma_wait3A_322 = tpu.memref_slice %arg8[%dma_wait3A_319, %dma_wait3A_320, %dma_wait3A_321] : memref<8x128x64xbf16, #tpu.memory_space<vmem>> -> memref<1x128x64xbf16, #tpu.memory_space<vmem>>
      %dma_wait3A_323 = tpu.memref_squeeze %dma_wait3A_322 : memref<1x128x64xbf16, #tpu.memory_space<vmem>> -> memref<128x64xbf16, #tpu.memory_space<vmem>>
      %dma_wait3A_324 = arith.constant 0 : i32
      %dma_wait3A_325 = tpu.memref_slice %arg6[%add3A_218, %dma_wait3A_324] : memref<80x128xi32, #tpu.memory_space<vmem>> -> memref<1x128xi32, #tpu.memory_space<vmem>>
      %dma_wait3A_326 = tpu.memref_squeeze %dma_wait3A_325 : memref<1x128xi32, #tpu.memory_space<vmem>> -> memref<128xi32, #tpu.memory_space<vmem>>
      %dma_wait3A_327 = arith.constant 0 : i32
      %dma_wait3A_328 = arith.constant 0 : i32
      %dma_wait3A_329 = tpu.memref_slice %arg2[%dma_wait3A_327, %dma_wait3A_328] : memref<10240x64xbf16, #tpu.memory_space<hbm>> -> memref<10240x64xbf16, #tpu.memory_space<hbm>>
      tpu.wait_indirect_dma semaphore(%arg14 : memref<!tpu.dma_semaphore, #tpu.memory_space<semaphore_mem>>) src(%dma_wait3A_329 : memref<10240x64xbf16, #tpu.memory_space<hbm>>) dst(%dma_wait3A_323 : memref<128x64xbf16, #tpu.memory_space<vmem>>)
      %add3A_330 = arith.constant 4 : i32
      %add3A_331 = arith.addi %mul3A_110, %add3A_330 : i32
      %add3A_332 = arith.constant 0 : i32
      %add3A_333 = arith.addi %add3A_331, %add3A_332 : i32
      %dma_start3A_334 = arith.constant 4 : i32
      %dma_start3A_335 = arith.constant 0 : i32
      %dma_start3A_336 = arith.constant 0 : i32
      %dma_start3A_337 = tpu.memref_slice %arg8[%dma_start3A_334, %dma_start3A_335, %dma_start3A_336] : memref<8x128x64xbf16, #tpu.memory_space<vmem>> -> memref<1x128x64xbf16, #tpu.memory_space<vmem>>
      %dma_start3A_338 = tpu.memref_squeeze %dma_start3A_337 : memref<1x128x64xbf16, #tpu.memory_space<vmem>> -> memref<128x64xbf16, #tpu.memory_space<vmem>>
      %dma_start3A_339 = arith.constant 0 : i32
      %dma_start3A_340 = tpu.memref_slice %arg7[%add3A_333, %dma_start3A_339] : memref<80x128xi32, #tpu.memory_space<vmem>> -> memref<1x128xi32, #tpu.memory_space<vmem>>
      %dma_start3A_341 = tpu.memref_squeeze %dma_start3A_340 : memref<1x128xi32, #tpu.memory_space<vmem>> -> memref<128xi32, #tpu.memory_space<vmem>>
      %dma_start3A_342 = arith.constant 0 : i32
      %dma_start3A_343 = arith.constant 0 : i32
      %dma_start3A_344 = tpu.memref_slice %arg9[%dma_start3A_342, %dma_start3A_343] : memref<10240x64xbf16, #tpu.memory_space<vmem_shared>> -> memref<10240x64xbf16, #tpu.memory_space<vmem_shared>>
      tpu.enqueue_indirect_dma source(%dma_start3A_338 : memref<128x64xbf16, #tpu.memory_space<vmem>>) target(%dma_start3A_344 : memref<10240x64xbf16, #tpu.memory_space<vmem_shared>>) offsets(%dma_start3A_341 : memref<128xi32, #tpu.memory_space<vmem>>) semaphore(%arg22 : memref<!tpu.dma_semaphore, #tpu.memory_space<semaphore_mem>>) {add = true}
      %dma_wait3A_345 = arith.constant 5 : i32
      %dma_wait3A_346 = arith.constant 0 : i32
      %dma_wait3A_347 = arith.constant 0 : i32
      %dma_wait3A_348 = tpu.memref_slice %arg8[%dma_wait3A_345, %dma_wait3A_346, %dma_wait3A_347] : memref<8x128x64xbf16, #tpu.memory_space<vmem>> -> memref<1x128x64xbf16, #tpu.memory_space<vmem>>
      %dma_wait3A_349 = tpu.memref_squeeze %dma_wait3A_348 : memref<1x128x64xbf16, #tpu.memory_space<vmem>> -> memref<128x64xbf16, #tpu.memory_space<vmem>>
      %dma_wait3A_350 = arith.constant 0 : i32
      %dma_wait3A_351 = tpu.memref_slice %arg6[%add3A_233, %dma_wait3A_350] : memref<80x128xi32, #tpu.memory_space<vmem>> -> memref<1x128xi32, #tpu.memory_space<vmem>>
      %dma_wait3A_352 = tpu.memref_squeeze %dma_wait3A_351 : memref<1x128xi32, #tpu.memory_space<vmem>> -> memref<128xi32, #tpu.memory_space<vmem>>
      %dma_wait3A_353 = arith.constant 0 : i32
      %dma_wait3A_354 = arith.constant 0 : i32
      %dma_wait3A_355 = tpu.memref_slice %arg2[%dma_wait3A_353, %dma_wait3A_354] : memref<10240x64xbf16, #tpu.memory_space<hbm>> -> memref<10240x64xbf16, #tpu.memory_space<hbm>>
      tpu.wait_indirect_dma semaphore(%arg15 : memref<!tpu.dma_semaphore, #tpu.memory_space<semaphore_mem>>) src(%dma_wait3A_355 : memref<10240x64xbf16, #tpu.memory_space<hbm>>) dst(%dma_wait3A_349 : memref<128x64xbf16, #tpu.memory_space<vmem>>)
      %add3A_356 = arith.constant 4 : i32
      %add3A_357 = arith.addi %mul3A_110, %add3A_356 : i32
      %add3A_358 = arith.constant 1 : i32
      %add3A_359 = arith.addi %add3A_357, %add3A_358 : i32
      %dma_start3A_360 = arith.constant 5 : i32
      %dma_start3A_361 = arith.constant 0 : i32
      %dma_start3A_362 = arith.constant 0 : i32
      %dma_start3A_363 = tpu.memref_slice %arg8[%dma_start3A_360, %dma_start3A_361, %dma_start3A_362] : memref<8x128x64xbf16, #tpu.memory_space<vmem>> -> memref<1x128x64xbf16, #tpu.memory_space<vmem>>
      %dma_start3A_364 = tpu.memref_squeeze %dma_start3A_363 : memref<1x128x64xbf16, #tpu.memory_space<vmem>> -> memref<128x64xbf16, #tpu.memory_space<vmem>>
      %dma_start3A_365 = arith.constant 0 : i32
      %dma_start3A_366 = tpu.memref_slice %arg7[%add3A_359, %dma_start3A_365] : memref<80x128xi32, #tpu.memory_space<vmem>> -> memref<1x128xi32, #tpu.memory_space<vmem>>
      %dma_start3A_367 = tpu.memref_squeeze %dma_start3A_366 : memref<1x128xi32, #tpu.memory_space<vmem>> -> memref<128xi32, #tpu.memory_space<vmem>>
      %dma_start3A_368 = arith.constant 0 : i32
      %dma_start3A_369 = arith.constant 0 : i32
      %dma_start3A_370 = tpu.memref_slice %arg9[%dma_start3A_368, %dma_start3A_369] : memref<10240x64xbf16, #tpu.memory_space<vmem_shared>> -> memref<10240x64xbf16, #tpu.memory_space<vmem_shared>>
      tpu.enqueue_indirect_dma source(%dma_start3A_364 : memref<128x64xbf16, #tpu.memory_space<vmem>>) target(%dma_start3A_370 : memref<10240x64xbf16, #tpu.memory_space<vmem_shared>>) offsets(%dma_start3A_367 : memref<128xi32, #tpu.memory_space<vmem>>) semaphore(%arg23 : memref<!tpu.dma_semaphore, #tpu.memory_space<semaphore_mem>>) {add = true}
      %dma_wait3A_371 = arith.constant 6 : i32
      %dma_wait3A_372 = arith.constant 0 : i32
      %dma_wait3A_373 = arith.constant 0 : i32
      %dma_wait3A_374 = tpu.memref_slice %arg8[%dma_wait3A_371, %dma_wait3A_372, %dma_wait3A_373] : memref<8x128x64xbf16, #tpu.memory_space<vmem>> -> memref<1x128x64xbf16, #tpu.memory_space<vmem>>
      %dma_wait3A_375 = tpu.memref_squeeze %dma_wait3A_374 : memref<1x128x64xbf16, #tpu.memory_space<vmem>> -> memref<128x64xbf16, #tpu.memory_space<vmem>>
      %dma_wait3A_376 = arith.constant 0 : i32
      %dma_wait3A_377 = tpu.memref_slice %arg6[%add3A_248, %dma_wait3A_376] : memref<80x128xi32, #tpu.memory_space<vmem>> -> memref<1x128xi32, #tpu.memory_space<vmem>>
      %dma_wait3A_378 = tpu.memref_squeeze %dma_wait3A_377 : memref<1x128xi32, #tpu.memory_space<vmem>> -> memref<128xi32, #tpu.memory_space<vmem>>
      %dma_wait3A_379 = arith.constant 0 : i32
      %dma_wait3A_380 = arith.constant 0 : i32
      %dma_wait3A_381 = tpu.memref_slice %arg2[%dma_wait3A_379, %dma_wait3A_380] : memref<10240x64xbf16, #tpu.memory_space<hbm>> -> memref<10240x64xbf16, #tpu.memory_space<hbm>>
      tpu.wait_indirect_dma semaphore(%arg16 : memref<!tpu.dma_semaphore, #tpu.memory_space<semaphore_mem>>) src(%dma_wait3A_381 : memref<10240x64xbf16, #tpu.memory_space<hbm>>) dst(%dma_wait3A_375 : memref<128x64xbf16, #tpu.memory_space<vmem>>)
      %add3A_382 = arith.constant 4 : i32
      %add3A_383 = arith.addi %mul3A_110, %add3A_382 : i32
      %add3A_384 = arith.constant 2 : i32
      %add3A_385 = arith.addi %add3A_383, %add3A_384 : i32
      %dma_start3A_386 = arith.constant 6 : i32
      %dma_start3A_387 = arith.constant 0 : i32
      %dma_start3A_388 = arith.constant 0 : i32
      %dma_start3A_389 = tpu.memref_slice %arg8[%dma_start3A_386, %dma_start3A_387, %dma_start3A_388] : memref<8x128x64xbf16, #tpu.memory_space<vmem>> -> memref<1x128x64xbf16, #tpu.memory_space<vmem>>
      %dma_start3A_390 = tpu.memref_squeeze %dma_start3A_389 : memref<1x128x64xbf16, #tpu.memory_space<vmem>> -> memref<128x64xbf16, #tpu.memory_space<vmem>>
      %dma_start3A_391 = arith.constant 0 : i32
      %dma_start3A_392 = tpu.memref_slice %arg7[%add3A_385, %dma_start3A_391] : memref<80x128xi32, #tpu.memory_space<vmem>> -> memref<1x128xi32, #tpu.memory_space<vmem>>
      %dma_start3A_393 = tpu.memref_squeeze %dma_start3A_392 : memref<1x128xi32, #tpu.memory_space<vmem>> -> memref<128xi32, #tpu.memory_space<vmem>>
      %dma_start3A_394 = arith.constant 0 : i32
      %dma_start3A_395 = arith.constant 0 : i32
      %dma_start3A_396 = tpu.memref_slice %arg9[%dma_start3A_394, %dma_start3A_395] : memref<10240x64xbf16, #tpu.memory_space<vmem_shared>> -> memref<10240x64xbf16, #tpu.memory_space<vmem_shared>>
      tpu.enqueue_indirect_dma source(%dma_start3A_390 : memref<128x64xbf16, #tpu.memory_space<vmem>>) target(%dma_start3A_396 : memref<10240x64xbf16, #tpu.memory_space<vmem_shared>>) offsets(%dma_start3A_393 : memref<128xi32, #tpu.memory_space<vmem>>) semaphore(%arg24 : memref<!tpu.dma_semaphore, #tpu.memory_space<semaphore_mem>>) {add = true}
      %dma_wait3A_397 = arith.constant 7 : i32
      %dma_wait3A_398 = arith.constant 0 : i32
      %dma_wait3A_399 = arith.constant 0 : i32
      %dma_wait3A_400 = tpu.memref_slice %arg8[%dma_wait3A_397, %dma_wait3A_398, %dma_wait3A_399] : memref<8x128x64xbf16, #tpu.memory_space<vmem>> -> memref<1x128x64xbf16, #tpu.memory_space<vmem>>
      %dma_wait3A_401 = tpu.memref_squeeze %dma_wait3A_400 : memref<1x128x64xbf16, #tpu.memory_space<vmem>> -> memref<128x64xbf16, #tpu.memory_space<vmem>>
      %dma_wait3A_402 = arith.constant 0 : i32
      %dma_wait3A_403 = tpu.memref_slice %arg6[%add3A_263, %dma_wait3A_402] : memref<80x128xi32, #tpu.memory_space<vmem>> -> memref<1x128xi32, #tpu.memory_space<vmem>>
      %dma_wait3A_404 = tpu.memref_squeeze %dma_wait3A_403 : memref<1x128xi32, #tpu.memory_space<vmem>> -> memref<128xi32, #tpu.memory_space<vmem>>
      %dma_wait3A_405 = arith.constant 0 : i32
      %dma_wait3A_406 = arith.constant 0 : i32
      %dma_wait3A_407 = tpu.memref_slice %arg2[%dma_wait3A_405, %dma_wait3A_406] : memref<10240x64xbf16, #tpu.memory_space<hbm>> -> memref<10240x64xbf16, #tpu.memory_space<hbm>>
      tpu.wait_indirect_dma semaphore(%arg17 : memref<!tpu.dma_semaphore, #tpu.memory_space<semaphore_mem>>) src(%dma_wait3A_407 : memref<10240x64xbf16, #tpu.memory_space<hbm>>) dst(%dma_wait3A_401 : memref<128x64xbf16, #tpu.memory_space<vmem>>)
      %add3A_408 = arith.constant 4 : i32
      %add3A_409 = arith.addi %mul3A_110, %add3A_408 : i32
      %add3A_410 = arith.constant 3 : i32
      %add3A_411 = arith.addi %add3A_409, %add3A_410 : i32
      %dma_start3A_412 = arith.constant 7 : i32
      %dma_start3A_413 = arith.constant 0 : i32
      %dma_start3A_414 = arith.constant 0 : i32
      %dma_start3A_415 = tpu.memref_slice %arg8[%dma_start3A_412, %dma_start3A_413, %dma_start3A_414] : memref<8x128x64xbf16, #tpu.memory_space<vmem>> -> memref<1x128x64xbf16, #tpu.memory_space<vmem>>
      %dma_start3A_416 = tpu.memref_squeeze %dma_start3A_415 : memref<1x128x64xbf16, #tpu.memory_space<vmem>> -> memref<128x64xbf16, #tpu.memory_space<vmem>>
      %dma_start3A_417 = arith.constant 0 : i32
      %dma_start3A_418 = tpu.memref_slice %arg7[%add3A_411, %dma_start3A_417] : memref<80x128xi32, #tpu.memory_space<vmem>> -> memref<1x128xi32, #tpu.memory_space<vmem>>
      %dma_start3A_419 = tpu.memref_squeeze %dma_start3A_418 : memref<1x128xi32, #tpu.memory_space<vmem>> -> memref<128xi32, #tpu.memory_space<vmem>>
      %dma_start3A_420 = arith.constant 0 : i32
      %dma_start3A_421 = arith.constant 0 : i32
      %dma_start3A_422 = tpu.memref_slice %arg9[%dma_start3A_420, %dma_start3A_421] : memref<10240x64xbf16, #tpu.memory_space<vmem_shared>> -> memref<10240x64xbf16, #tpu.memory_space<vmem_shared>>
      tpu.enqueue_indirect_dma source(%dma_start3A_416 : memref<128x64xbf16, #tpu.memory_space<vmem>>) target(%dma_start3A_422 : memref<10240x64xbf16, #tpu.memory_space<vmem_shared>>) offsets(%dma_start3A_419 : memref<128xi32, #tpu.memory_space<vmem>>) semaphore(%arg25 : memref<!tpu.dma_semaphore, #tpu.memory_space<semaphore_mem>>) {add = true}
      %add3A_423 = arith.constant 8 : i32
      %add3A_424 = arith.addi %mul3A_110, %add3A_423 : i32
      %add3A_425 = arith.constant 0 : i32
      %add3A_426 = arith.addi %add3A_424, %add3A_425 : i32
      %min3A = arith.constant 79 : i32
      %min3A_427 = arith.minsi %add3A_426, %min3A : i32
      %dma_start3A_428 = arith.constant 0 : i32
      %dma_start3A_429 = arith.constant 0 : i32
      %dma_start3A_430 = arith.constant 0 : i32
      %dma_start3A_431 = tpu.memref_slice %arg8[%dma_start3A_428, %dma_start3A_429, %dma_start3A_430] : memref<8x128x64xbf16, #tpu.memory_space<vmem>> -> memref<1x128x64xbf16, #tpu.memory_space<vmem>>
      %dma_start3A_432 = tpu.memref_squeeze %dma_start3A_431 : memref<1x128x64xbf16, #tpu.memory_space<vmem>> -> memref<128x64xbf16, #tpu.memory_space<vmem>>
      %dma_start3A_433 = arith.constant 0 : i32
      %dma_start3A_434 = tpu.memref_slice %arg6[%min3A_427, %dma_start3A_433] : memref<80x128xi32, #tpu.memory_space<vmem>> -> memref<1x128xi32, #tpu.memory_space<vmem>>
      %dma_start3A_435 = tpu.memref_squeeze %dma_start3A_434 : memref<1x128xi32, #tpu.memory_space<vmem>> -> memref<128xi32, #tpu.memory_space<vmem>>
      %dma_start3A_436 = arith.constant 0 : i32
      %dma_start3A_437 = arith.constant 0 : i32
      %dma_start3A_438 = tpu.memref_slice %arg2[%dma_start3A_436, %dma_start3A_437] : memref<10240x64xbf16, #tpu.memory_space<hbm>> -> memref<10240x64xbf16, #tpu.memory_space<hbm>>
      tpu.enqueue_indirect_dma source(%dma_start3A_438 : memref<10240x64xbf16, #tpu.memory_space<hbm>>) target(%dma_start3A_432 : memref<128x64xbf16, #tpu.memory_space<vmem>>) offsets(%dma_start3A_435 : memref<128xi32, #tpu.memory_space<vmem>>) semaphore(%arg10 : memref<!tpu.dma_semaphore, #tpu.memory_space<semaphore_mem>>)
      %add3A_439 = arith.constant 8 : i32
      %add3A_440 = arith.addi %mul3A_110, %add3A_439 : i32
      %add3A_441 = arith.constant 1 : i32
      %add3A_442 = arith.addi %add3A_440, %add3A_441 : i32
      %min3A_443 = arith.constant 79 : i32
      %min3A_444 = arith.minsi %add3A_442, %min3A_443 : i32
      %dma_start3A_445 = arith.constant 1 : i32
      %dma_start3A_446 = arith.constant 0 : i32
      %dma_start3A_447 = arith.constant 0 : i32
      %dma_start3A_448 = tpu.memref_slice %arg8[%dma_start3A_445, %dma_start3A_446, %dma_start3A_447] : memref<8x128x64xbf16, #tpu.memory_space<vmem>> -> memref<1x128x64xbf16, #tpu.memory_space<vmem>>
      %dma_start3A_449 = tpu.memref_squeeze %dma_start3A_448 : memref<1x128x64xbf16, #tpu.memory_space<vmem>> -> memref<128x64xbf16, #tpu.memory_space<vmem>>
      %dma_start3A_450 = arith.constant 0 : i32
      %dma_start3A_451 = tpu.memref_slice %arg6[%min3A_444, %dma_start3A_450] : memref<80x128xi32, #tpu.memory_space<vmem>> -> memref<1x128xi32, #tpu.memory_space<vmem>>
      %dma_start3A_452 = tpu.memref_squeeze %dma_start3A_451 : memref<1x128xi32, #tpu.memory_space<vmem>> -> memref<128xi32, #tpu.memory_space<vmem>>
      %dma_start3A_453 = arith.constant 0 : i32
      %dma_start3A_454 = arith.constant 0 : i32
      %dma_start3A_455 = tpu.memref_slice %arg2[%dma_start3A_453, %dma_start3A_454] : memref<10240x64xbf16, #tpu.memory_space<hbm>> -> memref<10240x64xbf16, #tpu.memory_space<hbm>>
      tpu.enqueue_indirect_dma source(%dma_start3A_455 : memref<10240x64xbf16, #tpu.memory_space<hbm>>) target(%dma_start3A_449 : memref<128x64xbf16, #tpu.memory_space<vmem>>) offsets(%dma_start3A_452 : memref<128xi32, #tpu.memory_space<vmem>>) semaphore(%arg11 : memref<!tpu.dma_semaphore, #tpu.memory_space<semaphore_mem>>)
      %add3A_456 = arith.constant 8 : i32
      %add3A_457 = arith.addi %mul3A_110, %add3A_456 : i32
      %add3A_458 = arith.constant 2 : i32
      %add3A_459 = arith.addi %add3A_457, %add3A_458 : i32
      %min3A_460 = arith.constant 79 : i32
      %min3A_461 = arith.minsi %add3A_459, %min3A_460 : i32
      %dma_start3A_462 = arith.constant 2 : i32
      %dma_start3A_463 = arith.constant 0 : i32
      %dma_start3A_464 = arith.constant 0 : i32
      %dma_start3A_465 = tpu.memref_slice %arg8[%dma_start3A_462, %dma_start3A_463, %dma_start3A_464] : memref<8x128x64xbf16, #tpu.memory_space<vmem>> -> memref<1x128x64xbf16, #tpu.memory_space<vmem>>
      %dma_start3A_466 = tpu.memref_squeeze %dma_start3A_465 : memref<1x128x64xbf16, #tpu.memory_space<vmem>> -> memref<128x64xbf16, #tpu.memory_space<vmem>>
      %dma_start3A_467 = arith.constant 0 : i32
      %dma_start3A_468 = tpu.memref_slice %arg6[%min3A_461, %dma_start3A_467] : memref<80x128xi32, #tpu.memory_space<vmem>> -> memref<1x128xi32, #tpu.memory_space<vmem>>
      %dma_start3A_469 = tpu.memref_squeeze %dma_start3A_468 : memref<1x128xi32, #tpu.memory_space<vmem>> -> memref<128xi32, #tpu.memory_space<vmem>>
      %dma_start3A_470 = arith.constant 0 : i32
      %dma_start3A_471 = arith.constant 0 : i32
      %dma_start3A_472 = tpu.memref_slice %arg2[%dma_start3A_470, %dma_start3A_471] : memref<10240x64xbf16, #tpu.memory_space<hbm>> -> memref<10240x64xbf16, #tpu.memory_space<hbm>>
      tpu.enqueue_indirect_dma source(%dma_start3A_472 : memref<10240x64xbf16, #tpu.memory_space<hbm>>) target(%dma_start3A_466 : memref<128x64xbf16, #tpu.memory_space<vmem>>) offsets(%dma_start3A_469 : memref<128xi32, #tpu.memory_space<vmem>>) semaphore(%arg12 : memref<!tpu.dma_semaphore, #tpu.memory_space<semaphore_mem>>)
      %add3A_473 = arith.constant 8 : i32
      %add3A_474 = arith.addi %mul3A_110, %add3A_473 : i32
      %add3A_475 = arith.constant 3 : i32
      %add3A_476 = arith.addi %add3A_474, %add3A_475 : i32
      %min3A_477 = arith.constant 79 : i32
      %min3A_478 = arith.minsi %add3A_476, %min3A_477 : i32
      %dma_start3A_479 = arith.constant 3 : i32
      %dma_start3A_480 = arith.constant 0 : i32
      %dma_start3A_481 = arith.constant 0 : i32
      %dma_start3A_482 = tpu.memref_slice %arg8[%dma_start3A_479, %dma_start3A_480, %dma_start3A_481] : memref<8x128x64xbf16, #tpu.memory_space<vmem>> -> memref<1x128x64xbf16, #tpu.memory_space<vmem>>
      %dma_start3A_483 = tpu.memref_squeeze %dma_start3A_482 : memref<1x128x64xbf16, #tpu.memory_space<vmem>> -> memref<128x64xbf16, #tpu.memory_space<vmem>>
      %dma_start3A_484 = arith.constant 0 : i32
      %dma_start3A_485 = tpu.memref_slice %arg6[%min3A_478, %dma_start3A_484] : memref<80x128xi32, #tpu.memory_space<vmem>> -> memref<1x128xi32, #tpu.memory_space<vmem>>
      %dma_start3A_486 = tpu.memref_squeeze %dma_start3A_485 : memref<1x128xi32, #tpu.memory_space<vmem>> -> memref<128xi32, #tpu.memory_space<vmem>>
      %dma_start3A_487 = arith.constant 0 : i32
      %dma_start3A_488 = arith.constant 0 : i32
      %dma_start3A_489 = tpu.memref_slice %arg2[%dma_start3A_487, %dma_start3A_488] : memref<10240x64xbf16, #tpu.memory_space<hbm>> -> memref<10240x64xbf16, #tpu.memory_space<hbm>>
      tpu.enqueue_indirect_dma source(%dma_start3A_489 : memref<10240x64xbf16, #tpu.memory_space<hbm>>) target(%dma_start3A_483 : memref<128x64xbf16, #tpu.memory_space<vmem>>) offsets(%dma_start3A_486 : memref<128xi32, #tpu.memory_space<vmem>>) semaphore(%arg13 : memref<!tpu.dma_semaphore, #tpu.memory_space<semaphore_mem>>)
      %dma_wait3A_490 = arith.constant 4 : i32
      %dma_wait3A_491 = arith.constant 0 : i32
      %dma_wait3A_492 = arith.constant 0 : i32
      %dma_wait3A_493 = tpu.memref_slice %arg8[%dma_wait3A_490, %dma_wait3A_491, %dma_wait3A_492] : memref<8x128x64xbf16, #tpu.memory_space<vmem>> -> memref<1x128x64xbf16, #tpu.memory_space<vmem>>
      %dma_wait3A_494 = tpu.memref_squeeze %dma_wait3A_493 : memref<1x128x64xbf16, #tpu.memory_space<vmem>> -> memref<128x64xbf16, #tpu.memory_space<vmem>>
      %dma_wait3A_495 = arith.constant 0 : i32
      %dma_wait3A_496 = tpu.memref_slice %arg7[%add3A_333, %dma_wait3A_495] : memref<80x128xi32, #tpu.memory_space<vmem>> -> memref<1x128xi32, #tpu.memory_space<vmem>>
      %dma_wait3A_497 = tpu.memref_squeeze %dma_wait3A_496 : memref<1x128xi32, #tpu.memory_space<vmem>> -> memref<128xi32, #tpu.memory_space<vmem>>
      %dma_wait3A_498 = arith.constant 0 : i32
      %dma_wait3A_499 = arith.constant 0 : i32
      %dma_wait3A_500 = tpu.memref_slice %arg9[%dma_wait3A_498, %dma_wait3A_499] : memref<10240x64xbf16, #tpu.memory_space<vmem_shared>> -> memref<10240x64xbf16, #tpu.memory_space<vmem_shared>>
      tpu.wait_indirect_dma semaphore(%arg22 : memref<!tpu.dma_semaphore, #tpu.memory_space<semaphore_mem>>) src(%dma_wait3A_494 : memref<128x64xbf16, #tpu.memory_space<vmem>>) dst(%dma_wait3A_500 : memref<10240x64xbf16, #tpu.memory_space<vmem_shared>>)
      %dma_wait3A_501 = arith.constant 5 : i32
      %dma_wait3A_502 = arith.constant 0 : i32
      %dma_wait3A_503 = arith.constant 0 : i32
      %dma_wait3A_504 = tpu.memref_slice %arg8[%dma_wait3A_501, %dma_wait3A_502, %dma_wait3A_503] : memref<8x128x64xbf16, #tpu.memory_space<vmem>> -> memref<1x128x64xbf16, #tpu.memory_space<vmem>>
      %dma_wait3A_505 = tpu.memref_squeeze %dma_wait3A_504 : memref<1x128x64xbf16, #tpu.memory_space<vmem>> -> memref<128x64xbf16, #tpu.memory_space<vmem>>
      %dma_wait3A_506 = arith.constant 0 : i32
      %dma_wait3A_507 = tpu.memref_slice %arg7[%add3A_359, %dma_wait3A_506] : memref<80x128xi32, #tpu.memory_space<vmem>> -> memref<1x128xi32, #tpu.memory_space<vmem>>
      %dma_wait3A_508 = tpu.memref_squeeze %dma_wait3A_507 : memref<1x128xi32, #tpu.memory_space<vmem>> -> memref<128xi32, #tpu.memory_space<vmem>>
      %dma_wait3A_509 = arith.constant 0 : i32
      %dma_wait3A_510 = arith.constant 0 : i32
      %dma_wait3A_511 = tpu.memref_slice %arg9[%dma_wait3A_509, %dma_wait3A_510] : memref<10240x64xbf16, #tpu.memory_space<vmem_shared>> -> memref<10240x64xbf16, #tpu.memory_space<vmem_shared>>
      tpu.wait_indirect_dma semaphore(%arg23 : memref<!tpu.dma_semaphore, #tpu.memory_space<semaphore_mem>>) src(%dma_wait3A_505 : memref<128x64xbf16, #tpu.memory_space<vmem>>) dst(%dma_wait3A_511 : memref<10240x64xbf16, #tpu.memory_space<vmem_shared>>)
      %dma_wait3A_512 = arith.constant 6 : i32
      %dma_wait3A_513 = arith.constant 0 : i32
      %dma_wait3A_514 = arith.constant 0 : i32
      %dma_wait3A_515 = tpu.memref_slice %arg8[%dma_wait3A_512, %dma_wait3A_513, %dma_wait3A_514] : memref<8x128x64xbf16, #tpu.memory_space<vmem>> -> memref<1x128x64xbf16, #tpu.memory_space<vmem>>
      %dma_wait3A_516 = tpu.memref_squeeze %dma_wait3A_515 : memref<1x128x64xbf16, #tpu.memory_space<vmem>> -> memref<128x64xbf16, #tpu.memory_space<vmem>>
      %dma_wait3A_517 = arith.constant 0 : i32
      %dma_wait3A_518 = tpu.memref_slice %arg7[%add3A_385, %dma_wait3A_517] : memref<80x128xi32, #tpu.memory_space<vmem>> -> memref<1x128xi32, #tpu.memory_space<vmem>>
      %dma_wait3A_519 = tpu.memref_squeeze %dma_wait3A_518 : memref<1x128xi32, #tpu.memory_space<vmem>> -> memref<128xi32, #tpu.memory_space<vmem>>
      %dma_wait3A_520 = arith.constant 0 : i32
      %dma_wait3A_521 = arith.constant 0 : i32
      %dma_wait3A_522 = tpu.memref_slice %arg9[%dma_wait3A_520, %dma_wait3A_521] : memref<10240x64xbf16, #tpu.memory_space<vmem_shared>> -> memref<10240x64xbf16, #tpu.memory_space<vmem_shared>>
      tpu.wait_indirect_dma semaphore(%arg24 : memref<!tpu.dma_semaphore, #tpu.memory_space<semaphore_mem>>) src(%dma_wait3A_516 : memref<128x64xbf16, #tpu.memory_space<vmem>>) dst(%dma_wait3A_522 : memref<10240x64xbf16, #tpu.memory_space<vmem_shared>>)
      %dma_wait3A_523 = arith.constant 7 : i32
      %dma_wait3A_524 = arith.constant 0 : i32
      %dma_wait3A_525 = arith.constant 0 : i32
      %dma_wait3A_526 = tpu.memref_slice %arg8[%dma_wait3A_523, %dma_wait3A_524, %dma_wait3A_525] : memref<8x128x64xbf16, #tpu.memory_space<vmem>> -> memref<1x128x64xbf16, #tpu.memory_space<vmem>>
      %dma_wait3A_527 = tpu.memref_squeeze %dma_wait3A_526 : memref<1x128x64xbf16, #tpu.memory_space<vmem>> -> memref<128x64xbf16, #tpu.memory_space<vmem>>
      %dma_wait3A_528 = arith.constant 0 : i32
      %dma_wait3A_529 = tpu.memref_slice %arg7[%add3A_411, %dma_wait3A_528] : memref<80x128xi32, #tpu.memory_space<vmem>> -> memref<1x128xi32, #tpu.memory_space<vmem>>
      %dma_wait3A_530 = tpu.memref_squeeze %dma_wait3A_529 : memref<1x128xi32, #tpu.memory_space<vmem>> -> memref<128xi32, #tpu.memory_space<vmem>>
      %dma_wait3A_531 = arith.constant 0 : i32
      %dma_wait3A_532 = arith.constant 0 : i32
      %dma_wait3A_533 = tpu.memref_slice %arg9[%dma_wait3A_531, %dma_wait3A_532] : memref<10240x64xbf16, #tpu.memory_space<vmem_shared>> -> memref<10240x64xbf16, #tpu.memory_space<vmem_shared>>
      tpu.wait_indirect_dma semaphore(%arg25 : memref<!tpu.dma_semaphore, #tpu.memory_space<semaphore_mem>>) src(%dma_wait3A_527 : memref<128x64xbf16, #tpu.memory_space<vmem>>) dst(%dma_wait3A_533 : memref<10240x64xbf16, #tpu.memory_space<vmem_shared>>)
    }
    %scan3A_59 = arith.constant 10 : i32
    %dma_wait3A = arith.constant 79 : i32
    %dma_wait3A_60 = arith.constant 0 : i32
    %dma_wait3A_61 = arith.constant 0 : i32
    %dma_wait3A_62 = arith.constant 0 : i32
    %dma_wait3A_63 = tpu.memref_slice %arg8[%dma_wait3A_60, %dma_wait3A_61, %dma_wait3A_62] : memref<8x128x64xbf16, #tpu.memory_space<vmem>> -> memref<1x128x64xbf16, #tpu.memory_space<vmem>>
    %dma_wait3A_64 = tpu.memref_squeeze %dma_wait3A_63 : memref<1x128x64xbf16, #tpu.memory_space<vmem>> -> memref<128x64xbf16, #tpu.memory_space<vmem>>
    %dma_wait3A_65 = arith.constant 0 : i32
    %dma_wait3A_66 = tpu.memref_slice %arg6[%dma_wait3A, %dma_wait3A_65] : memref<80x128xi32, #tpu.memory_space<vmem>> -> memref<1x128xi32, #tpu.memory_space<vmem>>
    %dma_wait3A_67 = tpu.memref_squeeze %dma_wait3A_66 : memref<1x128xi32, #tpu.memory_space<vmem>> -> memref<128xi32, #tpu.memory_space<vmem>>
    %dma_wait3A_68 = arith.constant 0 : i32
    %dma_wait3A_69 = arith.constant 0 : i32
    %dma_wait3A_70 = tpu.memref_slice %arg2[%dma_wait3A_68, %dma_wait3A_69] : memref<10240x64xbf16, #tpu.memory_space<hbm>> -> memref<10240x64xbf16, #tpu.memory_space<hbm>>
    tpu.wait_indirect_dma semaphore(%arg10 : memref<!tpu.dma_semaphore, #tpu.memory_space<semaphore_mem>>) src(%dma_wait3A_70 : memref<10240x64xbf16, #tpu.memory_space<hbm>>) dst(%dma_wait3A_64 : memref<128x64xbf16, #tpu.memory_space<vmem>>)
    %dma_wait3A_71 = arith.constant 79 : i32
    %dma_wait3A_72 = arith.constant 1 : i32
    %dma_wait3A_73 = arith.constant 0 : i32
    %dma_wait3A_74 = arith.constant 0 : i32
    %dma_wait3A_75 = tpu.memref_slice %arg8[%dma_wait3A_72, %dma_wait3A_73, %dma_wait3A_74] : memref<8x128x64xbf16, #tpu.memory_space<vmem>> -> memref<1x128x64xbf16, #tpu.memory_space<vmem>>
    %dma_wait3A_76 = tpu.memref_squeeze %dma_wait3A_75 : memref<1x128x64xbf16, #tpu.memory_space<vmem>> -> memref<128x64xbf16, #tpu.memory_space<vmem>>
    %dma_wait3A_77 = arith.constant 0 : i32
    %dma_wait3A_78 = tpu.memref_slice %arg6[%dma_wait3A_71, %dma_wait3A_77] : memref<80x128xi32, #tpu.memory_space<vmem>> -> memref<1x128xi32, #tpu.memory_space<vmem>>
    %dma_wait3A_79 = tpu.memref_squeeze %dma_wait3A_78 : memref<1x128xi32, #tpu.memory_space<vmem>> -> memref<128xi32, #tpu.memory_space<vmem>>
    %dma_wait3A_80 = arith.constant 0 : i32
    %dma_wait3A_81 = arith.constant 0 : i32
    %dma_wait3A_82 = tpu.memref_slice %arg2[%dma_wait3A_80, %dma_wait3A_81] : memref<10240x64xbf16, #tpu.memory_space<hbm>> -> memref<10240x64xbf16, #tpu.memory_space<hbm>>
    tpu.wait_indirect_dma semaphore(%arg11 : memref<!tpu.dma_semaphore, #tpu.memory_space<semaphore_mem>>) src(%dma_wait3A_82 : memref<10240x64xbf16, #tpu.memory_space<hbm>>) dst(%dma_wait3A_76 : memref<128x64xbf16, #tpu.memory_space<vmem>>)
    %dma_wait3A_83 = arith.constant 79 : i32
    %dma_wait3A_84 = arith.constant 2 : i32
    %dma_wait3A_85 = arith.constant 0 : i32
    %dma_wait3A_86 = arith.constant 0 : i32
    %dma_wait3A_87 = tpu.memref_slice %arg8[%dma_wait3A_84, %dma_wait3A_85, %dma_wait3A_86] : memref<8x128x64xbf16, #tpu.memory_space<vmem>> -> memref<1x128x64xbf16, #tpu.memory_space<vmem>>
    %dma_wait3A_88 = tpu.memref_squeeze %dma_wait3A_87 : memref<1x128x64xbf16, #tpu.memory_space<vmem>> -> memref<128x64xbf16, #tpu.memory_space<vmem>>
    %dma_wait3A_89 = arith.constant 0 : i32
    %dma_wait3A_90 = tpu.memref_slice %arg6[%dma_wait3A_83, %dma_wait3A_89] : memref<80x128xi32, #tpu.memory_space<vmem>> -> memref<1x128xi32, #tpu.memory_space<vmem>>
    %dma_wait3A_91 = tpu.memref_squeeze %dma_wait3A_90 : memref<1x128xi32, #tpu.memory_space<vmem>> -> memref<128xi32, #tpu.memory_space<vmem>>
    %dma_wait3A_92 = arith.constant 0 : i32
    %dma_wait3A_93 = arith.constant 0 : i32
    %dma_wait3A_94 = tpu.memref_slice %arg2[%dma_wait3A_92, %dma_wait3A_93] : memref<10240x64xbf16, #tpu.memory_space<hbm>> -> memref<10240x64xbf16, #tpu.memory_space<hbm>>
    tpu.wait_indirect_dma semaphore(%arg12 : memref<!tpu.dma_semaphore, #tpu.memory_space<semaphore_mem>>) src(%dma_wait3A_94 : memref<10240x64xbf16, #tpu.memory_space<hbm>>) dst(%dma_wait3A_88 : memref<128x64xbf16, #tpu.memory_space<vmem>>)
    %dma_wait3A_95 = arith.constant 79 : i32
    %dma_wait3A_96 = arith.constant 3 : i32
    %dma_wait3A_97 = arith.constant 0 : i32
    %dma_wait3A_98 = arith.constant 0 : i32
    %dma_wait3A_99 = tpu.memref_slice %arg8[%dma_wait3A_96, %dma_wait3A_97, %dma_wait3A_98] : memref<8x128x64xbf16, #tpu.memory_space<vmem>> -> memref<1x128x64xbf16, #tpu.memory_space<vmem>>
    %dma_wait3A_100 = tpu.memref_squeeze %dma_wait3A_99 : memref<1x128x64xbf16, #tpu.memory_space<vmem>> -> memref<128x64xbf16, #tpu.memory_space<vmem>>
    %dma_wait3A_101 = arith.constant 0 : i32
    %dma_wait3A_102 = tpu.memref_slice %arg6[%dma_wait3A_95, %dma_wait3A_101] : memref<80x128xi32, #tpu.memory_space<vmem>> -> memref<1x128xi32, #tpu.memory_space<vmem>>
    %dma_wait3A_103 = tpu.memref_squeeze %dma_wait3A_102 : memref<1x128xi32, #tpu.memory_space<vmem>> -> memref<128xi32, #tpu.memory_space<vmem>>
    %dma_wait3A_104 = arith.constant 0 : i32
    %dma_wait3A_105 = arith.constant 0 : i32
    %dma_wait3A_106 = tpu.memref_slice %arg2[%dma_wait3A_104, %dma_wait3A_105] : memref<10240x64xbf16, #tpu.memory_space<hbm>> -> memref<10240x64xbf16, #tpu.memory_space<hbm>>
    tpu.wait_indirect_dma semaphore(%arg13 : memref<!tpu.dma_semaphore, #tpu.memory_space<semaphore_mem>>) src(%dma_wait3A_106 : memref<10240x64xbf16, #tpu.memory_space<hbm>>) dst(%dma_wait3A_100 : memref<128x64xbf16, #tpu.memory_space<vmem>>)
    %barrier3A_107 = arith.constant 0 : index
    tpu.barrier barrier_id(%barrier3A_107)
    "tpu.region"() ({
      %run_scoped3A_108 = tpu.sem_alloc : memref<!tpu.dma_semaphore, #tpu.memory_space<semaphore_mem>>
      %dma_start3A_109 = arith.constant 0 : i32
      %dma_start3A_110 = tpu.memref_slice %arg5[%arg0, %mul3A_2, %dma_start3A_109] : memref<2x10240x64xbf16, #tpu.memory_space<hbm>> -> memref<1x640x64xbf16, #tpu.memory_space<hbm>>
      %dma_start3A_111 = tpu.memref_squeeze %dma_start3A_110 : memref<1x640x64xbf16, #tpu.memory_space<hbm>> -> memref<640x64xbf16, #tpu.memory_space<hbm>>
      %dma_start3A_112 = arith.constant 0 : i32
      %dma_start3A_113 = tpu.memref_slice %arg9[%mul3A_2, %dma_start3A_112] : memref<10240x64xbf16, #tpu.memory_space<vmem_shared>> -> memref<640x64xbf16, #tpu.memory_space<vmem_shared>>
      tpu.enqueue_dma source(%dma_start3A_113 : memref<640x64xbf16, #tpu.memory_space<vmem_shared>>) target(%dma_start3A_111 : memref<640x64xbf16, #tpu.memory_space<hbm>>) target_semaphore(%run_scoped3A_108 : memref<!tpu.dma_semaphore, #tpu.memory_space<semaphore_mem>>)
      %dma_wait3A_114 = arith.constant 0 : i32
      %dma_wait3A_115 = tpu.memref_slice %arg5[%arg0, %mul3A_2, %dma_wait3A_114] : memref<2x10240x64xbf16, #tpu.memory_space<hbm>> -> memref<1x640x64xbf16, #tpu.memory_space<hbm>>
      %dma_wait3A_116 = tpu.memref_squeeze %dma_wait3A_115 : memref<1x640x64xbf16, #tpu.memory_space<hbm>> -> memref<640x64xbf16, #tpu.memory_space<hbm>>
      %dma_wait3A_117 = arith.constant 0 : i32
      %dma_wait3A_118 = tpu.memref_slice %arg9[%mul3A_2, %dma_wait3A_117] : memref<10240x64xbf16, #tpu.memory_space<vmem_shared>> -> memref<640x64xbf16, #tpu.memory_space<vmem_shared>>
      tpu.wait_dma2 semaphore(%run_scoped3A_108 : memref<!tpu.dma_semaphore, #tpu.memory_space<semaphore_mem>>) src(%dma_wait3A_118 : memref<640x64xbf16, #tpu.memory_space<vmem_shared>>) dst(%dma_wait3A_116 : memref<640x64xbf16, #tpu.memory_space<hbm>>)
      tpu.yield
    }) : () -> ()
    return
  }
}

#map = affine_map<(d0, d1) -> (0, 0)>
#map1 = affine_map<(d0, d1) -> (0, 0, 0)>
module attributes {stable_mosaic.version = 14 : i64} {
  func.func @_conv_kernel(%arg0: i32, %arg1: i32, %arg2: memref<10240x64xbf16, #tpu.memory_space<hbm>>, %arg3: memref<2x2560x128xi32, #tpu.memory_space<hbm>>, %arg4: memref<10240x64xbf16, #tpu.memory_space<hbm>>, %arg5: memref<2x10240x64xbf16, #tpu.memory_space<hbm>>, %arg6: memref<80x128xi32, #tpu.memory_space<vmem>>, %arg7: memref<80x128xi32, #tpu.memory_space<vmem>>, %arg8: memref<8x128x64xbf16, #tpu.memory_space<vmem>>, %arg9: memref<10240x64xbf16, #tpu.memory_space<vmem_shared>>, %arg10: memref<!tpu.dma_semaphore, #tpu.memory_space<semaphore_mem>>, %arg11: memref<!tpu.dma_semaphore, #tpu.memory_space<semaphore_mem>>, %arg12: memref<!tpu.dma_semaphore, #tpu.memory_space<semaphore_mem>>, %arg13: memref<!tpu.dma_semaphore, #tpu.memory_space<semaphore_mem>>, %arg14: memref<!tpu.dma_semaphore, #tpu.memory_space<semaphore_mem>>, %arg15: memref<!tpu.dma_semaphore, #tpu.memory_space<semaphore_mem>>, %arg16: memref<!tpu.dma_semaphore, #tpu.memory_space<semaphore_mem>>, %arg17: memref<!tpu.dma_semaphore, #tpu.memory_space<semaphore_mem>>, %arg18: memref<!tpu.dma_semaphore, #tpu.memory_space<semaphore_mem>>, %arg19: memref<!tpu.dma_semaphore, #tpu.memory_space<semaphore_mem>>, %arg20: memref<!tpu.dma_semaphore, #tpu.memory_space<semaphore_mem>>, %arg21: memref<!tpu.dma_semaphore, #tpu.memory_space<semaphore_mem>>, %arg22: memref<!tpu.dma_semaphore, #tpu.memory_space<semaphore_mem>>, %arg23: memref<!tpu.dma_semaphore, #tpu.memory_space<semaphore_mem>>, %arg24: memref<!tpu.dma_semaphore, #tpu.memory_space<semaphore_mem>>, %arg25: memref<!tpu.dma_semaphore, #tpu.memory_space<semaphore_mem>>) attributes {dimension_semantics = [#tpu.dimension_semantics<core_parallel>, #tpu.dimension_semantics<subcore_parallel>], iteration_bounds = array<i64: 2, 16>, scalar_prefetch = 0 : i64, scratch_operands = 20 : i64, tpu.core_type = #tpu.core_type<sc_vector_subcore>, window_params = [{transform_indices = #map}, {transform_indices = #map1}, {transform_indices = #map}, {transform_indices = #map1}]} {
    %mul3A = arith.constant 2 : i32
    %mul3A_0 = arith.muli %arg1, %mul3A : i32
    %add3A = arith.addi %mul3A_0, %arg0 : i32
    %mul3A_1 = arith.constant 640 : i32
    %mul3A_2 = arith.muli %arg1, %mul3A_1 : i32
    %mul3A_3 = arith.constant 80 : i32
    %mul3A_4 = arith.muli %add3A, %mul3A_3 : i32
    %run_scoped3A = arith.constant 0 : i32
    "tpu.region"() ({
      %run_scoped3A_108 = tpu.sem_alloc : memref<!tpu.dma_semaphore, #tpu.memory_space<semaphore_mem>>
      %dma_start3A_109 = arith.constant 0 : i32
      %dma_start3A_110 = tpu.memref_slice %arg3[%run_scoped3A, %mul3A_4, %dma_start3A_109] : memref<2x2560x128xi32, #tpu.memory_space<hbm>> -> memref<1x80x128xi32, #tpu.memory_space<hbm>>
      %dma_start3A_111 = tpu.memref_squeeze %dma_start3A_110 : memref<1x80x128xi32, #tpu.memory_space<hbm>> -> memref<80x128xi32, #tpu.memory_space<hbm>>
      %dma_start3A_112 = arith.constant 0 : i32
      %dma_start3A_113 = tpu.memref_slice %arg3[%run_scoped3A, %mul3A_4, %dma_start3A_112] : memref<2x2560x128xi32, #tpu.memory_space<hbm>> -> memref<1x80x128xi32, #tpu.memory_space<hbm>>
      %dma_start3A_114 = tpu.memref_squeeze %dma_start3A_113 : memref<1x80x128xi32, #tpu.memory_space<hbm>> -> memref<80x128xi32, #tpu.memory_space<hbm>>
      tpu.enqueue_dma source(%dma_start3A_114 : memref<80x128xi32, #tpu.memory_space<hbm>>) target(%arg6 : memref<80x128xi32, #tpu.memory_space<vmem>>) target_semaphore(%run_scoped3A_108 : memref<!tpu.dma_semaphore, #tpu.memory_space<semaphore_mem>>)
      %dma_wait3A_115 = arith.constant 0 : i32
      %dma_wait3A_116 = tpu.memref_slice %arg3[%run_scoped3A, %mul3A_4, %dma_wait3A_115] : memref<2x2560x128xi32, #tpu.memory_space<hbm>> -> memref<1x80x128xi32, #tpu.memory_space<hbm>>
      %dma_wait3A_117 = tpu.memref_squeeze %dma_wait3A_116 : memref<1x80x128xi32, #tpu.memory_space<hbm>> -> memref<80x128xi32, #tpu.memory_space<hbm>>
      %dma_wait3A_118 = arith.constant 0 : i32
      %dma_wait3A_119 = tpu.memref_slice %arg3[%run_scoped3A, %mul3A_4, %dma_wait3A_118] : memref<2x2560x128xi32, #tpu.memory_space<hbm>> -> memref<1x80x128xi32, #tpu.memory_space<hbm>>
      %dma_wait3A_120 = tpu.memref_squeeze %dma_wait3A_119 : memref<1x80x128xi32, #tpu.memory_space<hbm>> -> memref<80x128xi32, #tpu.memory_space<hbm>>
      tpu.wait_dma2 semaphore(%run_scoped3A_108 : memref<!tpu.dma_semaphore, #tpu.memory_space<semaphore_mem>>) src(%dma_wait3A_120 : memref<80x128xi32, #tpu.memory_space<hbm>>) dst(%arg6 : memref<80x128xi32, #tpu.memory_space<vmem>>)
      tpu.yield
    }) : () -> ()
    %mul3A_5 = arith.constant 80 : i32
    %mul3A_6 = arith.muli %add3A, %mul3A_5 : i32
    %run_scoped3A_7 = arith.constant 1 : i32
    "tpu.region"() ({
      %run_scoped3A_108 = tpu.sem_alloc : memref<!tpu.dma_semaphore, #tpu.memory_space<semaphore_mem>>
      %dma_start3A_109 = arith.constant 0 : i32
      %dma_start3A_110 = tpu.memref_slice %arg3[%run_scoped3A_7, %mul3A_6, %dma_start3A_109] : memref<2x2560x128xi32, #tpu.memory_space<hbm>> -> memref<1x80x128xi32, #tpu.memory_space<hbm>>
      %dma_start3A_111 = tpu.memref_squeeze %dma_start3A_110 : memref<1x80x128xi32, #tpu.memory_space<hbm>> -> memref<80x128xi32, #tpu.memory_space<hbm>>
      %dma_start3A_112 = arith.constant 0 : i32
      %dma_start3A_113 = tpu.memref_slice %arg3[%run_scoped3A_7, %mul3A_6, %dma_start3A_112] : memref<2x2560x128xi32, #tpu.memory_space<hbm>> -> memref<1x80x128xi32, #tpu.memory_space<hbm>>
      %dma_start3A_114 = tpu.memref_squeeze %dma_start3A_113 : memref<1x80x128xi32, #tpu.memory_space<hbm>> -> memref<80x128xi32, #tpu.memory_space<hbm>>
      tpu.enqueue_dma source(%dma_start3A_114 : memref<80x128xi32, #tpu.memory_space<hbm>>) target(%arg7 : memref<80x128xi32, #tpu.memory_space<vmem>>) target_semaphore(%run_scoped3A_108 : memref<!tpu.dma_semaphore, #tpu.memory_space<semaphore_mem>>)
      %dma_wait3A_115 = arith.constant 0 : i32
      %dma_wait3A_116 = tpu.memref_slice %arg3[%run_scoped3A_7, %mul3A_6, %dma_wait3A_115] : memref<2x2560x128xi32, #tpu.memory_space<hbm>> -> memref<1x80x128xi32, #tpu.memory_space<hbm>>
      %dma_wait3A_117 = tpu.memref_squeeze %dma_wait3A_116 : memref<1x80x128xi32, #tpu.memory_space<hbm>> -> memref<80x128xi32, #tpu.memory_space<hbm>>
      %dma_wait3A_118 = arith.constant 0 : i32
      %dma_wait3A_119 = tpu.memref_slice %arg3[%run_scoped3A_7, %mul3A_6, %dma_wait3A_118] : memref<2x2560x128xi32, #tpu.memory_space<hbm>> -> memref<1x80x128xi32, #tpu.memory_space<hbm>>
      %dma_wait3A_120 = tpu.memref_squeeze %dma_wait3A_119 : memref<1x80x128xi32, #tpu.memory_space<hbm>> -> memref<80x128xi32, #tpu.memory_space<hbm>>
      tpu.wait_dma2 semaphore(%run_scoped3A_108 : memref<!tpu.dma_semaphore, #tpu.memory_space<semaphore_mem>>) src(%dma_wait3A_120 : memref<80x128xi32, #tpu.memory_space<hbm>>) dst(%arg7 : memref<80x128xi32, #tpu.memory_space<vmem>>)
      tpu.yield
    }) : () -> ()
    "tpu.region"() ({
      %run_scoped3A_108 = tpu.sem_alloc : memref<!tpu.dma_semaphore, #tpu.memory_space<semaphore_mem>>
      %dma_start3A_109 = arith.constant 0 : i32
      %dma_start3A_110 = tpu.memref_slice %arg9[%mul3A_2, %dma_start3A_109] : memref<10240x64xbf16, #tpu.memory_space<vmem_shared>> -> memref<640x64xbf16, #tpu.memory_space<vmem_shared>>
      %dma_start3A_111 = arith.constant 0 : i32
      %dma_start3A_112 = tpu.memref_slice %arg4[%mul3A_2, %dma_start3A_111] : memref<10240x64xbf16, #tpu.memory_space<hbm>> -> memref<640x64xbf16, #tpu.memory_space<hbm>>
      tpu.enqueue_dma source(%dma_start3A_112 : memref<640x64xbf16, #tpu.memory_space<hbm>>) target(%dma_start3A_110 : memref<640x64xbf16, #tpu.memory_space<vmem_shared>>) target_semaphore(%run_scoped3A_108 : memref<!tpu.dma_semaphore, #tpu.memory_space<semaphore_mem>>)
      %dma_wait3A_113 = arith.constant 0 : i32
      %dma_wait3A_114 = tpu.memref_slice %arg9[%mul3A_2, %dma_wait3A_113] : memref<10240x64xbf16, #tpu.memory_space<vmem_shared>> -> memref<640x64xbf16, #tpu.memory_space<vmem_shared>>
      %dma_wait3A_115 = arith.constant 0 : i32
      %dma_wait3A_116 = tpu.memref_slice %arg4[%mul3A_2, %dma_wait3A_115] : memref<10240x64xbf16, #tpu.memory_space<hbm>> -> memref<640x64xbf16, #tpu.memory_space<hbm>>
      tpu.wait_dma2 semaphore(%run_scoped3A_108 : memref<!tpu.dma_semaphore, #tpu.memory_space<semaphore_mem>>) src(%dma_wait3A_116 : memref<640x64xbf16, #tpu.memory_space<hbm>>) dst(%dma_wait3A_114 : memref<640x64xbf16, #tpu.memory_space<vmem_shared>>)
      tpu.yield
    }) : () -> ()
    %barrier3A = arith.constant 0 : index
    tpu.barrier barrier_id(%barrier3A)
    %dma_start3A = arith.constant 0 : i32
    %dma_start3A_8 = arith.constant 0 : i32
    %dma_start3A_9 = arith.constant 0 : i32
    %dma_start3A_10 = arith.constant 0 : i32
    %dma_start3A_11 = tpu.memref_slice %arg8[%dma_start3A_8, %dma_start3A_9, %dma_start3A_10] : memref<8x128x64xbf16, #tpu.memory_space<vmem>> -> memref<1x128x64xbf16, #tpu.memory_space<vmem>>
    %dma_start3A_12 = tpu.memref_squeeze %dma_start3A_11 : memref<1x128x64xbf16, #tpu.memory_space<vmem>> -> memref<128x64xbf16, #tpu.memory_space<vmem>>
    %dma_start3A_13 = arith.constant 0 : i32
    %dma_start3A_14 = tpu.memref_slice %arg6[%dma_start3A, %dma_start3A_13] : memref<80x128xi32, #tpu.memory_space<vmem>> -> memref<1x128xi32, #tpu.memory_space<vmem>>
    %dma_start3A_15 = tpu.memref_squeeze %dma_start3A_14 : memref<1x128xi32, #tpu.memory_space<vmem>> -> memref<128xi32, #tpu.memory_space<vmem>>
    %dma_start3A_16 = arith.constant 0 : i32
    %dma_start3A_17 = arith.constant 0 : i32
    %dma_start3A_18 = tpu.memref_slice %arg2[%dma_start3A_16, %dma_start3A_17] : memref<10240x64xbf16, #tpu.memory_space<hbm>> -> memref<10240x64xbf16, #tpu.memory_space<hbm>>
    tpu.enqueue_indirect_dma source(%dma_start3A_18 : memref<10240x64xbf16, #tpu.memory_space<hbm>>) target(%dma_start3A_12 : memref<128x64xbf16, #tpu.memory_space<vmem>>) offsets(%dma_start3A_15 : memref<128xi32, #tpu.memory_space<vmem>>) semaphore(%arg10 : memref<!tpu.dma_semaphore, #tpu.memory_space<semaphore_mem>>)
    %dma_start3A_19 = arith.constant 1 : i32
    %dma_start3A_20 = arith.constant 1 : i32
    %dma_start3A_21 = arith.constant 0 : i32
    %dma_start3A_22 = arith.constant 0 : i32
    %dma_start3A_23 = tpu.memref_slice %arg8[%dma_start3A_20, %dma_start3A_21, %dma_start3A_22] : memref<8x128x64xbf16, #tpu.memory_space<vmem>> -> memref<1x128x64xbf16, #tpu.memory_space<vmem>>
    %dma_start3A_24 = tpu.memref_squeeze %dma_start3A_23 : memref<1x128x64xbf16, #tpu.memory_space<vmem>> -> memref<128x64xbf16, #tpu.memory_space<vmem>>
    %dma_start3A_25 = arith.constant 0 : i32
    %dma_start3A_26 = tpu.memref_slice %arg6[%dma_start3A_19, %dma_start3A_25] : memref<80x128xi32, #tpu.memory_space<vmem>> -> memref<1x128xi32, #tpu.memory_space<vmem>>
    %dma_start3A_27 = tpu.memref_squeeze %dma_start3A_26 : memref<1x128xi32, #tpu.memory_space<vmem>> -> memref<128xi32, #tpu.memory_space<vmem>>
    %dma_start3A_28 = arith.constant 0 : i32
    %dma_start3A_29 = arith.constant 0 : i32
    %dma_start3A_30 = tpu.memref_slice %arg2[%dma_start3A_28, %dma_start3A_29] : memref<10240x64xbf16, #tpu.memory_space<hbm>> -> memref<10240x64xbf16, #tpu.memory_space<hbm>>
    tpu.enqueue_indirect_dma source(%dma_start3A_30 : memref<10240x64xbf16, #tpu.memory_space<hbm>>) target(%dma_start3A_24 : memref<128x64xbf16, #tpu.memory_space<vmem>>) offsets(%dma_start3A_27 : memref<128xi32, #tpu.memory_space<vmem>>) semaphore(%arg11 : memref<!tpu.dma_semaphore, #tpu.memory_space<semaphore_mem>>)
    %dma_start3A_31 = arith.constant 2 : i32
    %dma_start3A_32 = arith.constant 2 : i32
    %dma_start3A_33 = arith.constant 0 : i32
    %dma_start3A_34 = arith.constant 0 : i32
    %dma_start3A_35 = tpu.memref_slice %arg8[%dma_start3A_32, %dma_start3A_33, %dma_start3A_34] : memref<8x128x64xbf16, #tpu.memory_space<vmem>> -> memref<1x128x64xbf16, #tpu.memory_space<vmem>>
    %dma_start3A_36 = tpu.memref_squeeze %dma_start3A_35 : memref<1x128x64xbf16, #tpu.memory_space<vmem>> -> memref<128x64xbf16, #tpu.memory_space<vmem>>
    %dma_start3A_37 = arith.constant 0 : i32
    %dma_start3A_38 = tpu.memref_slice %arg6[%dma_start3A_31, %dma_start3A_37] : memref<80x128xi32, #tpu.memory_space<vmem>> -> memref<1x128xi32, #tpu.memory_space<vmem>>
    %dma_start3A_39 = tpu.memref_squeeze %dma_start3A_38 : memref<1x128xi32, #tpu.memory_space<vmem>> -> memref<128xi32, #tpu.memory_space<vmem>>
    %dma_start3A_40 = arith.constant 0 : i32
    %dma_start3A_41 = arith.constant 0 : i32
    %dma_start3A_42 = tpu.memref_slice %arg2[%dma_start3A_40, %dma_start3A_41] : memref<10240x64xbf16, #tpu.memory_space<hbm>> -> memref<10240x64xbf16, #tpu.memory_space<hbm>>
    tpu.enqueue_indirect_dma source(%dma_start3A_42 : memref<10240x64xbf16, #tpu.memory_space<hbm>>) target(%dma_start3A_36 : memref<128x64xbf16, #tpu.memory_space<vmem>>) offsets(%dma_start3A_39 : memref<128xi32, #tpu.memory_space<vmem>>) semaphore(%arg12 : memref<!tpu.dma_semaphore, #tpu.memory_space<semaphore_mem>>)
    %dma_start3A_43 = arith.constant 3 : i32
    %dma_start3A_44 = arith.constant 3 : i32
    %dma_start3A_45 = arith.constant 0 : i32
    %dma_start3A_46 = arith.constant 0 : i32
    %dma_start3A_47 = tpu.memref_slice %arg8[%dma_start3A_44, %dma_start3A_45, %dma_start3A_46] : memref<8x128x64xbf16, #tpu.memory_space<vmem>> -> memref<1x128x64xbf16, #tpu.memory_space<vmem>>
    %dma_start3A_48 = tpu.memref_squeeze %dma_start3A_47 : memref<1x128x64xbf16, #tpu.memory_space<vmem>> -> memref<128x64xbf16, #tpu.memory_space<vmem>>
    %dma_start3A_49 = arith.constant 0 : i32
    %dma_start3A_50 = tpu.memref_slice %arg6[%dma_start3A_43, %dma_start3A_49] : memref<80x128xi32, #tpu.memory_space<vmem>> -> memref<1x128xi32, #tpu.memory_space<vmem>>
    %dma_start3A_51 = tpu.memref_squeeze %dma_start3A_50 : memref<1x128xi32, #tpu.memory_space<vmem>> -> memref<128xi32, #tpu.memory_space<vmem>>
    %dma_start3A_52 = arith.constant 0 : i32
    %dma_start3A_53 = arith.constant 0 : i32
    %dma_start3A_54 = tpu.memref_slice %arg2[%dma_start3A_52, %dma_start3A_53] : memref<10240x64xbf16, #tpu.memory_space<hbm>> -> memref<10240x64xbf16, #tpu.memory_space<hbm>>
    tpu.enqueue_indirect_dma source(%dma_start3A_54 : memref<10240x64xbf16, #tpu.memory_space<hbm>>) target(%dma_start3A_48 : memref<128x64xbf16, #tpu.memory_space<vmem>>) offsets(%dma_start3A_51 : memref<128xi32, #tpu.memory_space<vmem>>) semaphore(%arg13 : memref<!tpu.dma_semaphore, #tpu.memory_space<semaphore_mem>>)
    %scan3A = arith.constant 0 : i32
    %scan3A_55 = arith.constant 0 : i32
    %scan3A_56 = arith.constant 10 : i32
    %scan3A_57 = arith.addi %scan3A_55, %scan3A_56 : i32
    %scan3A_58 = arith.constant 1 : i32
    scf.for %scan3A_108 = %scan3A_55 to %scan3A_57 step %scan3A_58  : i32 {
      %mul3A_109 = arith.constant 8 : i32
      %mul3A_110 = arith.muli %scan3A_108, %mul3A_109 : i32
      %add3A_111 = arith.constant 0 : i32
      %add3A_112 = arith.addi %mul3A_110, %add3A_111 : i32
      %dma_wait3A_113 = arith.constant 0 : i32
      %dma_wait3A_114 = arith.constant 0 : i32
      %dma_wait3A_115 = arith.constant 0 : i32
      %dma_wait3A_116 = tpu.memref_slice %arg8[%dma_wait3A_113, %dma_wait3A_114, %dma_wait3A_115] : memref<8x128x64xbf16, #tpu.memory_space<vmem>> -> memref<1x128x64xbf16, #tpu.memory_space<vmem>>
      %dma_wait3A_117 = tpu.memref_squeeze %dma_wait3A_116 : memref<1x128x64xbf16, #tpu.memory_space<vmem>> -> memref<128x64xbf16, #tpu.memory_space<vmem>>
      %dma_wait3A_118 = arith.constant 0 : i32
      %dma_wait3A_119 = tpu.memref_slice %arg6[%add3A_112, %dma_wait3A_118] : memref<80x128xi32, #tpu.memory_space<vmem>> -> memref<1x128xi32, #tpu.memory_space<vmem>>
      %dma_wait3A_120 = tpu.memref_squeeze %dma_wait3A_119 : memref<1x128xi32, #tpu.memory_space<vmem>> -> memref<128xi32, #tpu.memory_space<vmem>>
      %dma_wait3A_121 = arith.constant 0 : i32
      %dma_wait3A_122 = arith.constant 0 : i32
      %dma_wait3A_123 = tpu.memref_slice %arg2[%dma_wait3A_121, %dma_wait3A_122] : memref<10240x64xbf16, #tpu.memory_space<hbm>> -> memref<10240x64xbf16, #tpu.memory_space<hbm>>
      tpu.wait_indirect_dma semaphore(%arg10 : memref<!tpu.dma_semaphore, #tpu.memory_space<semaphore_mem>>) src(%dma_wait3A_123 : memref<10240x64xbf16, #tpu.memory_space<hbm>>) dst(%dma_wait3A_117 : memref<128x64xbf16, #tpu.memory_space<vmem>>)
      %add3A_124 = arith.constant 0 : i32
      %add3A_125 = arith.addi %mul3A_110, %add3A_124 : i32
      %dma_start3A_126 = arith.constant 0 : i32
      %dma_start3A_127 = arith.constant 0 : i32
      %dma_start3A_128 = arith.constant 0 : i32
      %dma_start3A_129 = tpu.memref_slice %arg8[%dma_start3A_126, %dma_start3A_127, %dma_start3A_128] : memref<8x128x64xbf16, #tpu.memory_space<vmem>> -> memref<1x128x64xbf16, #tpu.memory_space<vmem>>
      %dma_start3A_130 = tpu.memref_squeeze %dma_start3A_129 : memref<1x128x64xbf16, #tpu.memory_space<vmem>> -> memref<128x64xbf16, #tpu.memory_space<vmem>>
      %dma_start3A_131 = arith.constant 0 : i32
      %dma_start3A_132 = tpu.memref_slice %arg7[%add3A_125, %dma_start3A_131] : memref<80x128xi32, #tpu.memory_space<vmem>> -> memref<1x128xi32, #tpu.memory_space<vmem>>
      %dma_start3A_133 = tpu.memref_squeeze %dma_start3A_132 : memref<1x128xi32, #tpu.memory_space<vmem>> -> memref<128xi32, #tpu.memory_space<vmem>>
      %dma_start3A_134 = arith.constant 0 : i32
      %dma_start3A_135 = arith.constant 0 : i32
      %dma_start3A_136 = tpu.memref_slice %arg9[%dma_start3A_134, %dma_start3A_135] : memref<10240x64xbf16, #tpu.memory_space<vmem_shared>> -> memref<10240x64xbf16, #tpu.memory_space<vmem_shared>>
      tpu.enqueue_indirect_dma source(%dma_start3A_130 : memref<128x64xbf16, #tpu.memory_space<vmem>>) target(%dma_start3A_136 : memref<10240x64xbf16, #tpu.memory_space<vmem_shared>>) offsets(%dma_start3A_133 : memref<128xi32, #tpu.memory_space<vmem>>) semaphore(%arg18 : memref<!tpu.dma_semaphore, #tpu.memory_space<semaphore_mem>>) {add = true}
      %add3A_137 = arith.constant 1 : i32
      %add3A_138 = arith.addi %mul3A_110, %add3A_137 : i32
      %dma_wait3A_139 = arith.constant 1 : i32
      %dma_wait3A_140 = arith.constant 0 : i32
      %dma_wait3A_141 = arith.constant 0 : i32
      %dma_wait3A_142 = tpu.memref_slice %arg8[%dma_wait3A_139, %dma_wait3A_140, %dma_wait3A_141] : memref<8x128x64xbf16, #tpu.memory_space<vmem>> -> memref<1x128x64xbf16, #tpu.memory_space<vmem>>
      %dma_wait3A_143 = tpu.memref_squeeze %dma_wait3A_142 : memref<1x128x64xbf16, #tpu.memory_space<vmem>> -> memref<128x64xbf16, #tpu.memory_space<vmem>>
      %dma_wait3A_144 = arith.constant 0 : i32
      %dma_wait3A_145 = tpu.memref_slice %arg6[%add3A_138, %dma_wait3A_144] : memref<80x128xi32, #tpu.memory_space<vmem>> -> memref<1x128xi32, #tpu.memory_space<vmem>>
      %dma_wait3A_146 = tpu.memref_squeeze %dma_wait3A_145 : memref<1x128xi32, #tpu.memory_space<vmem>> -> memref<128xi32, #tpu.memory_space<vmem>>
      %dma_wait3A_147 = arith.constant 0 : i32
      %dma_wait3A_148 = arith.constant 0 : i32
      %dma_wait3A_149 = tpu.memref_slice %arg2[%dma_wait3A_147, %dma_wait3A_148] : memref<10240x64xbf16, #tpu.memory_space<hbm>> -> memref<10240x64xbf16, #tpu.memory_space<hbm>>
      tpu.wait_indirect_dma semaphore(%arg11 : memref<!tpu.dma_semaphore, #tpu.memory_space<semaphore_mem>>) src(%dma_wait3A_149 : memref<10240x64xbf16, #tpu.memory_space<hbm>>) dst(%dma_wait3A_143 : memref<128x64xbf16, #tpu.memory_space<vmem>>)
      %add3A_150 = arith.constant 1 : i32
      %add3A_151 = arith.addi %mul3A_110, %add3A_150 : i32
      %dma_start3A_152 = arith.constant 1 : i32
      %dma_start3A_153 = arith.constant 0 : i32
      %dma_start3A_154 = arith.constant 0 : i32
      %dma_start3A_155 = tpu.memref_slice %arg8[%dma_start3A_152, %dma_start3A_153, %dma_start3A_154] : memref<8x128x64xbf16, #tpu.memory_space<vmem>> -> memref<1x128x64xbf16, #tpu.memory_space<vmem>>
      %dma_start3A_156 = tpu.memref_squeeze %dma_start3A_155 : memref<1x128x64xbf16, #tpu.memory_space<vmem>> -> memref<128x64xbf16, #tpu.memory_space<vmem>>
      %dma_start3A_157 = arith.constant 0 : i32
      %dma_start3A_158 = tpu.memref_slice %arg7[%add3A_151, %dma_start3A_157] : memref<80x128xi32, #tpu.memory_space<vmem>> -> memref<1x128xi32, #tpu.memory_space<vmem>>
      %dma_start3A_159 = tpu.memref_squeeze %dma_start3A_158 : memref<1x128xi32, #tpu.memory_space<vmem>> -> memref<128xi32, #tpu.memory_space<vmem>>
      %dma_start3A_160 = arith.constant 0 : i32
      %dma_start3A_161 = arith.constant 0 : i32
      %dma_start3A_162 = tpu.memref_slice %arg9[%dma_start3A_160, %dma_start3A_161] : memref<10240x64xbf16, #tpu.memory_space<vmem_shared>> -> memref<10240x64xbf16, #tpu.memory_space<vmem_shared>>
      tpu.enqueue_indirect_dma source(%dma_start3A_156 : memref<128x64xbf16, #tpu.memory_space<vmem>>) target(%dma_start3A_162 : memref<10240x64xbf16, #tpu.memory_space<vmem_shared>>) offsets(%dma_start3A_159 : memref<128xi32, #tpu.memory_space<vmem>>) semaphore(%arg19 : memref<!tpu.dma_semaphore, #tpu.memory_space<semaphore_mem>>) {add = true}
      %add3A_163 = arith.constant 2 : i32
      %add3A_164 = arith.addi %mul3A_110, %add3A_163 : i32
      %dma_wait3A_165 = arith.constant 2 : i32
      %dma_wait3A_166 = arith.constant 0 : i32
      %dma_wait3A_167 = arith.constant 0 : i32
      %dma_wait3A_168 = tpu.memref_slice %arg8[%dma_wait3A_165, %dma_wait3A_166, %dma_wait3A_167] : memref<8x128x64xbf16, #tpu.memory_space<vmem>> -> memref<1x128x64xbf16, #tpu.memory_space<vmem>>
      %dma_wait3A_169 = tpu.memref_squeeze %dma_wait3A_168 : memref<1x128x64xbf16, #tpu.memory_space<vmem>> -> memref<128x64xbf16, #tpu.memory_space<vmem>>
      %dma_wait3A_170 = arith.constant 0 : i32
      %dma_wait3A_171 = tpu.memref_slice %arg6[%add3A_164, %dma_wait3A_170] : memref<80x128xi32, #tpu.memory_space<vmem>> -> memref<1x128xi32, #tpu.memory_space<vmem>>
      %dma_wait3A_172 = tpu.memref_squeeze %dma_wait3A_171 : memref<1x128xi32, #tpu.memory_space<vmem>> -> memref<128xi32, #tpu.memory_space<vmem>>
      %dma_wait3A_173 = arith.constant 0 : i32
      %dma_wait3A_174 = arith.constant 0 : i32
      %dma_wait3A_175 = tpu.memref_slice %arg2[%dma_wait3A_173, %dma_wait3A_174] : memref<10240x64xbf16, #tpu.memory_space<hbm>> -> memref<10240x64xbf16, #tpu.memory_space<hbm>>
      tpu.wait_indirect_dma semaphore(%arg12 : memref<!tpu.dma_semaphore, #tpu.memory_space<semaphore_mem>>) src(%dma_wait3A_175 : memref<10240x64xbf16, #tpu.memory_space<hbm>>) dst(%dma_wait3A_169 : memref<128x64xbf16, #tpu.memory_space<vmem>>)
      %add3A_176 = arith.constant 2 : i32
      %add3A_177 = arith.addi %mul3A_110, %add3A_176 : i32
      %dma_start3A_178 = arith.constant 2 : i32
      %dma_start3A_179 = arith.constant 0 : i32
      %dma_start3A_180 = arith.constant 0 : i32
      %dma_start3A_181 = tpu.memref_slice %arg8[%dma_start3A_178, %dma_start3A_179, %dma_start3A_180] : memref<8x128x64xbf16, #tpu.memory_space<vmem>> -> memref<1x128x64xbf16, #tpu.memory_space<vmem>>
      %dma_start3A_182 = tpu.memref_squeeze %dma_start3A_181 : memref<1x128x64xbf16, #tpu.memory_space<vmem>> -> memref<128x64xbf16, #tpu.memory_space<vmem>>
      %dma_start3A_183 = arith.constant 0 : i32
      %dma_start3A_184 = tpu.memref_slice %arg7[%add3A_177, %dma_start3A_183] : memref<80x128xi32, #tpu.memory_space<vmem>> -> memref<1x128xi32, #tpu.memory_space<vmem>>
      %dma_start3A_185 = tpu.memref_squeeze %dma_start3A_184 : memref<1x128xi32, #tpu.memory_space<vmem>> -> memref<128xi32, #tpu.memory_space<vmem>>
      %dma_start3A_186 = arith.constant 0 : i32
      %dma_start3A_187 = arith.constant 0 : i32
      %dma_start3A_188 = tpu.memref_slice %arg9[%dma_start3A_186, %dma_start3A_187] : memref<10240x64xbf16, #tpu.memory_space<vmem_shared>> -> memref<10240x64xbf16, #tpu.memory_space<vmem_shared>>
      tpu.enqueue_indirect_dma source(%dma_start3A_182 : memref<128x64xbf16, #tpu.memory_space<vmem>>) target(%dma_start3A_188 : memref<10240x64xbf16, #tpu.memory_space<vmem_shared>>) offsets(%dma_start3A_185 : memref<128xi32, #tpu.memory_space<vmem>>) semaphore(%arg20 : memref<!tpu.dma_semaphore, #tpu.memory_space<semaphore_mem>>) {add = true}
      %add3A_189 = arith.constant 3 : i32
      %add3A_190 = arith.addi %mul3A_110, %add3A_189 : i32
      %dma_wait3A_191 = arith.constant 3 : i32
      %dma_wait3A_192 = arith.constant 0 : i32
      %dma_wait3A_193 = arith.constant 0 : i32
      %dma_wait3A_194 = tpu.memref_slice %arg8[%dma_wait3A_191, %dma_wait3A_192, %dma_wait3A_193] : memref<8x128x64xbf16, #tpu.memory_space<vmem>> -> memref<1x128x64xbf16, #tpu.memory_space<vmem>>
      %dma_wait3A_195 = tpu.memref_squeeze %dma_wait3A_194 : memref<1x128x64xbf16, #tpu.memory_space<vmem>> -> memref<128x64xbf16, #tpu.memory_space<vmem>>
      %dma_wait3A_196 = arith.constant 0 : i32
      %dma_wait3A_197 = tpu.memref_slice %arg6[%add3A_190, %dma_wait3A_196] : memref<80x128xi32, #tpu.memory_space<vmem>> -> memref<1x128xi32, #tpu.memory_space<vmem>>
      %dma_wait3A_198 = tpu.memref_squeeze %dma_wait3A_197 : memref<1x128xi32, #tpu.memory_space<vmem>> -> memref<128xi32, #tpu.memory_space<vmem>>
      %dma_wait3A_199 = arith.constant 0 : i32
      %dma_wait3A_200 = arith.constant 0 : i32
      %dma_wait3A_201 = tpu.memref_slice %arg2[%dma_wait3A_199, %dma_wait3A_200] : memref<10240x64xbf16, #tpu.memory_space<hbm>> -> memref<10240x64xbf16, #tpu.memory_space<hbm>>
      tpu.wait_indirect_dma semaphore(%arg13 : memref<!tpu.dma_semaphore, #tpu.memory_space<semaphore_mem>>) src(%dma_wait3A_201 : memref<10240x64xbf16, #tpu.memory_space<hbm>>) dst(%dma_wait3A_195 : memref<128x64xbf16, #tpu.memory_space<vmem>>)
      %add3A_202 = arith.constant 3 : i32
      %add3A_203 = arith.addi %mul3A_110, %add3A_202 : i32
      %dma_start3A_204 = arith.constant 3 : i32
      %dma_start3A_205 = arith.constant 0 : i32
      %dma_start3A_206 = arith.constant 0 : i32
      %dma_start3A_207 = tpu.memref_slice %arg8[%dma_start3A_204, %dma_start3A_205, %dma_start3A_206] : memref<8x128x64xbf16, #tpu.memory_space<vmem>> -> memref<1x128x64xbf16, #tpu.memory_space<vmem>>
      %dma_start3A_208 = tpu.memref_squeeze %dma_start3A_207 : memref<1x128x64xbf16, #tpu.memory_space<vmem>> -> memref<128x64xbf16, #tpu.memory_space<vmem>>
      %dma_start3A_209 = arith.constant 0 : i32
      %dma_start3A_210 = tpu.memref_slice %arg7[%add3A_203, %dma_start3A_209] : memref<80x128xi32, #tpu.memory_space<vmem>> -> memref<1x128xi32, #tpu.memory_space<vmem>>
      %dma_start3A_211 = tpu.memref_squeeze %dma_start3A_210 : memref<1x128xi32, #tpu.memory_space<vmem>> -> memref<128xi32, #tpu.memory_space<vmem>>
      %dma_start3A_212 = arith.constant 0 : i32
      %dma_start3A_213 = arith.constant 0 : i32
      %dma_start3A_214 = tpu.memref_slice %arg9[%dma_start3A_212, %dma_start3A_213] : memref<10240x64xbf16, #tpu.memory_space<vmem_shared>> -> memref<10240x64xbf16, #tpu.memory_space<vmem_shared>>
      tpu.enqueue_indirect_dma source(%dma_start3A_208 : memref<128x64xbf16, #tpu.memory_space<vmem>>) target(%dma_start3A_214 : memref<10240x64xbf16, #tpu.memory_space<vmem_shared>>) offsets(%dma_start3A_211 : memref<128xi32, #tpu.memory_space<vmem>>) semaphore(%arg21 : memref<!tpu.dma_semaphore, #tpu.memory_space<semaphore_mem>>) {add = true}
      %add3A_215 = arith.constant 4 : i32
      %add3A_216 = arith.addi %mul3A_110, %add3A_215 : i32
      %add3A_217 = arith.constant 0 : i32
      %add3A_218 = arith.addi %add3A_216, %add3A_217 : i32
      %dma_start3A_219 = arith.constant 4 : i32
      %dma_start3A_220 = arith.constant 0 : i32
      %dma_start3A_221 = arith.constant 0 : i32
      %dma_start3A_222 = tpu.memref_slice %arg8[%dma_start3A_219, %dma_start3A_220, %dma_start3A_221] : memref<8x128x64xbf16, #tpu.memory_space<vmem>> -> memref<1x128x64xbf16, #tpu.memory_space<vmem>>
      %dma_start3A_223 = tpu.memref_squeeze %dma_start3A_222 : memref<1x128x64xbf16, #tpu.memory_space<vmem>> -> memref<128x64xbf16, #tpu.memory_space<vmem>>
      %dma_start3A_224 = arith.constant 0 : i32
      %dma_start3A_225 = tpu.memref_slice %arg6[%add3A_218, %dma_start3A_224] : memref<80x128xi32, #tpu.memory_space<vmem>> -> memref<1x128xi32, #tpu.memory_space<vmem>>
      %dma_start3A_226 = tpu.memref_squeeze %dma_start3A_225 : memref<1x128xi32, #tpu.memory_space<vmem>> -> memref<128xi32, #tpu.memory_space<vmem>>
      %dma_start3A_227 = arith.constant 0 : i32
      %dma_start3A_228 = arith.constant 0 : i32
      %dma_start3A_229 = tpu.memref_slice %arg2[%dma_start3A_227, %dma_start3A_228] : memref<10240x64xbf16, #tpu.memory_space<hbm>> -> memref<10240x64xbf16, #tpu.memory_space<hbm>>
      tpu.enqueue_indirect_dma source(%dma_start3A_229 : memref<10240x64xbf16, #tpu.memory_space<hbm>>) target(%dma_start3A_223 : memref<128x64xbf16, #tpu.memory_space<vmem>>) offsets(%dma_start3A_226 : memref<128xi32, #tpu.memory_space<vmem>>) semaphore(%arg14 : memref<!tpu.dma_semaphore, #tpu.memory_space<semaphore_mem>>)
      %add3A_230 = arith.constant 4 : i32
      %add3A_231 = arith.addi %mul3A_110, %add3A_230 : i32
      %add3A_232 = arith.constant 1 : i32
      %add3A_233 = arith.addi %add3A_231, %add3A_232 : i32
      %dma_start3A_234 = arith.constant 5 : i32
      %dma_start3A_235 = arith.constant 0 : i32
      %dma_start3A_236 = arith.constant 0 : i32
      %dma_start3A_237 = tpu.memref_slice %arg8[%dma_start3A_234, %dma_start3A_235, %dma_start3A_236] : memref<8x128x64xbf16, #tpu.memory_space<vmem>> -> memref<1x128x64xbf16, #tpu.memory_space<vmem>>
      %dma_start3A_238 = tpu.memref_squeeze %dma_start3A_237 : memref<1x128x64xbf16, #tpu.memory_space<vmem>> -> memref<128x64xbf16, #tpu.memory_space<vmem>>
      %dma_start3A_239 = arith.constant 0 : i32
      %dma_start3A_240 = tpu.memref_slice %arg6[%add3A_233, %dma_start3A_239] : memref<80x128xi32, #tpu.memory_space<vmem>> -> memref<1x128xi32, #tpu.memory_space<vmem>>
      %dma_start3A_241 = tpu.memref_squeeze %dma_start3A_240 : memref<1x128xi32, #tpu.memory_space<vmem>> -> memref<128xi32, #tpu.memory_space<vmem>>
      %dma_start3A_242 = arith.constant 0 : i32
      %dma_start3A_243 = arith.constant 0 : i32
      %dma_start3A_244 = tpu.memref_slice %arg2[%dma_start3A_242, %dma_start3A_243] : memref<10240x64xbf16, #tpu.memory_space<hbm>> -> memref<10240x64xbf16, #tpu.memory_space<hbm>>
      tpu.enqueue_indirect_dma source(%dma_start3A_244 : memref<10240x64xbf16, #tpu.memory_space<hbm>>) target(%dma_start3A_238 : memref<128x64xbf16, #tpu.memory_space<vmem>>) offsets(%dma_start3A_241 : memref<128xi32, #tpu.memory_space<vmem>>) semaphore(%arg15 : memref<!tpu.dma_semaphore, #tpu.memory_space<semaphore_mem>>)
      %add3A_245 = arith.constant 4 : i32
      %add3A_246 = arith.addi %mul3A_110, %add3A_245 : i32
      %add3A_247 = arith.constant 2 : i32
      %add3A_248 = arith.addi %add3A_246, %add3A_247 : i32
      %dma_start3A_249 = arith.constant 6 : i32
      %dma_start3A_250 = arith.constant 0 : i32
      %dma_start3A_251 = arith.constant 0 : i32
      %dma_start3A_252 = tpu.memref_slice %arg8[%dma_start3A_249, %dma_start3A_250, %dma_start3A_251] : memref<8x128x64xbf16, #tpu.memory_space<vmem>> -> memref<1x128x64xbf16, #tpu.memory_space<vmem>>
      %dma_start3A_253 = tpu.memref_squeeze %dma_start3A_252 : memref<1x128x64xbf16, #tpu.memory_space<vmem>> -> memref<128x64xbf16, #tpu.memory_space<vmem>>
      %dma_start3A_254 = arith.constant 0 : i32
      %dma_start3A_255 = tpu.memref_slice %arg6[%add3A_248, %dma_start3A_254] : memref<80x128xi32, #tpu.memory_space<vmem>> -> memref<1x128xi32, #tpu.memory_space<vmem>>
      %dma_start3A_256 = tpu.memref_squeeze %dma_start3A_255 : memref<1x128xi32, #tpu.memory_space<vmem>> -> memref<128xi32, #tpu.memory_space<vmem>>
      %dma_start3A_257 = arith.constant 0 : i32
      %dma_start3A_258 = arith.constant 0 : i32
      %dma_start3A_259 = tpu.memref_slice %arg2[%dma_start3A_257, %dma_start3A_258] : memref<10240x64xbf16, #tpu.memory_space<hbm>> -> memref<10240x64xbf16, #tpu.memory_space<hbm>>
      tpu.enqueue_indirect_dma source(%dma_start3A_259 : memref<10240x64xbf16, #tpu.memory_space<hbm>>) target(%dma_start3A_253 : memref<128x64xbf16, #tpu.memory_space<vmem>>) offsets(%dma_start3A_256 : memref<128xi32, #tpu.memory_space<vmem>>) semaphore(%arg16 : memref<!tpu.dma_semaphore, #tpu.memory_space<semaphore_mem>>)
      %add3A_260 = arith.constant 4 : i32
      %add3A_261 = arith.addi %mul3A_110, %add3A_260 : i32
      %add3A_262 = arith.constant 3 : i32
      %add3A_263 = arith.addi %add3A_261, %add3A_262 : i32
      %dma_start3A_264 = arith.constant 7 : i32
      %dma_start3A_265 = arith.constant 0 : i32
      %dma_start3A_266 = arith.constant 0 : i32
      %dma_start3A_267 = tpu.memref_slice %arg8[%dma_start3A_264, %dma_start3A_265, %dma_start3A_266] : memref<8x128x64xbf16, #tpu.memory_space<vmem>> -> memref<1x128x64xbf16, #tpu.memory_space<vmem>>
      %dma_start3A_268 = tpu.memref_squeeze %dma_start3A_267 : memref<1x128x64xbf16, #tpu.memory_space<vmem>> -> memref<128x64xbf16, #tpu.memory_space<vmem>>
      %dma_start3A_269 = arith.constant 0 : i32
      %dma_start3A_270 = tpu.memref_slice %arg6[%add3A_263, %dma_start3A_269] : memref<80x128xi32, #tpu.memory_space<vmem>> -> memref<1x128xi32, #tpu.memory_space<vmem>>
      %dma_start3A_271 = tpu.memref_squeeze %dma_start3A_270 : memref<1x128xi32, #tpu.memory_space<vmem>> -> memref<128xi32, #tpu.memory_space<vmem>>
      %dma_start3A_272 = arith.constant 0 : i32
      %dma_start3A_273 = arith.constant 0 : i32
      %dma_start3A_274 = tpu.memref_slice %arg2[%dma_start3A_272, %dma_start3A_273] : memref<10240x64xbf16, #tpu.memory_space<hbm>> -> memref<10240x64xbf16, #tpu.memory_space<hbm>>
      tpu.enqueue_indirect_dma source(%dma_start3A_274 : memref<10240x64xbf16, #tpu.memory_space<hbm>>) target(%dma_start3A_268 : memref<128x64xbf16, #tpu.memory_space<vmem>>) offsets(%dma_start3A_271 : memref<128xi32, #tpu.memory_space<vmem>>) semaphore(%arg17 : memref<!tpu.dma_semaphore, #tpu.memory_space<semaphore_mem>>)
      %dma_wait3A_275 = arith.constant 0 : i32
      %dma_wait3A_276 = arith.constant 0 : i32
      %dma_wait3A_277 = arith.constant 0 : i32
      %dma_wait3A_278 = tpu.memref_slice %arg8[%dma_wait3A_275, %dma_wait3A_276, %dma_wait3A_277] : memref<8x128x64xbf16, #tpu.memory_space<vmem>> -> memref<1x128x64xbf16, #tpu.memory_space<vmem>>
      %dma_wait3A_279 = tpu.memref_squeeze %dma_wait3A_278 : memref<1x128x64xbf16, #tpu.memory_space<vmem>> -> memref<128x64xbf16, #tpu.memory_space<vmem>>
      %dma_wait3A_280 = arith.constant 0 : i32
      %dma_wait3A_281 = tpu.memref_slice %arg7[%add3A_125, %dma_wait3A_280] : memref<80x128xi32, #tpu.memory_space<vmem>> -> memref<1x128xi32, #tpu.memory_space<vmem>>
      %dma_wait3A_282 = tpu.memref_squeeze %dma_wait3A_281 : memref<1x128xi32, #tpu.memory_space<vmem>> -> memref<128xi32, #tpu.memory_space<vmem>>
      %dma_wait3A_283 = arith.constant 0 : i32
      %dma_wait3A_284 = arith.constant 0 : i32
      %dma_wait3A_285 = tpu.memref_slice %arg9[%dma_wait3A_283, %dma_wait3A_284] : memref<10240x64xbf16, #tpu.memory_space<vmem_shared>> -> memref<10240x64xbf16, #tpu.memory_space<vmem_shared>>
      tpu.wait_indirect_dma semaphore(%arg18 : memref<!tpu.dma_semaphore, #tpu.memory_space<semaphore_mem>>) src(%dma_wait3A_279 : memref<128x64xbf16, #tpu.memory_space<vmem>>) dst(%dma_wait3A_285 : memref<10240x64xbf16, #tpu.memory_space<vmem_shared>>)
      %dma_wait3A_286 = arith.constant 1 : i32
      %dma_wait3A_287 = arith.constant 0 : i32
      %dma_wait3A_288 = arith.constant 0 : i32
      %dma_wait3A_289 = tpu.memref_slice %arg8[%dma_wait3A_286, %dma_wait3A_287, %dma_wait3A_288] : memref<8x128x64xbf16, #tpu.memory_space<vmem>> -> memref<1x128x64xbf16, #tpu.memory_space<vmem>>
      %dma_wait3A_290 = tpu.memref_squeeze %dma_wait3A_289 : memref<1x128x64xbf16, #tpu.memory_space<vmem>> -> memref<128x64xbf16, #tpu.memory_space<vmem>>
      %dma_wait3A_291 = arith.constant 0 : i32
      %dma_wait3A_292 = tpu.memref_slice %arg7[%add3A_151, %dma_wait3A_291] : memref<80x128xi32, #tpu.memory_space<vmem>> -> memref<1x128xi32, #tpu.memory_space<vmem>>
      %dma_wait3A_293 = tpu.memref_squeeze %dma_wait3A_292 : memref<1x128xi32, #tpu.memory_space<vmem>> -> memref<128xi32, #tpu.memory_space<vmem>>
      %dma_wait3A_294 = arith.constant 0 : i32
      %dma_wait3A_295 = arith.constant 0 : i32
      %dma_wait3A_296 = tpu.memref_slice %arg9[%dma_wait3A_294, %dma_wait3A_295] : memref<10240x64xbf16, #tpu.memory_space<vmem_shared>> -> memref<10240x64xbf16, #tpu.memory_space<vmem_shared>>
      tpu.wait_indirect_dma semaphore(%arg19 : memref<!tpu.dma_semaphore, #tpu.memory_space<semaphore_mem>>) src(%dma_wait3A_290 : memref<128x64xbf16, #tpu.memory_space<vmem>>) dst(%dma_wait3A_296 : memref<10240x64xbf16, #tpu.memory_space<vmem_shared>>)
      %dma_wait3A_297 = arith.constant 2 : i32
      %dma_wait3A_298 = arith.constant 0 : i32
      %dma_wait3A_299 = arith.constant 0 : i32
      %dma_wait3A_300 = tpu.memref_slice %arg8[%dma_wait3A_297, %dma_wait3A_298, %dma_wait3A_299] : memref<8x128x64xbf16, #tpu.memory_space<vmem>> -> memref<1x128x64xbf16, #tpu.memory_space<vmem>>
      %dma_wait3A_301 = tpu.memref_squeeze %dma_wait3A_300 : memref<1x128x64xbf16, #tpu.memory_space<vmem>> -> memref<128x64xbf16, #tpu.memory_space<vmem>>
      %dma_wait3A_302 = arith.constant 0 : i32
      %dma_wait3A_303 = tpu.memref_slice %arg7[%add3A_177, %dma_wait3A_302] : memref<80x128xi32, #tpu.memory_space<vmem>> -> memref<1x128xi32, #tpu.memory_space<vmem>>
      %dma_wait3A_304 = tpu.memref_squeeze %dma_wait3A_303 : memref<1x128xi32, #tpu.memory_space<vmem>> -> memref<128xi32, #tpu.memory_space<vmem>>
      %dma_wait3A_305 = arith.constant 0 : i32
      %dma_wait3A_306 = arith.constant 0 : i32
      %dma_wait3A_307 = tpu.memref_slice %arg9[%dma_wait3A_305, %dma_wait3A_306] : memref<10240x64xbf16, #tpu.memory_space<vmem_shared>> -> memref<10240x64xbf16, #tpu.memory_space<vmem_shared>>
      tpu.wait_indirect_dma semaphore(%arg20 : memref<!tpu.dma_semaphore, #tpu.memory_space<semaphore_mem>>) src(%dma_wait3A_301 : memref<128x64xbf16, #tpu.memory_space<vmem>>) dst(%dma_wait3A_307 : memref<10240x64xbf16, #tpu.memory_space<vmem_shared>>)
      %dma_wait3A_308 = arith.constant 3 : i32
      %dma_wait3A_309 = arith.constant 0 : i32
      %dma_wait3A_310 = arith.constant 0 : i32
      %dma_wait3A_311 = tpu.memref_slice %arg8[%dma_wait3A_308, %dma_wait3A_309, %dma_wait3A_310] : memref<8x128x64xbf16, #tpu.memory_space<vmem>> -> memref<1x128x64xbf16, #tpu.memory_space<vmem>>
      %dma_wait3A_312 = tpu.memref_squeeze %dma_wait3A_311 : memref<1x128x64xbf16, #tpu.memory_space<vmem>> -> memref<128x64xbf16, #tpu.memory_space<vmem>>
      %dma_wait3A_313 = arith.constant 0 : i32
      %dma_wait3A_314 = tpu.memref_slice %arg7[%add3A_203, %dma_wait3A_313] : memref<80x128xi32, #tpu.memory_space<vmem>> -> memref<1x128xi32, #tpu.memory_space<vmem>>
      %dma_wait3A_315 = tpu.memref_squeeze %dma_wait3A_314 : memref<1x128xi32, #tpu.memory_space<vmem>> -> memref<128xi32, #tpu.memory_space<vmem>>
      %dma_wait3A_316 = arith.constant 0 : i32
      %dma_wait3A_317 = arith.constant 0 : i32
      %dma_wait3A_318 = tpu.memref_slice %arg9[%dma_wait3A_316, %dma_wait3A_317] : memref<10240x64xbf16, #tpu.memory_space<vmem_shared>> -> memref<10240x64xbf16, #tpu.memory_space<vmem_shared>>
      tpu.wait_indirect_dma semaphore(%arg21 : memref<!tpu.dma_semaphore, #tpu.memory_space<semaphore_mem>>) src(%dma_wait3A_312 : memref<128x64xbf16, #tpu.memory_space<vmem>>) dst(%dma_wait3A_318 : memref<10240x64xbf16, #tpu.memory_space<vmem_shared>>)
      %dma_wait3A_319 = arith.constant 4 : i32
      %dma_wait3A_320 = arith.constant 0 : i32
      %dma_wait3A_321 = arith.constant 0 : i32
      %dma_wait3A_322 = tpu.memref_slice %arg8[%dma_wait3A_319, %dma_wait3A_320, %dma_wait3A_321] : memref<8x128x64xbf16, #tpu.memory_space<vmem>> -> memref<1x128x64xbf16, #tpu.memory_space<vmem>>
      %dma_wait3A_323 = tpu.memref_squeeze %dma_wait3A_322 : memref<1x128x64xbf16, #tpu.memory_space<vmem>> -> memref<128x64xbf16, #tpu.memory_space<vmem>>
      %dma_wait3A_324 = arith.constant 0 : i32
      %dma_wait3A_325 = tpu.memref_slice %arg6[%add3A_218, %dma_wait3A_324] : memref<80x128xi32, #tpu.memory_space<vmem>> -> memref<1x128xi32, #tpu.memory_space<vmem>>
      %dma_wait3A_326 = tpu.memref_squeeze %dma_wait3A_325 : memref<1x128xi32, #tpu.memory_space<vmem>> -> memref<128xi32, #tpu.memory_space<vmem>>
      %dma_wait3A_327 = arith.constant 0 : i32
      %dma_wait3A_328 = arith.constant 0 : i32
      %dma_wait3A_329 = tpu.memref_slice %arg2[%dma_wait3A_327, %dma_wait3A_328] : memref<10240x64xbf16, #tpu.memory_space<hbm>> -> memref<10240x64xbf16, #tpu.memory_space<hbm>>
      tpu.wait_indirect_dma semaphore(%arg14 : memref<!tpu.dma_semaphore, #tpu.memory_space<semaphore_mem>>) src(%dma_wait3A_329 : memref<10240x64xbf16, #tpu.memory_space<hbm>>) dst(%dma_wait3A_323 : memref<128x64xbf16, #tpu.memory_space<vmem>>)
      %add3A_330 = arith.constant 4 : i32
      %add3A_331 = arith.addi %mul3A_110, %add3A_330 : i32
      %add3A_332 = arith.constant 0 : i32
      %add3A_333 = arith.addi %add3A_331, %add3A_332 : i32
      %dma_start3A_334 = arith.constant 4 : i32
      %dma_start3A_335 = arith.constant 0 : i32
      %dma_start3A_336 = arith.constant 0 : i32
      %dma_start3A_337 = tpu.memref_slice %arg8[%dma_start3A_334, %dma_start3A_335, %dma_start3A_336] : memref<8x128x64xbf16, #tpu.memory_space<vmem>> -> memref<1x128x64xbf16, #tpu.memory_space<vmem>>
      %dma_start3A_338 = tpu.memref_squeeze %dma_start3A_337 : memref<1x128x64xbf16, #tpu.memory_space<vmem>> -> memref<128x64xbf16, #tpu.memory_space<vmem>>
      %dma_start3A_339 = arith.constant 0 : i32
      %dma_start3A_340 = tpu.memref_slice %arg7[%add3A_333, %dma_start3A_339] : memref<80x128xi32, #tpu.memory_space<vmem>> -> memref<1x128xi32, #tpu.memory_space<vmem>>
      %dma_start3A_341 = tpu.memref_squeeze %dma_start3A_340 : memref<1x128xi32, #tpu.memory_space<vmem>> -> memref<128xi32, #tpu.memory_space<vmem>>
      %dma_start3A_342 = arith.constant 0 : i32
      %dma_start3A_343 = arith.constant 0 : i32
      %dma_start3A_344 = tpu.memref_slice %arg9[%dma_start3A_342, %dma_start3A_343] : memref<10240x64xbf16, #tpu.memory_space<vmem_shared>> -> memref<10240x64xbf16, #tpu.memory_space<vmem_shared>>
      tpu.enqueue_indirect_dma source(%dma_start3A_338 : memref<128x64xbf16, #tpu.memory_space<vmem>>) target(%dma_start3A_344 : memref<10240x64xbf16, #tpu.memory_space<vmem_shared>>) offsets(%dma_start3A_341 : memref<128xi32, #tpu.memory_space<vmem>>) semaphore(%arg22 : memref<!tpu.dma_semaphore, #tpu.memory_space<semaphore_mem>>) {add = true}
      %dma_wait3A_345 = arith.constant 5 : i32
      %dma_wait3A_346 = arith.constant 0 : i32
      %dma_wait3A_347 = arith.constant 0 : i32
      %dma_wait3A_348 = tpu.memref_slice %arg8[%dma_wait3A_345, %dma_wait3A_346, %dma_wait3A_347] : memref<8x128x64xbf16, #tpu.memory_space<vmem>> -> memref<1x128x64xbf16, #tpu.memory_space<vmem>>
      %dma_wait3A_349 = tpu.memref_squeeze %dma_wait3A_348 : memref<1x128x64xbf16, #tpu.memory_space<vmem>> -> memref<128x64xbf16, #tpu.memory_space<vmem>>
      %dma_wait3A_350 = arith.constant 0 : i32
      %dma_wait3A_351 = tpu.memref_slice %arg6[%add3A_233, %dma_wait3A_350] : memref<80x128xi32, #tpu.memory_space<vmem>> -> memref<1x128xi32, #tpu.memory_space<vmem>>
      %dma_wait3A_352 = tpu.memref_squeeze %dma_wait3A_351 : memref<1x128xi32, #tpu.memory_space<vmem>> -> memref<128xi32, #tpu.memory_space<vmem>>
      %dma_wait3A_353 = arith.constant 0 : i32
      %dma_wait3A_354 = arith.constant 0 : i32
      %dma_wait3A_355 = tpu.memref_slice %arg2[%dma_wait3A_353, %dma_wait3A_354] : memref<10240x64xbf16, #tpu.memory_space<hbm>> -> memref<10240x64xbf16, #tpu.memory_space<hbm>>
      tpu.wait_indirect_dma semaphore(%arg15 : memref<!tpu.dma_semaphore, #tpu.memory_space<semaphore_mem>>) src(%dma_wait3A_355 : memref<10240x64xbf16, #tpu.memory_space<hbm>>) dst(%dma_wait3A_349 : memref<128x64xbf16, #tpu.memory_space<vmem>>)
      %add3A_356 = arith.constant 4 : i32
      %add3A_357 = arith.addi %mul3A_110, %add3A_356 : i32
      %add3A_358 = arith.constant 1 : i32
      %add3A_359 = arith.addi %add3A_357, %add3A_358 : i32
      %dma_start3A_360 = arith.constant 5 : i32
      %dma_start3A_361 = arith.constant 0 : i32
      %dma_start3A_362 = arith.constant 0 : i32
      %dma_start3A_363 = tpu.memref_slice %arg8[%dma_start3A_360, %dma_start3A_361, %dma_start3A_362] : memref<8x128x64xbf16, #tpu.memory_space<vmem>> -> memref<1x128x64xbf16, #tpu.memory_space<vmem>>
      %dma_start3A_364 = tpu.memref_squeeze %dma_start3A_363 : memref<1x128x64xbf16, #tpu.memory_space<vmem>> -> memref<128x64xbf16, #tpu.memory_space<vmem>>
      %dma_start3A_365 = arith.constant 0 : i32
      %dma_start3A_366 = tpu.memref_slice %arg7[%add3A_359, %dma_start3A_365] : memref<80x128xi32, #tpu.memory_space<vmem>> -> memref<1x128xi32, #tpu.memory_space<vmem>>
      %dma_start3A_367 = tpu.memref_squeeze %dma_start3A_366 : memref<1x128xi32, #tpu.memory_space<vmem>> -> memref<128xi32, #tpu.memory_space<vmem>>
      %dma_start3A_368 = arith.constant 0 : i32
      %dma_start3A_369 = arith.constant 0 : i32
      %dma_start3A_370 = tpu.memref_slice %arg9[%dma_start3A_368, %dma_start3A_369] : memref<10240x64xbf16, #tpu.memory_space<vmem_shared>> -> memref<10240x64xbf16, #tpu.memory_space<vmem_shared>>
      tpu.enqueue_indirect_dma source(%dma_start3A_364 : memref<128x64xbf16, #tpu.memory_space<vmem>>) target(%dma_start3A_370 : memref<10240x64xbf16, #tpu.memory_space<vmem_shared>>) offsets(%dma_start3A_367 : memref<128xi32, #tpu.memory_space<vmem>>) semaphore(%arg23 : memref<!tpu.dma_semaphore, #tpu.memory_space<semaphore_mem>>) {add = true}
      %dma_wait3A_371 = arith.constant 6 : i32
      %dma_wait3A_372 = arith.constant 0 : i32
      %dma_wait3A_373 = arith.constant 0 : i32
      %dma_wait3A_374 = tpu.memref_slice %arg8[%dma_wait3A_371, %dma_wait3A_372, %dma_wait3A_373] : memref<8x128x64xbf16, #tpu.memory_space<vmem>> -> memref<1x128x64xbf16, #tpu.memory_space<vmem>>
      %dma_wait3A_375 = tpu.memref_squeeze %dma_wait3A_374 : memref<1x128x64xbf16, #tpu.memory_space<vmem>> -> memref<128x64xbf16, #tpu.memory_space<vmem>>
      %dma_wait3A_376 = arith.constant 0 : i32
      %dma_wait3A_377 = tpu.memref_slice %arg6[%add3A_248, %dma_wait3A_376] : memref<80x128xi32, #tpu.memory_space<vmem>> -> memref<1x128xi32, #tpu.memory_space<vmem>>
      %dma_wait3A_378 = tpu.memref_squeeze %dma_wait3A_377 : memref<1x128xi32, #tpu.memory_space<vmem>> -> memref<128xi32, #tpu.memory_space<vmem>>
      %dma_wait3A_379 = arith.constant 0 : i32
      %dma_wait3A_380 = arith.constant 0 : i32
      %dma_wait3A_381 = tpu.memref_slice %arg2[%dma_wait3A_379, %dma_wait3A_380] : memref<10240x64xbf16, #tpu.memory_space<hbm>> -> memref<10240x64xbf16, #tpu.memory_space<hbm>>
      tpu.wait_indirect_dma semaphore(%arg16 : memref<!tpu.dma_semaphore, #tpu.memory_space<semaphore_mem>>) src(%dma_wait3A_381 : memref<10240x64xbf16, #tpu.memory_space<hbm>>) dst(%dma_wait3A_375 : memref<128x64xbf16, #tpu.memory_space<vmem>>)
      %add3A_382 = arith.constant 4 : i32
      %add3A_383 = arith.addi %mul3A_110, %add3A_382 : i32
      %add3A_384 = arith.constant 2 : i32
      %add3A_385 = arith.addi %add3A_383, %add3A_384 : i32
      %dma_start3A_386 = arith.constant 6 : i32
      %dma_start3A_387 = arith.constant 0 : i32
      %dma_start3A_388 = arith.constant 0 : i32
      %dma_start3A_389 = tpu.memref_slice %arg8[%dma_start3A_386, %dma_start3A_387, %dma_start3A_388] : memref<8x128x64xbf16, #tpu.memory_space<vmem>> -> memref<1x128x64xbf16, #tpu.memory_space<vmem>>
      %dma_start3A_390 = tpu.memref_squeeze %dma_start3A_389 : memref<1x128x64xbf16, #tpu.memory_space<vmem>> -> memref<128x64xbf16, #tpu.memory_space<vmem>>
      %dma_start3A_391 = arith.constant 0 : i32
      %dma_start3A_392 = tpu.memref_slice %arg7[%add3A_385, %dma_start3A_391] : memref<80x128xi32, #tpu.memory_space<vmem>> -> memref<1x128xi32, #tpu.memory_space<vmem>>
      %dma_start3A_393 = tpu.memref_squeeze %dma_start3A_392 : memref<1x128xi32, #tpu.memory_space<vmem>> -> memref<128xi32, #tpu.memory_space<vmem>>
      %dma_start3A_394 = arith.constant 0 : i32
      %dma_start3A_395 = arith.constant 0 : i32
      %dma_start3A_396 = tpu.memref_slice %arg9[%dma_start3A_394, %dma_start3A_395] : memref<10240x64xbf16, #tpu.memory_space<vmem_shared>> -> memref<10240x64xbf16, #tpu.memory_space<vmem_shared>>
      tpu.enqueue_indirect_dma source(%dma_start3A_390 : memref<128x64xbf16, #tpu.memory_space<vmem>>) target(%dma_start3A_396 : memref<10240x64xbf16, #tpu.memory_space<vmem_shared>>) offsets(%dma_start3A_393 : memref<128xi32, #tpu.memory_space<vmem>>) semaphore(%arg24 : memref<!tpu.dma_semaphore, #tpu.memory_space<semaphore_mem>>) {add = true}
      %dma_wait3A_397 = arith.constant 7 : i32
      %dma_wait3A_398 = arith.constant 0 : i32
      %dma_wait3A_399 = arith.constant 0 : i32
      %dma_wait3A_400 = tpu.memref_slice %arg8[%dma_wait3A_397, %dma_wait3A_398, %dma_wait3A_399] : memref<8x128x64xbf16, #tpu.memory_space<vmem>> -> memref<1x128x64xbf16, #tpu.memory_space<vmem>>
      %dma_wait3A_401 = tpu.memref_squeeze %dma_wait3A_400 : memref<1x128x64xbf16, #tpu.memory_space<vmem>> -> memref<128x64xbf16, #tpu.memory_space<vmem>>
      %dma_wait3A_402 = arith.constant 0 : i32
      %dma_wait3A_403 = tpu.memref_slice %arg6[%add3A_263, %dma_wait3A_402] : memref<80x128xi32, #tpu.memory_space<vmem>> -> memref<1x128xi32, #tpu.memory_space<vmem>>
      %dma_wait3A_404 = tpu.memref_squeeze %dma_wait3A_403 : memref<1x128xi32, #tpu.memory_space<vmem>> -> memref<128xi32, #tpu.memory_space<vmem>>
      %dma_wait3A_405 = arith.constant 0 : i32
      %dma_wait3A_406 = arith.constant 0 : i32
      %dma_wait3A_407 = tpu.memref_slice %arg2[%dma_wait3A_405, %dma_wait3A_406] : memref<10240x64xbf16, #tpu.memory_space<hbm>> -> memref<10240x64xbf16, #tpu.memory_space<hbm>>
      tpu.wait_indirect_dma semaphore(%arg17 : memref<!tpu.dma_semaphore, #tpu.memory_space<semaphore_mem>>) src(%dma_wait3A_407 : memref<10240x64xbf16, #tpu.memory_space<hbm>>) dst(%dma_wait3A_401 : memref<128x64xbf16, #tpu.memory_space<vmem>>)
      %add3A_408 = arith.constant 4 : i32
      %add3A_409 = arith.addi %mul3A_110, %add3A_408 : i32
      %add3A_410 = arith.constant 3 : i32
      %add3A_411 = arith.addi %add3A_409, %add3A_410 : i32
      %dma_start3A_412 = arith.constant 7 : i32
      %dma_start3A_413 = arith.constant 0 : i32
      %dma_start3A_414 = arith.constant 0 : i32
      %dma_start3A_415 = tpu.memref_slice %arg8[%dma_start3A_412, %dma_start3A_413, %dma_start3A_414] : memref<8x128x64xbf16, #tpu.memory_space<vmem>> -> memref<1x128x64xbf16, #tpu.memory_space<vmem>>
      %dma_start3A_416 = tpu.memref_squeeze %dma_start3A_415 : memref<1x128x64xbf16, #tpu.memory_space<vmem>> -> memref<128x64xbf16, #tpu.memory_space<vmem>>
      %dma_start3A_417 = arith.constant 0 : i32
      %dma_start3A_418 = tpu.memref_slice %arg7[%add3A_411, %dma_start3A_417] : memref<80x128xi32, #tpu.memory_space<vmem>> -> memref<1x128xi32, #tpu.memory_space<vmem>>
      %dma_start3A_419 = tpu.memref_squeeze %dma_start3A_418 : memref<1x128xi32, #tpu.memory_space<vmem>> -> memref<128xi32, #tpu.memory_space<vmem>>
      %dma_start3A_420 = arith.constant 0 : i32
      %dma_start3A_421 = arith.constant 0 : i32
      %dma_start3A_422 = tpu.memref_slice %arg9[%dma_start3A_420, %dma_start3A_421] : memref<10240x64xbf16, #tpu.memory_space<vmem_shared>> -> memref<10240x64xbf16, #tpu.memory_space<vmem_shared>>
      tpu.enqueue_indirect_dma source(%dma_start3A_416 : memref<128x64xbf16, #tpu.memory_space<vmem>>) target(%dma_start3A_422 : memref<10240x64xbf16, #tpu.memory_space<vmem_shared>>) offsets(%dma_start3A_419 : memref<128xi32, #tpu.memory_space<vmem>>) semaphore(%arg25 : memref<!tpu.dma_semaphore, #tpu.memory_space<semaphore_mem>>) {add = true}
      %add3A_423 = arith.constant 8 : i32
      %add3A_424 = arith.addi %mul3A_110, %add3A_423 : i32
      %add3A_425 = arith.constant 0 : i32
      %add3A_426 = arith.addi %add3A_424, %add3A_425 : i32
      %min3A = arith.constant 79 : i32
      %min3A_427 = arith.minsi %add3A_426, %min3A : i32
      %dma_start3A_428 = arith.constant 0 : i32
      %dma_start3A_429 = arith.constant 0 : i32
      %dma_start3A_430 = arith.constant 0 : i32
      %dma_start3A_431 = tpu.memref_slice %arg8[%dma_start3A_428, %dma_start3A_429, %dma_start3A_430] : memref<8x128x64xbf16, #tpu.memory_space<vmem>> -> memref<1x128x64xbf16, #tpu.memory_space<vmem>>
      %dma_start3A_432 = tpu.memref_squeeze %dma_start3A_431 : memref<1x128x64xbf16, #tpu.memory_space<vmem>> -> memref<128x64xbf16, #tpu.memory_space<vmem>>
      %dma_start3A_433 = arith.constant 0 : i32
      %dma_start3A_434 = tpu.memref_slice %arg6[%min3A_427, %dma_start3A_433] : memref<80x128xi32, #tpu.memory_space<vmem>> -> memref<1x128xi32, #tpu.memory_space<vmem>>
      %dma_start3A_435 = tpu.memref_squeeze %dma_start3A_434 : memref<1x128xi32, #tpu.memory_space<vmem>> -> memref<128xi32, #tpu.memory_space<vmem>>
      %dma_start3A_436 = arith.constant 0 : i32
      %dma_start3A_437 = arith.constant 0 : i32
      %dma_start3A_438 = tpu.memref_slice %arg2[%dma_start3A_436, %dma_start3A_437] : memref<10240x64xbf16, #tpu.memory_space<hbm>> -> memref<10240x64xbf16, #tpu.memory_space<hbm>>
      tpu.enqueue_indirect_dma source(%dma_start3A_438 : memref<10240x64xbf16, #tpu.memory_space<hbm>>) target(%dma_start3A_432 : memref<128x64xbf16, #tpu.memory_space<vmem>>) offsets(%dma_start3A_435 : memref<128xi32, #tpu.memory_space<vmem>>) semaphore(%arg10 : memref<!tpu.dma_semaphore, #tpu.memory_space<semaphore_mem>>)
      %add3A_439 = arith.constant 8 : i32
      %add3A_440 = arith.addi %mul3A_110, %add3A_439 : i32
      %add3A_441 = arith.constant 1 : i32
      %add3A_442 = arith.addi %add3A_440, %add3A_441 : i32
      %min3A_443 = arith.constant 79 : i32
      %min3A_444 = arith.minsi %add3A_442, %min3A_443 : i32
      %dma_start3A_445 = arith.constant 1 : i32
      %dma_start3A_446 = arith.constant 0 : i32
      %dma_start3A_447 = arith.constant 0 : i32
      %dma_start3A_448 = tpu.memref_slice %arg8[%dma_start3A_445, %dma_start3A_446, %dma_start3A_447] : memref<8x128x64xbf16, #tpu.memory_space<vmem>> -> memref<1x128x64xbf16, #tpu.memory_space<vmem>>
      %dma_start3A_449 = tpu.memref_squeeze %dma_start3A_448 : memref<1x128x64xbf16, #tpu.memory_space<vmem>> -> memref<128x64xbf16, #tpu.memory_space<vmem>>
      %dma_start3A_450 = arith.constant 0 : i32
      %dma_start3A_451 = tpu.memref_slice %arg6[%min3A_444, %dma_start3A_450] : memref<80x128xi32, #tpu.memory_space<vmem>> -> memref<1x128xi32, #tpu.memory_space<vmem>>
      %dma_start3A_452 = tpu.memref_squeeze %dma_start3A_451 : memref<1x128xi32, #tpu.memory_space<vmem>> -> memref<128xi32, #tpu.memory_space<vmem>>
      %dma_start3A_453 = arith.constant 0 : i32
      %dma_start3A_454 = arith.constant 0 : i32
      %dma_start3A_455 = tpu.memref_slice %arg2[%dma_start3A_453, %dma_start3A_454] : memref<10240x64xbf16, #tpu.memory_space<hbm>> -> memref<10240x64xbf16, #tpu.memory_space<hbm>>
      tpu.enqueue_indirect_dma source(%dma_start3A_455 : memref<10240x64xbf16, #tpu.memory_space<hbm>>) target(%dma_start3A_449 : memref<128x64xbf16, #tpu.memory_space<vmem>>) offsets(%dma_start3A_452 : memref<128xi32, #tpu.memory_space<vmem>>) semaphore(%arg11 : memref<!tpu.dma_semaphore, #tpu.memory_space<semaphore_mem>>)
      %add3A_456 = arith.constant 8 : i32
      %add3A_457 = arith.addi %mul3A_110, %add3A_456 : i32
      %add3A_458 = arith.constant 2 : i32
      %add3A_459 = arith.addi %add3A_457, %add3A_458 : i32
      %min3A_460 = arith.constant 79 : i32
      %min3A_461 = arith.minsi %add3A_459, %min3A_460 : i32
      %dma_start3A_462 = arith.constant 2 : i32
      %dma_start3A_463 = arith.constant 0 : i32
      %dma_start3A_464 = arith.constant 0 : i32
      %dma_start3A_465 = tpu.memref_slice %arg8[%dma_start3A_462, %dma_start3A_463, %dma_start3A_464] : memref<8x128x64xbf16, #tpu.memory_space<vmem>> -> memref<1x128x64xbf16, #tpu.memory_space<vmem>>
      %dma_start3A_466 = tpu.memref_squeeze %dma_start3A_465 : memref<1x128x64xbf16, #tpu.memory_space<vmem>> -> memref<128x64xbf16, #tpu.memory_space<vmem>>
      %dma_start3A_467 = arith.constant 0 : i32
      %dma_start3A_468 = tpu.memref_slice %arg6[%min3A_461, %dma_start3A_467] : memref<80x128xi32, #tpu.memory_space<vmem>> -> memref<1x128xi32, #tpu.memory_space<vmem>>
      %dma_start3A_469 = tpu.memref_squeeze %dma_start3A_468 : memref<1x128xi32, #tpu.memory_space<vmem>> -> memref<128xi32, #tpu.memory_space<vmem>>
      %dma_start3A_470 = arith.constant 0 : i32
      %dma_start3A_471 = arith.constant 0 : i32
      %dma_start3A_472 = tpu.memref_slice %arg2[%dma_start3A_470, %dma_start3A_471] : memref<10240x64xbf16, #tpu.memory_space<hbm>> -> memref<10240x64xbf16, #tpu.memory_space<hbm>>
      tpu.enqueue_indirect_dma source(%dma_start3A_472 : memref<10240x64xbf16, #tpu.memory_space<hbm>>) target(%dma_start3A_466 : memref<128x64xbf16, #tpu.memory_space<vmem>>) offsets(%dma_start3A_469 : memref<128xi32, #tpu.memory_space<vmem>>) semaphore(%arg12 : memref<!tpu.dma_semaphore, #tpu.memory_space<semaphore_mem>>)
      %add3A_473 = arith.constant 8 : i32
      %add3A_474 = arith.addi %mul3A_110, %add3A_473 : i32
      %add3A_475 = arith.constant 3 : i32
      %add3A_476 = arith.addi %add3A_474, %add3A_475 : i32
      %min3A_477 = arith.constant 79 : i32
      %min3A_478 = arith.minsi %add3A_476, %min3A_477 : i32
      %dma_start3A_479 = arith.constant 3 : i32
      %dma_start3A_480 = arith.constant 0 : i32
      %dma_start3A_481 = arith.constant 0 : i32
      %dma_start3A_482 = tpu.memref_slice %arg8[%dma_start3A_479, %dma_start3A_480, %dma_start3A_481] : memref<8x128x64xbf16, #tpu.memory_space<vmem>> -> memref<1x128x64xbf16, #tpu.memory_space<vmem>>
      %dma_start3A_483 = tpu.memref_squeeze %dma_start3A_482 : memref<1x128x64xbf16, #tpu.memory_space<vmem>> -> memref<128x64xbf16, #tpu.memory_space<vmem>>
      %dma_start3A_484 = arith.constant 0 : i32
      %dma_start3A_485 = tpu.memref_slice %arg6[%min3A_478, %dma_start3A_484] : memref<80x128xi32, #tpu.memory_space<vmem>> -> memref<1x128xi32, #tpu.memory_space<vmem>>
      %dma_start3A_486 = tpu.memref_squeeze %dma_start3A_485 : memref<1x128xi32, #tpu.memory_space<vmem>> -> memref<128xi32, #tpu.memory_space<vmem>>
      %dma_start3A_487 = arith.constant 0 : i32
      %dma_start3A_488 = arith.constant 0 : i32
      %dma_start3A_489 = tpu.memref_slice %arg2[%dma_start3A_487, %dma_start3A_488] : memref<10240x64xbf16, #tpu.memory_space<hbm>> -> memref<10240x64xbf16, #tpu.memory_space<hbm>>
      tpu.enqueue_indirect_dma source(%dma_start3A_489 : memref<10240x64xbf16, #tpu.memory_space<hbm>>) target(%dma_start3A_483 : memref<128x64xbf16, #tpu.memory_space<vmem>>) offsets(%dma_start3A_486 : memref<128xi32, #tpu.memory_space<vmem>>) semaphore(%arg13 : memref<!tpu.dma_semaphore, #tpu.memory_space<semaphore_mem>>)
      %dma_wait3A_490 = arith.constant 4 : i32
      %dma_wait3A_491 = arith.constant 0 : i32
      %dma_wait3A_492 = arith.constant 0 : i32
      %dma_wait3A_493 = tpu.memref_slice %arg8[%dma_wait3A_490, %dma_wait3A_491, %dma_wait3A_492] : memref<8x128x64xbf16, #tpu.memory_space<vmem>> -> memref<1x128x64xbf16, #tpu.memory_space<vmem>>
      %dma_wait3A_494 = tpu.memref_squeeze %dma_wait3A_493 : memref<1x128x64xbf16, #tpu.memory_space<vmem>> -> memref<128x64xbf16, #tpu.memory_space<vmem>>
      %dma_wait3A_495 = arith.constant 0 : i32
      %dma_wait3A_496 = tpu.memref_slice %arg7[%add3A_333, %dma_wait3A_495] : memref<80x128xi32, #tpu.memory_space<vmem>> -> memref<1x128xi32, #tpu.memory_space<vmem>>
      %dma_wait3A_497 = tpu.memref_squeeze %dma_wait3A_496 : memref<1x128xi32, #tpu.memory_space<vmem>> -> memref<128xi32, #tpu.memory_space<vmem>>
      %dma_wait3A_498 = arith.constant 0 : i32
      %dma_wait3A_499 = arith.constant 0 : i32
      %dma_wait3A_500 = tpu.memref_slice %arg9[%dma_wait3A_498, %dma_wait3A_499] : memref<10240x64xbf16, #tpu.memory_space<vmem_shared>> -> memref<10240x64xbf16, #tpu.memory_space<vmem_shared>>
      tpu.wait_indirect_dma semaphore(%arg22 : memref<!tpu.dma_semaphore, #tpu.memory_space<semaphore_mem>>) src(%dma_wait3A_494 : memref<128x64xbf16, #tpu.memory_space<vmem>>) dst(%dma_wait3A_500 : memref<10240x64xbf16, #tpu.memory_space<vmem_shared>>)
      %dma_wait3A_501 = arith.constant 5 : i32
      %dma_wait3A_502 = arith.constant 0 : i32
      %dma_wait3A_503 = arith.constant 0 : i32
      %dma_wait3A_504 = tpu.memref_slice %arg8[%dma_wait3A_501, %dma_wait3A_502, %dma_wait3A_503] : memref<8x128x64xbf16, #tpu.memory_space<vmem>> -> memref<1x128x64xbf16, #tpu.memory_space<vmem>>
      %dma_wait3A_505 = tpu.memref_squeeze %dma_wait3A_504 : memref<1x128x64xbf16, #tpu.memory_space<vmem>> -> memref<128x64xbf16, #tpu.memory_space<vmem>>
      %dma_wait3A_506 = arith.constant 0 : i32
      %dma_wait3A_507 = tpu.memref_slice %arg7[%add3A_359, %dma_wait3A_506] : memref<80x128xi32, #tpu.memory_space<vmem>> -> memref<1x128xi32, #tpu.memory_space<vmem>>
      %dma_wait3A_508 = tpu.memref_squeeze %dma_wait3A_507 : memref<1x128xi32, #tpu.memory_space<vmem>> -> memref<128xi32, #tpu.memory_space<vmem>>
      %dma_wait3A_509 = arith.constant 0 : i32
      %dma_wait3A_510 = arith.constant 0 : i32
      %dma_wait3A_511 = tpu.memref_slice %arg9[%dma_wait3A_509, %dma_wait3A_510] : memref<10240x64xbf16, #tpu.memory_space<vmem_shared>> -> memref<10240x64xbf16, #tpu.memory_space<vmem_shared>>
      tpu.wait_indirect_dma semaphore(%arg23 : memref<!tpu.dma_semaphore, #tpu.memory_space<semaphore_mem>>) src(%dma_wait3A_505 : memref<128x64xbf16, #tpu.memory_space<vmem>>) dst(%dma_wait3A_511 : memref<10240x64xbf16, #tpu.memory_space<vmem_shared>>)
      %dma_wait3A_512 = arith.constant 6 : i32
      %dma_wait3A_513 = arith.constant 0 : i32
      %dma_wait3A_514 = arith.constant 0 : i32
      %dma_wait3A_515 = tpu.memref_slice %arg8[%dma_wait3A_512, %dma_wait3A_513, %dma_wait3A_514] : memref<8x128x64xbf16, #tpu.memory_space<vmem>> -> memref<1x128x64xbf16, #tpu.memory_space<vmem>>
      %dma_wait3A_516 = tpu.memref_squeeze %dma_wait3A_515 : memref<1x128x64xbf16, #tpu.memory_space<vmem>> -> memref<128x64xbf16, #tpu.memory_space<vmem>>
      %dma_wait3A_517 = arith.constant 0 : i32
      %dma_wait3A_518 = tpu.memref_slice %arg7[%add3A_385, %dma_wait3A_517] : memref<80x128xi32, #tpu.memory_space<vmem>> -> memref<1x128xi32, #tpu.memory_space<vmem>>
      %dma_wait3A_519 = tpu.memref_squeeze %dma_wait3A_518 : memref<1x128xi32, #tpu.memory_space<vmem>> -> memref<128xi32, #tpu.memory_space<vmem>>
      %dma_wait3A_520 = arith.constant 0 : i32
      %dma_wait3A_521 = arith.constant 0 : i32
      %dma_wait3A_522 = tpu.memref_slice %arg9[%dma_wait3A_520, %dma_wait3A_521] : memref<10240x64xbf16, #tpu.memory_space<vmem_shared>> -> memref<10240x64xbf16, #tpu.memory_space<vmem_shared>>
      tpu.wait_indirect_dma semaphore(%arg24 : memref<!tpu.dma_semaphore, #tpu.memory_space<semaphore_mem>>) src(%dma_wait3A_516 : memref<128x64xbf16, #tpu.memory_space<vmem>>) dst(%dma_wait3A_522 : memref<10240x64xbf16, #tpu.memory_space<vmem_shared>>)
      %dma_wait3A_523 = arith.constant 7 : i32
      %dma_wait3A_524 = arith.constant 0 : i32
      %dma_wait3A_525 = arith.constant 0 : i32
      %dma_wait3A_526 = tpu.memref_slice %arg8[%dma_wait3A_523, %dma_wait3A_524, %dma_wait3A_525] : memref<8x128x64xbf16, #tpu.memory_space<vmem>> -> memref<1x128x64xbf16, #tpu.memory_space<vmem>>
      %dma_wait3A_527 = tpu.memref_squeeze %dma_wait3A_526 : memref<1x128x64xbf16, #tpu.memory_space<vmem>> -> memref<128x64xbf16, #tpu.memory_space<vmem>>
      %dma_wait3A_528 = arith.constant 0 : i32
      %dma_wait3A_529 = tpu.memref_slice %arg7[%add3A_411, %dma_wait3A_528] : memref<80x128xi32, #tpu.memory_space<vmem>> -> memref<1x128xi32, #tpu.memory_space<vmem>>
      %dma_wait3A_530 = tpu.memref_squeeze %dma_wait3A_529 : memref<1x128xi32, #tpu.memory_space<vmem>> -> memref<128xi32, #tpu.memory_space<vmem>>
      %dma_wait3A_531 = arith.constant 0 : i32
      %dma_wait3A_532 = arith.constant 0 : i32
      %dma_wait3A_533 = tpu.memref_slice %arg9[%dma_wait3A_531, %dma_wait3A_532] : memref<10240x64xbf16, #tpu.memory_space<vmem_shared>> -> memref<10240x64xbf16, #tpu.memory_space<vmem_shared>>
      tpu.wait_indirect_dma semaphore(%arg25 : memref<!tpu.dma_semaphore, #tpu.memory_space<semaphore_mem>>) src(%dma_wait3A_527 : memref<128x64xbf16, #tpu.memory_space<vmem>>) dst(%dma_wait3A_533 : memref<10240x64xbf16, #tpu.memory_space<vmem_shared>>)
    }
    %scan3A_59 = arith.constant 10 : i32
    %dma_wait3A = arith.constant 79 : i32
    %dma_wait3A_60 = arith.constant 0 : i32
    %dma_wait3A_61 = arith.constant 0 : i32
    %dma_wait3A_62 = arith.constant 0 : i32
    %dma_wait3A_63 = tpu.memref_slice %arg8[%dma_wait3A_60, %dma_wait3A_61, %dma_wait3A_62] : memref<8x128x64xbf16, #tpu.memory_space<vmem>> -> memref<1x128x64xbf16, #tpu.memory_space<vmem>>
    %dma_wait3A_64 = tpu.memref_squeeze %dma_wait3A_63 : memref<1x128x64xbf16, #tpu.memory_space<vmem>> -> memref<128x64xbf16, #tpu.memory_space<vmem>>
    %dma_wait3A_65 = arith.constant 0 : i32
    %dma_wait3A_66 = tpu.memref_slice %arg6[%dma_wait3A, %dma_wait3A_65] : memref<80x128xi32, #tpu.memory_space<vmem>> -> memref<1x128xi32, #tpu.memory_space<vmem>>
    %dma_wait3A_67 = tpu.memref_squeeze %dma_wait3A_66 : memref<1x128xi32, #tpu.memory_space<vmem>> -> memref<128xi32, #tpu.memory_space<vmem>>
    %dma_wait3A_68 = arith.constant 0 : i32
    %dma_wait3A_69 = arith.constant 0 : i32
    %dma_wait3A_70 = tpu.memref_slice %arg2[%dma_wait3A_68, %dma_wait3A_69] : memref<10240x64xbf16, #tpu.memory_space<hbm>> -> memref<10240x64xbf16, #tpu.memory_space<hbm>>
    tpu.wait_indirect_dma semaphore(%arg10 : memref<!tpu.dma_semaphore, #tpu.memory_space<semaphore_mem>>) src(%dma_wait3A_70 : memref<10240x64xbf16, #tpu.memory_space<hbm>>) dst(%dma_wait3A_64 : memref<128x64xbf16, #tpu.memory_space<vmem>>)
    %dma_wait3A_71 = arith.constant 79 : i32
    %dma_wait3A_72 = arith.constant 1 : i32
    %dma_wait3A_73 = arith.constant 0 : i32
    %dma_wait3A_74 = arith.constant 0 : i32
    %dma_wait3A_75 = tpu.memref_slice %arg8[%dma_wait3A_72, %dma_wait3A_73, %dma_wait3A_74] : memref<8x128x64xbf16, #tpu.memory_space<vmem>> -> memref<1x128x64xbf16, #tpu.memory_space<vmem>>
    %dma_wait3A_76 = tpu.memref_squeeze %dma_wait3A_75 : memref<1x128x64xbf16, #tpu.memory_space<vmem>> -> memref<128x64xbf16, #tpu.memory_space<vmem>>
    %dma_wait3A_77 = arith.constant 0 : i32
    %dma_wait3A_78 = tpu.memref_slice %arg6[%dma_wait3A_71, %dma_wait3A_77] : memref<80x128xi32, #tpu.memory_space<vmem>> -> memref<1x128xi32, #tpu.memory_space<vmem>>
    %dma_wait3A_79 = tpu.memref_squeeze %dma_wait3A_78 : memref<1x128xi32, #tpu.memory_space<vmem>> -> memref<128xi32, #tpu.memory_space<vmem>>
    %dma_wait3A_80 = arith.constant 0 : i32
    %dma_wait3A_81 = arith.constant 0 : i32
    %dma_wait3A_82 = tpu.memref_slice %arg2[%dma_wait3A_80, %dma_wait3A_81] : memref<10240x64xbf16, #tpu.memory_space<hbm>> -> memref<10240x64xbf16, #tpu.memory_space<hbm>>
    tpu.wait_indirect_dma semaphore(%arg11 : memref<!tpu.dma_semaphore, #tpu.memory_space<semaphore_mem>>) src(%dma_wait3A_82 : memref<10240x64xbf16, #tpu.memory_space<hbm>>) dst(%dma_wait3A_76 : memref<128x64xbf16, #tpu.memory_space<vmem>>)
    %dma_wait3A_83 = arith.constant 79 : i32
    %dma_wait3A_84 = arith.constant 2 : i32
    %dma_wait3A_85 = arith.constant 0 : i32
    %dma_wait3A_86 = arith.constant 0 : i32
    %dma_wait3A_87 = tpu.memref_slice %arg8[%dma_wait3A_84, %dma_wait3A_85, %dma_wait3A_86] : memref<8x128x64xbf16, #tpu.memory_space<vmem>> -> memref<1x128x64xbf16, #tpu.memory_space<vmem>>
    %dma_wait3A_88 = tpu.memref_squeeze %dma_wait3A_87 : memref<1x128x64xbf16, #tpu.memory_space<vmem>> -> memref<128x64xbf16, #tpu.memory_space<vmem>>
    %dma_wait3A_89 = arith.constant 0 : i32
    %dma_wait3A_90 = tpu.memref_slice %arg6[%dma_wait3A_83, %dma_wait3A_89] : memref<80x128xi32, #tpu.memory_space<vmem>> -> memref<1x128xi32, #tpu.memory_space<vmem>>
    %dma_wait3A_91 = tpu.memref_squeeze %dma_wait3A_90 : memref<1x128xi32, #tpu.memory_space<vmem>> -> memref<128xi32, #tpu.memory_space<vmem>>
    %dma_wait3A_92 = arith.constant 0 : i32
    %dma_wait3A_93 = arith.constant 0 : i32
    %dma_wait3A_94 = tpu.memref_slice %arg2[%dma_wait3A_92, %dma_wait3A_93] : memref<10240x64xbf16, #tpu.memory_space<hbm>> -> memref<10240x64xbf16, #tpu.memory_space<hbm>>
    tpu.wait_indirect_dma semaphore(%arg12 : memref<!tpu.dma_semaphore, #tpu.memory_space<semaphore_mem>>) src(%dma_wait3A_94 : memref<10240x64xbf16, #tpu.memory_space<hbm>>) dst(%dma_wait3A_88 : memref<128x64xbf16, #tpu.memory_space<vmem>>)
    %dma_wait3A_95 = arith.constant 79 : i32
    %dma_wait3A_96 = arith.constant 3 : i32
    %dma_wait3A_97 = arith.constant 0 : i32
    %dma_wait3A_98 = arith.constant 0 : i32
    %dma_wait3A_99 = tpu.memref_slice %arg8[%dma_wait3A_96, %dma_wait3A_97, %dma_wait3A_98] : memref<8x128x64xbf16, #tpu.memory_space<vmem>> -> memref<1x128x64xbf16, #tpu.memory_space<vmem>>
    %dma_wait3A_100 = tpu.memref_squeeze %dma_wait3A_99 : memref<1x128x64xbf16, #tpu.memory_space<vmem>> -> memref<128x64xbf16, #tpu.memory_space<vmem>>
    %dma_wait3A_101 = arith.constant 0 : i32
    %dma_wait3A_102 = tpu.memref_slice %arg6[%dma_wait3A_95, %dma_wait3A_101] : memref<80x128xi32, #tpu.memory_space<vmem>> -> memref<1x128xi32, #tpu.memory_space<vmem>>
    %dma_wait3A_103 = tpu.memref_squeeze %dma_wait3A_102 : memref<1x128xi32, #tpu.memory_space<vmem>> -> memref<128xi32, #tpu.memory_space<vmem>>
    %dma_wait3A_104 = arith.constant 0 : i32
    %dma_wait3A_105 = arith.constant 0 : i32
    %dma_wait3A_106 = tpu.memref_slice %arg2[%dma_wait3A_104, %dma_wait3A_105] : memref<10240x64xbf16, #tpu.memory_space<hbm>> -> memref<10240x64xbf16, #tpu.memory_space<hbm>>
    tpu.wait_indirect_dma semaphore(%arg13 : memref<!tpu.dma_semaphore, #tpu.memory_space<semaphore_mem>>) src(%dma_wait3A_106 : memref<10240x64xbf16, #tpu.memory_space<hbm>>) dst(%dma_wait3A_100 : memref<128x64xbf16, #tpu.memory_space<vmem>>)
    %barrier3A_107 = arith.constant 0 : index
    tpu.barrier barrier_id(%barrier3A_107)
    "tpu.region"() ({
      %run_scoped3A_108 = tpu.sem_alloc : memref<!tpu.dma_semaphore, #tpu.memory_space<semaphore_mem>>
      %dma_start3A_109 = arith.constant 0 : i32
      %dma_start3A_110 = tpu.memref_slice %arg5[%arg0, %mul3A_2, %dma_start3A_109] : memref<2x10240x64xbf16, #tpu.memory_space<hbm>> -> memref<1x640x64xbf16, #tpu.memory_space<hbm>>
      %dma_start3A_111 = tpu.memref_squeeze %dma_start3A_110 : memref<1x640x64xbf16, #tpu.memory_space<hbm>> -> memref<640x64xbf16, #tpu.memory_space<hbm>>
      %dma_start3A_112 = arith.constant 0 : i32
      %dma_start3A_113 = tpu.memref_slice %arg9[%mul3A_2, %dma_start3A_112] : memref<10240x64xbf16, #tpu.memory_space<vmem_shared>> -> memref<640x64xbf16, #tpu.memory_space<vmem_shared>>
      tpu.enqueue_dma source(%dma_start3A_113 : memref<640x64xbf16, #tpu.memory_space<vmem_shared>>) target(%dma_start3A_111 : memref<640x64xbf16, #tpu.memory_space<hbm>>) target_semaphore(%run_scoped3A_108 : memref<!tpu.dma_semaphore, #tpu.memory_space<semaphore_mem>>)
      %dma_wait3A_114 = arith.constant 0 : i32
      %dma_wait3A_115 = tpu.memref_slice %arg5[%arg0, %mul3A_2, %dma_wait3A_114] : memref<2x10240x64xbf16, #tpu.memory_space<hbm>> -> memref<1x640x64xbf16, #tpu.memory_space<hbm>>
      %dma_wait3A_116 = tpu.memref_squeeze %dma_wait3A_115 : memref<1x640x64xbf16, #tpu.memory_space<hbm>> -> memref<640x64xbf16, #tpu.memory_space<hbm>>
      %dma_wait3A_117 = arith.constant 0 : i32
      %dma_wait3A_118 = tpu.memref_slice %arg9[%mul3A_2, %dma_wait3A_117] : memref<10240x64xbf16, #tpu.memory_space<vmem_shared>> -> memref<640x64xbf16, #tpu.memory_space<vmem_shared>>
      tpu.wait_dma2 semaphore(%run_scoped3A_108 : memref<!tpu.dma_semaphore, #tpu.memory_space<semaphore_mem>>) src(%dma_wait3A_118 : memref<640x64xbf16, #tpu.memory_space<vmem_shared>>) dst(%dma_wait3A_116 : memref<640x64xbf16, #tpu.memory_space<hbm>>)
      tpu.yield
    }) : () -> ()
    return
  }
}

#map = affine_map<(d0, d1) -> (0, 0, 0)>
#map1 = affine_map<(d0, d1) -> (0, 0)>
module attributes {stable_mosaic.version = 14 : i64} {
  func.func @_deg_kernel(%arg0: i32, %arg1: i32, %arg2: memref<2x2500x128xi32, #tpu.memory_space<hbm>>, %arg3: memref<10240x16xf32, #tpu.memory_space<hbm>>, %arg4: memref<128x16xf32, #tpu.memory_space<hbm>>, %arg5: memref<2x10240x16xf32, #tpu.memory_space<hbm>>, %arg6: memref<79x128xi32, #tpu.memory_space<vmem>>, %arg7: memref<128x16xf32, #tpu.memory_space<vmem>>, %arg8: memref<10240x16xf32, #tpu.memory_space<vmem_shared>>, %arg9: memref<!tpu.dma_semaphore, #tpu.memory_space<semaphore_mem>>, %arg10: memref<!tpu.dma_semaphore, #tpu.memory_space<semaphore_mem>>, %arg11: memref<!tpu.dma_semaphore, #tpu.memory_space<semaphore_mem>>, %arg12: memref<!tpu.dma_semaphore, #tpu.memory_space<semaphore_mem>>, %arg13: memref<!tpu.dma_semaphore, #tpu.memory_space<semaphore_mem>>, %arg14: memref<!tpu.dma_semaphore, #tpu.memory_space<semaphore_mem>>, %arg15: memref<!tpu.dma_semaphore, #tpu.memory_space<semaphore_mem>>, %arg16: memref<!tpu.dma_semaphore, #tpu.memory_space<semaphore_mem>>) attributes {dimension_semantics = [#tpu.dimension_semantics<core_parallel>, #tpu.dimension_semantics<subcore_parallel>], iteration_bounds = array<i64: 2, 16>, scalar_prefetch = 0 : i64, scratch_operands = 11 : i64, tpu.core_type = #tpu.core_type<sc_vector_subcore>, window_params = [{transform_indices = #map}, {transform_indices = #map1}, {transform_indices = #map1}, {transform_indices = #map}]} {
    %mul3A = arith.constant 2 : i32
    %mul3A_0 = arith.muli %arg1, %mul3A : i32
    %add3A = arith.addi %mul3A_0, %arg0 : i32
    %mul3A_1 = arith.constant 640 : i32
    %mul3A_2 = arith.muli %arg1, %mul3A_1 : i32
    %lt3A = arith.constant 4 : i32
    %lt3A_3 = arith.cmpi slt, %add3A, %lt3A : i32
    "tpu.region"() ({
      %run_scoped3A_110 = tpu.sem_alloc : memref<!tpu.dma_semaphore, #tpu.memory_space<semaphore_mem>>
      tpu.enqueue_dma source(%arg4 : memref<128x16xf32, #tpu.memory_space<hbm>>) target(%arg7 : memref<128x16xf32, #tpu.memory_space<vmem>>) target_semaphore(%run_scoped3A_110 : memref<!tpu.dma_semaphore, #tpu.memory_space<semaphore_mem>>)
      tpu.wait_dma2 semaphore(%run_scoped3A_110 : memref<!tpu.dma_semaphore, #tpu.memory_space<semaphore_mem>>) src(%arg4 : memref<128x16xf32, #tpu.memory_space<hbm>>) dst(%arg7 : memref<128x16xf32, #tpu.memory_space<vmem>>)
      tpu.yield
    }) : () -> ()
    %mul3A_4 = arith.constant 78 : i32
    %mul3A_5 = arith.muli %add3A, %mul3A_4 : i32
    %run_scoped3A = arith.constant 1 : i32
    "tpu.region"() ({
      %run_scoped3A_110 = tpu.sem_alloc : memref<!tpu.dma_semaphore, #tpu.memory_space<semaphore_mem>>
      %dma_start3A_111 = arith.constant 0 : i32
      %dma_start3A_112 = arith.constant 0 : i32
      %dma_start3A_113 = tpu.memref_slice %arg6[%dma_start3A_111, %dma_start3A_112] : memref<79x128xi32, #tpu.memory_space<vmem>> -> memref<78x128xi32, #tpu.memory_space<vmem>>
      %dma_start3A_114 = arith.constant 0 : i32
      %dma_start3A_115 = tpu.memref_slice %arg2[%run_scoped3A, %mul3A_5, %dma_start3A_114] : memref<2x2500x128xi32, #tpu.memory_space<hbm>> -> memref<1x78x128xi32, #tpu.memory_space<hbm>>
      %dma_start3A_116 = tpu.memref_squeeze %dma_start3A_115 : memref<1x78x128xi32, #tpu.memory_space<hbm>> -> memref<78x128xi32, #tpu.memory_space<hbm>>
      %dma_start3A_117 = arith.constant 0 : i32
      %dma_start3A_118 = arith.constant 0 : i32
      %dma_start3A_119 = tpu.memref_slice %arg6[%dma_start3A_117, %dma_start3A_118] : memref<79x128xi32, #tpu.memory_space<vmem>> -> memref<78x128xi32, #tpu.memory_space<vmem>>
      %dma_start3A_120 = arith.constant 0 : i32
      %dma_start3A_121 = tpu.memref_slice %arg2[%run_scoped3A, %mul3A_5, %dma_start3A_120] : memref<2x2500x128xi32, #tpu.memory_space<hbm>> -> memref<1x78x128xi32, #tpu.memory_space<hbm>>
      %dma_start3A_122 = tpu.memref_squeeze %dma_start3A_121 : memref<1x78x128xi32, #tpu.memory_space<hbm>> -> memref<78x128xi32, #tpu.memory_space<hbm>>
      tpu.enqueue_dma source(%dma_start3A_122 : memref<78x128xi32, #tpu.memory_space<hbm>>) target(%dma_start3A_119 : memref<78x128xi32, #tpu.memory_space<vmem>>) target_semaphore(%run_scoped3A_110 : memref<!tpu.dma_semaphore, #tpu.memory_space<semaphore_mem>>)
      %dma_wait3A_123 = arith.constant 0 : i32
      %dma_wait3A_124 = arith.constant 0 : i32
      %dma_wait3A_125 = tpu.memref_slice %arg6[%dma_wait3A_123, %dma_wait3A_124] : memref<79x128xi32, #tpu.memory_space<vmem>> -> memref<78x128xi32, #tpu.memory_space<vmem>>
      %dma_wait3A_126 = arith.constant 0 : i32
      %dma_wait3A_127 = tpu.memref_slice %arg2[%run_scoped3A, %mul3A_5, %dma_wait3A_126] : memref<2x2500x128xi32, #tpu.memory_space<hbm>> -> memref<1x78x128xi32, #tpu.memory_space<hbm>>
      %dma_wait3A_128 = tpu.memref_squeeze %dma_wait3A_127 : memref<1x78x128xi32, #tpu.memory_space<hbm>> -> memref<78x128xi32, #tpu.memory_space<hbm>>
      %dma_wait3A_129 = arith.constant 0 : i32
      %dma_wait3A_130 = arith.constant 0 : i32
      %dma_wait3A_131 = tpu.memref_slice %arg6[%dma_wait3A_129, %dma_wait3A_130] : memref<79x128xi32, #tpu.memory_space<vmem>> -> memref<78x128xi32, #tpu.memory_space<vmem>>
      %dma_wait3A_132 = arith.constant 0 : i32
      %dma_wait3A_133 = tpu.memref_slice %arg2[%run_scoped3A, %mul3A_5, %dma_wait3A_132] : memref<2x2500x128xi32, #tpu.memory_space<hbm>> -> memref<1x78x128xi32, #tpu.memory_space<hbm>>
      %dma_wait3A_134 = tpu.memref_squeeze %dma_wait3A_133 : memref<1x78x128xi32, #tpu.memory_space<hbm>> -> memref<78x128xi32, #tpu.memory_space<hbm>>
      tpu.wait_dma2 semaphore(%run_scoped3A_110 : memref<!tpu.dma_semaphore, #tpu.memory_space<semaphore_mem>>) src(%dma_wait3A_134 : memref<78x128xi32, #tpu.memory_space<hbm>>) dst(%dma_wait3A_131 : memref<78x128xi32, #tpu.memory_space<vmem>>)
      tpu.yield
    }) : () -> ()
    %convert_element_type3A = arith.extui %lt3A_3 : i1 to i32
    %cond3A = arith.constant 0 : i32
    %cond3A_6 = arith.cmpi ne, %convert_element_type3A, %cond3A : i32
    scf.if %cond3A_6 {
      %add3A_110 = arith.constant 2496 : i32
      %add3A_111 = arith.addi %add3A_110, %add3A : i32
      %run_scoped3A_112 = arith.constant 1 : i32
      "tpu.region"() ({
        %run_scoped3A_113 = tpu.sem_alloc : memref<!tpu.dma_semaphore, #tpu.memory_space<semaphore_mem>>
        %dma_start3A_114 = arith.constant 78 : i32
        %dma_start3A_115 = arith.constant 0 : i32
        %dma_start3A_116 = tpu.memref_slice %arg6[%dma_start3A_114, %dma_start3A_115] : memref<79x128xi32, #tpu.memory_space<vmem>> -> memref<1x128xi32, #tpu.memory_space<vmem>>
        %dma_start3A_117 = arith.constant 0 : i32
        %dma_start3A_118 = tpu.memref_slice %arg2[%run_scoped3A_112, %add3A_111, %dma_start3A_117] : memref<2x2500x128xi32, #tpu.memory_space<hbm>> -> memref<1x1x128xi32, #tpu.memory_space<hbm>>
        %dma_start3A_119 = tpu.memref_squeeze %dma_start3A_118 : memref<1x1x128xi32, #tpu.memory_space<hbm>> -> memref<1x128xi32, #tpu.memory_space<hbm>>
        %dma_start3A_120 = arith.constant 78 : i32
        %dma_start3A_121 = arith.constant 0 : i32
        %dma_start3A_122 = tpu.memref_slice %arg6[%dma_start3A_120, %dma_start3A_121] : memref<79x128xi32, #tpu.memory_space<vmem>> -> memref<1x128xi32, #tpu.memory_space<vmem>>
        %dma_start3A_123 = arith.constant 0 : i32
        %dma_start3A_124 = tpu.memref_slice %arg2[%run_scoped3A_112, %add3A_111, %dma_start3A_123] : memref<2x2500x128xi32, #tpu.memory_space<hbm>> -> memref<1x1x128xi32, #tpu.memory_space<hbm>>
        %dma_start3A_125 = tpu.memref_squeeze %dma_start3A_124 : memref<1x1x128xi32, #tpu.memory_space<hbm>> -> memref<1x128xi32, #tpu.memory_space<hbm>>
        tpu.enqueue_dma source(%dma_start3A_125 : memref<1x128xi32, #tpu.memory_space<hbm>>) target(%dma_start3A_122 : memref<1x128xi32, #tpu.memory_space<vmem>>) target_semaphore(%run_scoped3A_113 : memref<!tpu.dma_semaphore, #tpu.memory_space<semaphore_mem>>)
        %dma_wait3A_126 = arith.constant 78 : i32
        %dma_wait3A_127 = arith.constant 0 : i32
        %dma_wait3A_128 = tpu.memref_slice %arg6[%dma_wait3A_126, %dma_wait3A_127] : memref<79x128xi32, #tpu.memory_space<vmem>> -> memref<1x128xi32, #tpu.memory_space<vmem>>
        %dma_wait3A_129 = arith.constant 0 : i32
        %dma_wait3A_130 = tpu.memref_slice %arg2[%run_scoped3A_112, %add3A_111, %dma_wait3A_129] : memref<2x2500x128xi32, #tpu.memory_space<hbm>> -> memref<1x1x128xi32, #tpu.memory_space<hbm>>
        %dma_wait3A_131 = tpu.memref_squeeze %dma_wait3A_130 : memref<1x1x128xi32, #tpu.memory_space<hbm>> -> memref<1x128xi32, #tpu.memory_space<hbm>>
        %dma_wait3A_132 = arith.constant 78 : i32
        %dma_wait3A_133 = arith.constant 0 : i32
        %dma_wait3A_134 = tpu.memref_slice %arg6[%dma_wait3A_132, %dma_wait3A_133] : memref<79x128xi32, #tpu.memory_space<vmem>> -> memref<1x128xi32, #tpu.memory_space<vmem>>
        %dma_wait3A_135 = arith.constant 0 : i32
        %dma_wait3A_136 = tpu.memref_slice %arg2[%run_scoped3A_112, %add3A_111, %dma_wait3A_135] : memref<2x2500x128xi32, #tpu.memory_space<hbm>> -> memref<1x1x128xi32, #tpu.memory_space<hbm>>
        %dma_wait3A_137 = tpu.memref_squeeze %dma_wait3A_136 : memref<1x1x128xi32, #tpu.memory_space<hbm>> -> memref<1x128xi32, #tpu.memory_space<hbm>>
        tpu.wait_dma2 semaphore(%run_scoped3A_113 : memref<!tpu.dma_semaphore, #tpu.memory_space<semaphore_mem>>) src(%dma_wait3A_137 : memref<1x128xi32, #tpu.memory_space<hbm>>) dst(%dma_wait3A_134 : memref<1x128xi32, #tpu.memory_space<vmem>>)
        tpu.yield
      }) : () -> ()
    } else {
    }
    "tpu.region"() ({
      %run_scoped3A_110 = tpu.sem_alloc : memref<!tpu.dma_semaphore, #tpu.memory_space<semaphore_mem>>
      %dma_start3A_111 = arith.constant 0 : i32
      %dma_start3A_112 = tpu.memref_slice %arg8[%mul3A_2, %dma_start3A_111] : memref<10240x16xf32, #tpu.memory_space<vmem_shared>> -> memref<640x16xf32, #tpu.memory_space<vmem_shared>>
      %dma_start3A_113 = arith.constant 0 : i32
      %dma_start3A_114 = tpu.memref_slice %arg3[%mul3A_2, %dma_start3A_113] : memref<10240x16xf32, #tpu.memory_space<hbm>> -> memref<640x16xf32, #tpu.memory_space<hbm>>
      tpu.enqueue_dma source(%dma_start3A_114 : memref<640x16xf32, #tpu.memory_space<hbm>>) target(%dma_start3A_112 : memref<640x16xf32, #tpu.memory_space<vmem_shared>>) target_semaphore(%run_scoped3A_110 : memref<!tpu.dma_semaphore, #tpu.memory_space<semaphore_mem>>)
      %dma_wait3A_115 = arith.constant 0 : i32
      %dma_wait3A_116 = tpu.memref_slice %arg8[%mul3A_2, %dma_wait3A_115] : memref<10240x16xf32, #tpu.memory_space<vmem_shared>> -> memref<640x16xf32, #tpu.memory_space<vmem_shared>>
      %dma_wait3A_117 = arith.constant 0 : i32
      %dma_wait3A_118 = tpu.memref_slice %arg3[%mul3A_2, %dma_wait3A_117] : memref<10240x16xf32, #tpu.memory_space<hbm>> -> memref<640x16xf32, #tpu.memory_space<hbm>>
      tpu.wait_dma2 semaphore(%run_scoped3A_110 : memref<!tpu.dma_semaphore, #tpu.memory_space<semaphore_mem>>) src(%dma_wait3A_118 : memref<640x16xf32, #tpu.memory_space<hbm>>) dst(%dma_wait3A_116 : memref<640x16xf32, #tpu.memory_space<vmem_shared>>)
      tpu.yield
    }) : () -> ()
    %convert_element_type3A_7 = arith.extui %lt3A_3 : i1 to i32
    %add3A_8 = arith.constant 78 : i32
    %add3A_9 = arith.addi %add3A_8, %convert_element_type3A_7 : i32
    %while3A = arith.constant 0 : i32
    %while3A_10 = arith.constant 0 : i32
    %while3A_11 = arith.subi %add3A_9, %while3A_10 : i32
    %while3A_12 = arith.addi %while3A_10, %while3A_11 : i32
    %while3A_13 = arith.constant 1 : i32
    %while3A_14 = arith.divsi %while3A_11, %while3A_13 : i32
    %while3A_15 = arith.muli %while3A_14, %while3A_13 : i32
    %while3A_16 = arith.addi %while3A_10, %while3A_15 : i32
    %while3A_17 = arith.constant 1 : i32
    scf.for %while3A_110 = %while3A_10 to %while3A_16 step %while3A_17  : i32 {
      %get3A = arith.index_cast %while3A_110 : i32 to index
      %get3A_111 = arith.constant 0 : index
      %get3A_112 = tpu.vector_load %arg6[%get3A, %get3A_111] {strides = array<i32>} : memref<79x128xi32, #tpu.memory_space<vmem>>, vector<1x16xi32>,
      %get3A_113 = vector.shape_cast %get3A_112 : vector<1x16xi32> to vector<16xi32>
      %lt3A_114 = arith.constant 5120 : i32
      %lt3A_115 = vector.broadcast %lt3A_114 : i32 to vector<16xi32>
      %lt3A_116 = arith.cmpi slt, %get3A_113, %lt3A_115 : vector<16xi32>
      %add3A_117 = arith.addi %get3A_113, %get3A_113 : vector<16xi32>
      %add3A_118 = arith.addi %get3A_113, %get3A_113 : vector<16xi32>
      %sub3A = arith.constant 10239 : i32
      %sub3A_119 = vector.broadcast %sub3A : i32 to vector<16xi32>
      %sub3A_120 = arith.subi %add3A_118, %sub3A_119 : vector<16xi32>
      %select_n3A = arith.select %lt3A_116, %add3A_117, %sub3A_120 : vector<16xi1>, vector<16xi32>
      %swap3A = arith.index_cast %while3A_110 : i32 to index
      %swap3A_121 = arith.constant 0 : index
      %swap3A_122 = tpu.vector_load %arg6[%swap3A, %swap3A_121] {strides = array<i32>} : memref<79x128xi32, #tpu.memory_space<vmem>>, vector<1x16xi32>,
      %swap3A_123 = vector.shape_cast %swap3A_122 : vector<1x16xi32> to vector<16xi32>
      %swap3A_124 = vector.shape_cast %select_n3A : vector<16xi32> to vector<1x16xi32>
      tpu.vector_store %arg6[%swap3A, %swap3A_121], %swap3A_124 {strides = array<i32>} : memref<79x128xi32, #tpu.memory_space<vmem>>, vector<1x16xi32>,
      %get3A_125 = arith.index_cast %while3A_110 : i32 to index
      %get3A_126 = arith.constant 16 : index
      %get3A_127 = tpu.vector_load %arg6[%get3A_125, %get3A_126] {strides = array<i32>} : memref<79x128xi32, #tpu.memory_space<vmem>>, vector<1x16xi32>,
      %get3A_128 = vector.shape_cast %get3A_127 : vector<1x16xi32> to vector<16xi32>
      %lt3A_129 = arith.constant 5120 : i32
      %lt3A_130 = vector.broadcast %lt3A_129 : i32 to vector<16xi32>
      %lt3A_131 = arith.cmpi slt, %get3A_128, %lt3A_130 : vector<16xi32>
      %add3A_132 = arith.addi %get3A_128, %get3A_128 : vector<16xi32>
      %add3A_133 = arith.addi %get3A_128, %get3A_128 : vector<16xi32>
      %sub3A_134 = arith.constant 10239 : i32
      %sub3A_135 = vector.broadcast %sub3A_134 : i32 to vector<16xi32>
      %sub3A_136 = arith.subi %add3A_133, %sub3A_135 : vector<16xi32>
      %select_n3A_137 = arith.select %lt3A_131, %add3A_132, %sub3A_136 : vector<16xi1>, vector<16xi32>
      %swap3A_138 = arith.index_cast %while3A_110 : i32 to index
      %swap3A_139 = arith.constant 16 : index
      %swap3A_140 = tpu.vector_load %arg6[%swap3A_138, %swap3A_139] {strides = array<i32>} : memref<79x128xi32, #tpu.memory_space<vmem>>, vector<1x16xi32>,
      %swap3A_141 = vector.shape_cast %swap3A_140 : vector<1x16xi32> to vector<16xi32>
      %swap3A_142 = vector.shape_cast %select_n3A_137 : vector<16xi32> to vector<1x16xi32>
      tpu.vector_store %arg6[%swap3A_138, %swap3A_139], %swap3A_142 {strides = array<i32>} : memref<79x128xi32, #tpu.memory_space<vmem>>, vector<1x16xi32>,
      %get3A_143 = arith.index_cast %while3A_110 : i32 to index
      %get3A_144 = arith.constant 32 : index
      %get3A_145 = tpu.vector_load %arg6[%get3A_143, %get3A_144] {strides = array<i32>} : memref<79x128xi32, #tpu.memory_space<vmem>>, vector<1x16xi32>,
      %get3A_146 = vector.shape_cast %get3A_145 : vector<1x16xi32> to vector<16xi32>
      %lt3A_147 = arith.constant 5120 : i32
      %lt3A_148 = vector.broadcast %lt3A_147 : i32 to vector<16xi32>
      %lt3A_149 = arith.cmpi slt, %get3A_146, %lt3A_148 : vector<16xi32>
      %add3A_150 = arith.addi %get3A_146, %get3A_146 : vector<16xi32>
      %add3A_151 = arith.addi %get3A_146, %get3A_146 : vector<16xi32>
      %sub3A_152 = arith.constant 10239 : i32
      %sub3A_153 = vector.broadcast %sub3A_152 : i32 to vector<16xi32>
      %sub3A_154 = arith.subi %add3A_151, %sub3A_153 : vector<16xi32>
      %select_n3A_155 = arith.select %lt3A_149, %add3A_150, %sub3A_154 : vector<16xi1>, vector<16xi32>
      %swap3A_156 = arith.index_cast %while3A_110 : i32 to index
      %swap3A_157 = arith.constant 32 : index
      %swap3A_158 = tpu.vector_load %arg6[%swap3A_156, %swap3A_157] {strides = array<i32>} : memref<79x128xi32, #tpu.memory_space<vmem>>, vector<1x16xi32>,
      %swap3A_159 = vector.shape_cast %swap3A_158 : vector<1x16xi32> to vector<16xi32>
      %swap3A_160 = vector.shape_cast %select_n3A_155 : vector<16xi32> to vector<1x16xi32>
      tpu.vector_store %arg6[%swap3A_156, %swap3A_157], %swap3A_160 {strides = array<i32>} : memref<79x128xi32, #tpu.memory_space<vmem>>, vector<1x16xi32>,
      %get3A_161 = arith.index_cast %while3A_110 : i32 to index
      %get3A_162 = arith.constant 48 : index
      %get3A_163 = tpu.vector_load %arg6[%get3A_161, %get3A_162] {strides = array<i32>} : memref<79x128xi32, #tpu.memory_space<vmem>>, vector<1x16xi32>,
      %get3A_164 = vector.shape_cast %get3A_163 : vector<1x16xi32> to vector<16xi32>
      %lt3A_165 = arith.constant 5120 : i32
      %lt3A_166 = vector.broadcast %lt3A_165 : i32 to vector<16xi32>
      %lt3A_167 = arith.cmpi slt, %get3A_164, %lt3A_166 : vector<16xi32>
      %add3A_168 = arith.addi %get3A_164, %get3A_164 : vector<16xi32>
      %add3A_169 = arith.addi %get3A_164, %get3A_164 : vector<16xi32>
      %sub3A_170 = arith.constant 10239 : i32
      %sub3A_171 = vector.broadcast %sub3A_170 : i32 to vector<16xi32>
      %sub3A_172 = arith.subi %add3A_169, %sub3A_171 : vector<16xi32>
      %select_n3A_173 = arith.select %lt3A_167, %add3A_168, %sub3A_172 : vector<16xi1>, vector<16xi32>
      %swap3A_174 = arith.index_cast %while3A_110 : i32 to index
      %swap3A_175 = arith.constant 48 : index
      %swap3A_176 = tpu.vector_load %arg6[%swap3A_174, %swap3A_175] {strides = array<i32>} : memref<79x128xi32, #tpu.memory_space<vmem>>, vector<1x16xi32>,
      %swap3A_177 = vector.shape_cast %swap3A_176 : vector<1x16xi32> to vector<16xi32>
      %swap3A_178 = vector.shape_cast %select_n3A_173 : vector<16xi32> to vector<1x16xi32>
      tpu.vector_store %arg6[%swap3A_174, %swap3A_175], %swap3A_178 {strides = array<i32>} : memref<79x128xi32, #tpu.memory_space<vmem>>, vector<1x16xi32>,
      %get3A_179 = arith.index_cast %while3A_110 : i32 to index
      %get3A_180 = arith.constant 64 : index
      %get3A_181 = tpu.vector_load %arg6[%get3A_179, %get3A_180] {strides = array<i32>} : memref<79x128xi32, #tpu.memory_space<vmem>>, vector<1x16xi32>,
      %get3A_182 = vector.shape_cast %get3A_181 : vector<1x16xi32> to vector<16xi32>
      %lt3A_183 = arith.constant 5120 : i32
      %lt3A_184 = vector.broadcast %lt3A_183 : i32 to vector<16xi32>
      %lt3A_185 = arith.cmpi slt, %get3A_182, %lt3A_184 : vector<16xi32>
      %add3A_186 = arith.addi %get3A_182, %get3A_182 : vector<16xi32>
      %add3A_187 = arith.addi %get3A_182, %get3A_182 : vector<16xi32>
      %sub3A_188 = arith.constant 10239 : i32
      %sub3A_189 = vector.broadcast %sub3A_188 : i32 to vector<16xi32>
      %sub3A_190 = arith.subi %add3A_187, %sub3A_189 : vector<16xi32>
      %select_n3A_191 = arith.select %lt3A_185, %add3A_186, %sub3A_190 : vector<16xi1>, vector<16xi32>
      %swap3A_192 = arith.index_cast %while3A_110 : i32 to index
      %swap3A_193 = arith.constant 64 : index
      %swap3A_194 = tpu.vector_load %arg6[%swap3A_192, %swap3A_193] {strides = array<i32>} : memref<79x128xi32, #tpu.memory_space<vmem>>, vector<1x16xi32>,
      %swap3A_195 = vector.shape_cast %swap3A_194 : vector<1x16xi32> to vector<16xi32>
      %swap3A_196 = vector.shape_cast %select_n3A_191 : vector<16xi32> to vector<1x16xi32>
      tpu.vector_store %arg6[%swap3A_192, %swap3A_193], %swap3A_196 {strides = array<i32>} : memref<79x128xi32, #tpu.memory_space<vmem>>, vector<1x16xi32>,
      %get3A_197 = arith.index_cast %while3A_110 : i32 to index
      %get3A_198 = arith.constant 80 : index
      %get3A_199 = tpu.vector_load %arg6[%get3A_197, %get3A_198] {strides = array<i32>} : memref<79x128xi32, #tpu.memory_space<vmem>>, vector<1x16xi32>,
      %get3A_200 = vector.shape_cast %get3A_199 : vector<1x16xi32> to vector<16xi32>
      %lt3A_201 = arith.constant 5120 : i32
      %lt3A_202 = vector.broadcast %lt3A_201 : i32 to vector<16xi32>
      %lt3A_203 = arith.cmpi slt, %get3A_200, %lt3A_202 : vector<16xi32>
      %add3A_204 = arith.addi %get3A_200, %get3A_200 : vector<16xi32>
      %add3A_205 = arith.addi %get3A_200, %get3A_200 : vector<16xi32>
      %sub3A_206 = arith.constant 10239 : i32
      %sub3A_207 = vector.broadcast %sub3A_206 : i32 to vector<16xi32>
      %sub3A_208 = arith.subi %add3A_205, %sub3A_207 : vector<16xi32>
      %select_n3A_209 = arith.select %lt3A_203, %add3A_204, %sub3A_208 : vector<16xi1>, vector<16xi32>
      %swap3A_210 = arith.index_cast %while3A_110 : i32 to index
      %swap3A_211 = arith.constant 80 : index
      %swap3A_212 = tpu.vector_load %arg6[%swap3A_210, %swap3A_211] {strides = array<i32>} : memref<79x128xi32, #tpu.memory_space<vmem>>, vector<1x16xi32>,
      %swap3A_213 = vector.shape_cast %swap3A_212 : vector<1x16xi32> to vector<16xi32>
      %swap3A_214 = vector.shape_cast %select_n3A_209 : vector<16xi32> to vector<1x16xi32>
      tpu.vector_store %arg6[%swap3A_210, %swap3A_211], %swap3A_214 {strides = array<i32>} : memref<79x128xi32, #tpu.memory_space<vmem>>, vector<1x16xi32>,
      %get3A_215 = arith.index_cast %while3A_110 : i32 to index
      %get3A_216 = arith.constant 96 : index
      %get3A_217 = tpu.vector_load %arg6[%get3A_215, %get3A_216] {strides = array<i32>} : memref<79x128xi32, #tpu.memory_space<vmem>>, vector<1x16xi32>,
      %get3A_218 = vector.shape_cast %get3A_217 : vector<1x16xi32> to vector<16xi32>
      %lt3A_219 = arith.constant 5120 : i32
      %lt3A_220 = vector.broadcast %lt3A_219 : i32 to vector<16xi32>
      %lt3A_221 = arith.cmpi slt, %get3A_218, %lt3A_220 : vector<16xi32>
      %add3A_222 = arith.addi %get3A_218, %get3A_218 : vector<16xi32>
      %add3A_223 = arith.addi %get3A_218, %get3A_218 : vector<16xi32>
      %sub3A_224 = arith.constant 10239 : i32
      %sub3A_225 = vector.broadcast %sub3A_224 : i32 to vector<16xi32>
      %sub3A_226 = arith.subi %add3A_223, %sub3A_225 : vector<16xi32>
      %select_n3A_227 = arith.select %lt3A_221, %add3A_222, %sub3A_226 : vector<16xi1>, vector<16xi32>
      %swap3A_228 = arith.index_cast %while3A_110 : i32 to index
      %swap3A_229 = arith.constant 96 : index
      %swap3A_230 = tpu.vector_load %arg6[%swap3A_228, %swap3A_229] {strides = array<i32>} : memref<79x128xi32, #tpu.memory_space<vmem>>, vector<1x16xi32>,
      %swap3A_231 = vector.shape_cast %swap3A_230 : vector<1x16xi32> to vector<16xi32>
      %swap3A_232 = vector.shape_cast %select_n3A_227 : vector<16xi32> to vector<1x16xi32>
      tpu.vector_store %arg6[%swap3A_228, %swap3A_229], %swap3A_232 {strides = array<i32>} : memref<79x128xi32, #tpu.memory_space<vmem>>, vector<1x16xi32>,
      %get3A_233 = arith.index_cast %while3A_110 : i32 to index
      %get3A_234 = arith.constant 112 : index
      %get3A_235 = tpu.vector_load %arg6[%get3A_233, %get3A_234] {strides = array<i32>} : memref<79x128xi32, #tpu.memory_space<vmem>>, vector<1x16xi32>,
      %get3A_236 = vector.shape_cast %get3A_235 : vector<1x16xi32> to vector<16xi32>
      %lt3A_237 = arith.constant 5120 : i32
      %lt3A_238 = vector.broadcast %lt3A_237 : i32 to vector<16xi32>
      %lt3A_239 = arith.cmpi slt, %get3A_236, %lt3A_238 : vector<16xi32>
      %add3A_240 = arith.addi %get3A_236, %get3A_236 : vector<16xi32>
      %add3A_241 = arith.addi %get3A_236, %get3A_236 : vector<16xi32>
      %sub3A_242 = arith.constant 10239 : i32
      %sub3A_243 = vector.broadcast %sub3A_242 : i32 to vector<16xi32>
      %sub3A_244 = arith.subi %add3A_241, %sub3A_243 : vector<16xi32>
      %select_n3A_245 = arith.select %lt3A_239, %add3A_240, %sub3A_244 : vector<16xi1>, vector<16xi32>
      %swap3A_246 = arith.index_cast %while3A_110 : i32 to index
      %swap3A_247 = arith.constant 112 : index
      %swap3A_248 = tpu.vector_load %arg6[%swap3A_246, %swap3A_247] {strides = array<i32>} : memref<79x128xi32, #tpu.memory_space<vmem>>, vector<1x16xi32>,
      %swap3A_249 = vector.shape_cast %swap3A_248 : vector<1x16xi32> to vector<16xi32>
      %swap3A_250 = vector.shape_cast %select_n3A_245 : vector<16xi32> to vector<1x16xi32>
      tpu.vector_store %arg6[%swap3A_246, %swap3A_247], %swap3A_250 {strides = array<i32>} : memref<79x128xi32, #tpu.memory_space<vmem>>, vector<1x16xi32>,
    }
    %while3A_18 = arith.constant 1 : i32
    scf.for %while3A_110 = %while3A_16 to %while3A_12 step %while3A_18  : i32 {
      %get3A = arith.index_cast %while3A_110 : i32 to index
      %get3A_111 = arith.constant 0 : index
      %get3A_112 = tpu.vector_load %arg6[%get3A, %get3A_111] {strides = array<i32>} : memref<79x128xi32, #tpu.memory_space<vmem>>, vector<1x16xi32>,
      %get3A_113 = vector.shape_cast %get3A_112 : vector<1x16xi32> to vector<16xi32>
      %lt3A_114 = arith.constant 5120 : i32
      %lt3A_115 = vector.broadcast %lt3A_114 : i32 to vector<16xi32>
      %lt3A_116 = arith.cmpi slt, %get3A_113, %lt3A_115 : vector<16xi32>
      %add3A_117 = arith.addi %get3A_113, %get3A_113 : vector<16xi32>
      %add3A_118 = arith.addi %get3A_113, %get3A_113 : vector<16xi32>
      %sub3A = arith.constant 10239 : i32
      %sub3A_119 = vector.broadcast %sub3A : i32 to vector<16xi32>
      %sub3A_120 = arith.subi %add3A_118, %sub3A_119 : vector<16xi32>
      %select_n3A = arith.select %lt3A_116, %add3A_117, %sub3A_120 : vector<16xi1>, vector<16xi32>
      %swap3A = arith.index_cast %while3A_110 : i32 to index
      %swap3A_121 = arith.constant 0 : index
      %swap3A_122 = tpu.vector_load %arg6[%swap3A, %swap3A_121] {strides = array<i32>} : memref<79x128xi32, #tpu.memory_space<vmem>>, vector<1x16xi32>,
      %swap3A_123 = vector.shape_cast %swap3A_122 : vector<1x16xi32> to vector<16xi32>
      %swap3A_124 = vector.shape_cast %select_n3A : vector<16xi32> to vector<1x16xi32>
      tpu.vector_store %arg6[%swap3A, %swap3A_121], %swap3A_124 {strides = array<i32>} : memref<79x128xi32, #tpu.memory_space<vmem>>, vector<1x16xi32>,
      %get3A_125 = arith.index_cast %while3A_110 : i32 to index
      %get3A_126 = arith.constant 16 : index
      %get3A_127 = tpu.vector_load %arg6[%get3A_125, %get3A_126] {strides = array<i32>} : memref<79x128xi32, #tpu.memory_space<vmem>>, vector<1x16xi32>,
      %get3A_128 = vector.shape_cast %get3A_127 : vector<1x16xi32> to vector<16xi32>
      %lt3A_129 = arith.constant 5120 : i32
      %lt3A_130 = vector.broadcast %lt3A_129 : i32 to vector<16xi32>
      %lt3A_131 = arith.cmpi slt, %get3A_128, %lt3A_130 : vector<16xi32>
      %add3A_132 = arith.addi %get3A_128, %get3A_128 : vector<16xi32>
      %add3A_133 = arith.addi %get3A_128, %get3A_128 : vector<16xi32>
      %sub3A_134 = arith.constant 10239 : i32
      %sub3A_135 = vector.broadcast %sub3A_134 : i32 to vector<16xi32>
      %sub3A_136 = arith.subi %add3A_133, %sub3A_135 : vector<16xi32>
      %select_n3A_137 = arith.select %lt3A_131, %add3A_132, %sub3A_136 : vector<16xi1>, vector<16xi32>
      %swap3A_138 = arith.index_cast %while3A_110 : i32 to index
      %swap3A_139 = arith.constant 16 : index
      %swap3A_140 = tpu.vector_load %arg6[%swap3A_138, %swap3A_139] {strides = array<i32>} : memref<79x128xi32, #tpu.memory_space<vmem>>, vector<1x16xi32>,
      %swap3A_141 = vector.shape_cast %swap3A_140 : vector<1x16xi32> to vector<16xi32>
      %swap3A_142 = vector.shape_cast %select_n3A_137 : vector<16xi32> to vector<1x16xi32>
      tpu.vector_store %arg6[%swap3A_138, %swap3A_139], %swap3A_142 {strides = array<i32>} : memref<79x128xi32, #tpu.memory_space<vmem>>, vector<1x16xi32>,
      %get3A_143 = arith.index_cast %while3A_110 : i32 to index
      %get3A_144 = arith.constant 32 : index
      %get3A_145 = tpu.vector_load %arg6[%get3A_143, %get3A_144] {strides = array<i32>} : memref<79x128xi32, #tpu.memory_space<vmem>>, vector<1x16xi32>,
      %get3A_146 = vector.shape_cast %get3A_145 : vector<1x16xi32> to vector<16xi32>
      %lt3A_147 = arith.constant 5120 : i32
      %lt3A_148 = vector.broadcast %lt3A_147 : i32 to vector<16xi32>
      %lt3A_149 = arith.cmpi slt, %get3A_146, %lt3A_148 : vector<16xi32>
      %add3A_150 = arith.addi %get3A_146, %get3A_146 : vector<16xi32>
      %add3A_151 = arith.addi %get3A_146, %get3A_146 : vector<16xi32>
      %sub3A_152 = arith.constant 10239 : i32
      %sub3A_153 = vector.broadcast %sub3A_152 : i32 to vector<16xi32>
      %sub3A_154 = arith.subi %add3A_151, %sub3A_153 : vector<16xi32>
      %select_n3A_155 = arith.select %lt3A_149, %add3A_150, %sub3A_154 : vector<16xi1>, vector<16xi32>
      %swap3A_156 = arith.index_cast %while3A_110 : i32 to index
      %swap3A_157 = arith.constant 32 : index
      %swap3A_158 = tpu.vector_load %arg6[%swap3A_156, %swap3A_157] {strides = array<i32>} : memref<79x128xi32, #tpu.memory_space<vmem>>, vector<1x16xi32>,
      %swap3A_159 = vector.shape_cast %swap3A_158 : vector<1x16xi32> to vector<16xi32>
      %swap3A_160 = vector.shape_cast %select_n3A_155 : vector<16xi32> to vector<1x16xi32>
      tpu.vector_store %arg6[%swap3A_156, %swap3A_157], %swap3A_160 {strides = array<i32>} : memref<79x128xi32, #tpu.memory_space<vmem>>, vector<1x16xi32>,
      %get3A_161 = arith.index_cast %while3A_110 : i32 to index
      %get3A_162 = arith.constant 48 : index
      %get3A_163 = tpu.vector_load %arg6[%get3A_161, %get3A_162] {strides = array<i32>} : memref<79x128xi32, #tpu.memory_space<vmem>>, vector<1x16xi32>,
      %get3A_164 = vector.shape_cast %get3A_163 : vector<1x16xi32> to vector<16xi32>
      %lt3A_165 = arith.constant 5120 : i32
      %lt3A_166 = vector.broadcast %lt3A_165 : i32 to vector<16xi32>
      %lt3A_167 = arith.cmpi slt, %get3A_164, %lt3A_166 : vector<16xi32>
      %add3A_168 = arith.addi %get3A_164, %get3A_164 : vector<16xi32>
      %add3A_169 = arith.addi %get3A_164, %get3A_164 : vector<16xi32>
      %sub3A_170 = arith.constant 10239 : i32
      %sub3A_171 = vector.broadcast %sub3A_170 : i32 to vector<16xi32>
      %sub3A_172 = arith.subi %add3A_169, %sub3A_171 : vector<16xi32>
      %select_n3A_173 = arith.select %lt3A_167, %add3A_168, %sub3A_172 : vector<16xi1>, vector<16xi32>
      %swap3A_174 = arith.index_cast %while3A_110 : i32 to index
      %swap3A_175 = arith.constant 48 : index
      %swap3A_176 = tpu.vector_load %arg6[%swap3A_174, %swap3A_175] {strides = array<i32>} : memref<79x128xi32, #tpu.memory_space<vmem>>, vector<1x16xi32>,
      %swap3A_177 = vector.shape_cast %swap3A_176 : vector<1x16xi32> to vector<16xi32>
      %swap3A_178 = vector.shape_cast %select_n3A_173 : vector<16xi32> to vector<1x16xi32>
      tpu.vector_store %arg6[%swap3A_174, %swap3A_175], %swap3A_178 {strides = array<i32>} : memref<79x128xi32, #tpu.memory_space<vmem>>, vector<1x16xi32>,
      %get3A_179 = arith.index_cast %while3A_110 : i32 to index
      %get3A_180 = arith.constant 64 : index
      %get3A_181 = tpu.vector_load %arg6[%get3A_179, %get3A_180] {strides = array<i32>} : memref<79x128xi32, #tpu.memory_space<vmem>>, vector<1x16xi32>,
      %get3A_182 = vector.shape_cast %get3A_181 : vector<1x16xi32> to vector<16xi32>
      %lt3A_183 = arith.constant 5120 : i32
      %lt3A_184 = vector.broadcast %lt3A_183 : i32 to vector<16xi32>
      %lt3A_185 = arith.cmpi slt, %get3A_182, %lt3A_184 : vector<16xi32>
      %add3A_186 = arith.addi %get3A_182, %get3A_182 : vector<16xi32>
      %add3A_187 = arith.addi %get3A_182, %get3A_182 : vector<16xi32>
      %sub3A_188 = arith.constant 10239 : i32
      %sub3A_189 = vector.broadcast %sub3A_188 : i32 to vector<16xi32>
      %sub3A_190 = arith.subi %add3A_187, %sub3A_189 : vector<16xi32>
      %select_n3A_191 = arith.select %lt3A_185, %add3A_186, %sub3A_190 : vector<16xi1>, vector<16xi32>
      %swap3A_192 = arith.index_cast %while3A_110 : i32 to index
      %swap3A_193 = arith.constant 64 : index
      %swap3A_194 = tpu.vector_load %arg6[%swap3A_192, %swap3A_193] {strides = array<i32>} : memref<79x128xi32, #tpu.memory_space<vmem>>, vector<1x16xi32>,
      %swap3A_195 = vector.shape_cast %swap3A_194 : vector<1x16xi32> to vector<16xi32>
      %swap3A_196 = vector.shape_cast %select_n3A_191 : vector<16xi32> to vector<1x16xi32>
      tpu.vector_store %arg6[%swap3A_192, %swap3A_193], %swap3A_196 {strides = array<i32>} : memref<79x128xi32, #tpu.memory_space<vmem>>, vector<1x16xi32>,
      %get3A_197 = arith.index_cast %while3A_110 : i32 to index
      %get3A_198 = arith.constant 80 : index
      %get3A_199 = tpu.vector_load %arg6[%get3A_197, %get3A_198] {strides = array<i32>} : memref<79x128xi32, #tpu.memory_space<vmem>>, vector<1x16xi32>,
      %get3A_200 = vector.shape_cast %get3A_199 : vector<1x16xi32> to vector<16xi32>
      %lt3A_201 = arith.constant 5120 : i32
      %lt3A_202 = vector.broadcast %lt3A_201 : i32 to vector<16xi32>
      %lt3A_203 = arith.cmpi slt, %get3A_200, %lt3A_202 : vector<16xi32>
      %add3A_204 = arith.addi %get3A_200, %get3A_200 : vector<16xi32>
      %add3A_205 = arith.addi %get3A_200, %get3A_200 : vector<16xi32>
      %sub3A_206 = arith.constant 10239 : i32
      %sub3A_207 = vector.broadcast %sub3A_206 : i32 to vector<16xi32>
      %sub3A_208 = arith.subi %add3A_205, %sub3A_207 : vector<16xi32>
      %select_n3A_209 = arith.select %lt3A_203, %add3A_204, %sub3A_208 : vector<16xi1>, vector<16xi32>
      %swap3A_210 = arith.index_cast %while3A_110 : i32 to index
      %swap3A_211 = arith.constant 80 : index
      %swap3A_212 = tpu.vector_load %arg6[%swap3A_210, %swap3A_211] {strides = array<i32>} : memref<79x128xi32, #tpu.memory_space<vmem>>, vector<1x16xi32>,
      %swap3A_213 = vector.shape_cast %swap3A_212 : vector<1x16xi32> to vector<16xi32>
      %swap3A_214 = vector.shape_cast %select_n3A_209 : vector<16xi32> to vector<1x16xi32>
      tpu.vector_store %arg6[%swap3A_210, %swap3A_211], %swap3A_214 {strides = array<i32>} : memref<79x128xi32, #tpu.memory_space<vmem>>, vector<1x16xi32>,
      %get3A_215 = arith.index_cast %while3A_110 : i32 to index
      %get3A_216 = arith.constant 96 : index
      %get3A_217 = tpu.vector_load %arg6[%get3A_215, %get3A_216] {strides = array<i32>} : memref<79x128xi32, #tpu.memory_space<vmem>>, vector<1x16xi32>,
      %get3A_218 = vector.shape_cast %get3A_217 : vector<1x16xi32> to vector<16xi32>
      %lt3A_219 = arith.constant 5120 : i32
      %lt3A_220 = vector.broadcast %lt3A_219 : i32 to vector<16xi32>
      %lt3A_221 = arith.cmpi slt, %get3A_218, %lt3A_220 : vector<16xi32>
      %add3A_222 = arith.addi %get3A_218, %get3A_218 : vector<16xi32>
      %add3A_223 = arith.addi %get3A_218, %get3A_218 : vector<16xi32>
      %sub3A_224 = arith.constant 10239 : i32
      %sub3A_225 = vector.broadcast %sub3A_224 : i32 to vector<16xi32>
      %sub3A_226 = arith.subi %add3A_223, %sub3A_225 : vector<16xi32>
      %select_n3A_227 = arith.select %lt3A_221, %add3A_222, %sub3A_226 : vector<16xi1>, vector<16xi32>
      %swap3A_228 = arith.index_cast %while3A_110 : i32 to index
      %swap3A_229 = arith.constant 96 : index
      %swap3A_230 = tpu.vector_load %arg6[%swap3A_228, %swap3A_229] {strides = array<i32>} : memref<79x128xi32, #tpu.memory_space<vmem>>, vector<1x16xi32>,
      %swap3A_231 = vector.shape_cast %swap3A_230 : vector<1x16xi32> to vector<16xi32>
      %swap3A_232 = vector.shape_cast %select_n3A_227 : vector<16xi32> to vector<1x16xi32>
      tpu.vector_store %arg6[%swap3A_228, %swap3A_229], %swap3A_232 {strides = array<i32>} : memref<79x128xi32, #tpu.memory_space<vmem>>, vector<1x16xi32>,
      %get3A_233 = arith.index_cast %while3A_110 : i32 to index
      %get3A_234 = arith.constant 112 : index
      %get3A_235 = tpu.vector_load %arg6[%get3A_233, %get3A_234] {strides = array<i32>} : memref<79x128xi32, #tpu.memory_space<vmem>>, vector<1x16xi32>,
      %get3A_236 = vector.shape_cast %get3A_235 : vector<1x16xi32> to vector<16xi32>
      %lt3A_237 = arith.constant 5120 : i32
      %lt3A_238 = vector.broadcast %lt3A_237 : i32 to vector<16xi32>
      %lt3A_239 = arith.cmpi slt, %get3A_236, %lt3A_238 : vector<16xi32>
      %add3A_240 = arith.addi %get3A_236, %get3A_236 : vector<16xi32>
      %add3A_241 = arith.addi %get3A_236, %get3A_236 : vector<16xi32>
      %sub3A_242 = arith.constant 10239 : i32
      %sub3A_243 = vector.broadcast %sub3A_242 : i32 to vector<16xi32>
      %sub3A_244 = arith.subi %add3A_241, %sub3A_243 : vector<16xi32>
      %select_n3A_245 = arith.select %lt3A_239, %add3A_240, %sub3A_244 : vector<16xi1>, vector<16xi32>
      %swap3A_246 = arith.index_cast %while3A_110 : i32 to index
      %swap3A_247 = arith.constant 112 : index
      %swap3A_248 = tpu.vector_load %arg6[%swap3A_246, %swap3A_247] {strides = array<i32>} : memref<79x128xi32, #tpu.memory_space<vmem>>, vector<1x16xi32>,
      %swap3A_249 = vector.shape_cast %swap3A_248 : vector<1x16xi32> to vector<16xi32>
      %swap3A_250 = vector.shape_cast %select_n3A_245 : vector<16xi32> to vector<1x16xi32>
      tpu.vector_store %arg6[%swap3A_246, %swap3A_247], %swap3A_250 {strides = array<i32>} : memref<79x128xi32, #tpu.memory_space<vmem>>, vector<1x16xi32>,
    }
    %barrier3A = arith.constant 0 : index
    tpu.barrier barrier_id(%barrier3A)
    %scan3A = arith.constant 0 : i32
    %scan3A_19 = arith.constant 0 : i32
    %scan3A_20 = arith.constant 9 : i32
    %scan3A_21 = arith.addi %scan3A_19, %scan3A_20 : i32
    %scan3A_22 = arith.constant 1 : i32
    scf.for %scan3A_110 = %scan3A_19 to %scan3A_21 step %scan3A_22  : i32 {
      %mul3A_111 = arith.constant 8 : i32
      %mul3A_112 = arith.muli %scan3A_110, %mul3A_111 : i32
      %add3A_113 = arith.constant 0 : i32
      %add3A_114 = arith.addi %mul3A_112, %add3A_113 : i32
      %dma_start3A_115 = arith.constant 0 : i32
      %dma_start3A_116 = tpu.memref_slice %arg6[%add3A_114, %dma_start3A_115] : memref<79x128xi32, #tpu.memory_space<vmem>> -> memref<1x128xi32, #tpu.memory_space<vmem>>
      %dma_start3A_117 = tpu.memref_squeeze %dma_start3A_116 : memref<1x128xi32, #tpu.memory_space<vmem>> -> memref<128xi32, #tpu.memory_space<vmem>>
      %dma_start3A_118 = arith.constant 0 : i32
      %dma_start3A_119 = arith.constant 0 : i32
      %dma_start3A_120 = tpu.memref_slice %arg8[%dma_start3A_118, %dma_start3A_119] : memref<10240x16xf32, #tpu.memory_space<vmem_shared>> -> memref<10240x16xf32, #tpu.memory_space<vmem_shared>>
      tpu.enqueue_indirect_dma source(%arg7 : memref<128x16xf32, #tpu.memory_space<vmem>>) target(%dma_start3A_120 : memref<10240x16xf32, #tpu.memory_space<vmem_shared>>) offsets(%dma_start3A_117 : memref<128xi32, #tpu.memory_space<vmem>>) semaphore(%arg9 : memref<!tpu.dma_semaphore, #tpu.memory_space<semaphore_mem>>) {add = true}
      %add3A_121 = arith.constant 1 : i32
      %add3A_122 = arith.addi %mul3A_112, %add3A_121 : i32
      %dma_start3A_123 = arith.constant 0 : i32
      %dma_start3A_124 = tpu.memref_slice %arg6[%add3A_122, %dma_start3A_123] : memref<79x128xi32, #tpu.memory_space<vmem>> -> memref<1x128xi32, #tpu.memory_space<vmem>>
      %dma_start3A_125 = tpu.memref_squeeze %dma_start3A_124 : memref<1x128xi32, #tpu.memory_space<vmem>> -> memref<128xi32, #tpu.memory_space<vmem>>
      %dma_start3A_126 = arith.constant 0 : i32
      %dma_start3A_127 = arith.constant 0 : i32
      %dma_start3A_128 = tpu.memref_slice %arg8[%dma_start3A_126, %dma_start3A_127] : memref<10240x16xf32, #tpu.memory_space<vmem_shared>> -> memref<10240x16xf32, #tpu.memory_space<vmem_shared>>
      tpu.enqueue_indirect_dma source(%arg7 : memref<128x16xf32, #tpu.memory_space<vmem>>) target(%dma_start3A_128 : memref<10240x16xf32, #tpu.memory_space<vmem_shared>>) offsets(%dma_start3A_125 : memref<128xi32, #tpu.memory_space<vmem>>) semaphore(%arg10 : memref<!tpu.dma_semaphore, #tpu.memory_space<semaphore_mem>>) {add = true}
      %add3A_129 = arith.constant 2 : i32
      %add3A_130 = arith.addi %mul3A_112, %add3A_129 : i32
      %dma_start3A_131 = arith.constant 0 : i32
      %dma_start3A_132 = tpu.memref_slice %arg6[%add3A_130, %dma_start3A_131] : memref<79x128xi32, #tpu.memory_space<vmem>> -> memref<1x128xi32, #tpu.memory_space<vmem>>
      %dma_start3A_133 = tpu.memref_squeeze %dma_start3A_132 : memref<1x128xi32, #tpu.memory_space<vmem>> -> memref<128xi32, #tpu.memory_space<vmem>>
      %dma_start3A_134 = arith.constant 0 : i32
      %dma_start3A_135 = arith.constant 0 : i32
      %dma_start3A_136 = tpu.memref_slice %arg8[%dma_start3A_134, %dma_start3A_135] : memref<10240x16xf32, #tpu.memory_space<vmem_shared>> -> memref<10240x16xf32, #tpu.memory_space<vmem_shared>>
      tpu.enqueue_indirect_dma source(%arg7 : memref<128x16xf32, #tpu.memory_space<vmem>>) target(%dma_start3A_136 : memref<10240x16xf32, #tpu.memory_space<vmem_shared>>) offsets(%dma_start3A_133 : memref<128xi32, #tpu.memory_space<vmem>>) semaphore(%arg11 : memref<!tpu.dma_semaphore, #tpu.memory_space<semaphore_mem>>) {add = true}
      %add3A_137 = arith.constant 3 : i32
      %add3A_138 = arith.addi %mul3A_112, %add3A_137 : i32
      %dma_start3A_139 = arith.constant 0 : i32
      %dma_start3A_140 = tpu.memref_slice %arg6[%add3A_138, %dma_start3A_139] : memref<79x128xi32, #tpu.memory_space<vmem>> -> memref<1x128xi32, #tpu.memory_space<vmem>>
      %dma_start3A_141 = tpu.memref_squeeze %dma_start3A_140 : memref<1x128xi32, #tpu.memory_space<vmem>> -> memref<128xi32, #tpu.memory_space<vmem>>
      %dma_start3A_142 = arith.constant 0 : i32
      %dma_start3A_143 = arith.constant 0 : i32
      %dma_start3A_144 = tpu.memref_slice %arg8[%dma_start3A_142, %dma_start3A_143] : memref<10240x16xf32, #tpu.memory_space<vmem_shared>> -> memref<10240x16xf32, #tpu.memory_space<vmem_shared>>
      tpu.enqueue_indirect_dma source(%arg7 : memref<128x16xf32, #tpu.memory_space<vmem>>) target(%dma_start3A_144 : memref<10240x16xf32, #tpu.memory_space<vmem_shared>>) offsets(%dma_start3A_141 : memref<128xi32, #tpu.memory_space<vmem>>) semaphore(%arg12 : memref<!tpu.dma_semaphore, #tpu.memory_space<semaphore_mem>>) {add = true}
      %add3A_145 = arith.constant 4 : i32
      %add3A_146 = arith.addi %mul3A_112, %add3A_145 : i32
      %dma_start3A_147 = arith.constant 0 : i32
      %dma_start3A_148 = tpu.memref_slice %arg6[%add3A_146, %dma_start3A_147] : memref<79x128xi32, #tpu.memory_space<vmem>> -> memref<1x128xi32, #tpu.memory_space<vmem>>
      %dma_start3A_149 = tpu.memref_squeeze %dma_start3A_148 : memref<1x128xi32, #tpu.memory_space<vmem>> -> memref<128xi32, #tpu.memory_space<vmem>>
      %dma_start3A_150 = arith.constant 0 : i32
      %dma_start3A_151 = arith.constant 0 : i32
      %dma_start3A_152 = tpu.memref_slice %arg8[%dma_start3A_150, %dma_start3A_151] : memref<10240x16xf32, #tpu.memory_space<vmem_shared>> -> memref<10240x16xf32, #tpu.memory_space<vmem_shared>>
      tpu.enqueue_indirect_dma source(%arg7 : memref<128x16xf32, #tpu.memory_space<vmem>>) target(%dma_start3A_152 : memref<10240x16xf32, #tpu.memory_space<vmem_shared>>) offsets(%dma_start3A_149 : memref<128xi32, #tpu.memory_space<vmem>>) semaphore(%arg13 : memref<!tpu.dma_semaphore, #tpu.memory_space<semaphore_mem>>) {add = true}
      %add3A_153 = arith.constant 5 : i32
      %add3A_154 = arith.addi %mul3A_112, %add3A_153 : i32
      %dma_start3A_155 = arith.constant 0 : i32
      %dma_start3A_156 = tpu.memref_slice %arg6[%add3A_154, %dma_start3A_155] : memref<79x128xi32, #tpu.memory_space<vmem>> -> memref<1x128xi32, #tpu.memory_space<vmem>>
      %dma_start3A_157 = tpu.memref_squeeze %dma_start3A_156 : memref<1x128xi32, #tpu.memory_space<vmem>> -> memref<128xi32, #tpu.memory_space<vmem>>
      %dma_start3A_158 = arith.constant 0 : i32
      %dma_start3A_159 = arith.constant 0 : i32
      %dma_start3A_160 = tpu.memref_slice %arg8[%dma_start3A_158, %dma_start3A_159] : memref<10240x16xf32, #tpu.memory_space<vmem_shared>> -> memref<10240x16xf32, #tpu.memory_space<vmem_shared>>
      tpu.enqueue_indirect_dma source(%arg7 : memref<128x16xf32, #tpu.memory_space<vmem>>) target(%dma_start3A_160 : memref<10240x16xf32, #tpu.memory_space<vmem_shared>>) offsets(%dma_start3A_157 : memref<128xi32, #tpu.memory_space<vmem>>) semaphore(%arg14 : memref<!tpu.dma_semaphore, #tpu.memory_space<semaphore_mem>>) {add = true}
      %add3A_161 = arith.constant 6 : i32
      %add3A_162 = arith.addi %mul3A_112, %add3A_161 : i32
      %dma_start3A_163 = arith.constant 0 : i32
      %dma_start3A_164 = tpu.memref_slice %arg6[%add3A_162, %dma_start3A_163] : memref<79x128xi32, #tpu.memory_space<vmem>> -> memref<1x128xi32, #tpu.memory_space<vmem>>
      %dma_start3A_165 = tpu.memref_squeeze %dma_start3A_164 : memref<1x128xi32, #tpu.memory_space<vmem>> -> memref<128xi32, #tpu.memory_space<vmem>>
      %dma_start3A_166 = arith.constant 0 : i32
      %dma_start3A_167 = arith.constant 0 : i32
      %dma_start3A_168 = tpu.memref_slice %arg8[%dma_start3A_166, %dma_start3A_167] : memref<10240x16xf32, #tpu.memory_space<vmem_shared>> -> memref<10240x16xf32, #tpu.memory_space<vmem_shared>>
      tpu.enqueue_indirect_dma source(%arg7 : memref<128x16xf32, #tpu.memory_space<vmem>>) target(%dma_start3A_168 : memref<10240x16xf32, #tpu.memory_space<vmem_shared>>) offsets(%dma_start3A_165 : memref<128xi32, #tpu.memory_space<vmem>>) semaphore(%arg15 : memref<!tpu.dma_semaphore, #tpu.memory_space<semaphore_mem>>) {add = true}
      %add3A_169 = arith.constant 7 : i32
      %add3A_170 = arith.addi %mul3A_112, %add3A_169 : i32
      %dma_start3A_171 = arith.constant 0 : i32
      %dma_start3A_172 = tpu.memref_slice %arg6[%add3A_170, %dma_start3A_171] : memref<79x128xi32, #tpu.memory_space<vmem>> -> memref<1x128xi32, #tpu.memory_space<vmem>>
      %dma_start3A_173 = tpu.memref_squeeze %dma_start3A_172 : memref<1x128xi32, #tpu.memory_space<vmem>> -> memref<128xi32, #tpu.memory_space<vmem>>
      %dma_start3A_174 = arith.constant 0 : i32
      %dma_start3A_175 = arith.constant 0 : i32
      %dma_start3A_176 = tpu.memref_slice %arg8[%dma_start3A_174, %dma_start3A_175] : memref<10240x16xf32, #tpu.memory_space<vmem_shared>> -> memref<10240x16xf32, #tpu.memory_space<vmem_shared>>
      tpu.enqueue_indirect_dma source(%arg7 : memref<128x16xf32, #tpu.memory_space<vmem>>) target(%dma_start3A_176 : memref<10240x16xf32, #tpu.memory_space<vmem_shared>>) offsets(%dma_start3A_173 : memref<128xi32, #tpu.memory_space<vmem>>) semaphore(%arg16 : memref<!tpu.dma_semaphore, #tpu.memory_space<semaphore_mem>>) {add = true}
      %dma_wait3A_177 = arith.constant 0 : i32
      %dma_wait3A_178 = tpu.memref_slice %arg6[%add3A_114, %dma_wait3A_177] : memref<79x128xi32, #tpu.memory_space<vmem>> -> memref<1x128xi32, #tpu.memory_space<vmem>>
      %dma_wait3A_179 = tpu.memref_squeeze %dma_wait3A_178 : memref<1x128xi32, #tpu.memory_space<vmem>> -> memref<128xi32, #tpu.memory_space<vmem>>
      %dma_wait3A_180 = arith.constant 0 : i32
      %dma_wait3A_181 = arith.constant 0 : i32
      %dma_wait3A_182 = tpu.memref_slice %arg8[%dma_wait3A_180, %dma_wait3A_181] : memref<10240x16xf32, #tpu.memory_space<vmem_shared>> -> memref<10240x16xf32, #tpu.memory_space<vmem_shared>>
      tpu.wait_indirect_dma semaphore(%arg9 : memref<!tpu.dma_semaphore, #tpu.memory_space<semaphore_mem>>) src(%arg7 : memref<128x16xf32, #tpu.memory_space<vmem>>) dst(%dma_wait3A_182 : memref<10240x16xf32, #tpu.memory_space<vmem_shared>>)
      %dma_wait3A_183 = arith.constant 0 : i32
      %dma_wait3A_184 = tpu.memref_slice %arg6[%add3A_122, %dma_wait3A_183] : memref<79x128xi32, #tpu.memory_space<vmem>> -> memref<1x128xi32, #tpu.memory_space<vmem>>
      %dma_wait3A_185 = tpu.memref_squeeze %dma_wait3A_184 : memref<1x128xi32, #tpu.memory_space<vmem>> -> memref<128xi32, #tpu.memory_space<vmem>>
      %dma_wait3A_186 = arith.constant 0 : i32
      %dma_wait3A_187 = arith.constant 0 : i32
      %dma_wait3A_188 = tpu.memref_slice %arg8[%dma_wait3A_186, %dma_wait3A_187] : memref<10240x16xf32, #tpu.memory_space<vmem_shared>> -> memref<10240x16xf32, #tpu.memory_space<vmem_shared>>
      tpu.wait_indirect_dma semaphore(%arg10 : memref<!tpu.dma_semaphore, #tpu.memory_space<semaphore_mem>>) src(%arg7 : memref<128x16xf32, #tpu.memory_space<vmem>>) dst(%dma_wait3A_188 : memref<10240x16xf32, #tpu.memory_space<vmem_shared>>)
      %dma_wait3A_189 = arith.constant 0 : i32
      %dma_wait3A_190 = tpu.memref_slice %arg6[%add3A_130, %dma_wait3A_189] : memref<79x128xi32, #tpu.memory_space<vmem>> -> memref<1x128xi32, #tpu.memory_space<vmem>>
      %dma_wait3A_191 = tpu.memref_squeeze %dma_wait3A_190 : memref<1x128xi32, #tpu.memory_space<vmem>> -> memref<128xi32, #tpu.memory_space<vmem>>
      %dma_wait3A_192 = arith.constant 0 : i32
      %dma_wait3A_193 = arith.constant 0 : i32
      %dma_wait3A_194 = tpu.memref_slice %arg8[%dma_wait3A_192, %dma_wait3A_193] : memref<10240x16xf32, #tpu.memory_space<vmem_shared>> -> memref<10240x16xf32, #tpu.memory_space<vmem_shared>>
      tpu.wait_indirect_dma semaphore(%arg11 : memref<!tpu.dma_semaphore, #tpu.memory_space<semaphore_mem>>) src(%arg7 : memref<128x16xf32, #tpu.memory_space<vmem>>) dst(%dma_wait3A_194 : memref<10240x16xf32, #tpu.memory_space<vmem_shared>>)
      %dma_wait3A_195 = arith.constant 0 : i32
      %dma_wait3A_196 = tpu.memref_slice %arg6[%add3A_138, %dma_wait3A_195] : memref<79x128xi32, #tpu.memory_space<vmem>> -> memref<1x128xi32, #tpu.memory_space<vmem>>
      %dma_wait3A_197 = tpu.memref_squeeze %dma_wait3A_196 : memref<1x128xi32, #tpu.memory_space<vmem>> -> memref<128xi32, #tpu.memory_space<vmem>>
      %dma_wait3A_198 = arith.constant 0 : i32
      %dma_wait3A_199 = arith.constant 0 : i32
      %dma_wait3A_200 = tpu.memref_slice %arg8[%dma_wait3A_198, %dma_wait3A_199] : memref<10240x16xf32, #tpu.memory_space<vmem_shared>> -> memref<10240x16xf32, #tpu.memory_space<vmem_shared>>
      tpu.wait_indirect_dma semaphore(%arg12 : memref<!tpu.dma_semaphore, #tpu.memory_space<semaphore_mem>>) src(%arg7 : memref<128x16xf32, #tpu.memory_space<vmem>>) dst(%dma_wait3A_200 : memref<10240x16xf32, #tpu.memory_space<vmem_shared>>)
      %dma_wait3A_201 = arith.constant 0 : i32
      %dma_wait3A_202 = tpu.memref_slice %arg6[%add3A_146, %dma_wait3A_201] : memref<79x128xi32, #tpu.memory_space<vmem>> -> memref<1x128xi32, #tpu.memory_space<vmem>>
      %dma_wait3A_203 = tpu.memref_squeeze %dma_wait3A_202 : memref<1x128xi32, #tpu.memory_space<vmem>> -> memref<128xi32, #tpu.memory_space<vmem>>
      %dma_wait3A_204 = arith.constant 0 : i32
      %dma_wait3A_205 = arith.constant 0 : i32
      %dma_wait3A_206 = tpu.memref_slice %arg8[%dma_wait3A_204, %dma_wait3A_205] : memref<10240x16xf32, #tpu.memory_space<vmem_shared>> -> memref<10240x16xf32, #tpu.memory_space<vmem_shared>>
      tpu.wait_indirect_dma semaphore(%arg13 : memref<!tpu.dma_semaphore, #tpu.memory_space<semaphore_mem>>) src(%arg7 : memref<128x16xf32, #tpu.memory_space<vmem>>) dst(%dma_wait3A_206 : memref<10240x16xf32, #tpu.memory_space<vmem_shared>>)
      %dma_wait3A_207 = arith.constant 0 : i32
      %dma_wait3A_208 = tpu.memref_slice %arg6[%add3A_154, %dma_wait3A_207] : memref<79x128xi32, #tpu.memory_space<vmem>> -> memref<1x128xi32, #tpu.memory_space<vmem>>
      %dma_wait3A_209 = tpu.memref_squeeze %dma_wait3A_208 : memref<1x128xi32, #tpu.memory_space<vmem>> -> memref<128xi32, #tpu.memory_space<vmem>>
      %dma_wait3A_210 = arith.constant 0 : i32
      %dma_wait3A_211 = arith.constant 0 : i32
      %dma_wait3A_212 = tpu.memref_slice %arg8[%dma_wait3A_210, %dma_wait3A_211] : memref<10240x16xf32, #tpu.memory_space<vmem_shared>> -> memref<10240x16xf32, #tpu.memory_space<vmem_shared>>
      tpu.wait_indirect_dma semaphore(%arg14 : memref<!tpu.dma_semaphore, #tpu.memory_space<semaphore_mem>>) src(%arg7 : memref<128x16xf32, #tpu.memory_space<vmem>>) dst(%dma_wait3A_212 : memref<10240x16xf32, #tpu.memory_space<vmem_shared>>)
      %dma_wait3A_213 = arith.constant 0 : i32
      %dma_wait3A_214 = tpu.memref_slice %arg6[%add3A_162, %dma_wait3A_213] : memref<79x128xi32, #tpu.memory_space<vmem>> -> memref<1x128xi32, #tpu.memory_space<vmem>>
      %dma_wait3A_215 = tpu.memref_squeeze %dma_wait3A_214 : memref<1x128xi32, #tpu.memory_space<vmem>> -> memref<128xi32, #tpu.memory_space<vmem>>
      %dma_wait3A_216 = arith.constant 0 : i32
      %dma_wait3A_217 = arith.constant 0 : i32
      %dma_wait3A_218 = tpu.memref_slice %arg8[%dma_wait3A_216, %dma_wait3A_217] : memref<10240x16xf32, #tpu.memory_space<vmem_shared>> -> memref<10240x16xf32, #tpu.memory_space<vmem_shared>>
      tpu.wait_indirect_dma semaphore(%arg15 : memref<!tpu.dma_semaphore, #tpu.memory_space<semaphore_mem>>) src(%arg7 : memref<128x16xf32, #tpu.memory_space<vmem>>) dst(%dma_wait3A_218 : memref<10240x16xf32, #tpu.memory_space<vmem_shared>>)
      %dma_wait3A_219 = arith.constant 0 : i32
      %dma_wait3A_220 = tpu.memref_slice %arg6[%add3A_170, %dma_wait3A_219] : memref<79x128xi32, #tpu.memory_space<vmem>> -> memref<1x128xi32, #tpu.memory_space<vmem>>
      %dma_wait3A_221 = tpu.memref_squeeze %dma_wait3A_220 : memref<1x128xi32, #tpu.memory_space<vmem>> -> memref<128xi32, #tpu.memory_space<vmem>>
      %dma_wait3A_222 = arith.constant 0 : i32
      %dma_wait3A_223 = arith.constant 0 : i32
      %dma_wait3A_224 = tpu.memref_slice %arg8[%dma_wait3A_222, %dma_wait3A_223] : memref<10240x16xf32, #tpu.memory_space<vmem_shared>> -> memref<10240x16xf32, #tpu.memory_space<vmem_shared>>
      tpu.wait_indirect_dma semaphore(%arg16 : memref<!tpu.dma_semaphore, #tpu.memory_space<semaphore_mem>>) src(%arg7 : memref<128x16xf32, #tpu.memory_space<vmem>>) dst(%dma_wait3A_224 : memref<10240x16xf32, #tpu.memory_space<vmem_shared>>)
    }
    %scan3A_23 = arith.constant 9 : i32
    %dma_start3A = arith.constant 72 : i32
    %dma_start3A_24 = arith.constant 0 : i32
    %dma_start3A_25 = tpu.memref_slice %arg6[%dma_start3A, %dma_start3A_24] : memref<79x128xi32, #tpu.memory_space<vmem>> -> memref<1x128xi32, #tpu.memory_space<vmem>>
    %dma_start3A_26 = tpu.memref_squeeze %dma_start3A_25 : memref<1x128xi32, #tpu.memory_space<vmem>> -> memref<128xi32, #tpu.memory_space<vmem>>
    %dma_start3A_27 = arith.constant 0 : i32
    %dma_start3A_28 = arith.constant 0 : i32
    %dma_start3A_29 = tpu.memref_slice %arg8[%dma_start3A_27, %dma_start3A_28] : memref<10240x16xf32, #tpu.memory_space<vmem_shared>> -> memref<10240x16xf32, #tpu.memory_space<vmem_shared>>
    tpu.enqueue_indirect_dma source(%arg7 : memref<128x16xf32, #tpu.memory_space<vmem>>) target(%dma_start3A_29 : memref<10240x16xf32, #tpu.memory_space<vmem_shared>>) offsets(%dma_start3A_26 : memref<128xi32, #tpu.memory_space<vmem>>) semaphore(%arg9 : memref<!tpu.dma_semaphore, #tpu.memory_space<semaphore_mem>>) {add = true}
    %dma_start3A_30 = arith.constant 73 : i32
    %dma_start3A_31 = arith.constant 0 : i32
    %dma_start3A_32 = tpu.memref_slice %arg6[%dma_start3A_30, %dma_start3A_31] : memref<79x128xi32, #tpu.memory_space<vmem>> -> memref<1x128xi32, #tpu.memory_space<vmem>>
    %dma_start3A_33 = tpu.memref_squeeze %dma_start3A_32 : memref<1x128xi32, #tpu.memory_space<vmem>> -> memref<128xi32, #tpu.memory_space<vmem>>
    %dma_start3A_34 = arith.constant 0 : i32
    %dma_start3A_35 = arith.constant 0 : i32
    %dma_start3A_36 = tpu.memref_slice %arg8[%dma_start3A_34, %dma_start3A_35] : memref<10240x16xf32, #tpu.memory_space<vmem_shared>> -> memref<10240x16xf32, #tpu.memory_space<vmem_shared>>
    tpu.enqueue_indirect_dma source(%arg7 : memref<128x16xf32, #tpu.memory_space<vmem>>) target(%dma_start3A_36 : memref<10240x16xf32, #tpu.memory_space<vmem_shared>>) offsets(%dma_start3A_33 : memref<128xi32, #tpu.memory_space<vmem>>) semaphore(%arg10 : memref<!tpu.dma_semaphore, #tpu.memory_space<semaphore_mem>>) {add = true}
    %dma_start3A_37 = arith.constant 74 : i32
    %dma_start3A_38 = arith.constant 0 : i32
    %dma_start3A_39 = tpu.memref_slice %arg6[%dma_start3A_37, %dma_start3A_38] : memref<79x128xi32, #tpu.memory_space<vmem>> -> memref<1x128xi32, #tpu.memory_space<vmem>>
    %dma_start3A_40 = tpu.memref_squeeze %dma_start3A_39 : memref<1x128xi32, #tpu.memory_space<vmem>> -> memref<128xi32, #tpu.memory_space<vmem>>
    %dma_start3A_41 = arith.constant 0 : i32
    %dma_start3A_42 = arith.constant 0 : i32
    %dma_start3A_43 = tpu.memref_slice %arg8[%dma_start3A_41, %dma_start3A_42] : memref<10240x16xf32, #tpu.memory_space<vmem_shared>> -> memref<10240x16xf32, #tpu.memory_space<vmem_shared>>
    tpu.enqueue_indirect_dma source(%arg7 : memref<128x16xf32, #tpu.memory_space<vmem>>) target(%dma_start3A_43 : memref<10240x16xf32, #tpu.memory_space<vmem_shared>>) offsets(%dma_start3A_40 : memref<128xi32, #tpu.memory_space<vmem>>) semaphore(%arg11 : memref<!tpu.dma_semaphore, #tpu.memory_space<semaphore_mem>>) {add = true}
    %dma_start3A_44 = arith.constant 75 : i32
    %dma_start3A_45 = arith.constant 0 : i32
    %dma_start3A_46 = tpu.memref_slice %arg6[%dma_start3A_44, %dma_start3A_45] : memref<79x128xi32, #tpu.memory_space<vmem>> -> memref<1x128xi32, #tpu.memory_space<vmem>>
    %dma_start3A_47 = tpu.memref_squeeze %dma_start3A_46 : memref<1x128xi32, #tpu.memory_space<vmem>> -> memref<128xi32, #tpu.memory_space<vmem>>
    %dma_start3A_48 = arith.constant 0 : i32
    %dma_start3A_49 = arith.constant 0 : i32
    %dma_start3A_50 = tpu.memref_slice %arg8[%dma_start3A_48, %dma_start3A_49] : memref<10240x16xf32, #tpu.memory_space<vmem_shared>> -> memref<10240x16xf32, #tpu.memory_space<vmem_shared>>
    tpu.enqueue_indirect_dma source(%arg7 : memref<128x16xf32, #tpu.memory_space<vmem>>) target(%dma_start3A_50 : memref<10240x16xf32, #tpu.memory_space<vmem_shared>>) offsets(%dma_start3A_47 : memref<128xi32, #tpu.memory_space<vmem>>) semaphore(%arg12 : memref<!tpu.dma_semaphore, #tpu.memory_space<semaphore_mem>>) {add = true}
    %dma_start3A_51 = arith.constant 76 : i32
    %dma_start3A_52 = arith.constant 0 : i32
    %dma_start3A_53 = tpu.memref_slice %arg6[%dma_start3A_51, %dma_start3A_52] : memref<79x128xi32, #tpu.memory_space<vmem>> -> memref<1x128xi32, #tpu.memory_space<vmem>>
    %dma_start3A_54 = tpu.memref_squeeze %dma_start3A_53 : memref<1x128xi32, #tpu.memory_space<vmem>> -> memref<128xi32, #tpu.memory_space<vmem>>
    %dma_start3A_55 = arith.constant 0 : i32
    %dma_start3A_56 = arith.constant 0 : i32
    %dma_start3A_57 = tpu.memref_slice %arg8[%dma_start3A_55, %dma_start3A_56] : memref<10240x16xf32, #tpu.memory_space<vmem_shared>> -> memref<10240x16xf32, #tpu.memory_space<vmem_shared>>
    tpu.enqueue_indirect_dma source(%arg7 : memref<128x16xf32, #tpu.memory_space<vmem>>) target(%dma_start3A_57 : memref<10240x16xf32, #tpu.memory_space<vmem_shared>>) offsets(%dma_start3A_54 : memref<128xi32, #tpu.memory_space<vmem>>) semaphore(%arg13 : memref<!tpu.dma_semaphore, #tpu.memory_space<semaphore_mem>>) {add = true}
    %dma_start3A_58 = arith.constant 77 : i32
    %dma_start3A_59 = arith.constant 0 : i32
    %dma_start3A_60 = tpu.memref_slice %arg6[%dma_start3A_58, %dma_start3A_59] : memref<79x128xi32, #tpu.memory_space<vmem>> -> memref<1x128xi32, #tpu.memory_space<vmem>>
    %dma_start3A_61 = tpu.memref_squeeze %dma_start3A_60 : memref<1x128xi32, #tpu.memory_space<vmem>> -> memref<128xi32, #tpu.memory_space<vmem>>
    %dma_start3A_62 = arith.constant 0 : i32
    %dma_start3A_63 = arith.constant 0 : i32
    %dma_start3A_64 = tpu.memref_slice %arg8[%dma_start3A_62, %dma_start3A_63] : memref<10240x16xf32, #tpu.memory_space<vmem_shared>> -> memref<10240x16xf32, #tpu.memory_space<vmem_shared>>
    tpu.enqueue_indirect_dma source(%arg7 : memref<128x16xf32, #tpu.memory_space<vmem>>) target(%dma_start3A_64 : memref<10240x16xf32, #tpu.memory_space<vmem_shared>>) offsets(%dma_start3A_61 : memref<128xi32, #tpu.memory_space<vmem>>) semaphore(%arg14 : memref<!tpu.dma_semaphore, #tpu.memory_space<semaphore_mem>>) {add = true}
    %dma_wait3A = arith.constant 72 : i32
    %dma_wait3A_65 = arith.constant 0 : i32
    %dma_wait3A_66 = tpu.memref_slice %arg6[%dma_wait3A, %dma_wait3A_65] : memref<79x128xi32, #tpu.memory_space<vmem>> -> memref<1x128xi32, #tpu.memory_space<vmem>>
    %dma_wait3A_67 = tpu.memref_squeeze %dma_wait3A_66 : memref<1x128xi32, #tpu.memory_space<vmem>> -> memref<128xi32, #tpu.memory_space<vmem>>
    %dma_wait3A_68 = arith.constant 0 : i32
    %dma_wait3A_69 = arith.constant 0 : i32
    %dma_wait3A_70 = tpu.memref_slice %arg8[%dma_wait3A_68, %dma_wait3A_69] : memref<10240x16xf32, #tpu.memory_space<vmem_shared>> -> memref<10240x16xf32, #tpu.memory_space<vmem_shared>>
    tpu.wait_indirect_dma semaphore(%arg9 : memref<!tpu.dma_semaphore, #tpu.memory_space<semaphore_mem>>) src(%arg7 : memref<128x16xf32, #tpu.memory_space<vmem>>) dst(%dma_wait3A_70 : memref<10240x16xf32, #tpu.memory_space<vmem_shared>>)
    %dma_wait3A_71 = arith.constant 73 : i32
    %dma_wait3A_72 = arith.constant 0 : i32
    %dma_wait3A_73 = tpu.memref_slice %arg6[%dma_wait3A_71, %dma_wait3A_72] : memref<79x128xi32, #tpu.memory_space<vmem>> -> memref<1x128xi32, #tpu.memory_space<vmem>>
    %dma_wait3A_74 = tpu.memref_squeeze %dma_wait3A_73 : memref<1x128xi32, #tpu.memory_space<vmem>> -> memref<128xi32, #tpu.memory_space<vmem>>
    %dma_wait3A_75 = arith.constant 0 : i32
    %dma_wait3A_76 = arith.constant 0 : i32
    %dma_wait3A_77 = tpu.memref_slice %arg8[%dma_wait3A_75, %dma_wait3A_76] : memref<10240x16xf32, #tpu.memory_space<vmem_shared>> -> memref<10240x16xf32, #tpu.memory_space<vmem_shared>>
    tpu.wait_indirect_dma semaphore(%arg10 : memref<!tpu.dma_semaphore, #tpu.memory_space<semaphore_mem>>) src(%arg7 : memref<128x16xf32, #tpu.memory_space<vmem>>) dst(%dma_wait3A_77 : memref<10240x16xf32, #tpu.memory_space<vmem_shared>>)
    %dma_wait3A_78 = arith.constant 74 : i32
    %dma_wait3A_79 = arith.constant 0 : i32
    %dma_wait3A_80 = tpu.memref_slice %arg6[%dma_wait3A_78, %dma_wait3A_79] : memref<79x128xi32, #tpu.memory_space<vmem>> -> memref<1x128xi32, #tpu.memory_space<vmem>>
    %dma_wait3A_81 = tpu.memref_squeeze %dma_wait3A_80 : memref<1x128xi32, #tpu.memory_space<vmem>> -> memref<128xi32, #tpu.memory_space<vmem>>
    %dma_wait3A_82 = arith.constant 0 : i32
    %dma_wait3A_83 = arith.constant 0 : i32
    %dma_wait3A_84 = tpu.memref_slice %arg8[%dma_wait3A_82, %dma_wait3A_83] : memref<10240x16xf32, #tpu.memory_space<vmem_shared>> -> memref<10240x16xf32, #tpu.memory_space<vmem_shared>>
    tpu.wait_indirect_dma semaphore(%arg11 : memref<!tpu.dma_semaphore, #tpu.memory_space<semaphore_mem>>) src(%arg7 : memref<128x16xf32, #tpu.memory_space<vmem>>) dst(%dma_wait3A_84 : memref<10240x16xf32, #tpu.memory_space<vmem_shared>>)
    %dma_wait3A_85 = arith.constant 75 : i32
    %dma_wait3A_86 = arith.constant 0 : i32
    %dma_wait3A_87 = tpu.memref_slice %arg6[%dma_wait3A_85, %dma_wait3A_86] : memref<79x128xi32, #tpu.memory_space<vmem>> -> memref<1x128xi32, #tpu.memory_space<vmem>>
    %dma_wait3A_88 = tpu.memref_squeeze %dma_wait3A_87 : memref<1x128xi32, #tpu.memory_space<vmem>> -> memref<128xi32, #tpu.memory_space<vmem>>
    %dma_wait3A_89 = arith.constant 0 : i32
    %dma_wait3A_90 = arith.constant 0 : i32
    %dma_wait3A_91 = tpu.memref_slice %arg8[%dma_wait3A_89, %dma_wait3A_90] : memref<10240x16xf32, #tpu.memory_space<vmem_shared>> -> memref<10240x16xf32, #tpu.memory_space<vmem_shared>>
    tpu.wait_indirect_dma semaphore(%arg12 : memref<!tpu.dma_semaphore, #tpu.memory_space<semaphore_mem>>) src(%arg7 : memref<128x16xf32, #tpu.memory_space<vmem>>) dst(%dma_wait3A_91 : memref<10240x16xf32, #tpu.memory_space<vmem_shared>>)
    %dma_wait3A_92 = arith.constant 76 : i32
    %dma_wait3A_93 = arith.constant 0 : i32
    %dma_wait3A_94 = tpu.memref_slice %arg6[%dma_wait3A_92, %dma_wait3A_93] : memref<79x128xi32, #tpu.memory_space<vmem>> -> memref<1x128xi32, #tpu.memory_space<vmem>>
    %dma_wait3A_95 = tpu.memref_squeeze %dma_wait3A_94 : memref<1x128xi32, #tpu.memory_space<vmem>> -> memref<128xi32, #tpu.memory_space<vmem>>
    %dma_wait3A_96 = arith.constant 0 : i32
    %dma_wait3A_97 = arith.constant 0 : i32
    %dma_wait3A_98 = tpu.memref_slice %arg8[%dma_wait3A_96, %dma_wait3A_97] : memref<10240x16xf32, #tpu.memory_space<vmem_shared>> -> memref<10240x16xf32, #tpu.memory_space<vmem_shared>>
    tpu.wait_indirect_dma semaphore(%arg13 : memref<!tpu.dma_semaphore, #tpu.memory_space<semaphore_mem>>) src(%arg7 : memref<128x16xf32, #tpu.memory_space<vmem>>) dst(%dma_wait3A_98 : memref<10240x16xf32, #tpu.memory_space<vmem_shared>>)
    %dma_wait3A_99 = arith.constant 77 : i32
    %dma_wait3A_100 = arith.constant 0 : i32
    %dma_wait3A_101 = tpu.memref_slice %arg6[%dma_wait3A_99, %dma_wait3A_100] : memref<79x128xi32, #tpu.memory_space<vmem>> -> memref<1x128xi32, #tpu.memory_space<vmem>>
    %dma_wait3A_102 = tpu.memref_squeeze %dma_wait3A_101 : memref<1x128xi32, #tpu.memory_space<vmem>> -> memref<128xi32, #tpu.memory_space<vmem>>
    %dma_wait3A_103 = arith.constant 0 : i32
    %dma_wait3A_104 = arith.constant 0 : i32
    %dma_wait3A_105 = tpu.memref_slice %arg8[%dma_wait3A_103, %dma_wait3A_104] : memref<10240x16xf32, #tpu.memory_space<vmem_shared>> -> memref<10240x16xf32, #tpu.memory_space<vmem_shared>>
    tpu.wait_indirect_dma semaphore(%arg14 : memref<!tpu.dma_semaphore, #tpu.memory_space<semaphore_mem>>) src(%arg7 : memref<128x16xf32, #tpu.memory_space<vmem>>) dst(%dma_wait3A_105 : memref<10240x16xf32, #tpu.memory_space<vmem_shared>>)
    %convert_element_type3A_106 = arith.extui %lt3A_3 : i1 to i32
    %cond3A_107 = arith.constant 0 : i32
    %cond3A_108 = arith.cmpi ne, %convert_element_type3A_106, %cond3A_107 : i32
    scf.if %cond3A_108 {
      %run_scoped3A_110 = arith.constant 78 : i32
      "tpu.region"() ({
        %run_scoped3A_111 = tpu.sem_alloc : memref<!tpu.dma_semaphore, #tpu.memory_space<semaphore_mem>>
        %dma_start3A_112 = arith.constant 0 : i32
        %dma_start3A_113 = tpu.memref_slice %arg6[%run_scoped3A_110, %dma_start3A_112] : memref<79x128xi32, #tpu.memory_space<vmem>> -> memref<1x128xi32, #tpu.memory_space<vmem>>
        %dma_start3A_114 = tpu.memref_squeeze %dma_start3A_113 : memref<1x128xi32, #tpu.memory_space<vmem>> -> memref<128xi32, #tpu.memory_space<vmem>>
        %dma_start3A_115 = arith.constant 0 : i32
        %dma_start3A_116 = arith.constant 0 : i32
        %dma_start3A_117 = tpu.memref_slice %arg8[%dma_start3A_115, %dma_start3A_116] : memref<10240x16xf32, #tpu.memory_space<vmem_shared>> -> memref<10240x16xf32, #tpu.memory_space<vmem_shared>>
        tpu.enqueue_indirect_dma source(%arg7 : memref<128x16xf32, #tpu.memory_space<vmem>>) target(%dma_start3A_117 : memref<10240x16xf32, #tpu.memory_space<vmem_shared>>) offsets(%dma_start3A_114 : memref<128xi32, #tpu.memory_space<vmem>>) semaphore(%run_scoped3A_111 : memref<!tpu.dma_semaphore, #tpu.memory_space<semaphore_mem>>) {add = true}
        %dma_wait3A_118 = arith.constant 0 : i32
        %dma_wait3A_119 = tpu.memref_slice %arg6[%run_scoped3A_110, %dma_wait3A_118] : memref<79x128xi32, #tpu.memory_space<vmem>> -> memref<1x128xi32, #tpu.memory_space<vmem>>
        %dma_wait3A_120 = tpu.memref_squeeze %dma_wait3A_119 : memref<1x128xi32, #tpu.memory_space<vmem>> -> memref<128xi32, #tpu.memory_space<vmem>>
        %dma_wait3A_121 = arith.constant 0 : i32
        %dma_wait3A_122 = arith.constant 0 : i32
        %dma_wait3A_123 = tpu.memref_slice %arg8[%dma_wait3A_121, %dma_wait3A_122] : memref<10240x16xf32, #tpu.memory_space<vmem_shared>> -> memref<10240x16xf32, #tpu.memory_space<vmem_shared>>
        tpu.wait_indirect_dma semaphore(%run_scoped3A_111 : memref<!tpu.dma_semaphore, #tpu.memory_space<semaphore_mem>>) src(%arg7 : memref<128x16xf32, #tpu.memory_space<vmem>>) dst(%dma_wait3A_123 : memref<10240x16xf32, #tpu.memory_space<vmem_shared>>)
        tpu.yield
      }) : () -> ()
    } else {
    }
    %barrier3A_109 = arith.constant 0 : index
    tpu.barrier barrier_id(%barrier3A_109)
    "tpu.region"() ({
      %run_scoped3A_110 = tpu.sem_alloc : memref<!tpu.dma_semaphore, #tpu.memory_space<semaphore_mem>>
      %dma_start3A_111 = arith.constant 0 : i32
      %dma_start3A_112 = tpu.memref_slice %arg5[%arg0, %mul3A_2, %dma_start3A_111] : memref<2x10240x16xf32, #tpu.memory_space<hbm>> -> memref<1x640x16xf32, #tpu.memory_space<hbm>>
      %dma_start3A_113 = tpu.memref_squeeze %dma_start3A_112 : memref<1x640x16xf32, #tpu.memory_space<hbm>> -> memref<640x16xf32, #tpu.memory_space<hbm>>
      %dma_start3A_114 = arith.constant 0 : i32
      %dma_start3A_115 = tpu.memref_slice %arg8[%mul3A_2, %dma_start3A_114] : memref<10240x16xf32, #tpu.memory_space<vmem_shared>> -> memref<640x16xf32, #tpu.memory_space<vmem_shared>>
      tpu.enqueue_dma source(%dma_start3A_115 : memref<640x16xf32, #tpu.memory_space<vmem_shared>>) target(%dma_start3A_113 : memref<640x16xf32, #tpu.memory_space<hbm>>) target_semaphore(%run_scoped3A_110 : memref<!tpu.dma_semaphore, #tpu.memory_space<semaphore_mem>>)
      %dma_wait3A_116 = arith.constant 0 : i32
      %dma_wait3A_117 = tpu.memref_slice %arg5[%arg0, %mul3A_2, %dma_wait3A_116] : memref<2x10240x16xf32, #tpu.memory_space<hbm>> -> memref<1x640x16xf32, #tpu.memory_space<hbm>>
      %dma_wait3A_118 = tpu.memref_squeeze %dma_wait3A_117 : memref<1x640x16xf32, #tpu.memory_space<hbm>> -> memref<640x16xf32, #tpu.memory_space<hbm>>
      %dma_wait3A_119 = arith.constant 0 : i32
      %dma_wait3A_120 = tpu.memref_slice %arg8[%mul3A_2, %dma_wait3A_119] : memref<10240x16xf32, #tpu.memory_space<vmem_shared>> -> memref<640x16xf32, #tpu.memory_space<vmem_shared>>
      tpu.wait_dma2 semaphore(%run_scoped3A_110 : memref<!tpu.dma_semaphore, #tpu.memory_space<semaphore_mem>>) src(%dma_wait3A_120 : memref<640x16xf32, #tpu.memory_space<vmem_shared>>) dst(%dma_wait3A_118 : memref<640x16xf32, #tpu.memory_space<hbm>>)
      tpu.yield
    }) : () -> ()
    return
  }
}

module attributes {stable_mosaic.version = 14 : i64} {
  func.func @_tc1_body(%arg0: memref<10000x128xf32, #tpu.memory_space<vmem>>, %arg1: memref<128x64xf32, #tpu.memory_space<vmem>>, %arg2: memref<2x5120x32xf32, #tpu.memory_space<vmem>>, %arg3: memref<5120x128xbf16, #tpu.memory_space<vmem>>) attributes {dimension_semantics = [], scalar_prefetch = 0 : i64, scratch_operands = 0 : i64, tpu.core_type = #tpu.core_type<tc>} {
    %get3A = arith.constant 0 : index
    %get3A_0 = arith.constant 0 : index
    %get3A_1 = arith.constant 0 : index
    %get3A_2 = vector.load %arg2[%get3A, %get3A_0, %get3A_1] : memref<2x5120x32xf32, #tpu.memory_space<vmem>>, vector<1x5120x1xf32>
    %get3A_3 = vector.shape_cast %get3A_2 : vector<1x5120x1xf32> to vector<5120x1xf32>
    %get3A_4 = arith.constant 1 : index
    %get3A_5 = arith.constant 0 : index
    %get3A_6 = arith.constant 0 : index
    %get3A_7 = vector.load %arg2[%get3A_4, %get3A_5, %get3A_6] : memref<2x5120x32xf32, #tpu.memory_space<vmem>>, vector<1x5120x1xf32>
    %get3A_8 = vector.shape_cast %get3A_7 : vector<1x5120x1xf32> to vector<5120x1xf32>
    %add3A = arith.addf %get3A_3, %get3A_8 : vector<5120x1xf32>
    %add3A_9 = arith.constant 1.000000e+00 : f32
    %add3A_10 = vector.broadcast %add3A_9 : f32 to vector<5120x1xf32>
    %add3A_11 = arith.addf %add3A, %add3A_10 : vector<5120x1xf32>
    %get3A_12 = arith.constant 0 : index
    %get3A_13 = arith.constant 0 : index
    %get3A_14 = arith.constant 16 : index
    %get3A_15 = vector.load %arg2[%get3A_12, %get3A_13, %get3A_14] : memref<2x5120x32xf32, #tpu.memory_space<vmem>>, vector<1x4880x1xf32>
    %get3A_16 = vector.shape_cast %get3A_15 : vector<1x4880x1xf32> to vector<4880x1xf32>
    %get3A_17 = arith.constant 1 : index
    %get3A_18 = arith.constant 0 : index
    %get3A_19 = arith.constant 16 : index
    %get3A_20 = vector.load %arg2[%get3A_17, %get3A_18, %get3A_19] : memref<2x5120x32xf32, #tpu.memory_space<vmem>>, vector<1x4880x1xf32>
    %get3A_21 = vector.shape_cast %get3A_20 : vector<1x4880x1xf32> to vector<4880x1xf32>
    %add3A_22 = arith.addf %get3A_16, %get3A_21 : vector<4880x1xf32>
    %add3A_23 = arith.constant 1.000000e+00 : f32
    %add3A_24 = vector.broadcast %add3A_23 : f32 to vector<4880x1xf32>
    %add3A_25 = arith.addf %add3A_22, %add3A_24 : vector<4880x1xf32>
    %rsqrt3A = math.rsqrt %add3A_11 : vector<5120x1xf32>
    %rsqrt3A_26 = math.rsqrt %add3A_25 : vector<4880x1xf32>
    %get3A_27 = arith.constant 0 : index
    %get3A_28 = arith.constant 0 : index
    %get3A_29 = vector.load %arg0[%get3A_27, %get3A_28] : memref<10000x128xf32, #tpu.memory_space<vmem>>, vector<5120x128xf32>
    %get3A_30 = arith.constant 0 : index
    %get3A_31 = arith.constant 0 : index
    %get3A_32 = vector.load %arg1[%get3A_30, %get3A_31] : memref<128x64xf32, #tpu.memory_space<vmem>>, vector<128x64xf32>
    %dot_general3A = arith.constant dense<0.000000e+00> : vector<5120x64xf32>
    %dot_general3A_33 = tpu.matmul %get3A_29, %get3A_32, %dot_general3A {dimension_numbers = #tpu.dot_dimension_numbers<[1], [0], [0], [1], [0, 0, 1, 1], [], []>, transpose_lhs_hint = false} : vector<5120x128xf32>, vector<128x64xf32>, vector<5120x64xf32> -> vector<5120x64xf32>
    %get3A_34 = arith.constant 5120 : index
    %get3A_35 = arith.constant 0 : index
    %get3A_36 = vector.load %arg0[%get3A_34, %get3A_35] : memref<10000x128xf32, #tpu.memory_space<vmem>>, vector<4880x128xf32>
    %get3A_37 = arith.constant 0 : index
    %get3A_38 = arith.constant 0 : index
    %get3A_39 = vector.load %arg1[%get3A_37, %get3A_38] : memref<128x64xf32, #tpu.memory_space<vmem>>, vector<128x64xf32>
    %dot_general3A_40 = arith.constant dense<0.000000e+00> : vector<4880x64xf32>
    %dot_general3A_41 = tpu.matmul %get3A_36, %get3A_39, %dot_general3A_40 {dimension_numbers = #tpu.dot_dimension_numbers<[1], [0], [0], [1], [0, 0, 1, 1], [], []>, transpose_lhs_hint = false} : vector<4880x128xf32>, vector<128x64xf32>, vector<4880x64xf32> -> vector<4880x64xf32>
    %mul3A = vector.broadcast %rsqrt3A : vector<5120x1xf32> to vector<5120x64xf32>
    %mul3A_42 = arith.mulf %dot_general3A_33, %mul3A : vector<5120x64xf32>
    %convert_element_type3A = arith.truncf %mul3A_42 : vector<5120x64xf32> to vector<5120x64xbf16>
    %swap3A = arith.constant 0 : index
    %swap3A_43 = arith.constant 0 : index
    %swap3A_44 = vector.load %arg3[%swap3A, %swap3A_43] : memref<5120x128xbf16, #tpu.memory_space<vmem>>, vector<5120x64xbf16>
    tpu.vector_store %arg3[%swap3A, %swap3A_43], %convert_element_type3A {strides = array<i32>} : memref<5120x128xbf16, #tpu.memory_space<vmem>>, vector<5120x64xbf16>,
    %mul3A_45 = vector.broadcast %rsqrt3A_26 : vector<4880x1xf32> to vector<4880x64xf32>
    %mul3A_46 = arith.mulf %dot_general3A_41, %mul3A_45 : vector<4880x64xf32>
    %convert_element_type3A_47 = arith.truncf %mul3A_46 : vector<4880x64xf32> to vector<4880x64xbf16>
    %swap3A_48 = arith.constant 0 : index
    %swap3A_49 = arith.constant 64 : index
    %swap3A_50 = vector.load %arg3[%swap3A_48, %swap3A_49] : memref<5120x128xbf16, #tpu.memory_space<vmem>>, vector<4880x64xbf16>
    tpu.vector_store %arg3[%swap3A_48, %swap3A_49], %convert_element_type3A_47 {strides = array<i32>} : memref<5120x128xbf16, #tpu.memory_space<vmem>>, vector<4880x64xbf16>,
    %broadcast_in_dim3A = arith.constant 0.000000e+00 : bf16
    %broadcast_in_dim3A_51 = vector.broadcast %broadcast_in_dim3A : bf16 to vector<240x64xbf16>
    %swap3A_52 = arith.constant 4880 : index
    %swap3A_53 = arith.constant 64 : index
    %swap3A_54 = vector.load %arg3[%swap3A_52, %swap3A_53] : memref<5120x128xbf16, #tpu.memory_space<vmem>>, vector<240x64xbf16>
    tpu.vector_store %arg3[%swap3A_52, %swap3A_53], %broadcast_in_dim3A_51 {strides = array<i32>} : memref<5120x128xbf16, #tpu.memory_space<vmem>>, vector<240x64xbf16>,
    return
  }
}

module attributes {stable_mosaic.version = 14 : i64} {
  func.func @_tc2_body(%arg0: memref<2x5120x128xbf16, #tpu.memory_space<vmem>>, %arg1: memref<5120x128xbf16, #tpu.memory_space<vmem>>, %arg2: memref<2x5120x32xf32, #tpu.memory_space<vmem>>, %arg3: memref<64x64xf32, #tpu.memory_space<vmem>>, %arg4: memref<64xf32, #tpu.memory_space<vmem>>, %arg5: memref<64xf32, #tpu.memory_space<vmem>>, %arg6: memref<64xf32, #tpu.memory_space<vmem>>, %arg7: memref<5120x128xbf16, #tpu.memory_space<vmem>>) attributes {dimension_semantics = [], scalar_prefetch = 0 : i64, scratch_operands = 0 : i64, tpu.core_type = #tpu.core_type<tc>} {
    %get3A = arith.constant 0 : index
    %get3A_0 = arith.constant 0 : index
    %get3A_1 = arith.constant 0 : index
    %get3A_2 = vector.load %arg2[%get3A, %get3A_0, %get3A_1] : memref<2x5120x32xf32, #tpu.memory_space<vmem>>, vector<1x5120x1xf32>
    %get3A_3 = vector.shape_cast %get3A_2 : vector<1x5120x1xf32> to vector<5120x1xf32>
    %get3A_4 = arith.constant 1 : index
    %get3A_5 = arith.constant 0 : index
    %get3A_6 = arith.constant 0 : index
    %get3A_7 = vector.load %arg2[%get3A_4, %get3A_5, %get3A_6] : memref<2x5120x32xf32, #tpu.memory_space<vmem>>, vector<1x5120x1xf32>
    %get3A_8 = vector.shape_cast %get3A_7 : vector<1x5120x1xf32> to vector<5120x1xf32>
    %add3A = arith.addf %get3A_3, %get3A_8 : vector<5120x1xf32>
    %add3A_9 = arith.constant 1.000000e+00 : f32
    %add3A_10 = vector.broadcast %add3A_9 : f32 to vector<5120x1xf32>
    %add3A_11 = arith.addf %add3A, %add3A_10 : vector<5120x1xf32>
    %get3A_12 = arith.constant 0 : index
    %get3A_13 = arith.constant 0 : index
    %get3A_14 = arith.constant 16 : index
    %get3A_15 = vector.load %arg2[%get3A_12, %get3A_13, %get3A_14] : memref<2x5120x32xf32, #tpu.memory_space<vmem>>, vector<1x4880x1xf32>
    %get3A_16 = vector.shape_cast %get3A_15 : vector<1x4880x1xf32> to vector<4880x1xf32>
    %get3A_17 = arith.constant 1 : index
    %get3A_18 = arith.constant 0 : index
    %get3A_19 = arith.constant 16 : index
    %get3A_20 = vector.load %arg2[%get3A_17, %get3A_18, %get3A_19] : memref<2x5120x32xf32, #tpu.memory_space<vmem>>, vector<1x4880x1xf32>
    %get3A_21 = vector.shape_cast %get3A_20 : vector<1x4880x1xf32> to vector<4880x1xf32>
    %add3A_22 = arith.addf %get3A_16, %get3A_21 : vector<4880x1xf32>
    %add3A_23 = arith.constant 1.000000e+00 : f32
    %add3A_24 = vector.broadcast %add3A_23 : f32 to vector<4880x1xf32>
    %add3A_25 = arith.addf %add3A_22, %add3A_24 : vector<4880x1xf32>
    %rsqrt3A = math.rsqrt %add3A_11 : vector<5120x1xf32>
    %rsqrt3A_26 = math.rsqrt %add3A_25 : vector<4880x1xf32>
    %get3A_27 = arith.constant 0 : index
    %get3A_28 = arith.constant 0 : index
    %get3A_29 = arith.constant 0 : index
    %get3A_30 = vector.load %arg0[%get3A_27, %get3A_28, %get3A_29] : memref<2x5120x128xbf16, #tpu.memory_space<vmem>>, vector<1x5120x128xbf16>
    %get3A_31 = vector.shape_cast %get3A_30 : vector<1x5120x128xbf16> to vector<5120x128xbf16>
    %convert_element_type3A = arith.extf %get3A_31 : vector<5120x128xbf16> to vector<5120x128xf32>
    %get3A_32 = arith.constant 1 : index
    %get3A_33 = arith.constant 0 : index
    %get3A_34 = arith.constant 0 : index
    %get3A_35 = vector.load %arg0[%get3A_32, %get3A_33, %get3A_34] : memref<2x5120x128xbf16, #tpu.memory_space<vmem>>, vector<1x5120x128xbf16>
    %get3A_36 = vector.shape_cast %get3A_35 : vector<1x5120x128xbf16> to vector<5120x128xbf16>
    %convert_element_type3A_37 = arith.extf %get3A_36 : vector<5120x128xbf16> to vector<5120x128xf32>
    %add3A_38 = arith.addf %convert_element_type3A, %convert_element_type3A_37 : vector<5120x128xf32>
    %get3A_39 = arith.constant 0 : index
    %get3A_40 = arith.constant 0 : index
    %get3A_41 = vector.load %arg1[%get3A_39, %get3A_40] : memref<5120x128xbf16, #tpu.memory_space<vmem>>, vector<5120x128xbf16>
    %convert_element_type3A_42 = arith.extf %get3A_41 : vector<5120x128xbf16> to vector<5120x128xf32>
    %add3A_43 = arith.addf %add3A_38, %convert_element_type3A_42 : vector<5120x128xf32>
    %get3A_44 = arith.constant 0 : index
    %get3A_45 = vector.load %arg5[%get3A_44] : memref<64xf32, #tpu.memory_space<vmem>>, vector<64xf32>
    %mul3A = arith.constant 0.999994993 : f32
    %mul3A_46 = vector.broadcast %mul3A : f32 to vector<64xf32>
    %mul3A_47 = arith.mulf %get3A_45, %mul3A_46 : vector<64xf32>
    %slice3A = vector.extract_strided_slice %add3A_43 {offsets = [0, 0], sizes = [5120, 64], strides = [1, 1]} : vector<5120x128xf32> to vector<5120x64xf32>
    %mul3A_48 = vector.broadcast %rsqrt3A : vector<5120x1xf32> to vector<5120x64xf32>
    %mul3A_49 = arith.mulf %mul3A_48, %slice3A : vector<5120x64xf32>
    %get3A_50 = arith.constant 0 : index
    %get3A_51 = vector.load %arg4[%get3A_50] : memref<64xf32, #tpu.memory_space<vmem>>, vector<64xf32>
    %broadcast_in_dim3A = vector.shape_cast %get3A_51 : vector<64xf32> to vector<1x64xf32>
    %add3A_52 = vector.broadcast %broadcast_in_dim3A : vector<1x64xf32> to vector<5120x64xf32>
    %add3A_53 = arith.addf %mul3A_49, %add3A_52 : vector<5120x64xf32>
    %broadcast_in_dim3A_54 = vector.shape_cast %mul3A_47 : vector<64xf32> to vector<1x64xf32>
    %mul3A_55 = vector.broadcast %broadcast_in_dim3A_54 : vector<1x64xf32> to vector<5120x64xf32>
    %mul3A_56 = arith.mulf %add3A_53, %mul3A_55 : vector<5120x64xf32>
    %get3A_57 = arith.constant 0 : index
    %get3A_58 = vector.load %arg6[%get3A_57] : memref<64xf32, #tpu.memory_space<vmem>>, vector<64xf32>
    %broadcast_in_dim3A_59 = vector.shape_cast %get3A_58 : vector<64xf32> to vector<1x64xf32>
    %add3A_60 = vector.broadcast %broadcast_in_dim3A_59 : vector<1x64xf32> to vector<5120x64xf32>
    %add3A_61 = arith.addf %mul3A_56, %add3A_60 : vector<5120x64xf32>
    %max3A = arith.constant 0.000000e+00 : f32
    %max3A_62 = vector.broadcast %max3A : f32 to vector<5120x64xf32>
    %max3A_63 = arith.maximumf %add3A_61, %max3A_62 : vector<5120x64xf32>
    %slice3A_64 = vector.extract_strided_slice %add3A_43 {offsets = [0, 64], sizes = [4880, 64], strides = [1, 1]} : vector<5120x128xf32> to vector<4880x64xf32>
    %mul3A_65 = vector.broadcast %rsqrt3A_26 : vector<4880x1xf32> to vector<4880x64xf32>
    %mul3A_66 = arith.mulf %mul3A_65, %slice3A_64 : vector<4880x64xf32>
    %get3A_67 = arith.constant 0 : index
    %get3A_68 = vector.load %arg4[%get3A_67] : memref<64xf32, #tpu.memory_space<vmem>>, vector<64xf32>
    %broadcast_in_dim3A_69 = vector.shape_cast %get3A_68 : vector<64xf32> to vector<1x64xf32>
    %add3A_70 = vector.broadcast %broadcast_in_dim3A_69 : vector<1x64xf32> to vector<4880x64xf32>
    %add3A_71 = arith.addf %mul3A_66, %add3A_70 : vector<4880x64xf32>
    %broadcast_in_dim3A_72 = vector.shape_cast %mul3A_47 : vector<64xf32> to vector<1x64xf32>
    %mul3A_73 = vector.broadcast %broadcast_in_dim3A_72 : vector<1x64xf32> to vector<4880x64xf32>
    %mul3A_74 = arith.mulf %add3A_71, %mul3A_73 : vector<4880x64xf32>
    %get3A_75 = arith.constant 0 : index
    %get3A_76 = vector.load %arg6[%get3A_75] : memref<64xf32, #tpu.memory_space<vmem>>, vector<64xf32>
    %broadcast_in_dim3A_77 = vector.shape_cast %get3A_76 : vector<64xf32> to vector<1x64xf32>
    %add3A_78 = vector.broadcast %broadcast_in_dim3A_77 : vector<1x64xf32> to vector<4880x64xf32>
    %add3A_79 = arith.addf %mul3A_74, %add3A_78 : vector<4880x64xf32>
    %max3A_80 = arith.constant 0.000000e+00 : f32
    %max3A_81 = vector.broadcast %max3A_80 : f32 to vector<4880x64xf32>
    %max3A_82 = arith.maximumf %add3A_79, %max3A_81 : vector<4880x64xf32>
    %get3A_83 = arith.constant 0 : index
    %get3A_84 = arith.constant 0 : index
    %get3A_85 = vector.load %arg3[%get3A_83, %get3A_84] : memref<64x64xf32, #tpu.memory_space<vmem>>, vector<64x64xf32>
    %dot_general3A = arith.constant dense<0.000000e+00> : vector<5120x64xf32>
    %dot_general3A_86 = tpu.matmul %max3A_63, %get3A_85, %dot_general3A {dimension_numbers = #tpu.dot_dimension_numbers<[1], [0], [0], [1], [0, 0, 1, 1], [], []>, transpose_lhs_hint = false} : vector<5120x64xf32>, vector<64x64xf32>, vector<5120x64xf32> -> vector<5120x64xf32>
    %get3A_87 = arith.constant 0 : index
    %get3A_88 = arith.constant 0 : index
    %get3A_89 = vector.load %arg3[%get3A_87, %get3A_88] : memref<64x64xf32, #tpu.memory_space<vmem>>, vector<64x64xf32>
    %dot_general3A_90 = arith.constant dense<0.000000e+00> : vector<4880x64xf32>
    %dot_general3A_91 = tpu.matmul %max3A_82, %get3A_89, %dot_general3A_90 {dimension_numbers = #tpu.dot_dimension_numbers<[1], [0], [0], [1], [0, 0, 1, 1], [], []>, transpose_lhs_hint = false} : vector<4880x64xf32>, vector<64x64xf32>, vector<4880x64xf32> -> vector<4880x64xf32>
    %mul3A_92 = vector.broadcast %rsqrt3A : vector<5120x1xf32> to vector<5120x64xf32>
    %mul3A_93 = arith.mulf %dot_general3A_86, %mul3A_92 : vector<5120x64xf32>
    %convert_element_type3A_94 = arith.truncf %mul3A_93 : vector<5120x64xf32> to vector<5120x64xbf16>
    %swap3A = arith.constant 0 : index
    %swap3A_95 = arith.constant 0 : index
    %swap3A_96 = vector.load %arg7[%swap3A, %swap3A_95] : memref<5120x128xbf16, #tpu.memory_space<vmem>>, vector<5120x64xbf16>
    tpu.vector_store %arg7[%swap3A, %swap3A_95], %convert_element_type3A_94 {strides = array<i32>} : memref<5120x128xbf16, #tpu.memory_space<vmem>>, vector<5120x64xbf16>,
    %mul3A_97 = vector.broadcast %rsqrt3A_26 : vector<4880x1xf32> to vector<4880x64xf32>
    %mul3A_98 = arith.mulf %dot_general3A_91, %mul3A_97 : vector<4880x64xf32>
    %convert_element_type3A_99 = arith.truncf %mul3A_98 : vector<4880x64xf32> to vector<4880x64xbf16>
    %swap3A_100 = arith.constant 0 : index
    %swap3A_101 = arith.constant 64 : index
    %swap3A_102 = vector.load %arg7[%swap3A_100, %swap3A_101] : memref<5120x128xbf16, #tpu.memory_space<vmem>>, vector<4880x64xbf16>
    tpu.vector_store %arg7[%swap3A_100, %swap3A_101], %convert_element_type3A_99 {strides = array<i32>} : memref<5120x128xbf16, #tpu.memory_space<vmem>>, vector<4880x64xbf16>,
    %broadcast_in_dim3A_103 = arith.constant 0.000000e+00 : bf16
    %broadcast_in_dim3A_104 = vector.broadcast %broadcast_in_dim3A_103 : bf16 to vector<240x64xbf16>
    %swap3A_105 = arith.constant 4880 : index
    %swap3A_106 = arith.constant 64 : index
    %swap3A_107 = vector.load %arg7[%swap3A_105, %swap3A_106] : memref<5120x128xbf16, #tpu.memory_space<vmem>>, vector<240x64xbf16>
    tpu.vector_store %arg7[%swap3A_105, %swap3A_106], %broadcast_in_dim3A_104 {strides = array<i32>} : memref<5120x128xbf16, #tpu.memory_space<vmem>>, vector<240x64xbf16>,
    return
  }
}

module attributes {stable_mosaic.version = 14 : i64} {
  func.func @_tc3_body(%arg0: memref<2x5120x128xbf16, #tpu.memory_space<vmem>>, %arg1: memref<5120x128xbf16, #tpu.memory_space<vmem>>, %arg2: memref<2x5120x32xf32, #tpu.memory_space<vmem>>, %arg3: memref<64xf32, #tpu.memory_space<vmem>>, %arg4: memref<64xf32, #tpu.memory_space<vmem>>, %arg5: memref<64xf32, #tpu.memory_space<vmem>>, %arg6: memref<64x32xf32, #tpu.memory_space<vmem>>, %arg7: memref<32xf32, #tpu.memory_space<vmem>>, %arg8: memref<32x16xf32, #tpu.memory_space<vmem>>, %arg9: memref<16xf32, #tpu.memory_space<vmem>>, %arg10: memref<16x1xf32, #tpu.memory_space<vmem>>, %arg11: memref<1xf32, #tpu.memory_space<vmem>>, %arg12: memref<10000xf32, #tpu.memory_space<vmem>>) attributes {dimension_semantics = [], scalar_prefetch = 0 : i64, scratch_operands = 0 : i64, tpu.core_type = #tpu.core_type<tc>} {
    %get3A = arith.constant 0 : index
    %get3A_0 = arith.constant 0 : index
    %get3A_1 = arith.constant 0 : index
    %get3A_2 = vector.load %arg2[%get3A, %get3A_0, %get3A_1] : memref<2x5120x32xf32, #tpu.memory_space<vmem>>, vector<1x5120x1xf32>
    %get3A_3 = vector.shape_cast %get3A_2 : vector<1x5120x1xf32> to vector<5120x1xf32>
    %get3A_4 = arith.constant 1 : index
    %get3A_5 = arith.constant 0 : index
    %get3A_6 = arith.constant 0 : index
    %get3A_7 = vector.load %arg2[%get3A_4, %get3A_5, %get3A_6] : memref<2x5120x32xf32, #tpu.memory_space<vmem>>, vector<1x5120x1xf32>
    %get3A_8 = vector.shape_cast %get3A_7 : vector<1x5120x1xf32> to vector<5120x1xf32>
    %add3A = arith.addf %get3A_3, %get3A_8 : vector<5120x1xf32>
    %add3A_9 = arith.constant 1.000000e+00 : f32
    %add3A_10 = vector.broadcast %add3A_9 : f32 to vector<5120x1xf32>
    %add3A_11 = arith.addf %add3A, %add3A_10 : vector<5120x1xf32>
    %get3A_12 = arith.constant 0 : index
    %get3A_13 = arith.constant 0 : index
    %get3A_14 = arith.constant 16 : index
    %get3A_15 = vector.load %arg2[%get3A_12, %get3A_13, %get3A_14] : memref<2x5120x32xf32, #tpu.memory_space<vmem>>, vector<1x4880x1xf32>
    %get3A_16 = vector.shape_cast %get3A_15 : vector<1x4880x1xf32> to vector<4880x1xf32>
    %get3A_17 = arith.constant 1 : index
    %get3A_18 = arith.constant 0 : index
    %get3A_19 = arith.constant 16 : index
    %get3A_20 = vector.load %arg2[%get3A_17, %get3A_18, %get3A_19] : memref<2x5120x32xf32, #tpu.memory_space<vmem>>, vector<1x4880x1xf32>
    %get3A_21 = vector.shape_cast %get3A_20 : vector<1x4880x1xf32> to vector<4880x1xf32>
    %add3A_22 = arith.addf %get3A_16, %get3A_21 : vector<4880x1xf32>
    %add3A_23 = arith.constant 1.000000e+00 : f32
    %add3A_24 = vector.broadcast %add3A_23 : f32 to vector<4880x1xf32>
    %add3A_25 = arith.addf %add3A_22, %add3A_24 : vector<4880x1xf32>
    %rsqrt3A = math.rsqrt %add3A_11 : vector<5120x1xf32>
    %rsqrt3A_26 = math.rsqrt %add3A_25 : vector<4880x1xf32>
    %get3A_27 = arith.constant 0 : index
    %get3A_28 = arith.constant 0 : index
    %get3A_29 = arith.constant 0 : index
    %get3A_30 = vector.load %arg0[%get3A_27, %get3A_28, %get3A_29] : memref<2x5120x128xbf16, #tpu.memory_space<vmem>>, vector<1x5120x128xbf16>
    %get3A_31 = vector.shape_cast %get3A_30 : vector<1x5120x128xbf16> to vector<5120x128xbf16>
    %convert_element_type3A = arith.extf %get3A_31 : vector<5120x128xbf16> to vector<5120x128xf32>
    %get3A_32 = arith.constant 1 : index
    %get3A_33 = arith.constant 0 : index
    %get3A_34 = arith.constant 0 : index
    %get3A_35 = vector.load %arg0[%get3A_32, %get3A_33, %get3A_34] : memref<2x5120x128xbf16, #tpu.memory_space<vmem>>, vector<1x5120x128xbf16>
    %get3A_36 = vector.shape_cast %get3A_35 : vector<1x5120x128xbf16> to vector<5120x128xbf16>
    %convert_element_type3A_37 = arith.extf %get3A_36 : vector<5120x128xbf16> to vector<5120x128xf32>
    %add3A_38 = arith.addf %convert_element_type3A, %convert_element_type3A_37 : vector<5120x128xf32>
    %get3A_39 = arith.constant 0 : index
    %get3A_40 = arith.constant 0 : index
    %get3A_41 = vector.load %arg1[%get3A_39, %get3A_40] : memref<5120x128xbf16, #tpu.memory_space<vmem>>, vector<5120x128xbf16>
    %convert_element_type3A_42 = arith.extf %get3A_41 : vector<5120x128xbf16> to vector<5120x128xf32>
    %add3A_43 = arith.addf %add3A_38, %convert_element_type3A_42 : vector<5120x128xf32>
    %get3A_44 = arith.constant 0 : index
    %get3A_45 = vector.load %arg4[%get3A_44] : memref<64xf32, #tpu.memory_space<vmem>>, vector<64xf32>
    %mul3A = arith.constant 0.999994993 : f32
    %mul3A_46 = vector.broadcast %mul3A : f32 to vector<64xf32>
    %mul3A_47 = arith.mulf %get3A_45, %mul3A_46 : vector<64xf32>
    %slice3A = vector.extract_strided_slice %add3A_43 {offsets = [0, 0], sizes = [5120, 64], strides = [1, 1]} : vector<5120x128xf32> to vector<5120x64xf32>
    %mul3A_48 = vector.broadcast %rsqrt3A : vector<5120x1xf32> to vector<5120x64xf32>
    %mul3A_49 = arith.mulf %mul3A_48, %slice3A : vector<5120x64xf32>
    %get3A_50 = arith.constant 0 : index
    %get3A_51 = vector.load %arg3[%get3A_50] : memref<64xf32, #tpu.memory_space<vmem>>, vector<64xf32>
    %broadcast_in_dim3A = vector.shape_cast %get3A_51 : vector<64xf32> to vector<1x64xf32>
    %add3A_52 = vector.broadcast %broadcast_in_dim3A : vector<1x64xf32> to vector<5120x64xf32>
    %add3A_53 = arith.addf %mul3A_49, %add3A_52 : vector<5120x64xf32>
    %broadcast_in_dim3A_54 = vector.shape_cast %mul3A_47 : vector<64xf32> to vector<1x64xf32>
    %mul3A_55 = vector.broadcast %broadcast_in_dim3A_54 : vector<1x64xf32> to vector<5120x64xf32>
    %mul3A_56 = arith.mulf %add3A_53, %mul3A_55 : vector<5120x64xf32>
    %get3A_57 = arith.constant 0 : index
    %get3A_58 = vector.load %arg5[%get3A_57] : memref<64xf32, #tpu.memory_space<vmem>>, vector<64xf32>
    %broadcast_in_dim3A_59 = vector.shape_cast %get3A_58 : vector<64xf32> to vector<1x64xf32>
    %add3A_60 = vector.broadcast %broadcast_in_dim3A_59 : vector<1x64xf32> to vector<5120x64xf32>
    %add3A_61 = arith.addf %mul3A_56, %add3A_60 : vector<5120x64xf32>
    %max3A = arith.constant 0.000000e+00 : f32
    %max3A_62 = vector.broadcast %max3A : f32 to vector<5120x64xf32>
    %max3A_63 = arith.maximumf %add3A_61, %max3A_62 : vector<5120x64xf32>
    %slice3A_64 = vector.extract_strided_slice %add3A_43 {offsets = [0, 64], sizes = [4880, 64], strides = [1, 1]} : vector<5120x128xf32> to vector<4880x64xf32>
    %mul3A_65 = vector.broadcast %rsqrt3A_26 : vector<4880x1xf32> to vector<4880x64xf32>
    %mul3A_66 = arith.mulf %mul3A_65, %slice3A_64 : vector<4880x64xf32>
    %get3A_67 = arith.constant 0 : index
    %get3A_68 = vector.load %arg3[%get3A_67] : memref<64xf32, #tpu.memory_space<vmem>>, vector<64xf32>
    %broadcast_in_dim3A_69 = vector.shape_cast %get3A_68 : vector<64xf32> to vector<1x64xf32>
    %add3A_70 = vector.broadcast %broadcast_in_dim3A_69 : vector<1x64xf32> to vector<4880x64xf32>
    %add3A_71 = arith.addf %mul3A_66, %add3A_70 : vector<4880x64xf32>
    %broadcast_in_dim3A_72 = vector.shape_cast %mul3A_47 : vector<64xf32> to vector<1x64xf32>
    %mul3A_73 = vector.broadcast %broadcast_in_dim3A_72 : vector<1x64xf32> to vector<4880x64xf32>
    %mul3A_74 = arith.mulf %add3A_71, %mul3A_73 : vector<4880x64xf32>
    %get3A_75 = arith.constant 0 : index
    %get3A_76 = vector.load %arg5[%get3A_75] : memref<64xf32, #tpu.memory_space<vmem>>, vector<64xf32>
    %broadcast_in_dim3A_77 = vector.shape_cast %get3A_76 : vector<64xf32> to vector<1x64xf32>
    %add3A_78 = vector.broadcast %broadcast_in_dim3A_77 : vector<1x64xf32> to vector<4880x64xf32>
    %add3A_79 = arith.addf %mul3A_74, %add3A_78 : vector<4880x64xf32>
    %max3A_80 = arith.constant 0.000000e+00 : f32
    %max3A_81 = vector.broadcast %max3A_80 : f32 to vector<4880x64xf32>
    %max3A_82 = arith.maximumf %add3A_79, %max3A_81 : vector<4880x64xf32>
    %get3A_83 = arith.constant 0 : index
    %get3A_84 = arith.constant 0 : index
    %get3A_85 = vector.load %arg6[%get3A_83, %get3A_84] : memref<64x32xf32, #tpu.memory_space<vmem>>, vector<64x32xf32>
    %dot_general3A = arith.constant dense<0.000000e+00> : vector<5120x32xf32>
    %dot_general3A_86 = tpu.matmul %max3A_63, %get3A_85, %dot_general3A {dimension_numbers = #tpu.dot_dimension_numbers<[1], [0], [0], [1], [0, 0, 1, 1], [], []>, transpose_lhs_hint = false} : vector<5120x64xf32>, vector<64x32xf32>, vector<5120x32xf32> -> vector<5120x32xf32>
    %get3A_87 = arith.constant 0 : index
    %get3A_88 = vector.load %arg7[%get3A_87] : memref<32xf32, #tpu.memory_space<vmem>>, vector<32xf32>
    %broadcast_in_dim3A_89 = vector.shape_cast %get3A_88 : vector<32xf32> to vector<1x32xf32>
    %add3A_90 = vector.broadcast %broadcast_in_dim3A_89 : vector<1x32xf32> to vector<5120x32xf32>
    %add3A_91 = arith.addf %dot_general3A_86, %add3A_90 : vector<5120x32xf32>
    %max3A_92 = arith.constant 0.000000e+00 : f32
    %max3A_93 = vector.broadcast %max3A_92 : f32 to vector<5120x32xf32>
    %max3A_94 = arith.maximumf %add3A_91, %max3A_93 : vector<5120x32xf32>
    %get3A_95 = arith.constant 0 : index
    %get3A_96 = arith.constant 0 : index
    %get3A_97 = vector.load %arg8[%get3A_95, %get3A_96] : memref<32x16xf32, #tpu.memory_space<vmem>>, vector<32x16xf32>
    %dot_general3A_98 = arith.constant dense<0.000000e+00> : vector<5120x16xf32>
    %dot_general3A_99 = tpu.matmul %max3A_94, %get3A_97, %dot_general3A_98 {dimension_numbers = #tpu.dot_dimension_numbers<[1], [0], [0], [1], [0, 0, 1, 1], [], []>, transpose_lhs_hint = false} : vector<5120x32xf32>, vector<32x16xf32>, vector<5120x16xf32> -> vector<5120x16xf32>
    %get3A_100 = arith.constant 0 : index
    %get3A_101 = vector.load %arg9[%get3A_100] : memref<16xf32, #tpu.memory_space<vmem>>, vector<16xf32>
    %broadcast_in_dim3A_102 = vector.shape_cast %get3A_101 : vector<16xf32> to vector<1x16xf32>
    %add3A_103 = vector.broadcast %broadcast_in_dim3A_102 : vector<1x16xf32> to vector<5120x16xf32>
    %add3A_104 = arith.addf %dot_general3A_99, %add3A_103 : vector<5120x16xf32>
    %max3A_105 = arith.constant 0.000000e+00 : f32
    %max3A_106 = vector.broadcast %max3A_105 : f32 to vector<5120x16xf32>
    %max3A_107 = arith.maximumf %add3A_104, %max3A_106 : vector<5120x16xf32>
    %get3A_108 = arith.constant 0 : index
    %get3A_109 = arith.constant 0 : index
    %get3A_110 = vector.load %arg10[%get3A_108, %get3A_109] : memref<16x1xf32, #tpu.memory_space<vmem>>, vector<16x1xf32>
    %dot_general3A_111 = arith.constant dense<0.000000e+00> : vector<5120x1xf32>
    %dot_general3A_112 = tpu.matmul %max3A_107, %get3A_110, %dot_general3A_111 {dimension_numbers = #tpu.dot_dimension_numbers<[1], [0], [0], [1], [0, 0, 1, 1], [], []>, transpose_lhs_hint = false} : vector<5120x16xf32>, vector<16x1xf32>, vector<5120x1xf32> -> vector<5120x1xf32>
    %get3A_113 = arith.constant 0 : index
    %get3A_114 = vector.load %arg11[%get3A_113] : memref<1xf32, #tpu.memory_space<vmem>>, vector<1xf32>
    %broadcast_in_dim3A_115 = vector.shape_cast %get3A_114 : vector<1xf32> to vector<1x1xf32>
    %add3A_116 = vector.broadcast %broadcast_in_dim3A_115 : vector<1x1xf32> to vector<5120x1xf32>
    %add3A_117 = arith.addf %dot_general3A_112, %add3A_116 : vector<5120x1xf32>
    %logistic3A = arith.negf %add3A_117 : vector<5120x1xf32>
    %logistic3A_118 = math.exp %logistic3A : vector<5120x1xf32>
    %logistic3A_119 = arith.constant 1.000000e+00 : f32
    %logistic3A_120 = vector.broadcast %logistic3A_119 : f32 to vector<5120x1xf32>
    %logistic3A_121 = arith.addf %logistic3A_120, %logistic3A_118 : vector<5120x1xf32>
    %logistic3A_122 = arith.divf %logistic3A_120, %logistic3A_121 : vector<5120x1xf32>
    %squeeze3A = vector.shape_cast %logistic3A_122 : vector<5120x1xf32> to vector<5120xf32>
    %swap3A = arith.constant 0 : index
    %swap3A_123 = vector.load %arg12[%swap3A] : memref<10000xf32, #tpu.memory_space<vmem>>, vector<5120xf32>
    tpu.vector_store %arg12[%swap3A], %squeeze3A {strides = array<i32>} : memref<10000xf32, #tpu.memory_space<vmem>>, vector<5120xf32>,
    %get3A_124 = arith.constant 0 : index
    %get3A_125 = arith.constant 0 : index
    %get3A_126 = vector.load %arg6[%get3A_124, %get3A_125] : memref<64x32xf32, #tpu.memory_space<vmem>>, vector<64x32xf32>
    %dot_general3A_127 = arith.constant dense<0.000000e+00> : vector<4880x32xf32>
    %dot_general3A_128 = tpu.matmul %max3A_82, %get3A_126, %dot_general3A_127 {dimension_numbers = #tpu.dot_dimension_numbers<[1], [0], [0], [1], [0, 0, 1, 1], [], []>, transpose_lhs_hint = false} : vector<4880x64xf32>, vector<64x32xf32>, vector<4880x32xf32> -> vector<4880x32xf32>
    %get3A_129 = arith.constant 0 : index
    %get3A_130 = vector.load %arg7[%get3A_129] : memref<32xf32, #tpu.memory_space<vmem>>, vector<32xf32>
    %broadcast_in_dim3A_131 = vector.shape_cast %get3A_130 : vector<32xf32> to vector<1x32xf32>
    %add3A_132 = vector.broadcast %broadcast_in_dim3A_131 : vector<1x32xf32> to vector<4880x32xf32>
    %add3A_133 = arith.addf %dot_general3A_128, %add3A_132 : vector<4880x32xf32>
    %max3A_134 = arith.constant 0.000000e+00 : f32
    %max3A_135 = vector.broadcast %max3A_134 : f32 to vector<4880x32xf32>
    %max3A_136 = arith.maximumf %add3A_133, %max3A_135 : vector<4880x32xf32>
    %get3A_137 = arith.constant 0 : index
    %get3A_138 = arith.constant 0 : index
    %get3A_139 = vector.load %arg8[%get3A_137, %get3A_138] : memref<32x16xf32, #tpu.memory_space<vmem>>, vector<32x16xf32>
    %dot_general3A_140 = arith.constant dense<0.000000e+00> : vector<4880x16xf32>
    %dot_general3A_141 = tpu.matmul %max3A_136, %get3A_139, %dot_general3A_140 {dimension_numbers = #tpu.dot_dimension_numbers<[1], [0], [0], [1], [0, 0, 1, 1], [], []>, transpose_lhs_hint = false} : vector<4880x32xf32>, vector<32x16xf32>, vector<4880x16xf32> -> vector<4880x16xf32>
    %get3A_142 = arith.constant 0 : index
    %get3A_143 = vector.load %arg9[%get3A_142] : memref<16xf32, #tpu.memory_space<vmem>>, vector<16xf32>
    %broadcast_in_dim3A_144 = vector.shape_cast %get3A_143 : vector<16xf32> to vector<1x16xf32>
    %add3A_145 = vector.broadcast %broadcast_in_dim3A_144 : vector<1x16xf32> to vector<4880x16xf32>
    %add3A_146 = arith.addf %dot_general3A_141, %add3A_145 : vector<4880x16xf32>
    %max3A_147 = arith.constant 0.000000e+00 : f32
    %max3A_148 = vector.broadcast %max3A_147 : f32 to vector<4880x16xf32>
    %max3A_149 = arith.maximumf %add3A_146, %max3A_148 : vector<4880x16xf32>
    %get3A_150 = arith.constant 0 : index
    %get3A_151 = arith.constant 0 : index
    %get3A_152 = vector.load %arg10[%get3A_150, %get3A_151] : memref<16x1xf32, #tpu.memory_space<vmem>>, vector<16x1xf32>
    %dot_general3A_153 = arith.constant dense<0.000000e+00> : vector<4880x1xf32>
    %dot_general3A_154 = tpu.matmul %max3A_149, %get3A_152, %dot_general3A_153 {dimension_numbers = #tpu.dot_dimension_numbers<[1], [0], [0], [1], [0, 0, 1, 1], [], []>, transpose_lhs_hint = false} : vector<4880x16xf32>, vector<16x1xf32>, vector<4880x1xf32> -> vector<4880x1xf32>
    %get3A_155 = arith.constant 0 : index
    %get3A_156 = vector.load %arg11[%get3A_155] : memref<1xf32, #tpu.memory_space<vmem>>, vector<1xf32>
    %broadcast_in_dim3A_157 = vector.shape_cast %get3A_156 : vector<1xf32> to vector<1x1xf32>
    %add3A_158 = vector.broadcast %broadcast_in_dim3A_157 : vector<1x1xf32> to vector<4880x1xf32>
    %add3A_159 = arith.addf %dot_general3A_154, %add3A_158 : vector<4880x1xf32>
    %logistic3A_160 = arith.negf %add3A_159 : vector<4880x1xf32>
    %logistic3A_161 = math.exp %logistic3A_160 : vector<4880x1xf32>
    %logistic3A_162 = arith.constant 1.000000e+00 : f32
    %logistic3A_163 = vector.broadcast %logistic3A_162 : f32 to vector<4880x1xf32>
    %logistic3A_164 = arith.addf %logistic3A_163, %logistic3A_161 : vector<4880x1xf32>
    %logistic3A_165 = arith.divf %logistic3A_163, %logistic3A_164 : vector<4880x1xf32>
    %squeeze3A_166 = vector.shape_cast %logistic3A_165 : vector<4880x1xf32> to vector<4880xf32>
    %swap3A_167 = arith.constant 5120 : index
    %swap3A_168 = vector.load %arg12[%swap3A_167] : memref<10000xf32, #tpu.memory_space<vmem>>, vector<4880xf32>
    tpu.vector_store %arg12[%swap3A_167], %squeeze3A_166 {strides = array<i32>} : memref<10000xf32, #tpu.memory_space<vmem>>, vector<4880xf32>,
    return
  }
}

</mosaic_0001>

<sc_bundles>
// kernel: kernel.11.cloned.1.call-start
scs
__scs_entry_jumppad:
0x0: {  	(pc) =	sbr.rel $0x88, $3  }
0x1: {  	(tag) =	ssettag $0x0;
	lr =	simm.s32 $0x1  }
0x2: {  	[smem:$0x3F91] =	sst lr;
	_ =	strace $0xD0000000  }
0x3: {  	_ = 	snop  }
0x4: {  	_ = 	snop  }
0x5: {  	_ = 	snop  }
0x6: {  	_ = 	snop  }
0x7: {  	_ = 	snop  }
__scs_overlays_trampoline_lowered:
0x8: {  	[smem:$0x3FA0] =	sst s0  }
0x9: {  	[smem:$0x3FA1] =	sst s1  }
0xa: {  	[smem:$0x3FA2] =	sst s2  }
0xb: {  	[smem:$0x3FA3] =	sst s3  }
0xc: {  	[smem:$0x3FA4] =	sst s4  }
0xd: {  	[smem:$0x3FA5] =	sst s5  }
0xe: {  	[smem:$0x3FA6] =	sst s6  }
0xf: {  	[smem:$0x3FA7] =	sst s7  }
0x10: {  	[smem:$0x3FA8] =	sst s8  }
0x11: {  	[smem:$0x3FA9] =	sst s9;
	s0 =	simm.s32 @!p0 $0x0  }
0x12: {  	s1 =	sld [smem:$0x3F8F];
	s0 =	simm.s32 @p0 $0x1  }
0x13: {  	[smem:$0x3FAA] =	sst s0;
	s0 =	simm.s32 @!p1 $0x0  }
0x14: {  	s2 =	sld [smem:$0x3F8E];
	s0 =	simm.s32 @p1 $0x1  }
0x15: {  	[smem:$0x3FAB] =	sst s0;
	s0 =	simm.s32 @!p2 $0x0  }
0x16: {  	s3 =	sld [smem:$0x3FDB];
	s0 =	simm.s32 @p2 $0x1  }
0x17: {  	s4 =	simm.s32 $0x1BF5;
	[smem:$0x3FAD] =	sst s0  }
0x18: {  	s0 =	sld [smem:$0x3F90];
	_ =	swait.ge [sflag:s4], $0x0  }
0x19: {  	s7 =	sld [smem:$0x3F91]  }
0x1a: {  	s8 =	sadd.s32 $0xFFFFE003, lr  }
0x1b: {  	s9 =	sadd.s32 $0xFFFFFEF7, lr;
	s5 =	simm.s32 $0xFFFFFFFF;
	p2 =	slt.u32 s8, $0xFFFFF086  }
0x1c: {  	p1 =	slt.u32 s9, $0xF7A;
	s5 =	simm.s32 @!p2 $0x0  }
0x1d: {  	s5 =	simm.s32 @p1 $0x1;
	p0 =	seq.s32 s7, s2  }
0x1e: {  	s7 =	smul.u32 @!p0 $0xF7A, s2;
	p2 =	seq.s32 @!p0 s5, $0x0  }
0x1f: {  	s9 =	smul.u32 $0xF7A, s1;
	s8 =	simm.s32 @!p0 $0x1BF5;
	p2 =	por !p2, p0  }
0x20: {  	[sflag:s8] =	ssyncset.s32 @!p0 $0xFFFFF086;
	s6 =	sadd.s32 @!p0 s3, s7;
	s7 =	simm.s32 @!p0 $0x108  }
0x21: {  	s3 =	sadd.s32 s3, s9;
	s6 =	sadd.s32 @!p0 $0x88, s6;
	s7 =	simm.s32 @p2 $0x1082  }
0x22: {  	[simem:s7], [sflag:s8] =	dma.local @!p0 [hbm:s6], $0xF7A  }
0x23: {  	s9 =	sor.u32 $0xD0000000, s2;
	s6 =	simm.s32 $0x108;
	_ =	swait.ge @!p0 [sflag:s8], $0x0  }
0x24: {  	s3 =	sadd.s32 $0x88, s3;
	s6 =	simm.s32 @!p1 $0x1082;
	[sflag:s4] =	ssyncset.s32 $0xFFFFF086  }
0x25: {  	[simem:s6], [sflag:s4] =	dma.local [hbm:s3], $0xF7A  }
0x26: {  	[smem:$0x3F91] =	sst s1;
	(tag) =	ssettag s2;
	_ =	strace s9  }
0x27: {  	s1 =	sld [smem:$0x3FA1]  }
0x28: {  	s2 =	sld [smem:$0x3FA2]  }
0x29: {  	s4 =	sld [smem:$0x3FA4]  }
0x2a: {  	p0 =	seq.s32 s5, $0x0;
	s5 =	sld [smem:$0x3FA5]  }
0x2b: {  	s6 =	sld [smem:$0x3FA6]  }
0x2c: {  	s7 =	sld [smem:$0x3FA7]  }
0x2d: {  	s3 =	simm.s32 $0x108;
	s8 =	sld [smem:$0x3FA8]  }
0x2e: {  	s3 =	simm.s32 @!p0 $0x1082;
	s9 =	sld [smem:$0x3FA9]  }
0x2f: {  	lr =	sadd.s32 s0, s3;
	s0 =	sld [smem:$0x3FA0]  }
0x30: {  	s3 =	sld [smem:$0x3FA3]  }
0x31: {  	[smem:$0x3FAC] =	sst s10  }
0x32: {  	s10 =	sld [smem:$0x3FAA];
	_ =	sdelay $0x3  }
0x33: {  	p0 =	seq.s32 s10, $0x1;
	s10 =	sld [smem:$0x3FAC];
	_ =	sdelay $0x3  }
0x34: {  	[smem:$0x3FAC] =	sst s10  }
0x35: {  	s10 =	sld [smem:$0x3FAB];
	_ =	sdelay $0x3  }
0x36: {  	p1 =	seq.s32 s10, $0x1;
	s10 =	sld [smem:$0x3FAC];
	_ =	sdelay $0x3  }
0x37: {  	[smem:$0x3FAC] =	sst s10  }
0x38: {  	s10 =	sld [smem:$0x3FAD]  }
0x39: {  	_ = 	snop;
	(pc) =	sbr.ind lr, $3  }
0x3a: {  	_ = 	snop  }
0x3b: {  	_ = 	snop  }
0x3c: {  	p2 =	seq.s32 s10, $0x1;
	s10 =	sld [smem:$0x3FAC]  }
0x3d: {  	_ =	shalt  }
0x3e: {  	_ =	shalt  }
0x3f: {  	_ =	shalt  }
0x40: {  	_ =	shalt  }
0x41: {  	_ =	shalt  }
0x42: {  	_ =	shalt  }
0x43: {  	_ =	shalt  }
0x44: {  	_ =	shalt  }
0x45: {  	_ =	shalt  }
0x46: {  	_ =	shalt  }
0x47: {  	_ =	shalt  }
0x48: {  	_ =	shalt  }
0x49: {  	_ =	shalt  }
0x4a: {  	_ =	shalt  }
0x4b: {  	_ =	shalt  }
0x4c: {  	_ =	shalt  }
0x4d: {  	_ =	shalt  }
0x4e: {  	_ =	shalt  }
0x4f: {  	_ =	shalt  }
0x50: {  	_ =	shalt  }
0x51: {  	_ =	shalt  }
0x52: {  	_ =	shalt  }
0x53: {  	_ =	shalt  }
0x54: {  	_ =	shalt  }
0x55: {  	_ =	shalt  }
0x56: {  	_ =	shalt  }
0x57: {  	_ =	shalt  }
0x58: {  	_ =	shalt  }
0x59: {  	_ =	shalt  }
0x5a: {  	_ =	shalt  }
0x5b: {  	_ =	shalt  }
0x5c: {  	_ =	shalt  }
0x5d: {  	_ =	shalt  }
0x5e: {  	_ =	shalt  }
0x5f: {  	_ =	shalt  }
0x60: {  	_ =	shalt  }
0x61: {  	_ =	shalt  }
0x62: {  	_ =	shalt  }
0x63: {  	_ =	shalt  }
0x64: {  	_ =	shalt  }
0x65: {  	_ =	shalt  }
0x66: {  	_ =	shalt  }
0x67: {  	_ =	shalt  }
0x68: {  	_ =	shalt  }
0x69: {  	_ =	shalt  }
0x6a: {  	_ =	shalt  }
0x6b: {  	_ =	shalt  }
0x6c: {  	_ =	shalt  }
0x6d: {  	_ =	shalt  }
0x6e: {  	_ =	shalt  }
0x6f: {  	_ =	shalt  }
0x70: {  	_ =	shalt  }
0x71: {  	_ =	shalt  }
0x72: {  	_ =	shalt  }
0x73: {  	_ =	shalt  }
0x74: {  	_ =	shalt  }
0x75: {  	_ =	shalt  }
0x76: {  	_ =	shalt  }
0x77: {  	_ =	shalt  }
0x78: {  	_ =	shalt  }
0x79: {  	_ =	shalt  }
0x7a: {  	_ =	shalt  }
0x7b: {  	_ =	shalt  }
0x7c: {  	_ =	shalt  }
0x7d: {  	_ =	shalt  }
0x7e: {  	_ =	shalt  }
0x7f: {  	_ =	shalt  }
0x80: {  	_ =	shalt  }
0x81: {  	_ =	shalt  }
0x82: {  	_ =	shalt  }
0x83: {  	_ =	shalt  }
0x84: {  	_ =	shalt  }
0x85: {  	_ =	shalt  }
0x86: {  	_ =	shalt  }
0x87: {  	_ =	shalt  }
.Lfunc_end0:
.L_simem_size_0:
called_computation.1_lowered:
.L_overlay_start_0:
0x88: {  	s2 =	sld [smem:$0x3FD9]  }
0x89: {  	s3 =	sld [smem:$0x3FFE];
	_ =	sdelay $0x1  }
0x8a: {  	s1 =	srdreg.scid  }
0x8b: {  	s0 =	sand.u32 $0x1, s1  }
0x8c: {  	s16 =	sshll.u32 s0, $0xA;
	s2 =	sadd.s32 s3, s2  }
0x8d: {  	s2 =	sadd.s32 s2, s16  }
0x8e: {  	[smem:$0x3FB8] =	sst s2  }
0x8f: {  	_ = 	snop  }
0x90: {  	(tm) =	ssettm $0x1  }
0x91: {  	s17 =	sld [smem:$0x3FFB];
	_ =	sdelay $0x3  }
0x92: {  	_ =	strace s17  }
0x93: {  	s2 =	sld [smem:$0x3FFC];
	_ =	sdelay $0x3  }
0x94: {  	_ =	strace s2  }
0x95: {  	s2 =	sld [smem:$0x3FFD];
	_ =	sdelay $0x3  }
0x96: {  	_ =	strace s2  }
0x97: {  	_ =	strace $0x8FFFFFFF  }
0x98: {  	s18 =	sld [smem:$0x3FDB];
	_ =	sdelay $0x1  }
0x99: {  	s19 =	simm.s32 $_scs_section_size  }
0x9a: {  	s4 =	simm.s32 $_size__tile_overlayer_lowered;
	s5 =	simm.s32 $_tile_overlayer_lowered  }
0x9b: {  	s22 =	simm.s32 $0x1BFF;
	s21 =	sshll.u32 s5, $0x1;
	s2 =	sadd.s32 s19, s18  }
0x9c: {  	s6 =	simm.s32 $0x0;
	s20 =	sshll.u32 s4, $0x1;
	s4 =	sadd.s32 s21, s2  }
0x9d: {  	[timem:s6], [sflag:s22] =	dma.local [hbm:s4], s20  }
0x9e: {  	_ =	swait.ge [sflag:s22], s20  }
0x9f: {  	s3 =	ssub.s32 $0x0, s20;
	[sflag:s22] =	ssyncset.done $0x0  }
0xa0: {  	[sflag:s22] =	ssyncadd.s32 s3;
	_ =	sdelay $0x1  }
0xa1: {  	s23 =	simm.s32 $0x1B8B  }
0xa2: {  	_ =	swait.ge [sflag:s23], $0x1  }
0xa3: {  	[sflag:s23] =	ssyncset.done $0x0  }
0xa4: {  	s25 =	simm.s32 $0x1B8E;
	s24 =	sld [smem:$0x3FFE];
	[sflag:s23] =	ssyncadd.s32 $0xFFFFFFFF  }
0xa5: {  	s26 =	simm.s32 $execute0_lowered;
	[smem:$0x3FD2] =	sst s25  }
0xa6: {  	s4 =	sshll.u32 s26, $0x1;
	_ =	strace $0x80000049;
	[dreg:$0x1] =	wrdreg $0xFFFFFFFF  }
0xa7: {  	s28 =	simm.s32 $_size_execute0_lowered;
	s2 =	sadd.s32 s2, s4;
	[dreg:$0x0] =	wrdreg $0x0  }
0xa8: {  	s4 =	sshll.u32 s28, $0x1;
	[dreg:$0x2] =	wrdreg s2  }
0xa9: {  	[dreg:$0x3] =	wrdreg s4  }
0xaa: {  	[dreg:$0x4] =	wrdreg $0xC0  }
0xab: {  	_ =	task [dreg:s6], $0x5FFFF  }
0xac: {  	[dreg:$0x1] =	wrdreg $0xFFFFFFFF  }
0xad: {  	[dreg:$0x0] =	wrdreg $0x60  }
0xae: {  	[dreg:$0x2] =	wrdreg s24  }
0xaf: {  	[dreg:$0x3] =	wrdreg $0xD0000  }
0xb0: {  	[dreg:$0x4] =	wrdreg $0x9  }
0xb1: {  	_ =	task.clear_ibuf [dreg:s6], $0x5FFFF;
	_ =	strace $0x90000049  }
0xb2: {  	s29 =	simm.s32 $0x9;
	_ =	strace $0x8000004B  }
0xb3: {  	_ =	swait.ge [sflag:s29], $0x1  }
0xb4: {  	[sflag:s29] =	ssyncadd.s32 $0xFFFFFFFF  }
0xb5: {  	_ =	strace $0x9000004B  }
0xb6: {  	_ =	sfence  }
0xb7: {  	s30 =	sld [smem:$0x0];
	_ =	sdelay $0x2  }
0xb8: {  	s31 =	sshll.u32 s1, $0xD;
	s1 =	sshrl.u32 s1, $0x2  }
0xb9: {  	s3 =	sand.u32 $0x4000, s31;
	s1 =	sadd.s32 s1, s30  }
0xba: {  	s0 =	sor.u32 s3, s0;
	s1 =	sshll.u32 s1, $0x11  }
0xbb: {  	s0 =	sor.u32 s1, s0  }
0xbc: {  	s0 =	sadd.s32 $0x8F2B, s0  }
0xbd: {  	[sflag:s0] =	ssyncadd.remote.s32 $0x1  }
0xbe: {  	_ =	sfence.sel $0xFFFF  }
0xbf: {  	[dreg:$0x0] =	wrdreg $0xFFFFFFFF;
	(pc) =	sbr.abs _section_cstart, $3  }
0xc0: {  	[dreg:$0x1] =	wrdreg $0xFFFFFFFF  }
0xc1: {  	_ =	task.clear_ibuf [dreg:s6], $0x2FFFF;
	_ =	strace $0x9FFFFFFF  }
0xc2: {  	(tm) =	ssettm $0x7FFFFFFF  }
0xc3: {  	_ =	shalt  }
tec
execute0_lowered:
.L_overlay_start_1:
0x0: {  	(tag) =	ssettag $0x1  }
0x1: {  	s0 =	srdreg.scid  }
0x2: {  	s9 =	stileid.u32;
	s3 =	rddreg [dreg:$0x0]  }
0x3: {  	s2 =	rddreg [dreg:$0x1];
	s4 =	simm.s32 $0x0;
	s10 =	simm.s32 $0x11  }
0x4: {  	s14 =	simm.s32 $0x80;
	s20 =	simm.s32 $0x8000;
	s21 =	simm.s32 $0x1  }
0x5: {  	s22 =	simm.s32 $0x2;
	s28 =	simm.s32 $0xB000;
	s29 =	simm.s32 $0xC000  }
0x6: {  	s30 =	simm.s32 $0x9;
	s31 =	simm.s32 $0xA;
	s11 =	simm.s32 $0x5  }
0x7: {  	s17 =	simm.s32 $0x6;
	s19 =	simm.s32 $0x7;
	s13 =	simm.s32 $0x0  }
0x8: {  	s18 =	simm.s32 $0x6000;
	s0 =	sand.u32 $0x1, s0;
	s1 =	sshll.u32 s9, $0x1  }
0x9: {  	s5 =	smul.u32 $0xA000, s9;
	[smem:$0x7FF] =	sst s4;
	s4 =	sadd.s32 $0x3200, s3  }
0xa: {  	s26 =	sshll.u32 s9, $0x6;
	s9 =	simm.s32 $0x10;
	s1 =	sor.u32 s0, s1  }
0xb: {  	s6 =	smul.u32 $0xA0000, s0;
	_ =	strace $0x8000004A;
	s0 =	ssub.s32 $0x2, s0  }
0xc: {  	s15 =	sor.u32 $0x1C11, s26;
	s26 =	simm.s32 $0xA000;
	s1 =	smul.u32 $0x2800, s1  }
0xd: {  	s7 =	sshrl.u32 s5, $0x4;
	s8 =	sshrl.u32 s0, $0x1;
	[dreg:$0x8] =	wrdreg s15  }
0xe: {  	s6 =	sadd.s32 s5, s6;
	s7 =	sadd.s32 s7, s3;
	s0 =	ssub.s32 s0, s8  }
0xf: {  	s5 =	sshrl.u32 s5, $0x1;
	s8 =	simm.s32 $0xF;
	s1 =	sshrl.u32 s1, $0x3  }
0x10: {  	s6 =	sshrl.u32 s6, $0x4;
	s24 =	sadd.s32 s5, s2;
	s25 =	sadd.s32 $0x39C00, s7  }
0x11: {  	s0 =	smax.u32 s0, $0x1;
	s5 =	simm.s32 $0x8;
	s7 =	simm.s32 $0xE  }
0x12: {  	s1 =	sadd.s32 s1, s3;
	s3 =	sadd.s32 s6, s3;
	[dreg:$0x5] =	wrdreg s25  }
0x13: {  	[dreg:$0x7] =	wrdreg s0;
	s12 =	sshrl.u32 s24, $0x3;
	s24 =	simm.s32 $0x4  }
0x14: {  	s25 =	simm.s32 $0x9000;
	s23 =	sadd.s32 $0x25C00, s1;
	[dreg:$0x9] =	wrdreg s12  }
0x15: {  	s0 =	simm.s32 $0xC;
	s1 =	sadd.s32 $0x2FC00, s1;
	[dreg:$0x3] =	wrdreg s23  }
0x16: {  	s6 =	simm.s32 $0xD;
	s3 =	sadd.s32 $0xD200, s3;
	[dreg:$0x4] =	wrdreg s1  }
0x17: {  	[dreg:$0x6] =	wrdreg s3;
	s23 =	simm.s32 $0x3;
	s1 =	simm.s32 $0xB  }
.LBB2_1:
0x18: {  	[dreg:$0xa] =	wrdreg s13  }
0x19: {  	s16 =	simm.s32 $0x0;
	s3 =	rddreg [dreg:$0x3]  }
0x1a: {  	[tilespmem:s16], [sflag:$0x11] =	stream.linear.gather [hbm4b:s3+s16], $0x2800, $0x38;
	[tilespmem:$0x12000] =	vst v63  }
0x1b: {  	_ =	swait.ge [sflag:s10], $0x2800  }
0x1c: {  	[sflag:s10] =	ssyncset.done $0x0  }
0x1d: {  	s13 =	simm.s32 $0x2800;
	s3 =	rddreg [dreg:$0x4];
	[sflag:s10] =	ssyncadd.s32 $0xFFFFD800  }
0x1e: {  	[tilespmem:s13], [sflag:$0x11] =	stream.linear.gather [hbm4b:s3+s16], $0x2800, $0x38;
	[tilespmem:$0x12000] =	vst v63  }
0x1f: {  	_ =	swait.ge [sflag:s10], $0x2800  }
0x20: {  	[sflag:s10] =	ssyncset.done $0x0  }
0x21: {  	s16 =	rddreg [dreg:$0x5];
	[sflag:s10] =	ssyncadd.s32 $0xFFFFD800  }
0x22: {  	[spmem:s12], [sflag:s15] =	dma.local [hbm:s16], $0xA00  }
0x23: {  	_ =	swait.ge [sflag:s10], $0xA00  }
0x24: {  	[sflag:s10] =	ssyncset.done $0x0  }
0x25: {  	[sflag:s10] =	ssyncadd.s32 $0xFFFFF600  }
0x26: {  	s13 =	simm.s32 $0x0;
	s16 =	simm.s32 $0x5000;
	[bflag:$0x0] =	sbarrier.arrive $0xFFFF  }
0x27: {  	[tilespmem:s16], [sflag:$0x1] =	stream.indirect.gather [hbm4b:s4+s14], $0x20, s13, s14, $0xb8;
	[tilespmem:$0x12000] =	vst v63  }
0x28: {  	_ = 	snop  }
0x29: {  	[tilespmem:s18], [sflag:$0x2] =	stream.indirect.gather [hbm4b:s4+s14], $0x20, s14, s14, $0xb8;
	[tilespmem:$0x12000] =	vst v63  }
0x2a: {  	s12 =	simm.s32 $0x100;
	s15 =	simm.s32 $0x7000  }
0x2b: {  	[tilespmem:s15], [sflag:$0x3] =	stream.indirect.gather [hbm4b:s4+s14], $0x20, s12, s14, $0xb8;
	[tilespmem:$0x12000] =	vst v63  }
0x2c: {  	s10 =	simm.s32 $0x180  }
0x2d: {  	[tilespmem:s20], [sflag:$0x4] =	stream.indirect.gather [hbm4b:s4+s14], $0x20, s10, s14, $0xb8;
	[tilespmem:$0x12000] =	vst v63  }
0x2e: {  	_ =	swait.ge [sflag:s21], $0x1000  }
0x2f: {  	[sflag:s21] =	ssyncset.done $0x0  }
0x30: {  	s12 =	simm.s32 $0x2800;
	[sflag:s21] =	ssyncadd.s32 $0xFFFFF000  }
0x31: {  	[spmem:s2] =	stream.indirect.scatter.add.bf16 [tilespmem:s16], [sflag:$0x9], $0x20, s12, s14, $0xb8;
	[tilespmem:$0x12000] =	vst v63  }
0x32: {  	_ =	swait.ge [sflag:s22], $0x1000  }
0x33: {  	[sflag:s22] =	ssyncset.done $0x0  }
0x34: {  	s10 =	simm.s32 $0x2880;
	[sflag:s22] =	ssyncadd.s32 $0xFFFFF000  }
0x35: {  	[spmem:s2] =	stream.indirect.scatter.add.bf16 [tilespmem:s18], [sflag:$0xA], $0x20, s10, s14, $0xb8;
	[tilespmem:$0x12000] =	vst v63  }
0x36: {  	_ =	swait.ge [sflag:s23], $0x1000  }
0x37: {  	[sflag:s23] =	ssyncset.done $0x0  }
0x38: {  	s12 =	simm.s32 $0x2900;
	[sflag:s23] =	ssyncadd.s32 $0xFFFFF000  }
0x39: {  	[spmem:s2] =	stream.indirect.scatter.add.bf16 [tilespmem:s15], [sflag:$0xB], $0x20, s12, s14, $0xb8;
	[tilespmem:$0x12000] =	vst v63  }
0x3a: {  	_ =	swait.ge [sflag:s24], $0x1000  }
0x3b: {  	[sflag:s24] =	ssyncset.done $0x0  }
0x3c: {  	s10 =	simm.s32 $0x2980;
	[sflag:s24] =	ssyncadd.s32 $0xFFFFF000  }
0x3d: {  	[spmem:s2] =	stream.indirect.scatter.add.bf16 [tilespmem:s20], [sflag:$0xC], $0x20, s10, s14, $0xb8;
	[tilespmem:$0x12000] =	vst v63  }
0x3e: {  	s12 =	simm.s32 $0x200  }
0x3f: {  	[tilespmem:s25], [sflag:$0x5] =	stream.indirect.gather [hbm4b:s4+s14], $0x20, s12, s14, $0xb8;
	[tilespmem:$0x12000] =	vst v63  }
0x40: {  	s10 =	simm.s32 $0x280  }
0x41: {  	[tilespmem:s26], [sflag:$0x6] =	stream.indirect.gather [hbm4b:s4+s14], $0x20, s10, s14, $0xb8;
	[tilespmem:$0x12000] =	vst v63  }
0x42: {  	s12 =	simm.s32 $0x300  }
0x43: {  	[tilespmem:s28], [sflag:$0x7] =	stream.indirect.gather [hbm4b:s4+s14], $0x20, s12, s14, $0xb8;
	[tilespmem:$0x12000] =	vst v63  }
0x44: {  	s10 =	simm.s32 $0x380  }
0x45: {  	[tilespmem:s29], [sflag:$0x8] =	stream.indirect.gather [hbm4b:s4+s14], $0x20, s10, s14, $0xb8;
	[tilespmem:$0x12000] =	vst v63  }
0x46: {  	_ =	swait.ge [sflag:s30], $0x1000  }
0x47: {  	[sflag:s30] =	ssyncset.done $0x0  }
0x48: {  	[sflag:s30] =	ssyncadd.s32 $0xFFFFF000  }
0x49: {  	_ =	swait.ge [sflag:s31], $0x1000  }
0x4a: {  	[sflag:s31] =	ssyncset.done $0x0  }
0x4b: {  	[sflag:s31] =	ssyncadd.s32 $0xFFFFF000  }
0x4c: {  	_ =	swait.ge [sflag:s1], $0x1000  }
0x4d: {  	[sflag:s1] =	ssyncset.done $0x0  }
0x4e: {  	[sflag:s1] =	ssyncadd.s32 $0xFFFFF000  }
0x4f: {  	_ =	swait.ge [sflag:s0], $0x1000  }
0x50: {  	[sflag:s0] =	ssyncset.done $0x0  }
0x51: {  	[sflag:s0] =	ssyncadd.s32 $0xFFFFF000  }
0x52: {  	_ =	swait.ge [sflag:s11], $0x1000  }
0x53: {  	[sflag:s11] =	ssyncset.done $0x0  }
0x54: {  	s12 =	simm.s32 $0x2A00;
	[sflag:s11] =	ssyncadd.s32 $0xFFFFF000  }
0x55: {  	[spmem:s2] =	stream.indirect.scatter.add.bf16 [tilespmem:s25], [sflag:$0xD], $0x20, s12, s14, $0xb8;
	[tilespmem:$0x12000] =	vst v63  }
0x56: {  	_ =	swait.ge [sflag:s17], $0x1000  }
0x57: {  	[sflag:s17] =	ssyncset.done $0x0  }
0x58: {  	s10 =	simm.s32 $0x2A80;
	[sflag:s17] =	ssyncadd.s32 $0xFFFFF000  }
0x59: {  	[spmem:s2] =	stream.indirect.scatter.add.bf16 [tilespmem:s26], [sflag:$0xE], $0x20, s10, s14, $0xb8;
	[tilespmem:$0x12000] =	vst v63  }
0x5a: {  	_ =	swait.ge [sflag:s19], $0x1000  }
0x5b: {  	[sflag:s19] =	ssyncset.done $0x0  }
0x5c: {  	s12 =	simm.s32 $0x2B00;
	[sflag:s19] =	ssyncadd.s32 $0xFFFFF000  }
0x5d: {  	[spmem:s2] =	stream.indirect.scatter.add.bf16 [tilespmem:s28], [sflag:$0xF], $0x20, s12, s14, $0xb8;
	[tilespmem:$0x12000] =	vst v63  }
0x5e: {  	_ =	swait.ge [sflag:s5], $0x1000  }
0x5f: {  	[sflag:s5] =	ssyncset.done $0x0  }
0x60: {  	s10 =	simm.s32 $0x2B80;
	s12 =	smin.u32 s13, $0x47;
	[sflag:s5] =	ssyncadd.s32 $0xFFFFF000  }
0x61: {  	[spmem:s2] =	stream.indirect.scatter.add.bf16 [tilespmem:s29], [sflag:$0x10], $0x20, s10, s14, $0xb8;
	[tilespmem:$0x12000] =	vst v63  }
0x62: {  	s10 =	sshll.u32 s12, $0x7;
	s12 =	smin.u32 s13, $0x46  }
0x63: {  	s3 =	sadd.s32 $0x400, s10;
	s10 =	sshll.u32 s12, $0x7;
	s12 =	smin.u32 s13, $0x45  }
0x64: {  	[tilespmem:s16], [sflag:$0x1] =	stream.indirect.gather [hbm4b:s4+s14], $0x20, s3, s14, $0xb8;
	[tilespmem:$0x12000] =	vst v63  }
0x65: {  	s10 =	sadd.s32 $0x480, s10;
	s3 =	sshll.u32 s12, $0x7;
	s12 =	smin.u32 s13, $0x44  }
0x66: {  	[tilespmem:s18], [sflag:$0x2] =	stream.indirect.gather [hbm4b:s4+s14], $0x20, s10, s14, $0xb8;
	[tilespmem:$0x12000] =	vst v63  }
0x67: {  	s3 =	sadd.s32 $0x500, s3;
	s10 =	sshll.u32 s12, $0x7  }
0x68: {  	[tilespmem:s15], [sflag:$0x3] =	stream.indirect.gather [hbm4b:s4+s14], $0x20, s3, s14, $0xb8;
	[tilespmem:$0x12000] =	vst v63  }
0x69: {  	s13 =	sadd.s32 $0x580, s10  }
0x6a: {  	[tilespmem:s20], [sflag:$0x4] =	stream.indirect.gather [hbm4b:s4+s14], $0x20, s13, s14, $0xb8;
	[tilespmem:$0x12000] =	vst v63  }
0x6b: {  	_ =	swait.ge [sflag:s6], $0x1000  }
0x6c: {  	[sflag:s6] =	ssyncset.done $0x0  }
0x6d: {  	[sflag:s6] =	ssyncadd.s32 $0xFFFFF000  }
0x6e: {  	_ =	swait.ge [sflag:s7], $0x1000  }
0x6f: {  	[sflag:s7] =	ssyncset.done $0x0  }
0x70: {  	[sflag:s7] =	ssyncadd.s32 $0xFFFFF000  }
0x71: {  	_ =	swait.ge [sflag:s8], $0x1000  }
0x72: {  	[sflag:s8] =	ssyncset.done $0x0  }
0x73: {  	[sflag:s8] =	ssyncadd.s32 $0xFFFFF000  }
0x74: {  	s3 =	simm.s32 $0x0;
	s13 =	simm.s32 $0x1000;
	_ =	swait.ge [sflag:s9], $0x1000  }
.LBB2_2:
0x75: {  	p0 =	sne.s32 s13, $0x9000;
	[sflag:s9] =	ssyncset.done $0x0;
	s3 =	sadd.s32 $0x8, s3  }
0x76: {  	s10 =	smov.u32 s13;
	s13 =	sadd.s32 $0x1000, s13;
	[sflag:s9] =	ssyncadd.s32 $0xFFFFF000  }
0x77: {  	s10 =	sshra.s32 s10, $0x2;
	_ =	swait.ge [sflag:s21], $0x1000  }
0x78: {  	s12 =	sadd.s32 $0x2800, s10;
	[sflag:s21] =	ssyncset.done $0x0  }
0x79: {  	[sflag:s21] =	ssyncadd.s32 $0xFFFFF000  }
0x7a: {  	[spmem:s2] =	stream.indirect.scatter.add.bf16 [tilespmem:s16], [sflag:$0x9], $0x20, s12, s14, $0xb8;
	[tilespmem:$0x12000] =	vst v63  }
0x7b: {  	_ =	swait.ge [sflag:s22], $0x1000  }
0x7c: {  	s12 =	sadd.s32 $0x2880, s10;
	[sflag:s22] =	ssyncset.done $0x0  }
0x7d: {  	[sflag:s22] =	ssyncadd.s32 $0xFFFFF000  }
0x7e: {  	[spmem:s2] =	stream.indirect.scatter.add.bf16 [tilespmem:s18], [sflag:$0xA], $0x20, s12, s14, $0xb8;
	[tilespmem:$0x12000] =	vst v63  }
0x7f: {  	_ =	swait.ge [sflag:s23], $0x1000  }
0x80: {  	s12 =	sadd.s32 $0x2900, s10;
	[sflag:s23] =	ssyncset.done $0x0  }
0x81: {  	[sflag:s23] =	ssyncadd.s32 $0xFFFFF000  }
0x82: {  	[spmem:s2] =	stream.indirect.scatter.add.bf16 [tilespmem:s15], [sflag:$0xB], $0x20, s12, s14, $0xb8;
	[tilespmem:$0x12000] =	vst v63  }
0x83: {  	_ =	swait.ge [sflag:s24], $0x1000  }
0x84: {  	s12 =	sadd.s32 $0x2980, s10;
	[sflag:s24] =	ssyncset.done $0x0  }
0x85: {  	[sflag:s24] =	ssyncadd.s32 $0xFFFFF000  }
0x86: {  	[spmem:s2] =	stream.indirect.scatter.add.bf16 [tilespmem:s20], [sflag:$0xC], $0x20, s12, s14, $0xb8;
	[tilespmem:$0x12000] =	vst v63  }
0x87: {  	s12 =	sadd.s32 $0x200, s10  }
0x88: {  	[tilespmem:s25], [sflag:$0x5] =	stream.indirect.gather [hbm4b:s4+s14], $0x20, s12, s14, $0xb8;
	[tilespmem:$0x12000] =	vst v63  }
0x89: {  	s12 =	sadd.s32 $0x280, s10  }
0x8a: {  	[tilespmem:s26], [sflag:$0x6] =	stream.indirect.gather [hbm4b:s4+s14], $0x20, s12, s14, $0xb8;
	[tilespmem:$0x12000] =	vst v63  }
0x8b: {  	s12 =	sadd.s32 $0x300, s10  }
0x8c: {  	[tilespmem:s28], [sflag:$0x7] =	stream.indirect.gather [hbm4b:s4+s14], $0x20, s12, s14, $0xb8;
	[tilespmem:$0x12000] =	vst v63  }
0x8d: {  	s12 =	sadd.s32 $0x380, s10  }
0x8e: {  	[tilespmem:s29], [sflag:$0x8] =	stream.indirect.gather [hbm4b:s4+s14], $0x20, s12, s14, $0xb8;
	[tilespmem:$0x12000] =	vst v63  }
0x8f: {  	_ =	swait.ge [sflag:s30], $0x1000  }
0x90: {  	[sflag:s30] =	ssyncset.done $0x0  }
0x91: {  	[sflag:s30] =	ssyncadd.s32 $0xFFFFF000  }
0x92: {  	_ =	swait.ge [sflag:s31], $0x1000  }
0x93: {  	[sflag:s31] =	ssyncset.done $0x0  }
0x94: {  	[sflag:s31] =	ssyncadd.s32 $0xFFFFF000  }
0x95: {  	_ =	swait.ge [sflag:s1], $0x1000  }
0x96: {  	[sflag:s1] =	ssyncset.done $0x0  }
0x97: {  	[sflag:s1] =	ssyncadd.s32 $0xFFFFF000  }
0x98: {  	_ =	swait.ge [sflag:s0], $0x1000  }
0x99: {  	[sflag:s0] =	ssyncset.done $0x0  }
0x9a: {  	[sflag:s0] =	ssyncadd.s32 $0xFFFFF000  }
0x9b: {  	_ =	swait.ge [sflag:s11], $0x1000  }
0x9c: {  	s12 =	sadd.s32 $0x2A00, s10;
	[sflag:s11] =	ssyncset.done $0x0  }
0x9d: {  	[sflag:s11] =	ssyncadd.s32 $0xFFFFF000  }
0x9e: {  	[spmem:s2] =	stream.indirect.scatter.add.bf16 [tilespmem:s25], [sflag:$0xD], $0x20, s12, s14, $0xb8;
	[tilespmem:$0x12000] =	vst v63  }
0x9f: {  	_ =	swait.ge [sflag:s17], $0x1000  }
0xa0: {  	s12 =	sadd.s32 $0x2A80, s10;
	[sflag:s17] =	ssyncset.done $0x0  }
0xa1: {  	[sflag:s17] =	ssyncadd.s32 $0xFFFFF000  }
0xa2: {  	[spmem:s2] =	stream.indirect.scatter.add.bf16 [tilespmem:s26], [sflag:$0xE], $0x20, s12, s14, $0xb8;
	[tilespmem:$0x12000] =	vst v63  }
0xa3: {  	_ =	swait.ge [sflag:s19], $0x1000  }
0xa4: {  	s12 =	sadd.s32 $0x2B00, s10;
	[sflag:s19] =	ssyncset.done $0x0  }
0xa5: {  	[sflag:s19] =	ssyncadd.s32 $0xFFFFF000  }
0xa6: {  	[spmem:s2] =	stream.indirect.scatter.add.bf16 [tilespmem:s28], [sflag:$0xF], $0x20, s12, s14, $0xb8;
	[tilespmem:$0x12000] =	vst v63  }
0xa7: {  	_ =	swait.ge [sflag:s5], $0x1000  }
0xa8: {  	s10 =	sadd.s32 $0x2B80, s10;
	s12 =	smin.u32 s3, $0x47;
	[sflag:s5] =	ssyncset.done $0x0  }
0xa9: {  	s15 =	smin.u32 s3, $0x46;
	s12 =	sshll.u32 s12, $0x7;
	[sflag:s5] =	ssyncadd.s32 $0xFFFFF000  }
0xaa: {  	[spmem:s2] =	stream.indirect.scatter.add.bf16 [tilespmem:s29], [sflag:$0x10], $0x20, s10, s14, $0xb8;
	[tilespmem:$0x12000] =	vst v63  }
0xab: {  	s10 =	sadd.s32 $0x400, s12;
	s12 =	sshll.u32 s15, $0x7;
	s15 =	smin.u32 s3, $0x45  }
0xac: {  	[tilespmem:s16], [sflag:$0x1] =	stream.indirect.gather [hbm4b:s4+s14], $0x20, s10, s14, $0xb8;
	[tilespmem:$0x12000] =	vst v63  }
0xad: {  	s10 =	sadd.s32 $0x480, s12;
	s12 =	sshll.u32 s15, $0x7;
	s15 =	smin.u32 s3, $0x44  }
0xae: {  	[tilespmem:s18], [sflag:$0x2] =	stream.indirect.gather [hbm4b:s4+s14], $0x20, s10, s14, $0xb8;
	[tilespmem:$0x12000] =	vst v63  }
0xaf: {  	s10 =	sadd.s32 $0x500, s12;
	s12 =	sshll.u32 s15, $0x7;
	s15 =	simm.s32 $0x7000  }
0xb0: {  	[tilespmem:s15], [sflag:$0x3] =	stream.indirect.gather [hbm4b:s4+s14], $0x20, s10, s14, $0xb8;
	[tilespmem:$0x12000] =	vst v63  }
0xb1: {  	s10 =	sadd.s32 $0x580, s12  }
0xb2: {  	[tilespmem:s20], [sflag:$0x4] =	stream.indirect.gather [hbm4b:s4+s14], $0x20, s10, s14, $0xb8;
	[tilespmem:$0x12000] =	vst v63  }
0xb3: {  	_ =	swait.ge [sflag:s6], $0x1000  }
0xb4: {  	[sflag:s6] =	ssyncset.done $0x0  }
0xb5: {  	[sflag:s6] =	ssyncadd.s32 $0xFFFFF000  }
0xb6: {  	_ =	swait.ge [sflag:s7], $0x1000  }
0xb7: {  	[sflag:s7] =	ssyncset.done $0x0  }
.Ltmp0:
0xb8: {  	[sflag:s7] =	ssyncadd.s32 $0xFFFFF000;
	(pc) =	sbr.rel @p0 .LBB2_2-.Ltmp0, $4  }
0xb9: {  	_ =	swait.ge [sflag:s8], $0x1000  }
0xba: {  	[sflag:s8] =	ssyncset.done $0x0  }
0xbb: {  	[sflag:s8] =	ssyncadd.s32 $0xFFFFF000  }
0xbc: {  	_ =	swait.ge [sflag:s9], $0x1000  }
0xbd: {  	[sflag:s9] =	ssyncset.done $0x0  }
0xbe: {  	[sflag:s9] =	ssyncadd.s32 $0xFFFFF000  }
0xbf: {  	_ =	swait.ge [sflag:s21], $0x1000  }
0xc0: {  	[sflag:s21] =	ssyncset.done $0x0  }
0xc1: {  	[sflag:s21] =	ssyncadd.s32 $0xFFFFF000  }
0xc2: {  	_ =	swait.ge [sflag:s22], $0x1000  }
0xc3: {  	[sflag:s22] =	ssyncset.done $0x0  }
0xc4: {  	[sflag:s22] =	ssyncadd.s32 $0xFFFFF000  }
0xc5: {  	_ =	swait.ge [sflag:s23], $0x1000  }
0xc6: {  	[sflag:s23] =	ssyncset.done $0x0  }
0xc7: {  	[sflag:s23] =	ssyncadd.s32 $0xFFFFF000  }
0xc8: {  	_ =	swait.ge [sflag:s24], $0x1000  }
0xc9: {  	[sflag:s24] =	ssyncset.done $0x0  }
0xca: {  	[sflag:s24] =	ssyncadd.s32 $0xFFFFF000  }
0xcb: {  	[bflag:$0x0] =	sbarrier.arrive $0xFFFF  }
0xcc: {  	s3 =	rddreg [dreg:$0x6]  }
0xcd: {  	s15 =	rddreg [dreg:$0x8]  }
0xce: {  	s10 =	simm.s32 $0x11;
	s12 =	rddreg [dreg:$0x9]  }
0xcf: {  	[hbm:s3], [sflag:s15] =	dma.local [spmem:s12], $0xA00  }
0xd0: {  	_ =	swait.ge [sflag:s10], $0xA00  }
0xd1: {  	s13 =	rddreg [dreg:$0xa]  }
0xd2: {  	s16 =	rddreg [dreg:$0x7];
	s13 =	sadd.s32 $0x1, s13  }
0xd3: {  	p0 =	sne.s32 s13, s16  }
.Ltmp1:
0xd4: {  	_ = 	snop;
	(pc) =	sbr.rel @p0 .LBB2_1-.Ltmp1, $3  }
0xd5: {  	_ =	sdelay $0x1  }
0xd6: {  	[sflag:s10] =	ssyncset.done $0x0  }
0xd7: {  	[sflag:s10] =	ssyncadd.s32 $0xFFFFF600  }
0xd8: {  	_ =	sfence.sel $0x180000  }
0xd9: {  	[bflag:$0x0] =	sbarrier.arrive $0xFFFF  }
0xda: {  	_ =	strace $0x9000004A  }
0xdb: {  	s0 =	stileid.u32;
	[bflag:$0x2] =	sbarrier.arrive $0xFFFF  }
0xdc: {  	p0 =	sne.s32 s0, $0x0;
	s0 =	rddreg [dreg:$0x2]  }
0xdd: {  	s0 =	sadd.s32 @!p0 $0x100000, s0  }
0xde: {  	[sflag:s0] =	ssyncadd.tile.s32 @!p0 $0x1;
	_ =	shalt  }
.Lfunc_end2:
_tile_overlayer_lowered:
.L_overlay_start_2:
0xdf: {  	(tag) =	ssettag $0x2  }
0xe0: {  	s0 =	rddreg [dreg:$0x0];
	s2 =	stileid.u32  }
0xe1: {  	s1 =	rddreg [dreg:$0x1];
	p0 =	sne.s32 s2, $0x0  }
0xe2: {  	s3 =	rddreg [dreg:$0x2];
	[bflag:$0x3] =	sbarrier.arrive $0xFFFF;
	s2 =	simm.s32 @!p0 $0x1C11  }
0xe3: {  	[timem:s3], [sflag:s2] =	dma.local @!p0 [hbm:s0], s1  }
0xe4: {  	s0 =	simm.s32 @!p0 $0x11  }
0xe5: {  	_ =	swait.ge @!p0 [sflag:s0], s1  }
0xe6: {  	s1 =	ssub.s32 @!p0 $0x0, s1;
	[sflag:s0] =	ssyncset.done @!p0 $0x0  }
0xe7: {  	[sflag:s0] =	ssyncadd.s32 @!p0 s1  }
0xe8: {  	[bflag:$0x3] =	sbarrier.arrive $0xFFFF  }
0xe9: {  	_ =	shalt  }

// kernel: kernel.14.cloned.1.call-start
scs
__scs_entry_jumppad:
0x0: {  	(pc) =	sbr.rel $0x88, $3  }
0x1: {  	(tag) =	ssettag $0x0;
	lr =	simm.s32 $0x1  }
0x2: {  	[smem:$0x3F91] =	sst lr;
	_ =	strace $0xD0000000  }
0x3: {  	_ = 	snop  }
0x4: {  	_ = 	snop  }
0x5: {  	_ = 	snop  }
0x6: {  	_ = 	snop  }
0x7: {  	_ = 	snop  }
__scs_overlays_trampoline_lowered:
0x8: {  	[smem:$0x3FA0] =	sst s0  }
0x9: {  	[smem:$0x3FA1] =	sst s1  }
0xa: {  	[smem:$0x3FA2] =	sst s2  }
0xb: {  	[smem:$0x3FA3] =	sst s3  }
0xc: {  	[smem:$0x3FA4] =	sst s4  }
0xd: {  	[smem:$0x3FA5] =	sst s5  }
0xe: {  	[smem:$0x3FA6] =	sst s6  }
0xf: {  	[smem:$0x3FA7] =	sst s7  }
0x10: {  	[smem:$0x3FA8] =	sst s8  }
0x11: {  	[smem:$0x3FA9] =	sst s9;
	s0 =	simm.s32 @!p0 $0x0  }
0x12: {  	s1 =	sld [smem:$0x3F8F];
	s0 =	simm.s32 @p0 $0x1  }
0x13: {  	[smem:$0x3FAA] =	sst s0;
	s0 =	simm.s32 @!p1 $0x0  }
0x14: {  	s2 =	sld [smem:$0x3F8E];
	s0 =	simm.s32 @p1 $0x1  }
0x15: {  	[smem:$0x3FAB] =	sst s0;
	s0 =	simm.s32 @!p2 $0x0  }
0x16: {  	s3 =	sld [smem:$0x3FDB];
	s0 =	simm.s32 @p2 $0x1  }
0x17: {  	s4 =	simm.s32 $0x1BF5;
	[smem:$0x3FAD] =	sst s0  }
0x18: {  	s0 =	sld [smem:$0x3F90];
	_ =	swait.ge [sflag:s4], $0x0  }
0x19: {  	s7 =	sld [smem:$0x3F91]  }
0x1a: {  	s8 =	sadd.s32 $0xFFFFE003, lr  }
0x1b: {  	s9 =	sadd.s32 $0xFFFFFEF7, lr;
	s5 =	simm.s32 $0xFFFFFFFF;
	p2 =	slt.u32 s8, $0xFFFFF086  }
0x1c: {  	p1 =	slt.u32 s9, $0xF7A;
	s5 =	simm.s32 @!p2 $0x0  }
0x1d: {  	s5 =	simm.s32 @p1 $0x1;
	p0 =	seq.s32 s7, s2  }
0x1e: {  	s7 =	smul.u32 @!p0 $0xF7A, s2;
	p2 =	seq.s32 @!p0 s5, $0x0  }
0x1f: {  	s9 =	smul.u32 $0xF7A, s1;
	s8 =	simm.s32 @!p0 $0x1BF5;
	p2 =	por !p2, p0  }
0x20: {  	[sflag:s8] =	ssyncset.s32 @!p0 $0xFFFFF086;
	s6 =	sadd.s32 @!p0 s3, s7;
	s7 =	simm.s32 @!p0 $0x108  }
0x21: {  	s3 =	sadd.s32 s3, s9;
	s6 =	sadd.s32 @!p0 $0x88, s6;
	s7 =	simm.s32 @p2 $0x1082  }
0x22: {  	[simem:s7], [sflag:s8] =	dma.local @!p0 [hbm:s6], $0xF7A  }
0x23: {  	s9 =	sor.u32 $0xD0000000, s2;
	s6 =	simm.s32 $0x108;
	_ =	swait.ge @!p0 [sflag:s8], $0x0  }
0x24: {  	s3 =	sadd.s32 $0x88, s3;
	s6 =	simm.s32 @!p1 $0x1082;
	[sflag:s4] =	ssyncset.s32 $0xFFFFF086  }
0x25: {  	[simem:s6], [sflag:s4] =	dma.local [hbm:s3], $0xF7A  }
0x26: {  	[smem:$0x3F91] =	sst s1;
	(tag) =	ssettag s2;
	_ =	strace s9  }
0x27: {  	s1 =	sld [smem:$0x3FA1]  }
0x28: {  	s2 =	sld [smem:$0x3FA2]  }
0x29: {  	s4 =	sld [smem:$0x3FA4]  }
0x2a: {  	p0 =	seq.s32 s5, $0x0;
	s5 =	sld [smem:$0x3FA5]  }
0x2b: {  	s6 =	sld [smem:$0x3FA6]  }
0x2c: {  	s7 =	sld [smem:$0x3FA7]  }
0x2d: {  	s3 =	simm.s32 $0x108;
	s8 =	sld [smem:$0x3FA8]  }
0x2e: {  	s3 =	simm.s32 @!p0 $0x1082;
	s9 =	sld [smem:$0x3FA9]  }
0x2f: {  	lr =	sadd.s32 s0, s3;
	s0 =	sld [smem:$0x3FA0]  }
0x30: {  	s3 =	sld [smem:$0x3FA3]  }
0x31: {  	[smem:$0x3FAC] =	sst s10  }
0x32: {  	s10 =	sld [smem:$0x3FAA];
	_ =	sdelay $0x3  }
0x33: {  	p0 =	seq.s32 s10, $0x1;
	s10 =	sld [smem:$0x3FAC];
	_ =	sdelay $0x3  }
0x34: {  	[smem:$0x3FAC] =	sst s10  }
0x35: {  	s10 =	sld [smem:$0x3FAB];
	_ =	sdelay $0x3  }
0x36: {  	p1 =	seq.s32 s10, $0x1;
	s10 =	sld [smem:$0x3FAC];
	_ =	sdelay $0x3  }
0x37: {  	[smem:$0x3FAC] =	sst s10  }
0x38: {  	s10 =	sld [smem:$0x3FAD]  }
0x39: {  	_ = 	snop;
	(pc) =	sbr.ind lr, $3  }
0x3a: {  	_ = 	snop  }
0x3b: {  	_ = 	snop  }
0x3c: {  	p2 =	seq.s32 s10, $0x1;
	s10 =	sld [smem:$0x3FAC]  }
0x3d: {  	_ =	shalt  }
0x3e: {  	_ =	shalt  }
0x3f: {  	_ =	shalt  }
0x40: {  	_ =	shalt  }
0x41: {  	_ =	shalt  }
0x42: {  	_ =	shalt  }
0x43: {  	_ =	shalt  }
0x44: {  	_ =	shalt  }
0x45: {  	_ =	shalt  }
0x46: {  	_ =	shalt  }
0x47: {  	_ =	shalt  }
0x48: {  	_ =	shalt  }
0x49: {  	_ =	shalt  }
0x4a: {  	_ =	shalt  }
0x4b: {  	_ =	shalt  }
0x4c: {  	_ =	shalt  }
0x4d: {  	_ =	shalt  }
0x4e: {  	_ =	shalt  }
0x4f: {  	_ =	shalt  }
0x50: {  	_ =	shalt  }
0x51: {  	_ =	shalt  }
0x52: {  	_ =	shalt  }
0x53: {  	_ =	shalt  }
0x54: {  	_ =	shalt  }
0x55: {  	_ =	shalt  }
0x56: {  	_ =	shalt  }
0x57: {  	_ =	shalt  }
0x58: {  	_ =	shalt  }
0x59: {  	_ =	shalt  }
0x5a: {  	_ =	shalt  }
0x5b: {  	_ =	shalt  }
0x5c: {  	_ =	shalt  }
0x5d: {  	_ =	shalt  }
0x5e: {  	_ =	shalt  }
0x5f: {  	_ =	shalt  }
0x60: {  	_ =	shalt  }
0x61: {  	_ =	shalt  }
0x62: {  	_ =	shalt  }
0x63: {  	_ =	shalt  }
0x64: {  	_ =	shalt  }
0x65: {  	_ =	shalt  }
0x66: {  	_ =	shalt  }
0x67: {  	_ =	shalt  }
0x68: {  	_ =	shalt  }
0x69: {  	_ =	shalt  }
0x6a: {  	_ =	shalt  }
0x6b: {  	_ =	shalt  }
0x6c: {  	_ =	shalt  }
0x6d: {  	_ =	shalt  }
0x6e: {  	_ =	shalt  }
0x6f: {  	_ =	shalt  }
0x70: {  	_ =	shalt  }
0x71: {  	_ =	shalt  }
0x72: {  	_ =	shalt  }
0x73: {  	_ =	shalt  }
0x74: {  	_ =	shalt  }
0x75: {  	_ =	shalt  }
0x76: {  	_ =	shalt  }
0x77: {  	_ =	shalt  }
0x78: {  	_ =	shalt  }
0x79: {  	_ =	shalt  }
0x7a: {  	_ =	shalt  }
0x7b: {  	_ =	shalt  }
0x7c: {  	_ =	shalt  }
0x7d: {  	_ =	shalt  }
0x7e: {  	_ =	shalt  }
0x7f: {  	_ =	shalt  }
0x80: {  	_ =	shalt  }
0x81: {  	_ =	shalt  }
0x82: {  	_ =	shalt  }
0x83: {  	_ =	shalt  }
0x84: {  	_ =	shalt  }
0x85: {  	_ =	shalt  }
0x86: {  	_ =	shalt  }
0x87: {  	_ =	shalt  }
.Lfunc_end0:
.L_simem_size_0:
called_computation.2_lowered:
.L_overlay_start_0:
0x88: {  	s2 =	sld [smem:$0x3FD9]  }
0x89: {  	s3 =	sld [smem:$0x3FFE];
	_ =	sdelay $0x1  }
0x8a: {  	s1 =	srdreg.scid  }
0x8b: {  	s0 =	sand.u32 $0x1, s1  }
0x8c: {  	s16 =	sshll.u32 s0, $0xA;
	s2 =	sadd.s32 s3, s2  }
0x8d: {  	s2 =	sadd.s32 s2, s16  }
0x8e: {  	[smem:$0x3FB8] =	sst s2  }
0x8f: {  	_ = 	snop  }
0x90: {  	(tm) =	ssettm $0x1  }
0x91: {  	s17 =	sld [smem:$0x3FFB];
	_ =	sdelay $0x3  }
0x92: {  	_ =	strace s17  }
0x93: {  	s2 =	sld [smem:$0x3FFC];
	_ =	sdelay $0x3  }
0x94: {  	_ =	strace s2  }
0x95: {  	s2 =	sld [smem:$0x3FFD];
	_ =	sdelay $0x3  }
0x96: {  	_ =	strace s2  }
0x97: {  	_ =	strace $0x8FFFFFFF  }
0x98: {  	s18 =	sld [smem:$0x3FDB];
	_ =	sdelay $0x1  }
0x99: {  	s19 =	simm.s32 $_scs_section_size  }
0x9a: {  	s4 =	simm.s32 $_size__tile_overlayer_lowered;
	s5 =	simm.s32 $_tile_overlayer_lowered  }
0x9b: {  	s22 =	simm.s32 $0x1BFF;
	s21 =	sshll.u32 s5, $0x1;
	s2 =	sadd.s32 s19, s18  }
0x9c: {  	s6 =	simm.s32 $0x0;
	s20 =	sshll.u32 s4, $0x1;
	s4 =	sadd.s32 s21, s2  }
0x9d: {  	[timem:s6], [sflag:s22] =	dma.local [hbm:s4], s20  }
0x9e: {  	_ =	swait.ge [sflag:s22], s20  }
0x9f: {  	s3 =	ssub.s32 $0x0, s20;
	[sflag:s22] =	ssyncset.done $0x0  }
0xa0: {  	[sflag:s22] =	ssyncadd.s32 s3;
	_ =	sdelay $0x1  }
0xa1: {  	s23 =	simm.s32 $0x1B8B  }
0xa2: {  	_ =	swait.ge [sflag:s23], $0x1  }
0xa3: {  	[sflag:s23] =	ssyncset.done $0x0  }
0xa4: {  	s25 =	simm.s32 $0x1B8E;
	s24 =	sld [smem:$0x3FFE];
	[sflag:s23] =	ssyncadd.s32 $0xFFFFFFFF  }
0xa5: {  	s26 =	simm.s32 $execute0_lowered;
	[smem:$0x3FD2] =	sst s25  }
0xa6: {  	s4 =	sshll.u32 s26, $0x1;
	_ =	strace $0x8000004C;
	[dreg:$0x1] =	wrdreg $0xFFFFFFFF  }
0xa7: {  	s28 =	simm.s32 $_size_execute0_lowered;
	s2 =	sadd.s32 s2, s4;
	[dreg:$0x0] =	wrdreg $0x0  }
0xa8: {  	s4 =	sshll.u32 s28, $0x1;
	[dreg:$0x2] =	wrdreg s2  }
0xa9: {  	[dreg:$0x3] =	wrdreg s4  }
0xaa: {  	[dreg:$0x4] =	wrdreg $0xC0  }
0xab: {  	_ =	task [dreg:s6], $0x5FFFF  }
0xac: {  	[dreg:$0x1] =	wrdreg $0xFFFFFFFF  }
0xad: {  	[dreg:$0x0] =	wrdreg $0x60  }
0xae: {  	[dreg:$0x2] =	wrdreg s24  }
0xaf: {  	[dreg:$0x3] =	wrdreg $0xD0000  }
0xb0: {  	[dreg:$0x4] =	wrdreg $0x9  }
0xb1: {  	_ =	task.clear_ibuf [dreg:s6], $0x5FFFF;
	_ =	strace $0x9000004C  }
0xb2: {  	s29 =	simm.s32 $0x9;
	_ =	strace $0x8000004E  }
0xb3: {  	_ =	swait.ge [sflag:s29], $0x1  }
0xb4: {  	[sflag:s29] =	ssyncadd.s32 $0xFFFFFFFF  }
0xb5: {  	_ =	strace $0x9000004E  }
0xb6: {  	_ =	sfence  }
0xb7: {  	s30 =	sld [smem:$0x0];
	_ =	sdelay $0x2  }
0xb8: {  	s31 =	sshll.u32 s1, $0xD;
	s1 =	sshrl.u32 s1, $0x2  }
0xb9: {  	s3 =	sand.u32 $0x4000, s31;
	s1 =	sadd.s32 s1, s30  }
0xba: {  	s0 =	sor.u32 s3, s0;
	s1 =	sshll.u32 s1, $0x11  }
0xbb: {  	s0 =	sor.u32 s1, s0  }
0xbc: {  	s0 =	sadd.s32 $0x8F2B, s0  }
0xbd: {  	[sflag:s0] =	ssyncadd.remote.s32 $0x1  }
0xbe: {  	_ =	sfence.sel $0xFFFF  }
0xbf: {  	[dreg:$0x0] =	wrdreg $0xFFFFFFFF;
	(pc) =	sbr.abs _section_cstart, $3  }
0xc0: {  	[dreg:$0x1] =	wrdreg $0xFFFFFFFF  }
0xc1: {  	_ =	task.clear_ibuf [dreg:s6], $0x2FFFF;
	_ =	strace $0x9FFFFFFF  }
0xc2: {  	(tm) =	ssettm $0x7FFFFFFF  }
0xc3: {  	_ =	shalt  }
tec
execute0_lowered:
.L_overlay_start_1:
0x0: {  	(tag) =	ssettag $0x1  }
0x1: {  	s0 =	srdreg.scid  }
0x2: {  	s9 =	stileid.u32;
	s3 =	rddreg [dreg:$0x0]  }
0x3: {  	s2 =	rddreg [dreg:$0x1];
	s4 =	simm.s32 $0x0;
	s10 =	simm.s32 $0x11  }
0x4: {  	s14 =	simm.s32 $0x80;
	s20 =	simm.s32 $0x8000;
	s21 =	simm.s32 $0x1  }
0x5: {  	s22 =	simm.s32 $0x2;
	s28 =	simm.s32 $0xB000;
	s29 =	simm.s32 $0xC000  }
0x6: {  	s30 =	simm.s32 $0x9;
	s31 =	simm.s32 $0xA;
	s11 =	simm.s32 $0x5  }
0x7: {  	s17 =	simm.s32 $0x6;
	s19 =	simm.s32 $0x7;
	s13 =	simm.s32 $0x0  }
0x8: {  	s18 =	simm.s32 $0x6000;
	s0 =	sand.u32 $0x1, s0;
	s1 =	sshll.u32 s9, $0x1  }
0x9: {  	s5 =	smul.u32 $0xA000, s9;
	[smem:$0x7FF] =	sst s4;
	s4 =	sadd.s32 $0x3200, s3  }
0xa: {  	s26 =	sshll.u32 s9, $0x6;
	s9 =	simm.s32 $0x10;
	s1 =	sor.u32 s0, s1  }
0xb: {  	s6 =	smul.u32 $0xA0000, s0;
	_ =	strace $0x8000004D;
	s0 =	ssub.s32 $0x2, s0  }
0xc: {  	s15 =	sor.u32 $0x1C11, s26;
	s26 =	simm.s32 $0xA000;
	s1 =	smul.u32 $0x2800, s1  }
0xd: {  	s7 =	sshrl.u32 s5, $0x4;
	s8 =	sshrl.u32 s0, $0x1;
	[dreg:$0x8] =	wrdreg s15  }
0xe: {  	s6 =	sadd.s32 s5, s6;
	s7 =	sadd.s32 s7, s3;
	s0 =	ssub.s32 s0, s8  }
0xf: {  	s5 =	sshrl.u32 s5, $0x1;
	s8 =	simm.s32 $0xF;
	s1 =	sshrl.u32 s1, $0x3  }
0x10: {  	s6 =	sshrl.u32 s6, $0x4;
	s24 =	sadd.s32 s5, s2;
	s25 =	sadd.s32 $0x39C00, s7  }
0x11: {  	s0 =	smax.u32 s0, $0x1;
	s5 =	simm.s32 $0x8;
	s7 =	simm.s32 $0xE  }
0x12: {  	s1 =	sadd.s32 s1, s3;
	s3 =	sadd.s32 s6, s3;
	[dreg:$0x5] =	wrdreg s25  }
0x13: {  	[dreg:$0x7] =	wrdreg s0;
	s12 =	sshrl.u32 s24, $0x3;
	s24 =	simm.s32 $0x4  }
0x14: {  	s25 =	simm.s32 $0x9000;
	s23 =	sadd.s32 $0x25C00, s1;
	[dreg:$0x9] =	wrdreg s12  }
0x15: {  	s0 =	simm.s32 $0xC;
	s1 =	sadd.s32 $0x2FC00, s1;
	[dreg:$0x3] =	wrdreg s23  }
0x16: {  	s6 =	simm.s32 $0xD;
	s3 =	sadd.s32 $0xD200, s3;
	[dreg:$0x4] =	wrdreg s1  }
0x17: {  	[dreg:$0x6] =	wrdreg s3;
	s23 =	simm.s32 $0x3;
	s1 =	simm.s32 $0xB  }
.LBB2_1:
0x18: {  	[dreg:$0xa] =	wrdreg s13  }
0x19: {  	s16 =	simm.s32 $0x0;
	s3 =	rddreg [dreg:$0x3]  }
0x1a: {  	[tilespmem:s16], [sflag:$0x11] =	stream.linear.gather [hbm4b:s3+s16], $0x2800, $0x38;
	[tilespmem:$0x12000] =	vst v63  }
0x1b: {  	_ =	swait.ge [sflag:s10], $0x2800  }
0x1c: {  	[sflag:s10] =	ssyncset.done $0x0  }
0x1d: {  	s13 =	simm.s32 $0x2800;
	s3 =	rddreg [dreg:$0x4];
	[sflag:s10] =	ssyncadd.s32 $0xFFFFD800  }
0x1e: {  	[tilespmem:s13], [sflag:$0x11] =	stream.linear.gather [hbm4b:s3+s16], $0x2800, $0x38;
	[tilespmem:$0x12000] =	vst v63  }
0x1f: {  	_ =	swait.ge [sflag:s10], $0x2800  }
0x20: {  	[sflag:s10] =	ssyncset.done $0x0  }
0x21: {  	s16 =	rddreg [dreg:$0x5];
	[sflag:s10] =	ssyncadd.s32 $0xFFFFD800  }
0x22: {  	[spmem:s12], [sflag:s15] =	dma.local [hbm:s16], $0xA00  }
0x23: {  	_ =	swait.ge [sflag:s10], $0xA00  }
0x24: {  	[sflag:s10] =	ssyncset.done $0x0  }
0x25: {  	[sflag:s10] =	ssyncadd.s32 $0xFFFFF600  }
0x26: {  	s13 =	simm.s32 $0x0;
	s16 =	simm.s32 $0x5000;
	[bflag:$0x0] =	sbarrier.arrive $0xFFFF  }
0x27: {  	[tilespmem:s16], [sflag:$0x1] =	stream.indirect.gather [hbm4b:s4+s14], $0x20, s13, s14, $0xb8;
	[tilespmem:$0x12000] =	vst v63  }
0x28: {  	_ = 	snop  }
0x29: {  	[tilespmem:s18], [sflag:$0x2] =	stream.indirect.gather [hbm4b:s4+s14], $0x20, s14, s14, $0xb8;
	[tilespmem:$0x12000] =	vst v63  }
0x2a: {  	s12 =	simm.s32 $0x100;
	s15 =	simm.s32 $0x7000  }
0x2b: {  	[tilespmem:s15], [sflag:$0x3] =	stream.indirect.gather [hbm4b:s4+s14], $0x20, s12, s14, $0xb8;
	[tilespmem:$0x12000] =	vst v63  }
0x2c: {  	s10 =	simm.s32 $0x180  }
0x2d: {  	[tilespmem:s20], [sflag:$0x4] =	stream.indirect.gather [hbm4b:s4+s14], $0x20, s10, s14, $0xb8;
	[tilespmem:$0x12000] =	vst v63  }
0x2e: {  	_ =	swait.ge [sflag:s21], $0x1000  }
0x2f: {  	[sflag:s21] =	ssyncset.done $0x0  }
0x30: {  	s12 =	simm.s32 $0x2800;
	[sflag:s21] =	ssyncadd.s32 $0xFFFFF000  }
0x31: {  	[spmem:s2] =	stream.indirect.scatter.add.bf16 [tilespmem:s16], [sflag:$0x9], $0x20, s12, s14, $0xb8;
	[tilespmem:$0x12000] =	vst v63  }
0x32: {  	_ =	swait.ge [sflag:s22], $0x1000  }
0x33: {  	[sflag:s22] =	ssyncset.done $0x0  }
0x34: {  	s10 =	simm.s32 $0x2880;
	[sflag:s22] =	ssyncadd.s32 $0xFFFFF000  }
0x35: {  	[spmem:s2] =	stream.indirect.scatter.add.bf16 [tilespmem:s18], [sflag:$0xA], $0x20, s10, s14, $0xb8;
	[tilespmem:$0x12000] =	vst v63  }
0x36: {  	_ =	swait.ge [sflag:s23], $0x1000  }
0x37: {  	[sflag:s23] =	ssyncset.done $0x0  }
0x38: {  	s12 =	simm.s32 $0x2900;
	[sflag:s23] =	ssyncadd.s32 $0xFFFFF000  }
0x39: {  	[spmem:s2] =	stream.indirect.scatter.add.bf16 [tilespmem:s15], [sflag:$0xB], $0x20, s12, s14, $0xb8;
	[tilespmem:$0x12000] =	vst v63  }
0x3a: {  	_ =	swait.ge [sflag:s24], $0x1000  }
0x3b: {  	[sflag:s24] =	ssyncset.done $0x0  }
0x3c: {  	s10 =	simm.s32 $0x2980;
	[sflag:s24] =	ssyncadd.s32 $0xFFFFF000  }
0x3d: {  	[spmem:s2] =	stream.indirect.scatter.add.bf16 [tilespmem:s20], [sflag:$0xC], $0x20, s10, s14, $0xb8;
	[tilespmem:$0x12000] =	vst v63  }
0x3e: {  	s12 =	simm.s32 $0x200  }
0x3f: {  	[tilespmem:s25], [sflag:$0x5] =	stream.indirect.gather [hbm4b:s4+s14], $0x20, s12, s14, $0xb8;
	[tilespmem:$0x12000] =	vst v63  }
0x40: {  	s10 =	simm.s32 $0x280  }
0x41: {  	[tilespmem:s26], [sflag:$0x6] =	stream.indirect.gather [hbm4b:s4+s14], $0x20, s10, s14, $0xb8;
	[tilespmem:$0x12000] =	vst v63  }
0x42: {  	s12 =	simm.s32 $0x300  }
0x43: {  	[tilespmem:s28], [sflag:$0x7] =	stream.indirect.gather [hbm4b:s4+s14], $0x20, s12, s14, $0xb8;
	[tilespmem:$0x12000] =	vst v63  }
0x44: {  	s10 =	simm.s32 $0x380  }
0x45: {  	[tilespmem:s29], [sflag:$0x8] =	stream.indirect.gather [hbm4b:s4+s14], $0x20, s10, s14, $0xb8;
	[tilespmem:$0x12000] =	vst v63  }
0x46: {  	_ =	swait.ge [sflag:s30], $0x1000  }
0x47: {  	[sflag:s30] =	ssyncset.done $0x0  }
0x48: {  	[sflag:s30] =	ssyncadd.s32 $0xFFFFF000  }
0x49: {  	_ =	swait.ge [sflag:s31], $0x1000  }
0x4a: {  	[sflag:s31] =	ssyncset.done $0x0  }
0x4b: {  	[sflag:s31] =	ssyncadd.s32 $0xFFFFF000  }
0x4c: {  	_ =	swait.ge [sflag:s1], $0x1000  }
0x4d: {  	[sflag:s1] =	ssyncset.done $0x0  }
0x4e: {  	[sflag:s1] =	ssyncadd.s32 $0xFFFFF000  }
0x4f: {  	_ =	swait.ge [sflag:s0], $0x1000  }
0x50: {  	[sflag:s0] =	ssyncset.done $0x0  }
0x51: {  	[sflag:s0] =	ssyncadd.s32 $0xFFFFF000  }
0x52: {  	_ =	swait.ge [sflag:s11], $0x1000  }
0x53: {  	[sflag:s11] =	ssyncset.done $0x0  }
0x54: {  	s12 =	simm.s32 $0x2A00;
	[sflag:s11] =	ssyncadd.s32 $0xFFFFF000  }
0x55: {  	[spmem:s2] =	stream.indirect.scatter.add.bf16 [tilespmem:s25], [sflag:$0xD], $0x20, s12, s14, $0xb8;
	[tilespmem:$0x12000] =	vst v63  }
0x56: {  	_ =	swait.ge [sflag:s17], $0x1000  }
0x57: {  	[sflag:s17] =	ssyncset.done $0x0  }
0x58: {  	s10 =	simm.s32 $0x2A80;
	[sflag:s17] =	ssyncadd.s32 $0xFFFFF000  }
0x59: {  	[spmem:s2] =	stream.indirect.scatter.add.bf16 [tilespmem:s26], [sflag:$0xE], $0x20, s10, s14, $0xb8;
	[tilespmem:$0x12000] =	vst v63  }
0x5a: {  	_ =	swait.ge [sflag:s19], $0x1000  }
0x5b: {  	[sflag:s19] =	ssyncset.done $0x0  }
0x5c: {  	s12 =	simm.s32 $0x2B00;
	[sflag:s19] =	ssyncadd.s32 $0xFFFFF000  }
0x5d: {  	[spmem:s2] =	stream.indirect.scatter.add.bf16 [tilespmem:s28], [sflag:$0xF], $0x20, s12, s14, $0xb8;
	[tilespmem:$0x12000] =	vst v63  }
0x5e: {  	_ =	swait.ge [sflag:s5], $0x1000  }
0x5f: {  	[sflag:s5] =	ssyncset.done $0x0  }
0x60: {  	s10 =	simm.s32 $0x2B80;
	s12 =	smin.u32 s13, $0x47;
	[sflag:s5] =	ssyncadd.s32 $0xFFFFF000  }
0x61: {  	[spmem:s2] =	stream.indirect.scatter.add.bf16 [tilespmem:s29], [sflag:$0x10], $0x20, s10, s14, $0xb8;
	[tilespmem:$0x12000] =	vst v63  }
0x62: {  	s10 =	sshll.u32 s12, $0x7;
	s12 =	smin.u32 s13, $0x46  }
0x63: {  	s3 =	sadd.s32 $0x400, s10;
	s10 =	sshll.u32 s12, $0x7;
	s12 =	smin.u32 s13, $0x45  }
0x64: {  	[tilespmem:s16], [sflag:$0x1] =	stream.indirect.gather [hbm4b:s4+s14], $0x20, s3, s14, $0xb8;
	[tilespmem:$0x12000] =	vst v63  }
0x65: {  	s10 =	sadd.s32 $0x480, s10;
	s3 =	sshll.u32 s12, $0x7;
	s12 =	smin.u32 s13, $0x44  }
0x66: {  	[tilespmem:s18], [sflag:$0x2] =	stream.indirect.gather [hbm4b:s4+s14], $0x20, s10, s14, $0xb8;
	[tilespmem:$0x12000] =	vst v63  }
0x67: {  	s3 =	sadd.s32 $0x500, s3;
	s10 =	sshll.u32 s12, $0x7  }
0x68: {  	[tilespmem:s15], [sflag:$0x3] =	stream.indirect.gather [hbm4b:s4+s14], $0x20, s3, s14, $0xb8;
	[tilespmem:$0x12000] =	vst v63  }
0x69: {  	s13 =	sadd.s32 $0x580, s10  }
0x6a: {  	[tilespmem:s20], [sflag:$0x4] =	stream.indirect.gather [hbm4b:s4+s14], $0x20, s13, s14, $0xb8;
	[tilespmem:$0x12000] =	vst v63  }
0x6b: {  	_ =	swait.ge [sflag:s6], $0x1000  }
0x6c: {  	[sflag:s6] =	ssyncset.done $0x0  }
0x6d: {  	[sflag:s6] =	ssyncadd.s32 $0xFFFFF000  }
0x6e: {  	_ =	swait.ge [sflag:s7], $0x1000  }
0x6f: {  	[sflag:s7] =	ssyncset.done $0x0  }
0x70: {  	[sflag:s7] =	ssyncadd.s32 $0xFFFFF000  }
0x71: {  	_ =	swait.ge [sflag:s8], $0x1000  }
0x72: {  	[sflag:s8] =	ssyncset.done $0x0  }
0x73: {  	[sflag:s8] =	ssyncadd.s32 $0xFFFFF000  }
0x74: {  	s3 =	simm.s32 $0x0;
	s13 =	simm.s32 $0x1000;
	_ =	swait.ge [sflag:s9], $0x1000  }
.LBB2_2:
0x75: {  	p0 =	sne.s32 s13, $0x9000;
	[sflag:s9] =	ssyncset.done $0x0;
	s3 =	sadd.s32 $0x8, s3  }
0x76: {  	s10 =	smov.u32 s13;
	s13 =	sadd.s32 $0x1000, s13;
	[sflag:s9] =	ssyncadd.s32 $0xFFFFF000  }
0x77: {  	s10 =	sshra.s32 s10, $0x2;
	_ =	swait.ge [sflag:s21], $0x1000  }
0x78: {  	s12 =	sadd.s32 $0x2800, s10;
	[sflag:s21] =	ssyncset.done $0x0  }
0x79: {  	[sflag:s21] =	ssyncadd.s32 $0xFFFFF000  }
0x7a: {  	[spmem:s2] =	stream.indirect.scatter.add.bf16 [tilespmem:s16], [sflag:$0x9], $0x20, s12, s14, $0xb8;
	[tilespmem:$0x12000] =	vst v63  }
0x7b: {  	_ =	swait.ge [sflag:s22], $0x1000  }
0x7c: {  	s12 =	sadd.s32 $0x2880, s10;
	[sflag:s22] =	ssyncset.done $0x0  }
0x7d: {  	[sflag:s22] =	ssyncadd.s32 $0xFFFFF000  }
0x7e: {  	[spmem:s2] =	stream.indirect.scatter.add.bf16 [tilespmem:s18], [sflag:$0xA], $0x20, s12, s14, $0xb8;
	[tilespmem:$0x12000] =	vst v63  }
0x7f: {  	_ =	swait.ge [sflag:s23], $0x1000  }
0x80: {  	s12 =	sadd.s32 $0x2900, s10;
	[sflag:s23] =	ssyncset.done $0x0  }
0x81: {  	[sflag:s23] =	ssyncadd.s32 $0xFFFFF000  }
0x82: {  	[spmem:s2] =	stream.indirect.scatter.add.bf16 [tilespmem:s15], [sflag:$0xB], $0x20, s12, s14, $0xb8;
	[tilespmem:$0x12000] =	vst v63  }
0x83: {  	_ =	swait.ge [sflag:s24], $0x1000  }
0x84: {  	s12 =	sadd.s32 $0x2980, s10;
	[sflag:s24] =	ssyncset.done $0x0  }
0x85: {  	[sflag:s24] =	ssyncadd.s32 $0xFFFFF000  }
0x86: {  	[spmem:s2] =	stream.indirect.scatter.add.bf16 [tilespmem:s20], [sflag:$0xC], $0x20, s12, s14, $0xb8;
	[tilespmem:$0x12000] =	vst v63  }
0x87: {  	s12 =	sadd.s32 $0x200, s10  }
0x88: {  	[tilespmem:s25], [sflag:$0x5] =	stream.indirect.gather [hbm4b:s4+s14], $0x20, s12, s14, $0xb8;
	[tilespmem:$0x12000] =	vst v63  }
0x89: {  	s12 =	sadd.s32 $0x280, s10  }
0x8a: {  	[tilespmem:s26], [sflag:$0x6] =	stream.indirect.gather [hbm4b:s4+s14], $0x20, s12, s14, $0xb8;
	[tilespmem:$0x12000] =	vst v63  }
0x8b: {  	s12 =	sadd.s32 $0x300, s10  }
0x8c: {  	[tilespmem:s28], [sflag:$0x7] =	stream.indirect.gather [hbm4b:s4+s14], $0x20, s12, s14, $0xb8;
	[tilespmem:$0x12000] =	vst v63  }
0x8d: {  	s12 =	sadd.s32 $0x380, s10  }
0x8e: {  	[tilespmem:s29], [sflag:$0x8] =	stream.indirect.gather [hbm4b:s4+s14], $0x20, s12, s14, $0xb8;
	[tilespmem:$0x12000] =	vst v63  }
0x8f: {  	_ =	swait.ge [sflag:s30], $0x1000  }
0x90: {  	[sflag:s30] =	ssyncset.done $0x0  }
0x91: {  	[sflag:s30] =	ssyncadd.s32 $0xFFFFF000  }
0x92: {  	_ =	swait.ge [sflag:s31], $0x1000  }
0x93: {  	[sflag:s31] =	ssyncset.done $0x0  }
0x94: {  	[sflag:s31] =	ssyncadd.s32 $0xFFFFF000  }
0x95: {  	_ =	swait.ge [sflag:s1], $0x1000  }
0x96: {  	[sflag:s1] =	ssyncset.done $0x0  }
0x97: {  	[sflag:s1] =	ssyncadd.s32 $0xFFFFF000  }
0x98: {  	_ =	swait.ge [sflag:s0], $0x1000  }
0x99: {  	[sflag:s0] =	ssyncset.done $0x0  }
0x9a: {  	[sflag:s0] =	ssyncadd.s32 $0xFFFFF000  }
0x9b: {  	_ =	swait.ge [sflag:s11], $0x1000  }
0x9c: {  	s12 =	sadd.s32 $0x2A00, s10;
	[sflag:s11] =	ssyncset.done $0x0  }
0x9d: {  	[sflag:s11] =	ssyncadd.s32 $0xFFFFF000  }
0x9e: {  	[spmem:s2] =	stream.indirect.scatter.add.bf16 [tilespmem:s25], [sflag:$0xD], $0x20, s12, s14, $0xb8;
	[tilespmem:$0x12000] =	vst v63  }
0x9f: {  	_ =	swait.ge [sflag:s17], $0x1000  }
0xa0: {  	s12 =	sadd.s32 $0x2A80, s10;
	[sflag:s17] =	ssyncset.done $0x0  }
0xa1: {  	[sflag:s17] =	ssyncadd.s32 $0xFFFFF000  }
0xa2: {  	[spmem:s2] =	stream.indirect.scatter.add.bf16 [tilespmem:s26], [sflag:$0xE], $0x20, s12, s14, $0xb8;
	[tilespmem:$0x12000] =	vst v63  }
0xa3: {  	_ =	swait.ge [sflag:s19], $0x1000  }
0xa4: {  	s12 =	sadd.s32 $0x2B00, s10;
	[sflag:s19] =	ssyncset.done $0x0  }
0xa5: {  	[sflag:s19] =	ssyncadd.s32 $0xFFFFF000  }
0xa6: {  	[spmem:s2] =	stream.indirect.scatter.add.bf16 [tilespmem:s28], [sflag:$0xF], $0x20, s12, s14, $0xb8;
	[tilespmem:$0x12000] =	vst v63  }
0xa7: {  	_ =	swait.ge [sflag:s5], $0x1000  }
0xa8: {  	s10 =	sadd.s32 $0x2B80, s10;
	s12 =	smin.u32 s3, $0x47;
	[sflag:s5] =	ssyncset.done $0x0  }
0xa9: {  	s15 =	smin.u32 s3, $0x46;
	s12 =	sshll.u32 s12, $0x7;
	[sflag:s5] =	ssyncadd.s32 $0xFFFFF000  }
0xaa: {  	[spmem:s2] =	stream.indirect.scatter.add.bf16 [tilespmem:s29], [sflag:$0x10], $0x20, s10, s14, $0xb8;
	[tilespmem:$0x12000] =	vst v63  }
0xab: {  	s10 =	sadd.s32 $0x400, s12;
	s12 =	sshll.u32 s15, $0x7;
	s15 =	smin.u32 s3, $0x45  }
0xac: {  	[tilespmem:s16], [sflag:$0x1] =	stream.indirect.gather [hbm4b:s4+s14], $0x20, s10, s14, $0xb8;
	[tilespmem:$0x12000] =	vst v63  }
0xad: {  	s10 =	sadd.s32 $0x480, s12;
	s12 =	sshll.u32 s15, $0x7;
	s15 =	smin.u32 s3, $0x44  }
0xae: {  	[tilespmem:s18], [sflag:$0x2] =	stream.indirect.gather [hbm4b:s4+s14], $0x20, s10, s14, $0xb8;
	[tilespmem:$0x12000] =	vst v63  }
0xaf: {  	s10 =	sadd.s32 $0x500, s12;
	s12 =	sshll.u32 s15, $0x7;
	s15 =	simm.s32 $0x7000  }
0xb0: {  	[tilespmem:s15], [sflag:$0x3] =	stream.indirect.gather [hbm4b:s4+s14], $0x20, s10, s14, $0xb8;
	[tilespmem:$0x12000] =	vst v63  }
0xb1: {  	s10 =	sadd.s32 $0x580, s12  }
0xb2: {  	[tilespmem:s20], [sflag:$0x4] =	stream.indirect.gather [hbm4b:s4+s14], $0x20, s10, s14, $0xb8;
	[tilespmem:$0x12000] =	vst v63  }
0xb3: {  	_ =	swait.ge [sflag:s6], $0x1000  }
0xb4: {  	[sflag:s6] =	ssyncset.done $0x0  }
0xb5: {  	[sflag:s6] =	ssyncadd.s32 $0xFFFFF000  }
0xb6: {  	_ =	swait.ge [sflag:s7], $0x1000  }
0xb7: {  	[sflag:s7] =	ssyncset.done $0x0  }
.Ltmp0:
0xb8: {  	[sflag:s7] =	ssyncadd.s32 $0xFFFFF000;
	(pc) =	sbr.rel @p0 .LBB2_2-.Ltmp0, $4  }
0xb9: {  	_ =	swait.ge [sflag:s8], $0x1000  }
0xba: {  	[sflag:s8] =	ssyncset.done $0x0  }
0xbb: {  	[sflag:s8] =	ssyncadd.s32 $0xFFFFF000  }
0xbc: {  	_ =	swait.ge [sflag:s9], $0x1000  }
0xbd: {  	[sflag:s9] =	ssyncset.done $0x0  }
0xbe: {  	[sflag:s9] =	ssyncadd.s32 $0xFFFFF000  }
0xbf: {  	_ =	swait.ge [sflag:s21], $0x1000  }
0xc0: {  	[sflag:s21] =	ssyncset.done $0x0  }
0xc1: {  	[sflag:s21] =	ssyncadd.s32 $0xFFFFF000  }
0xc2: {  	_ =	swait.ge [sflag:s22], $0x1000  }
0xc3: {  	[sflag:s22] =	ssyncset.done $0x0  }
0xc4: {  	[sflag:s22] =	ssyncadd.s32 $0xFFFFF000  }
0xc5: {  	_ =	swait.ge [sflag:s23], $0x1000  }
0xc6: {  	[sflag:s23] =	ssyncset.done $0x0  }
0xc7: {  	[sflag:s23] =	ssyncadd.s32 $0xFFFFF000  }
0xc8: {  	_ =	swait.ge [sflag:s24], $0x1000  }
0xc9: {  	[sflag:s24] =	ssyncset.done $0x0  }
0xca: {  	[sflag:s24] =	ssyncadd.s32 $0xFFFFF000  }
0xcb: {  	[bflag:$0x0] =	sbarrier.arrive $0xFFFF  }
0xcc: {  	s3 =	rddreg [dreg:$0x6]  }
0xcd: {  	s15 =	rddreg [dreg:$0x8]  }
0xce: {  	s10 =	simm.s32 $0x11;
	s12 =	rddreg [dreg:$0x9]  }
0xcf: {  	[hbm:s3], [sflag:s15] =	dma.local [spmem:s12], $0xA00  }
0xd0: {  	_ =	swait.ge [sflag:s10], $0xA00  }
0xd1: {  	s13 =	rddreg [dreg:$0xa]  }
0xd2: {  	s16 =	rddreg [dreg:$0x7];
	s13 =	sadd.s32 $0x1, s13  }
0xd3: {  	p0 =	sne.s32 s13, s16  }
.Ltmp1:
0xd4: {  	_ = 	snop;
	(pc) =	sbr.rel @p0 .LBB2_1-.Ltmp1, $3  }
0xd5: {  	_ =	sdelay $0x1  }
0xd6: {  	[sflag:s10] =	ssyncset.done $0x0  }
0xd7: {  	[sflag:s10] =	ssyncadd.s32 $0xFFFFF600  }
0xd8: {  	_ =	sfence.sel $0x180000  }
0xd9: {  	[bflag:$0x0] =	sbarrier.arrive $0xFFFF  }
0xda: {  	_ =	strace $0x9000004D  }
0xdb: {  	s0 =	stileid.u32;
	[bflag:$0x2] =	sbarrier.arrive $0xFFFF  }
0xdc: {  	p0 =	sne.s32 s0, $0x0;
	s0 =	rddreg [dreg:$0x2]  }
0xdd: {  	s0 =	sadd.s32 @!p0 $0x100000, s0  }
0xde: {  	[sflag:s0] =	ssyncadd.tile.s32 @!p0 $0x1;
	_ =	shalt  }
.Lfunc_end2:
_tile_overlayer_lowered:
.L_overlay_start_2:
0xdf: {  	(tag) =	ssettag $0x2  }
0xe0: {  	s0 =	rddreg [dreg:$0x0];
	s2 =	stileid.u32  }
0xe1: {  	s1 =	rddreg [dreg:$0x1];
	p0 =	sne.s32 s2, $0x0  }
0xe2: {  	s3 =	rddreg [dreg:$0x2];
	[bflag:$0x3] =	sbarrier.arrive $0xFFFF;
	s2 =	simm.s32 @!p0 $0x1C11  }
0xe3: {  	[timem:s3], [sflag:s2] =	dma.local @!p0 [hbm:s0], s1  }
0xe4: {  	s0 =	simm.s32 @!p0 $0x11  }
0xe5: {  	_ =	swait.ge @!p0 [sflag:s0], s1  }
0xe6: {  	s1 =	ssub.s32 @!p0 $0x0, s1;
	[sflag:s0] =	ssyncset.done @!p0 $0x0  }
0xe7: {  	[sflag:s0] =	ssyncadd.s32 @!p0 s1  }
0xe8: {  	[bflag:$0x3] =	sbarrier.arrive $0xFFFF  }
0xe9: {  	_ =	shalt  }

// kernel: kernel.8.cloned.1.call-start
scs
__scs_entry_jumppad:
0x0: {  	(pc) =	sbr.rel $0x88, $3  }
0x1: {  	(tag) =	ssettag $0x0;
	lr =	simm.s32 $0x1  }
0x2: {  	[smem:$0x3F91] =	sst lr;
	_ =	strace $0xD0000000  }
0x3: {  	_ = 	snop  }
0x4: {  	_ = 	snop  }
0x5: {  	_ = 	snop  }
0x6: {  	_ = 	snop  }
0x7: {  	_ = 	snop  }
__scs_overlays_trampoline_lowered:
0x8: {  	[smem:$0x3FA0] =	sst s0  }
0x9: {  	[smem:$0x3FA1] =	sst s1  }
0xa: {  	[smem:$0x3FA2] =	sst s2  }
0xb: {  	[smem:$0x3FA3] =	sst s3  }
0xc: {  	[smem:$0x3FA4] =	sst s4  }
0xd: {  	[smem:$0x3FA5] =	sst s5  }
0xe: {  	[smem:$0x3FA6] =	sst s6  }
0xf: {  	[smem:$0x3FA7] =	sst s7  }
0x10: {  	[smem:$0x3FA8] =	sst s8  }
0x11: {  	[smem:$0x3FA9] =	sst s9;
	s0 =	simm.s32 @!p0 $0x0  }
0x12: {  	s1 =	sld [smem:$0x3F8F];
	s0 =	simm.s32 @p0 $0x1  }
0x13: {  	[smem:$0x3FAA] =	sst s0;
	s0 =	simm.s32 @!p1 $0x0  }
0x14: {  	s2 =	sld [smem:$0x3F8E];
	s0 =	simm.s32 @p1 $0x1  }
0x15: {  	[smem:$0x3FAB] =	sst s0;
	s0 =	simm.s32 @!p2 $0x0  }
0x16: {  	s3 =	sld [smem:$0x3FDB];
	s0 =	simm.s32 @p2 $0x1  }
0x17: {  	s4 =	simm.s32 $0x1BF5;
	[smem:$0x3FAD] =	sst s0  }
0x18: {  	s0 =	sld [smem:$0x3F90];
	_ =	swait.ge [sflag:s4], $0x0  }
0x19: {  	s7 =	sld [smem:$0x3F91]  }
0x1a: {  	s8 =	sadd.s32 $0xFFFFE003, lr  }
0x1b: {  	s9 =	sadd.s32 $0xFFFFFEF7, lr;
	s5 =	simm.s32 $0xFFFFFFFF;
	p2 =	slt.u32 s8, $0xFFFFF086  }
0x1c: {  	p1 =	slt.u32 s9, $0xF7A;
	s5 =	simm.s32 @!p2 $0x0  }
0x1d: {  	s5 =	simm.s32 @p1 $0x1;
	p0 =	seq.s32 s7, s2  }
0x1e: {  	s7 =	smul.u32 @!p0 $0xF7A, s2;
	p2 =	seq.s32 @!p0 s5, $0x0  }
0x1f: {  	s9 =	smul.u32 $0xF7A, s1;
	s8 =	simm.s32 @!p0 $0x1BF5;
	p2 =	por !p2, p0  }
0x20: {  	[sflag:s8] =	ssyncset.s32 @!p0 $0xFFFFF086;
	s6 =	sadd.s32 @!p0 s3, s7;
	s7 =	simm.s32 @!p0 $0x108  }
0x21: {  	s3 =	sadd.s32 s3, s9;
	s6 =	sadd.s32 @!p0 $0x88, s6;
	s7 =	simm.s32 @p2 $0x1082  }
0x22: {  	[simem:s7], [sflag:s8] =	dma.local @!p0 [hbm:s6], $0xF7A  }
0x23: {  	s9 =	sor.u32 $0xD0000000, s2;
	s6 =	simm.s32 $0x108;
	_ =	swait.ge @!p0 [sflag:s8], $0x0  }
0x24: {  	s3 =	sadd.s32 $0x88, s3;
	s6 =	simm.s32 @!p1 $0x1082;
	[sflag:s4] =	ssyncset.s32 $0xFFFFF086  }
0x25: {  	[simem:s6], [sflag:s4] =	dma.local [hbm:s3], $0xF7A  }
0x26: {  	[smem:$0x3F91] =	sst s1;
	(tag) =	ssettag s2;
	_ =	strace s9  }
0x27: {  	s1 =	sld [smem:$0x3FA1]  }
0x28: {  	s2 =	sld [smem:$0x3FA2]  }
0x29: {  	s4 =	sld [smem:$0x3FA4]  }
0x2a: {  	p0 =	seq.s32 s5, $0x0;
	s5 =	sld [smem:$0x3FA5]  }
0x2b: {  	s6 =	sld [smem:$0x3FA6]  }
0x2c: {  	s7 =	sld [smem:$0x3FA7]  }
0x2d: {  	s3 =	simm.s32 $0x108;
	s8 =	sld [smem:$0x3FA8]  }
0x2e: {  	s3 =	simm.s32 @!p0 $0x1082;
	s9 =	sld [smem:$0x3FA9]  }
0x2f: {  	lr =	sadd.s32 s0, s3;
	s0 =	sld [smem:$0x3FA0]  }
0x30: {  	s3 =	sld [smem:$0x3FA3]  }
0x31: {  	[smem:$0x3FAC] =	sst s10  }
0x32: {  	s10 =	sld [smem:$0x3FAA];
	_ =	sdelay $0x3  }
0x33: {  	p0 =	seq.s32 s10, $0x1;
	s10 =	sld [smem:$0x3FAC];
	_ =	sdelay $0x3  }
0x34: {  	[smem:$0x3FAC] =	sst s10  }
0x35: {  	s10 =	sld [smem:$0x3FAB];
	_ =	sdelay $0x3  }
0x36: {  	p1 =	seq.s32 s10, $0x1;
	s10 =	sld [smem:$0x3FAC];
	_ =	sdelay $0x3  }
0x37: {  	[smem:$0x3FAC] =	sst s10  }
0x38: {  	s10 =	sld [smem:$0x3FAD]  }
0x39: {  	_ = 	snop;
	(pc) =	sbr.ind lr, $3  }
0x3a: {  	_ = 	snop  }
0x3b: {  	_ = 	snop  }
0x3c: {  	p2 =	seq.s32 s10, $0x1;
	s10 =	sld [smem:$0x3FAC]  }
0x3d: {  	_ =	shalt  }
0x3e: {  	_ =	shalt  }
0x3f: {  	_ =	shalt  }
0x40: {  	_ =	shalt  }
0x41: {  	_ =	shalt  }
0x42: {  	_ =	shalt  }
0x43: {  	_ =	shalt  }
0x44: {  	_ =	shalt  }
0x45: {  	_ =	shalt  }
0x46: {  	_ =	shalt  }
0x47: {  	_ =	shalt  }
0x48: {  	_ =	shalt  }
0x49: {  	_ =	shalt  }
0x4a: {  	_ =	shalt  }
0x4b: {  	_ =	shalt  }
0x4c: {  	_ =	shalt  }
0x4d: {  	_ =	shalt  }
0x4e: {  	_ =	shalt  }
0x4f: {  	_ =	shalt  }
0x50: {  	_ =	shalt  }
0x51: {  	_ =	shalt  }
0x52: {  	_ =	shalt  }
0x53: {  	_ =	shalt  }
0x54: {  	_ =	shalt  }
0x55: {  	_ =	shalt  }
0x56: {  	_ =	shalt  }
0x57: {  	_ =	shalt  }
0x58: {  	_ =	shalt  }
0x59: {  	_ =	shalt  }
0x5a: {  	_ =	shalt  }
0x5b: {  	_ =	shalt  }
0x5c: {  	_ =	shalt  }
0x5d: {  	_ =	shalt  }
0x5e: {  	_ =	shalt  }
0x5f: {  	_ =	shalt  }
0x60: {  	_ =	shalt  }
0x61: {  	_ =	shalt  }
0x62: {  	_ =	shalt  }
0x63: {  	_ =	shalt  }
0x64: {  	_ =	shalt  }
0x65: {  	_ =	shalt  }
0x66: {  	_ =	shalt  }
0x67: {  	_ =	shalt  }
0x68: {  	_ =	shalt  }
0x69: {  	_ =	shalt  }
0x6a: {  	_ =	shalt  }
0x6b: {  	_ =	shalt  }
0x6c: {  	_ =	shalt  }
0x6d: {  	_ =	shalt  }
0x6e: {  	_ =	shalt  }
0x6f: {  	_ =	shalt  }
0x70: {  	_ =	shalt  }
0x71: {  	_ =	shalt  }
0x72: {  	_ =	shalt  }
0x73: {  	_ =	shalt  }
0x74: {  	_ =	shalt  }
0x75: {  	_ =	shalt  }
0x76: {  	_ =	shalt  }
0x77: {  	_ =	shalt  }
0x78: {  	_ =	shalt  }
0x79: {  	_ =	shalt  }
0x7a: {  	_ =	shalt  }
0x7b: {  	_ =	shalt  }
0x7c: {  	_ =	shalt  }
0x7d: {  	_ =	shalt  }
0x7e: {  	_ =	shalt  }
0x7f: {  	_ =	shalt  }
0x80: {  	_ =	shalt  }
0x81: {  	_ =	shalt  }
0x82: {  	_ =	shalt  }
0x83: {  	_ =	shalt  }
0x84: {  	_ =	shalt  }
0x85: {  	_ =	shalt  }
0x86: {  	_ =	shalt  }
0x87: {  	_ =	shalt  }
.Lfunc_end0:
.L_simem_size_0:
called_computation_lowered:
.L_overlay_start_0:
0x88: {  	s2 =	sld [smem:$0x3FD9]  }
0x89: {  	s3 =	sld [smem:$0x3FFE];
	_ =	sdelay $0x1  }
0x8a: {  	s1 =	srdreg.scid  }
0x8b: {  	s0 =	sand.u32 $0x1, s1  }
0x8c: {  	s17 =	sshll.u32 s0, $0xA;
	s2 =	sadd.s32 s3, s2  }
0x8d: {  	s2 =	sadd.s32 s2, s17  }
0x8e: {  	[smem:$0x3FB8] =	sst s2  }
0x8f: {  	_ = 	snop  }
0x90: {  	s2 =	sld [smem:$0x3FD0];
	(tm) =	ssettm $0x1  }
0x91: {  	s18 =	sld [smem:$0x3FFB];
	_ =	sdelay $0x3  }
0x92: {  	_ =	strace s18  }
0x93: {  	s3 =	sld [smem:$0x3FFC];
	_ =	sdelay $0x3  }
0x94: {  	_ =	strace s3  }
0x95: {  	s3 =	sld [smem:$0x3FFD];
	_ =	sdelay $0x3  }
0x96: {  	_ =	strace s3  }
0x97: {  	_ =	strace $0x8FFFFFFF  }
0x98: {  	s19 =	sld [smem:$0x3FDB];
	_ =	sdelay $0x1  }
0x99: {  	s4 =	simm.s32 $_scs_section_size  }
0x9a: {  	s5 =	simm.s32 $_size__tile_overlayer_lowered;
	s6 =	simm.s32 $_tile_overlayer_lowered  }
0x9b: {  	s22 =	simm.s32 $0x1BFF;
	s21 =	sshll.u32 s6, $0x1;
	s3 =	sadd.s32 s4, s19  }
0x9c: {  	s7 =	simm.s32 $0x0;
	s20 =	sshll.u32 s5, $0x1;
	s5 =	sadd.s32 s21, s3  }
0x9d: {  	[timem:s7], [sflag:s22] =	dma.local [hbm:s5], s20  }
0x9e: {  	_ =	swait.ge [sflag:s22], s20  }
0x9f: {  	s4 =	ssub.s32 $0x0, s20;
	[sflag:s22] =	ssyncset.done $0x0  }
0xa0: {  	[sflag:s22] =	ssyncadd.s32 s4;
	_ =	sdelay $0x1  }
0xa1: {  	s23 =	simm.s32 $0x1B8B  }
0xa2: {  	_ =	swait.ge [sflag:s23], $0x1  }
0xa3: {  	[sflag:s23] =	ssyncset.done $0x0  }
0xa4: {  	s25 =	simm.s32 $0x1B8E;
	s24 =	sld [smem:$0x3FFE];
	[sflag:s23] =	ssyncadd.s32 $0xFFFFFFFF  }
0xa5: {  	s26 =	simm.s32 $execute0_lowered;
	[smem:$0x3FD2] =	sst s25  }
0xa6: {  	s5 =	sshll.u32 s26, $0x1;
	_ =	strace $0x80000046;
	[dreg:$0x1] =	wrdreg $0xFFFFFFFF  }
0xa7: {  	s28 =	simm.s32 $_size_execute0_lowered;
	s3 =	sadd.s32 s3, s5;
	[dreg:$0x0] =	wrdreg $0x0  }
0xa8: {  	s5 =	sshll.u32 s28, $0x1;
	[dreg:$0x2] =	wrdreg s3  }
0xa9: {  	[dreg:$0x3] =	wrdreg s5  }
0xaa: {  	[dreg:$0x4] =	wrdreg $0xC0  }
0xab: {  	_ =	task [dreg:s7], $0x5FFFF  }
0xac: {  	[dreg:$0x1] =	wrdreg $0xFFFFFFFF  }
0xad: {  	[dreg:$0x0] =	wrdreg $0x60  }
0xae: {  	[dreg:$0x2] =	wrdreg s24  }
0xaf: {  	[dreg:$0x3] =	wrdreg s2  }
0xb0: {  	[dreg:$0x4] =	wrdreg $0x2F800  }
0xb1: {  	[dreg:$0x5] =	wrdreg $0x9  }
0xb2: {  	_ =	task.clear_ibuf [dreg:s7], $0x6FFFF;
	_ =	strace $0x90000046  }
0xb3: {  	s29 =	simm.s32 $0x9;
	_ =	strace $0x80000048  }
0xb4: {  	_ =	swait.ge [sflag:s29], $0x1  }
0xb5: {  	[sflag:s29] =	ssyncadd.s32 $0xFFFFFFFF  }
0xb6: {  	_ =	strace $0x90000048  }
0xb7: {  	_ =	sfence  }
0xb8: {  	s30 =	sld [smem:$0x0];
	_ =	sdelay $0x2  }
0xb9: {  	s31 =	sshll.u32 s1, $0xD;
	s1 =	sshrl.u32 s1, $0x2  }
0xba: {  	s3 =	sand.u32 $0x4000, s31;
	s1 =	sadd.s32 s1, s30  }
0xbb: {  	s0 =	sor.u32 s3, s0;
	s1 =	sshll.u32 s1, $0x11  }
0xbc: {  	s0 =	sor.u32 s1, s0  }
0xbd: {  	s0 =	sadd.s32 $0x8F2B, s0  }
0xbe: {  	[sflag:s0] =	ssyncadd.remote.s32 $0x1  }
0xbf: {  	_ =	sfence.sel $0xFFFF  }
0xc0: {  	[dreg:$0x0] =	wrdreg $0xFFFFFFFF;
	(pc) =	sbr.abs _section_cstart, $3  }
0xc1: {  	[dreg:$0x1] =	wrdreg $0xFFFFFFFF  }
0xc2: {  	_ =	task.clear_ibuf [dreg:s7], $0x2FFFF;
	_ =	strace $0x9FFFFFFF  }
0xc3: {  	(tm) =	ssettm $0x7FFFFFFF  }
tec
execute0_lowered:
.L_overlay_start_1:
0x0: {  	(tag) =	ssettag $0x1  }
0x1: {  	s0 =	rddreg [dreg:$0x0]  }
0x2: {  	s3 =	rddreg [dreg:$0x2];
	s2 =	stileid.u32  }
0x3: {  	s1 =	srdreg.scid;
	s4 =	simm.s32 $0x0;
	s11 =	simm.s32 $0x9  }
0x4: {  	s14 =	simm.s32 $0x80;
	s15 =	simm.s32 $0x1;
	s16 =	simm.s32 $0x2  }
0x5: {  	s17 =	simm.s32 $0x3;
	s18 =	simm.s32 $0x4;
	s19 =	simm.s32 $0x5  }
0x6: {  	s20 =	simm.s32 $0x6;
	s21 =	simm.s32 $0x7;
	s22 =	simm.s32 $0x8  }
0x7: {  	s23 =	simm.s32 $0x2400;
	s24 =	simm.s32 $0x2480;
	s28 =	simm.s32 $0x2600  }
0x8: {  	s29 =	simm.s32 $0x2680;
	s30 =	simm.s32 $0x0;
	s7 =	smul.u32 $0x2800, s2  }
0x9: {  	s1 =	sand.u32 $0x1, s1;
	[smem:$0x7FF] =	sst s4;
	s6 =	sshll.u32 s2, $0x1  }
0xa: {  	s10 =	sadd.s32 $0x3200, s0;
	p0 =	sgt.u32 s2, $0x1;
	s31 =	sshll.u32 s2, $0x6  }
0xb: {  	s5 =	smul.u32 $0x28000, s1;
	_ =	strace $0x80000047;
	s6 =	sor.u32 s1, s6  }
0xc: {  	s1 =	ssub.s32 $0x2, s1;
	s12 =	sor.u32 $0x1C09, s31;
	s8 =	sshrl.u32 s7, $0x3  }
0xd: {  	s9 =	smul.u32 $0x2700, s6;
	s26 =	sshrl.u32 s1, $0x1;
	s6 =	sshll.u32 s6, $0x4  }
0xe: {  	s13 =	sadd.s32 s7, s3;
	s5 =	sadd.s32 s7, s5;
	s8 =	sadd.s32 s8, s0  }
0xf: {  	s1 =	ssub.s32 s1, s26;
	s6 =	sadd.s32 s6, s10;
	s13 =	sshrl.u32 s13, $0x3  }
0x10: {  	s26 =	simm.s32 $0x2580;
	s5 =	sshrl.u32 s5, $0x3;
	s25 =	sshrl.u32 s9, $0x3  }
0x11: {  	s6 =	sadd.s32 $0x13840, s6;
	s7 =	sadd.s32 $0x16C00, s8;
	s9 =	smax.u32 s1, $0x1  }
0x12: {  	s0 =	sadd.s32 s5, s0;
	s5 =	sadd.s32 s10, s25;
	s10 =	simm.s32 $0x2780  }
0x13: {  	s25 =	simm.s32 $0x2500;
	s5 =	sadd.s32 $0x9C40, s5;
	s8 =	sadd.s32 $0x1BC00, s0  }
.LBB2_1:
0x14: {  	s0 =	rddreg [dreg:$0x1]  }
0x15: {  	[tilespmem:s10], [sflag:$0x9] =	stream.linear.gather [hbm4b:s0+s4], $0x800, $0x38;
	[tilespmem:$0x5780] =	vst v63  }
0x16: {  	_ =	swait.ge [sflag:s11], $0x800  }
0x17: {  	[sflag:s11] =	ssyncset.done $0x0  }
0x18: {  	[sflag:s11] =	ssyncadd.s32 $0xFFFFF800  }
0x19: {  	[tilespmem:s4], [sflag:$0x9] =	stream.linear.gather [hbm4b:s5+s4], $0x2700, $0x38;
	[tilespmem:$0x5780] =	vst v63  }
0x1a: {  	_ =	swait.ge [sflag:s11], $0x2700  }
0x1b: {  	[sflag:s11] =	ssyncset.done $0x0  }
0x1c: {  	s1 =	simm.s32 @!p0 $0x2700;
	s0 =	simm.s32 @!p0 $0x0;
	[sflag:s11] =	ssyncadd.s32 $0xFFFFD900  }
0x1d: {  	[tilespmem:s1], [sflag:$0x9] =	stream.linear.gather @!p0 [hbm4b:s6+s0], $0x80, $0x38;
	[tilespmem:$0x5780] =	vst v63  }
0x1e: {  	s0 =	simm.s32 @!p0 $0x9  }
0x1f: {  	_ =	swait.ge @!p0 [sflag:s0], $0x80  }
0x20: {  	[sflag:s0] =	ssyncset.done @!p0 $0x0  }
0x21: {  	[sflag:s0] =	ssyncadd.s32 @!p0 $0xFFFFFF80  }
0x22: {  	[spmem:s13], [sflag:s12] =	dma.local [hbm:s7], $0x500  }
0x23: {  	_ =	swait.ge [sflag:s11], $0x500  }
0x24: {  	[sflag:s11] =	ssyncset.done $0x0  }
0x25: {  	s31 =	simm.s32 $0x40;
	[sflag:s11] =	ssyncadd.s32 $0xFFFFFB00  }
0x26: {  	v1 =	vld [tilespmem:s31+$0xFFFFFFC0]  }
0x27: {  	s0 =	simm.s32 @!p0 $0x4F;
	v4 =	vld [tilespmem:s31+$0xFFFFFFD0]  }
0x28: {  	s0 =	simm.s32 @p0 $0x4E;
	v10 =	vld [tilespmem:s31+$0xFFFFFFE0]  }
0x29: {  	p1 =	sne.s32 s0, $0x1  }
.Ltmp0:
0x2a: {  	v3 =	vld [tilespmem:s31+$0x0];
	(pc) =	sbr.rel @!p1 .LBB2_3-.Ltmp0, $4  }
0x2b: {  	v2 =	vld [tilespmem:s31+$0x10]  }
0x2c: {  	v0 =	vld [tilespmem:s31+$0xFFFFFFF0];
	v5 =	vshll.u32 v1, $0x1;
	vm0 =	vlt.s32 v1, $0x1400;
	vm1 =	vlt.s32 v4, $0x1400  }
0x2d: {  	v7 =	vshll.u32 v4, $0x1;
	v8 =	vshll.u32 v10, $0x1;
	v4 =	vld [tilespmem:s31+$0x20];
	vm2 =	vlt.s32 v10, $0x1400  }
0x2e: {  	s1 =	simm.s32 $0x40;
	s0 =	sadd.s32 $0xFFFFFFFF, s0;
	v1 =	vld [tilespmem:s31+$0x30];
	v6 =	vadd.s32 $0xFFFFD801, v5;
	v9 =	vadd.s32 $0xFFFFD801, v7;
	v10 =	vadd.s32 $0xFFFFD801, v8  }
.LBB2_2:
0x2f: {  	p1 =	sne.s32 s0, $0x1;
	v5 =	vsel vm0, v5, v6;
	v6 =	vsel vm1, v7, v9;
	v7 =	vsel vm2, v8, v10  }
0x30: {  	vm0 =	vlt.s32 v3, $0x1400;
	v3 =	vshll.u32 v3, $0x1;
	s1 =	sadd.s32 $0x80, s1;
	[tilespmem:s31+$0xFFFFFFC0] =	vst v5;
	v5 =	vshll.u32 v2, $0x1  }
0x31: {  	vm1 =	vlt.s32 v2, $0x1400;
	v8 =	vld [tilespmem:s1+$0xFFFFFFC0];
	[tilespmem:s31+$0xFFFFFFD0] =	vst v6;
	v6 =	vadd.s32 $0xFFFFD801, v3;
	v2 =	vadd.s32 $0xFFFFD801, v5  }
0x32: {  	v9 =	vld [tilespmem:s1+$0xFFFFFFD0];
	[tilespmem:s31+$0xFFFFFFE0] =	vst v7;
	v3 =	vsel vm0, v3, v6;
	v2 =	vsel vm1, v5, v2;
	v5 =	vshll.u32 v4, $0x1  }
0x33: {  	vm0 =	vlt.s32 v4, $0x1400;
	v10 =	vld [tilespmem:s1+$0xFFFFFFE0];
	[tilespmem:s31+$0x0] =	vst v3;
	v3 =	vadd.s32 $0xFFFFD801, v5;
	v4 =	vshll.u32 v1, $0x1  }
0x34: {  	v11 =	vld [tilespmem:s1+$0xFFFFFFF0];
	[tilespmem:s31+$0x10] =	vst v2;
	v2 =	vsel vm0, v5, v3;
	vm0 =	vlt.s32 v1, $0x1400;
	v1 =	vadd.s32 $0xFFFFD801, v4  }
.Ltmp1:
0x35: {  	vm1 =	vlt.s32 v0, $0x1400;
	v0 =	vshll.u32 v0, $0x1;
	v3 =	vld [tilespmem:s1+$0x0];
	[tilespmem:s31+$0x20] =	vst v2;
	v1 =	vsel vm0, v4, v1;
	(pc) =	sbr.rel @p1 .LBB2_2-.Ltmp1, $4  }
0x36: {  	v4 =	vadd.s32 $0xFFFFD801, v0;
	v5 =	vshll.u32 v8, $0x1;
	v2 =	vld [tilespmem:s1+$0x10];
	[tilespmem:s31+$0x30] =	vst v1  }
0x37: {  	vm0 =	vlt.s32 v8, $0x1400;
	v12 =	vsel vm1, v0, v4;
	v6 =	vadd.s32 $0xFFFFD801, v5  }
0x38: {  	vm1 =	vlt.s32 v9, $0x1400;
	v7 =	vshll.u32 v9, $0x1;
	v8 =	vshll.u32 v10, $0x1;
	v4 =	vld [tilespmem:s1+$0x20];
	[tilespmem:s31+$0xFFFFFFF0] =	vst v12;
	s31 =	smov.u32 s1  }
0x39: {  	s0 =	sadd.s32 $0xFFFFFFFF, s0;
	v9 =	vadd.s32 $0xFFFFD801, v7;
	vm2 =	vlt.s32 v10, $0x1400;
	v10 =	vadd.s32 $0xFFFFD801, v8;
	v1 =	vld [tilespmem:s1+$0x30];
	v0 =	vmovc v11  }
.LBB2_3:
0x3a: {  	v5 =	vsel vm0, v5, v6  }
0x3b: {  	v50 =	vsel vm1, v7, v9;
	v51 =	vsel vm2, v8, v10;
	v52 =	vshll.u32 v3, $0x1  }
0x3c: {  	vm11 =	vlt.s32 v3, $0x1400;
	[tilespmem:s31+$0xFFFFFFC0] =	vst v5;
	v53 =	vshll.u32 v2, $0x1;
	v54 =	vadd.s32 $0xFFFFD801, v52  }
0x3d: {  	[tilespmem:s31+$0xFFFFFFD0] =	vst v50;
	vm12 =	vlt.s32 v2, $0x1400;
	v55 =	vadd.s32 $0xFFFFD801, v53;
	v5 =	vsel vm11, v52, v54  }
0x3e: {  	[tilespmem:s31+$0xFFFFFFE0] =	vst v51;
	v60 =	vshll.u32 v0, $0x1;
	vm15 =	vlt.s32 v0, $0x1400;
	v56 =	vshll.u32 v4, $0x1  }
0x3f: {  	vm13 =	vlt.s32 v4, $0x1400;
	v2 =	vsel vm12, v53, v55;
	[tilespmem:s31+$0x0] =	vst v5;
	v62 =	vadd.s32 $0xFFFFD801, v60  }
0x40: {  	v57 =	vadd.s32 $0xFFFFD801, v56;
	v58 =	vshll.u32 v1, $0x1;
	[tilespmem:s31+$0x10] =	vst v2;
	v63 =	vsel vm15, v60, v62  }
0x41: {  	vm14 =	vlt.s32 v1, $0x1400;
	v4 =	vsel vm13, v56, v57;
	v59 =	vadd.s32 $0xFFFFD801, v58;
	[tilespmem:s31+$0xFFFFFFF0] =	vst v63  }
0x42: {  	[tilespmem:s31+$0x20] =	vst v4;
	v61 =	vsel vm14, v58, v59  }
0x43: {  	[tilespmem:s31+$0x30] =	vst v61  }
0x44: {  	s0 =	simm.s32 $0x0;
	[bflag:$0x0] =	sbarrier.arrive $0xFFFF  }
0x45: {  	[spmem:s3] =	stream.indirect.scatter.add.f32 [tilespmem:s10], [sflag:$0x1], $0x10, s0, s14, $0xb8;
	[tilespmem:$0x5780] =	vst v63  }
0x46: {  	s2 =	simm.s32 $0x80  }
0x47: {  	[spmem:s3] =	stream.indirect.scatter.add.f32 [tilespmem:s10], [sflag:$0x2], $0x10, s2, s14, $0xb8;
	[tilespmem:$0x5780] =	vst v63  }
0x48: {  	s1 =	simm.s32 $0x100  }
0x49: {  	[spmem:s3] =	stream.indirect.scatter.add.f32 [tilespmem:s10], [sflag:$0x3], $0x10, s1, s14, $0xb8;
	[tilespmem:$0x5780] =	vst v63  }
0x4a: {  	s2 =	simm.s32 $0x180  }
0x4b: {  	[spmem:s3] =	stream.indirect.scatter.add.f32 [tilespmem:s10], [sflag:$0x4], $0x10, s2, s14, $0xb8;
	[tilespmem:$0x5780] =	vst v63  }
0x4c: {  	s1 =	simm.s32 $0x200  }
0x4d: {  	[spmem:s3] =	stream.indirect.scatter.add.f32 [tilespmem:s10], [sflag:$0x5], $0x10, s1, s14, $0xb8;
	[tilespmem:$0x5780] =	vst v63  }
0x4e: {  	s2 =	simm.s32 $0x280  }
0x4f: {  	[spmem:s3] =	stream.indirect.scatter.add.f32 [tilespmem:s10], [sflag:$0x6], $0x10, s2, s14, $0xb8;
	[tilespmem:$0x5780] =	vst v63  }
0x50: {  	s1 =	simm.s32 $0x300  }
0x51: {  	[spmem:s3] =	stream.indirect.scatter.add.f32 [tilespmem:s10], [sflag:$0x7], $0x10, s1, s14, $0xb8;
	[tilespmem:$0x5780] =	vst v63  }
0x52: {  	s2 =	simm.s32 $0x380  }
0x53: {  	[spmem:s3] =	stream.indirect.scatter.add.f32 [tilespmem:s10], [sflag:$0x8], $0x10, s2, s14, $0xb8;
	[tilespmem:$0x5780] =	vst v63  }
0x54: {  	_ =	swait.ge [sflag:s15], $0x800  }
0x55: {  	[sflag:s15] =	ssyncset.done $0x0  }
0x56: {  	[sflag:s15] =	ssyncadd.s32 $0xFFFFF800  }
0x57: {  	_ =	swait.ge [sflag:s16], $0x800  }
0x58: {  	[sflag:s16] =	ssyncset.done $0x0  }
0x59: {  	[sflag:s16] =	ssyncadd.s32 $0xFFFFF800  }
0x5a: {  	_ =	swait.ge [sflag:s17], $0x800  }
0x5b: {  	[sflag:s17] =	ssyncset.done $0x0  }
0x5c: {  	[sflag:s17] =	ssyncadd.s32 $0xFFFFF800  }
0x5d: {  	_ =	swait.ge [sflag:s18], $0x800  }
0x5e: {  	[sflag:s18] =	ssyncset.done $0x0  }
0x5f: {  	[sflag:s18] =	ssyncadd.s32 $0xFFFFF800  }
0x60: {  	_ =	swait.ge [sflag:s19], $0x800  }
0x61: {  	[sflag:s19] =	ssyncset.done $0x0  }
0x62: {  	[sflag:s19] =	ssyncadd.s32 $0xFFFFF800  }
0x63: {  	_ =	swait.ge [sflag:s20], $0x800  }
0x64: {  	[sflag:s20] =	ssyncset.done $0x0  }
0x65: {  	[sflag:s20] =	ssyncadd.s32 $0xFFFFF800  }
0x66: {  	_ =	swait.ge [sflag:s21], $0x800  }
0x67: {  	[sflag:s21] =	ssyncset.done $0x0  }
0x68: {  	[sflag:s21] =	ssyncadd.s32 $0xFFFFF800  }
0x69: {  	_ =	swait.ge [sflag:s22], $0x800  }
0x6a: {  	s31 =	simm.s32 $0x1000;
	s1 =	simm.s32 $0x2000;
	[sflag:s22] =	ssyncset.done $0x0  }
.LBB2_4:
0x6b: {  	s2 =	sshra.s32 s31, $0x2  }
0x6c: {  	[sflag:s22] =	ssyncadd.s32 $0xFFFFF800;
	s31 =	smov.u32 s1;
	s0 =	sadd.s32 $0x1000, s1  }
0x6d: {  	[spmem:s3] =	stream.indirect.scatter.add.f32 [tilespmem:s10], [sflag:$0x1], $0x10, s2, s14, $0xb8;
	[tilespmem:$0x5780] =	vst v63  }
0x6e: {  	p1 =	sne.s32 s1, $0x8000;
	s1 =	sadd.s32 $0x80, s2  }
0x6f: {  	[spmem:s3] =	stream.indirect.scatter.add.f32 [tilespmem:s10], [sflag:$0x2], $0x10, s1, s14, $0xb8;
	[tilespmem:$0x5780] =	vst v63  }
0x70: {  	s1 =	sadd.s32 $0x100, s2  }
0x71: {  	[spmem:s3] =	stream.indirect.scatter.add.f32 [tilespmem:s10], [sflag:$0x3], $0x10, s1, s14, $0xb8;
	[tilespmem:$0x5780] =	vst v63  }
0x72: {  	s1 =	sadd.s32 $0x180, s2  }
0x73: {  	[spmem:s3] =	stream.indirect.scatter.add.f32 [tilespmem:s10], [sflag:$0x4], $0x10, s1, s14, $0xb8;
	[tilespmem:$0x5780] =	vst v63  }
0x74: {  	s1 =	sadd.s32 $0x200, s2  }
0x75: {  	[spmem:s3] =	stream.indirect.scatter.add.f32 [tilespmem:s10], [sflag:$0x5], $0x10, s1, s14, $0xb8;
	[tilespmem:$0x5780] =	vst v63  }
0x76: {  	s1 =	sadd.s32 $0x280, s2  }
0x77: {  	[spmem:s3] =	stream.indirect.scatter.add.f32 [tilespmem:s10], [sflag:$0x6], $0x10, s1, s14, $0xb8;
	[tilespmem:$0x5780] =	vst v63  }
0x78: {  	s1 =	sadd.s32 $0x300, s2  }
0x79: {  	[spmem:s3] =	stream.indirect.scatter.add.f32 [tilespmem:s10], [sflag:$0x7], $0x10, s1, s14, $0xb8;
	[tilespmem:$0x5780] =	vst v63  }
0x7a: {  	s1 =	sadd.s32 $0x380, s2  }
0x7b: {  	[spmem:s3] =	stream.indirect.scatter.add.f32 [tilespmem:s10], [sflag:$0x8], $0x10, s1, s14, $0xb8;
	[tilespmem:$0x5780] =	vst v63  }
0x7c: {  	_ =	swait.ge [sflag:s15], $0x800  }
0x7d: {  	[sflag:s15] =	ssyncset.done $0x0  }
0x7e: {  	[sflag:s15] =	ssyncadd.s32 $0xFFFFF800  }
0x7f: {  	_ =	swait.ge [sflag:s16], $0x800  }
0x80: {  	[sflag:s16] =	ssyncset.done $0x0  }
0x81: {  	[sflag:s16] =	ssyncadd.s32 $0xFFFFF800  }
0x82: {  	_ =	swait.ge [sflag:s17], $0x800  }
0x83: {  	[sflag:s17] =	ssyncset.done $0x0  }
0x84: {  	[sflag:s17] =	ssyncadd.s32 $0xFFFFF800  }
0x85: {  	_ =	swait.ge [sflag:s18], $0x800  }
0x86: {  	[sflag:s18] =	ssyncset.done $0x0  }
0x87: {  	[sflag:s18] =	ssyncadd.s32 $0xFFFFF800  }
0x88: {  	_ =	swait.ge [sflag:s19], $0x800  }
0x89: {  	[sflag:s19] =	ssyncset.done $0x0  }
0x8a: {  	[sflag:s19] =	ssyncadd.s32 $0xFFFFF800  }
0x8b: {  	_ =	swait.ge [sflag:s20], $0x800  }
0x8c: {  	[sflag:s20] =	ssyncset.done $0x0  }
0x8d: {  	[sflag:s20] =	ssyncadd.s32 $0xFFFFF800  }
.Ltmp2:
0x8e: {  	_ =	swait.ge [sflag:s21], $0x800;
	(pc) =	sbr.rel @p1 .LBB2_4-.Ltmp2, $4  }
0x8f: {  	[sflag:s21] =	ssyncset.done $0x0  }
0x90: {  	[sflag:s21] =	ssyncadd.s32 $0xFFFFF800  }
0x91: {  	_ =	swait.ge [sflag:s22], $0x800  }
0x92: {  	s1 =	smov.u32 s0;
	[sflag:s22] =	ssyncset.done $0x0  }
0x93: {  	s0 =	sshra.s32 s31, $0x2;
	[sflag:s22] =	ssyncadd.s32 $0xFFFFF800  }
0x94: {  	[spmem:s3] =	stream.indirect.scatter.add.f32 [tilespmem:s10], [sflag:$0x1], $0x10, s0, s14, $0xb8;
	[tilespmem:$0x5780] =	vst v63  }
0x95: {  	s1 =	sadd.s32 $0x80, s0  }
0x96: {  	[spmem:s3] =	stream.indirect.scatter.add.f32 [tilespmem:s10], [sflag:$0x2], $0x10, s1, s14, $0xb8;
	[tilespmem:$0x5780] =	vst v63  }
0x97: {  	s31 =	sadd.s32 $0x100, s0  }
0x98: {  	[spmem:s3] =	stream.indirect.scatter.add.f32 [tilespmem:s10], [sflag:$0x3], $0x10, s31, s14, $0xb8;
	[tilespmem:$0x5780] =	vst v63  }
0x99: {  	s2 =	sadd.s32 $0x180, s0  }
0x9a: {  	[spmem:s3] =	stream.indirect.scatter.add.f32 [tilespmem:s10], [sflag:$0x4], $0x10, s2, s14, $0xb8;
	[tilespmem:$0x5780] =	vst v63  }
0x9b: {  	s31 =	sadd.s32 $0x200, s0  }
0x9c: {  	[spmem:s3] =	stream.indirect.scatter.add.f32 [tilespmem:s10], [sflag:$0x5], $0x10, s31, s14, $0xb8;
	[tilespmem:$0x5780] =	vst v63  }
0x9d: {  	s2 =	sadd.s32 $0x280, s0  }
0x9e: {  	[spmem:s3] =	stream.indirect.scatter.add.f32 [tilespmem:s10], [sflag:$0x6], $0x10, s2, s14, $0xb8;
	[tilespmem:$0x5780] =	vst v63  }
0x9f: {  	s31 =	sadd.s32 $0x300, s0  }
0xa0: {  	[spmem:s3] =	stream.indirect.scatter.add.f32 [tilespmem:s10], [sflag:$0x7], $0x10, s31, s14, $0xb8;
	[tilespmem:$0x5780] =	vst v63  }
0xa1: {  	s0 =	sadd.s32 $0x380, s0  }
0xa2: {  	[spmem:s3] =	stream.indirect.scatter.add.f32 [tilespmem:s10], [sflag:$0x8], $0x10, s0, s14, $0xb8;
	[tilespmem:$0x5780] =	vst v63  }
0xa3: {  	_ =	swait.ge [sflag:s15], $0x800  }
0xa4: {  	[sflag:s15] =	ssyncset.done $0x0  }
0xa5: {  	[sflag:s15] =	ssyncadd.s32 $0xFFFFF800  }
0xa6: {  	_ =	swait.ge [sflag:s16], $0x800  }
0xa7: {  	[sflag:s16] =	ssyncset.done $0x0  }
0xa8: {  	[sflag:s16] =	ssyncadd.s32 $0xFFFFF800  }
0xa9: {  	_ =	swait.ge [sflag:s17], $0x800  }
0xaa: {  	[sflag:s17] =	ssyncset.done $0x0  }
0xab: {  	[sflag:s17] =	ssyncadd.s32 $0xFFFFF800  }
0xac: {  	_ =	swait.ge [sflag:s18], $0x800  }
0xad: {  	[sflag:s18] =	ssyncset.done $0x0  }
0xae: {  	[sflag:s18] =	ssyncadd.s32 $0xFFFFF800  }
0xaf: {  	_ =	swait.ge [sflag:s19], $0x800  }
0xb0: {  	[sflag:s19] =	ssyncset.done $0x0  }
0xb1: {  	[sflag:s19] =	ssyncadd.s32 $0xFFFFF800  }
0xb2: {  	_ =	swait.ge [sflag:s20], $0x800  }
0xb3: {  	[sflag:s20] =	ssyncset.done $0x0  }
0xb4: {  	[sflag:s20] =	ssyncadd.s32 $0xFFFFF800  }
0xb5: {  	_ =	swait.ge [sflag:s21], $0x800  }
0xb6: {  	[sflag:s21] =	ssyncset.done $0x0  }
0xb7: {  	[sflag:s21] =	ssyncadd.s32 $0xFFFFF800  }
0xb8: {  	_ =	swait.ge [sflag:s22], $0x800  }
0xb9: {  	[sflag:s22] =	ssyncset.done $0x0  }
0xba: {  	[sflag:s22] =	ssyncadd.s32 $0xFFFFF800  }
0xbb: {  	[spmem:s3] =	stream.indirect.scatter.add.f32 [tilespmem:s10], [sflag:$0x1], $0x10, s23, s14, $0xb8;
	[tilespmem:$0x5780] =	vst v63  }
0xbc: {  	_ = 	snop  }
0xbd: {  	[spmem:s3] =	stream.indirect.scatter.add.f32 [tilespmem:s10], [sflag:$0x2], $0x10, s24, s14, $0xb8;
	[tilespmem:$0x5780] =	vst v63  }
0xbe: {  	_ = 	snop  }
0xbf: {  	[spmem:s3] =	stream.indirect.scatter.add.f32 [tilespmem:s10], [sflag:$0x3], $0x10, s25, s14, $0xb8;
	[tilespmem:$0x5780] =	vst v63  }
0xc0: {  	_ = 	snop  }
0xc1: {  	[spmem:s3] =	stream.indirect.scatter.add.f32 [tilespmem:s10], [sflag:$0x4], $0x10, s26, s14, $0xb8;
	[tilespmem:$0x5780] =	vst v63  }
0xc2: {  	_ = 	snop  }
0xc3: {  	[spmem:s3] =	stream.indirect.scatter.add.f32 [tilespmem:s10], [sflag:$0x5], $0x10, s28, s14, $0xb8;
	[tilespmem:$0x5780] =	vst v63  }
0xc4: {  	_ = 	snop  }
0xc5: {  	[spmem:s3] =	stream.indirect.scatter.add.f32 [tilespmem:s10], [sflag:$0x6], $0x10, s29, s14, $0xb8;
	[tilespmem:$0x5780] =	vst v63  }
0xc6: {  	_ =	swait.ge [sflag:s15], $0x800  }
0xc7: {  	[sflag:s15] =	ssyncset.done $0x0  }
0xc8: {  	[sflag:s15] =	ssyncadd.s32 $0xFFFFF800  }
0xc9: {  	_ =	swait.ge [sflag:s16], $0x800  }
0xca: {  	[sflag:s16] =	ssyncset.done $0x0  }
0xcb: {  	[sflag:s16] =	ssyncadd.s32 $0xFFFFF800  }
0xcc: {  	_ =	swait.ge [sflag:s17], $0x800  }
0xcd: {  	[sflag:s17] =	ssyncset.done $0x0  }
0xce: {  	[sflag:s17] =	ssyncadd.s32 $0xFFFFF800  }
0xcf: {  	_ =	swait.ge [sflag:s18], $0x800  }
0xd0: {  	[sflag:s18] =	ssyncset.done $0x0  }
0xd1: {  	[sflag:s18] =	ssyncadd.s32 $0xFFFFF800  }
0xd2: {  	_ =	swait.ge [sflag:s19], $0x800  }
0xd3: {  	[sflag:s19] =	ssyncset.done $0x0  }
0xd4: {  	[sflag:s19] =	ssyncadd.s32 $0xFFFFF800  }
0xd5: {  	_ =	swait.ge [sflag:s20], $0x800  }
0xd6: {  	s1 =	simm.s32 @!p0 $0x2700;
	[sflag:s20] =	ssyncset.done $0x0  }
0xd7: {  	s2 =	simm.s32 @!p0 $0x2780;
	s0 =	simm.s32 @!p0 $0x80;
	[sflag:s20] =	ssyncadd.s32 $0xFFFFF800  }
0xd8: {  	[spmem:s3] =	stream.indirect.scatter.add.f32 @!p0 [tilespmem:s2], [sflag:$0x9], $0x10, s1, s0, $0xb8;
	[tilespmem:$0x5780] =	vst v63  }
0xd9: {  	s0 =	simm.s32 @!p0 $0x9  }
0xda: {  	_ =	swait.ge @!p0 [sflag:s0], $0x800  }
0xdb: {  	s30 =	sadd.s32 $0x1, s30;
	[sflag:s0] =	ssyncset.done @!p0 $0x0  }
0xdc: {  	p1 =	sne.s32 s30, s9;
	[sflag:s0] =	ssyncadd.s32 @!p0 $0xFFFFF800  }
.Ltmp3:
0xdd: {  	[bflag:$0x0] =	sbarrier.arrive $0xFFFF;
	(pc) =	sbr.rel @p1 .LBB2_1-.Ltmp3, $4  }
0xde: {  	[hbm:s8], [sflag:s12] =	dma.local [spmem:s13], $0x500  }
0xdf: {  	_ =	swait.ge [sflag:s11], $0x500  }
0xe0: {  	[sflag:s11] =	ssyncset.done $0x0  }
0xe1: {  	[sflag:s11] =	ssyncadd.s32 $0xFFFFFB00  }
0xe2: {  	_ =	sfence.sel $0x180000  }
0xe3: {  	[bflag:$0x0] =	sbarrier.arrive $0xFFFF  }
0xe4: {  	_ =	strace $0x90000047  }
0xe5: {  	s0 =	stileid.u32;
	[bflag:$0x2] =	sbarrier.arrive $0xFFFF  }
0xe6: {  	p0 =	sne.s32 s0, $0x0;
	s0 =	rddreg [dreg:$0x3]  }
0xe7: {  	s0 =	sadd.s32 @!p0 $0x100000, s0  }
0xe8: {  	[sflag:s0] =	ssyncadd.tile.s32 @!p0 $0x1;
	_ =	shalt  }
.Lfunc_end2:
_tile_overlayer_lowered:
.L_overlay_start_2:
0xe9: {  	(tag) =	ssettag $0x2  }
0xea: {  	s0 =	rddreg [dreg:$0x0];
	s2 =	stileid.u32  }
0xeb: {  	s1 =	rddreg [dreg:$0x1];
	p0 =	sne.s32 s2, $0x0  }
0xec: {  	s3 =	rddreg [dreg:$0x2];
	[bflag:$0x3] =	sbarrier.arrive $0xFFFF;
	s2 =	simm.s32 @!p0 $0x1C09  }
0xed: {  	[timem:s3], [sflag:s2] =	dma.local @!p0 [hbm:s0], s1  }
0xee: {  	s0 =	simm.s32 @!p0 $0x9  }
0xef: {  	_ =	swait.ge @!p0 [sflag:s0], s1  }
0xf0: {  	s1 =	ssub.s32 @!p0 $0x0, s1;
	[sflag:s0] =	ssyncset.done @!p0 $0x0  }
0xf1: {  	[sflag:s0] =	ssyncadd.s32 @!p0 s1  }
0xf2: {  	[bflag:$0x3] =	sbarrier.arrive $0xFFFF  }
0xf3: {  	_ =	shalt  }

</sc_bundles>
